<compile_context>
chip_gen: v7x
topology: tpu7x:2x2x1
jax: 0.10.2.dev20260603
libtpu: 0.0.44.dev20260713+nightly
codegen_flags: <defaults>
</compile_context>

<pallas_src>
import functools

import jax
import jax.numpy as jnp
from jax import lax
from jax.experimental import pallas as pl
from jax.experimental.pallas import tpu as pltpu
from jax.experimental.pallas import tpu_sc as plsc

N = 10000
E = 320000
NC, NS = 2, 16
NW = NC * NS
PER_TILE = E // NW
B = 128
NB, REM = divmod(PER_TILE, B)
NBUF = 3
NP = 10240
ZROWS = NP // NS

_mesh = functools.partial(
    plsc.VectorSubcoreMesh, core_axis_name="c", subcore_axis_name="s")


def _sc_degree(dst):
    @functools.partial(
        pl.kernel,
        out_type=jax.ShapeDtypeStruct((NC * NP, 16), jnp.float32),
        mesh=_mesh(),
        compiler_params=pltpu.CompilerParams(use_tc_tiling_on_sc=False),
        scratch_types=[
            pltpu.VMEM((PER_TILE,), jnp.int32),
            pltpu.VMEM((B, 16), jnp.float32),
            pltpu.VMEM_SHARED((NP, 16), jnp.float32),
            pltpu.SemaphoreType.DMA,
        ],
    )
    def k(dst_hbm, ones_hbm, zeros_hbm, out_hbm, idx_v, ones_v, acc, sem):
        cid = lax.axis_index("c")
        sid = lax.axis_index("s")
        wid = cid * NS + sid
        ci = pltpu.async_copy(
            dst_hbm.at[pl.ds(wid * PER_TILE, PER_TILE)], idx_v, sem)
        pltpu.sync_copy(zeros_hbm, acc.at[pl.ds(sid * ZROWS, ZROWS)])
        pltpu.sync_copy(ones_hbm, ones_v)
        ci.wait()
        plsc.subcore_barrier()

        @pl.loop(0, NB)
        def _(i):
            pltpu.sync_copy(ones_v, acc.at[idx_v.at[pl.ds(i * B, B)]],
                            add=True)

        pltpu.sync_copy(ones_v.at[pl.ds(0, REM)],
                        acc.at[idx_v.at[pl.ds(NB * B, REM)]], add=True)
        plsc.subcore_barrier()
        pltpu.sync_copy(
            acc.at[pl.ds(sid * ZROWS, ZROWS)],
            out_hbm.at[pl.ds(cid * NP + sid * ZROWS, ZROWS)])

    ones = jnp.ones((B, 16), jnp.float32)
    zeros = jnp.zeros((ZROWS, 16), jnp.float32)
    return k(dst, ones, zeros).reshape(NC, NP, 16)


def _sc_scatter_rows(g, src, dst, D):
    bb = 64 if D == 128 else 128
    nb, rem = divmod(PER_TILE, bb)

    @functools.partial(
        pl.kernel,
        out_type=jax.ShapeDtypeStruct((NC * NP, D), jnp.float32),
        mesh=_mesh(),
        compiler_params=pltpu.CompilerParams(use_tc_tiling_on_sc=False),
        scratch_types=[
            pltpu.VMEM((PER_TILE,), jnp.int32),
            pltpu.VMEM((PER_TILE,), jnp.int32),
        ] + [pltpu.VMEM((bb, D), jnp.float32)] * NBUF
          + [pltpu.VMEM((rem, D), jnp.float32)]
          + [pltpu.VMEM_SHARED((NP, D), jnp.float32)]
          + [pltpu.SemaphoreType.DMA] * (NBUF + 1),
    )
    def k(g_hbm, src_hbm, dst_hbm, zeros_hbm, out_hbm,
          src_v, dst_v, r0, r1, r2, rr, acc, isem, m0, m1, m2):
        rows = [r0, r1, r2]
        sems = [m0, m1, m2]
        cid = lax.axis_index("c")
        sid = lax.axis_index("s")
        wid = cid * NS + sid
        base = wid * PER_TILE
        cs = pltpu.async_copy(src_hbm.at[pl.ds(base, PER_TILE)], src_v, isem)
        cd = pltpu.async_copy(dst_hbm.at[pl.ds(base, PER_TILE)], dst_v, isem)
        pltpu.sync_copy(zeros_hbm, acc.at[pl.ds(sid * ZROWS, ZROWS)])
        cs.wait()
        cd.wait()
        plsc.subcore_barrier()

        def _sidx(i):
            return src_v.at[pl.ds(i * bb, bb)]

        def _didx(i):
            return dst_v.at[pl.ds(i * bb, bb)]

        for b in range(NBUF):
            pltpu.async_copy(g_hbm.at[_sidx(b)], rows[b], sems[b])

        @pl.loop(0, nb - NBUF, step=NBUF)
        def _(i):
            for b in range(NBUF):
                pltpu.make_async_copy(g_hbm.at[_sidx(i + b)],
                                      rows[b], sems[b]).wait()
                pltpu.sync_copy(rows[b], acc.at[_didx(i + b)], add=True)
                pltpu.async_copy(g_hbm.at[_sidx(i + b + NBUF)],
                                 rows[b], sems[b])

        for b in range(NBUF):
            i = nb - NBUF + b
            pltpu.make_async_copy(g_hbm.at[_sidx(i)], rows[b], sems[b]).wait()
            pltpu.sync_copy(rows[b], acc.at[_didx(i)], add=True)

        sr = src_v.at[pl.ds(nb * bb, rem)]
        dr = dst_v.at[pl.ds(nb * bb, rem)]
        pltpu.async_copy(g_hbm.at[sr], rr, isem).wait()
        pltpu.sync_copy(rr, acc.at[dr], add=True)

        plsc.subcore_barrier()
        pltpu.sync_copy(
            acc.at[pl.ds(sid * ZROWS, ZROWS)],
            out_hbm.at[pl.ds(cid * NP + sid * ZROWS, ZROWS)])

    zeros = jnp.zeros((ZROWS, D), jnp.float32)
    return k(g, src, dst, zeros).reshape(NC, NP, D)


def _sc_gather_pairs(z, lsrc, ldst, D, eo, ne):
    per_tile = ne // NW
    nb, rem = divmod(per_tile, B)
    nstep = NBUF * (nb // NBUF)

    @functools.partial(
        pl.kernel,
        out_type=jax.ShapeDtypeStruct((ne, 2 * D), jnp.float32),
        mesh=_mesh(),
        compiler_params=pltpu.CompilerParams(use_tc_tiling_on_sc=False),
        scratch_types=[
            pltpu.VMEM((per_tile,), jnp.int32),
            pltpu.VMEM((per_tile,), jnp.int32),
        ] + [pltpu.VMEM((B, D), jnp.float32)] * (2 * NBUF)
          + [pltpu.VMEM((rem, D), jnp.float32)] * 2
          + [pltpu.SemaphoreType.DMA] * (NBUF + 1),
    )
    def k(z_hbm, s_hbm, d_hbm, ab_hbm,
          si_v, di_v, a0, a1, a2, b0, b1, b2, ar, br,
          isem, m0, m1, m2):
        av = [a0, a1, a2]
        bv = [b0, b1, b2]
        sems = [m0, m1, m2]
        cid = lax.axis_index("c")
        sid = lax.axis_index("s")
        wid = cid * NS + sid
        base = wid * per_tile
        cs = pltpu.async_copy(s_hbm.at[pl.ds(eo + base, per_tile)], si_v, isem)
        cd = pltpu.async_copy(d_hbm.at[pl.ds(eo + base, per_tile)], di_v, isem)
        cs.wait()
        cd.wait()

        def _sidx(i):
            return si_v.at[pl.ds(i * B, B)]

        def _didx(i):
            return di_v.at[pl.ds(i * B, B)]

        def _issue(i, b):
            pltpu.async_copy(z_hbm.at[_sidx(i)], av[b], sems[b])
            pltpu.async_copy(z_hbm.at[_didx(i)], bv[b], sems[b])

        def _drain(i, b):
            pltpu.make_async_copy(z_hbm.at[_sidx(i)], av[b], sems[b]).wait()
            pltpu.make_async_copy(z_hbm.at[_didx(i)], bv[b], sems[b]).wait()

        for b in range(NBUF):
            _issue(b, b)

        def _writeout(i, xa, xb, n):
            off = base + i * B
            pltpu.sync_copy(xa, ab_hbm.at[pl.ds(off, n), pl.ds(0, D)])
            pltpu.sync_copy(xb, ab_hbm.at[pl.ds(off, n), pl.ds(D, D)])

        @pl.loop(0, nstep - NBUF, step=NBUF)
        def _(i):
            for b in range(NBUF):
                _drain(i + b, b)
                _writeout(i + b, av[b], bv[b], B)
                _issue(i + b + NBUF, b)

        for b in range(NBUF):
            i = nstep - NBUF + b
            _drain(i, b)
            _writeout(i, av[b], bv[b], B)

        sr = si_v.at[pl.ds(nb * B, rem)]
        dr = di_v.at[pl.ds(nb * B, rem)]
        ca = pltpu.async_copy(z_hbm.at[sr], ar, isem)
        cb = pltpu.async_copy(z_hbm.at[dr], br, isem)
        ca.wait()
        cb.wait()
        _writeout(nb, ar, br, rem)

    return k(z, lsrc, ldst)


_RE = 5120


def _dot_body(ab_ref, r_ref):
    ab = ab_ref[...]
    r = jnp.sum(ab[:, :64] * ab[:, 64:], axis=1)
    r_ref[...] = r.reshape(_RE // 128, 128)


def _tc_dot(ab, D, ne):
    r2 = pl.pallas_call(
        _dot_body,
        grid=((ne + _RE - 1) // _RE,),
        in_specs=[pl.BlockSpec((_RE, 2 * D), lambda i: (i, 0))],
        out_specs=pl.BlockSpec((_RE // 128, 128), lambda i: (i, 0)),
        out_shape=jax.ShapeDtypeStruct((ne // 128, 128), jnp.float32),
        compiler_params=pltpu.CompilerParams(
            dimension_semantics=("parallel",)),
    )(ab)
    return r2.reshape(ne)


_R = 2000


def _dis_block(deg_ref):
    deg = deg_ref[0, :, 0:1] + deg_ref[1, :, 0:1] + 1.0
    return lax.rsqrt(deg)


def _enc1_body(x_ref, w_ref, deg_ref, h0_ref, g1_ref):
    dis = _dis_block(deg_ref)
    h0 = jnp.dot(x_ref[...], w_ref[...], preferred_element_type=jnp.float32)
    h0_ref[...] = h0
    g1_ref[...] = h0 * dis


def _tc_encode1(x, W1, degp):
    return pl.pallas_call(
        _enc1_body,
        grid=(N // _R,),
        in_specs=[
            pl.BlockSpec((_R, 128), lambda i: (i, 0)),
            pl.BlockSpec((128, 128), lambda i: (0, 0)),
            pl.BlockSpec((NC, _R, 16), lambda i: (0, i, 0)),
        ],
        out_specs=[
            pl.BlockSpec((_R, 128), lambda i: (i, 0)),
            pl.BlockSpec((_R, 128), lambda i: (i, 0)),
        ],
        out_shape=[jax.ShapeDtypeStruct((N, 128), jnp.float32)] * 2,
    )(x, W1, degp)


def _enc23_body(s1_ref, h0_ref, deg_ref, b1_ref, eps_ref, w2_ref,
                h2_ref, g2_ref):
    dis = _dis_block(deg_ref)
    s = s1_ref[0] + s1_ref[1]
    h = jnp.maximum(dis * s + (dis * dis) * h0_ref[...] + b1_ref[...], 0.0)
    mean = jnp.sum(h, axis=0, keepdims=True) * (1.0 / N)
    var = jnp.sum(h * h, axis=0, keepdims=True) * (1.0 / N) - mean * mean
    std = jnp.sqrt(jnp.maximum(var, 0.0))
    hs = h + (mean + std * eps_ref[...])
    h2 = jnp.dot(hs, w2_ref[...], preferred_element_type=jnp.float32)
    h2_ref[...] = h2
    g2_ref[...] = h2 * dis


def _tc_encode23(s1p, h0, degp, b1, eps, W2):
    return pl.pallas_call(
        _enc23_body,
        grid=(1,),
        in_specs=[
            pl.BlockSpec((NC, N, 128), lambda i: (0, 0, 0)),
            pl.BlockSpec((N, 128), lambda i: (0, 0)),
            pl.BlockSpec((NC, N, 16), lambda i: (0, 0, 0)),
            pl.BlockSpec((1, 128), lambda i: (0, 0)),
            pl.BlockSpec((1, 128), lambda i: (0, 0)),
            pl.BlockSpec((128, 64), lambda i: (0, 0)),
        ],
        out_specs=[
            pl.BlockSpec((N, 64), lambda i: (0, 0)),
            pl.BlockSpec((N, 64), lambda i: (0, 0)),
        ],
        out_shape=[jax.ShapeDtypeStruct((N, 64), jnp.float32)] * 2,
    )(s1p, h0, degp, b1.reshape(1, 128), eps.reshape(1, 128), W2)


def _enc4_body(s2_ref, h2_ref, deg_ref, b2_ref, z_ref):
    dis = _dis_block(deg_ref)
    s = s2_ref[0] + s2_ref[1]
    z_ref[...] = dis * s + (dis * dis) * h2_ref[...] + b2_ref[...]


def _tc_encode4(s2p, h2, degp, b2):
    return pl.pallas_call(
        _enc4_body,
        grid=(N // _R,),
        in_specs=[
            pl.BlockSpec((NC, _R, 64), lambda i: (0, i, 0)),
            pl.BlockSpec((_R, 64), lambda i: (i, 0)),
            pl.BlockSpec((NC, _R, 16), lambda i: (0, i, 0)),
            pl.BlockSpec((1, 64), lambda i: (0, 0)),
        ],
        out_specs=pl.BlockSpec((_R, 64), lambda i: (i, 0)),
        out_shape=jax.ShapeDtypeStruct((N, 64), jnp.float32),
    )(s2p, h2, degp, b2.reshape(1, 64))


def kernel(x, edge_index, edge_label_index, W1, b1, W2, b2):
    src = jnp.asarray(edge_index[0], jnp.int32)
    dst = jnp.asarray(edge_index[1], jnp.int32)
    lsrc = jnp.asarray(edge_label_index[0], jnp.int32)
    ldst = jnp.asarray(edge_label_index[1], jnp.int32)
    eps = jax.random.normal(jax.random.key(42), (128,), dtype=jnp.float32)

    degp = _sc_degree(dst)
    h0, g1 = _tc_encode1(x, W1, degp)
    s1p = _sc_scatter_rows(g1, src, dst, 128)
    h2, g2 = _tc_encode23(s1p, h0, degp, b1, eps, W2)
    s2p = _sc_scatter_rows(g2, src, dst, 64)
    z = _tc_encode4(s2p, h2, degp, b2)
    ab1 = _sc_gather_pairs(z, lsrc, ldst, 64, 0, E // 2)
    ab2 = _sc_gather_pairs(z, lsrc, ldst, 64, E // 2, E // 2)
    r1 = _tc_dot(ab1, 64, E // 2)
    r2 = _tc_dot(ab2, 64, E // 2)
    return jnp.concatenate([r1, r2])

# --- scband reference (transcript-rebuilt; emitter-appended) ---
"""Pipeline reference for scband-gcn2-89008902243171 (READ-ONLY COPY).

The authoritative reference and input builder live on the scoring server;
editing this copy changes nothing except your own understanding.
"""

import jax, jax.numpy as jnp
import numpy as np

N_NODES = 10000
N_EDGES = 320000
D_IN = 128
D_HID = 128
D_OUT = 64


def setup_inputs(seed: int = 0) -> dict:
    key = jax.random.key(seed)
    k1, k2, k3, k4, k5, k6, k7 = jax.random.split(key, 7)
    x = jax.random.normal(k1, (N_NODES, D_IN), dtype=jnp.float32)
    edge_index = jax.random.randint(k2, (2, N_EDGES), 0, N_NODES, dtype=jnp.int64)
    edge_label_index = jax.random.randint(k3, (2, N_EDGES), 0, N_NODES, dtype=jnp.int64)
    # GCNConv weights (glorot-style scaling)
    W1 = jax.random.normal(k4, (D_IN, D_HID), dtype=jnp.float32) * (1.0 / np.sqrt(D_IN))
    b1 = jnp.zeros((D_HID,), dtype=jnp.float32)
    W2 = jax.random.normal(k5, (D_HID, D_OUT), dtype=jnp.float32) * (1.0 / np.sqrt(D_HID))
    b2 = jnp.zeros((D_OUT,), dtype=jnp.float32)
    return {"x": x, "edge_index": edge_index, "edge_label_index": edge_label_index,
            "W1": W1, "b1": b1, "W2": W2, "b2": b2}


def _gcn_conv(x, edge_index, W, b, num_nodes):
    # PyG GCNConv default: add self loops, symmetric normalization, bias.
    src = edge_index[0]
    dst = edge_index[1]
    loop = jnp.arange(num_nodes, dtype=src.dtype)
    src = jnp.concatenate([src, loop])
    dst = jnp.concatenate([dst, loop])
    ones = jnp.ones(src.shape[0], dtype=x.dtype)
    deg = jnp.zeros((num_nodes,), dtype=x.dtype).at[dst].add(ones)
    deg_inv_sqrt = jnp.where(deg > 0, deg ** -0.5, 0.0)
    norm = deg_inv_sqrt[src] * deg_inv_sqrt[dst]
    h = x @ W
    msg = h[src] * norm[:, None]
    out = jnp.zeros((num_nodes, W.shape[1]), dtype=x.dtype).at[dst].add(msg)
    return out + b


def reference(x, edge_index, edge_label_index, W1, b1, W2, b2):
    num_nodes = x.shape[0]
    # encode
    h = _gcn_conv(x, edge_index, W1, b1, num_nodes)
    h = jax.nn.relu(h)
    std = jnp.std(h, axis=0)
    mean = jnp.mean(h, axis=0)
    eps = jax.random.normal(jax.random.key(42), (h.shape[1],), dtype=h.dtype)
    h = h + (mean + std * eps)
    z = _gcn_conv(h, edge_index, W2, b2, num_nodes)
    # decode
    src = z[edge_label_index[0]]
    dst = z[edge_label_index[1]]
    r = (src * dst).sum(axis=-1)
    return r

if __name__ == "__main__":
    import jax
    _d = setup_inputs()
    print(jax.jit(kernel)(*tuple(_d.values())))

</pallas_src>

<mosaic_0001>
#map = affine_map<(d0, d1) -> (0, 0)>
#map1 = affine_map<(d0, d1) -> (0)>
module attributes {stable_mosaic.version = 14 : i64} {
  func.func @k(%arg0: i32, %arg1: i32, %arg2: memref<10000x64xf32, #tpu.memory_space<hbm>>, %arg3: memref<320000xi32, #tpu.memory_space<hbm>>, %arg4: memref<320000xi32, #tpu.memory_space<hbm>>, %arg5: memref<640x64xf32, #tpu.memory_space<hbm>>, %arg6: memref<20480x64xf32, #tpu.memory_space<hbm>>, %arg7: memref<10000xi32, #tpu.memory_space<vmem>>, %arg8: memref<10000xi32, #tpu.memory_space<vmem>>, %arg9: memref<128x64xf32, #tpu.memory_space<vmem>>, %arg10: memref<128x64xf32, #tpu.memory_space<vmem>>, %arg11: memref<128x64xf32, #tpu.memory_space<vmem>>, %arg12: memref<16x64xf32, #tpu.memory_space<vmem>>, %arg13: memref<10240x64xf32, #tpu.memory_space<vmem_shared>>, %arg14: memref<!tpu.dma_semaphore, #tpu.memory_space<semaphore_mem>>, %arg15: memref<!tpu.dma_semaphore, #tpu.memory_space<semaphore_mem>>, %arg16: memref<!tpu.dma_semaphore, #tpu.memory_space<semaphore_mem>>, %arg17: memref<!tpu.dma_semaphore, #tpu.memory_space<semaphore_mem>>) attributes {dimension_semantics = [#tpu.dimension_semantics<core_parallel>, #tpu.dimension_semantics<subcore_parallel>], iteration_bounds = array<i64: 2, 16>, scalar_prefetch = 0 : i64, scratch_operands = 11 : i64, tpu.core_type = #tpu.core_type<sc_vector_subcore>, window_params = [{transform_indices = #map}, {transform_indices = #map1}, {transform_indices = #map1}, {transform_indices = #map}, {transform_indices = #map}]} {
    %mul3A = arith.constant 16 : i32
    %mul3A_0 = arith.muli %arg0, %mul3A : i32
    %add3A = arith.addi %mul3A_0, %arg1 : i32
    %mul3A_1 = arith.constant 10000 : i32
    %mul3A_2 = arith.muli %add3A, %mul3A_1 : i32
    %dma_start3A = tpu.memref_slice %arg3[%mul3A_2] : memref<320000xi32, #tpu.memory_space<hbm>> -> memref<10000xi32, #tpu.memory_space<hbm>>
    %dma_start3A_3 = tpu.memref_slice %arg3[%mul3A_2] : memref<320000xi32, #tpu.memory_space<hbm>> -> memref<10000xi32, #tpu.memory_space<hbm>>
    tpu.enqueue_dma source(%dma_start3A_3 : memref<10000xi32, #tpu.memory_space<hbm>>) target(%arg7 : memref<10000xi32, #tpu.memory_space<vmem>>) target_semaphore(%arg14 : memref<!tpu.dma_semaphore, #tpu.memory_space<semaphore_mem>>)
    %dma_start3A_4 = tpu.memref_slice %arg4[%mul3A_2] : memref<320000xi32, #tpu.memory_space<hbm>> -> memref<10000xi32, #tpu.memory_space<hbm>>
    %dma_start3A_5 = tpu.memref_slice %arg4[%mul3A_2] : memref<320000xi32, #tpu.memory_space<hbm>> -> memref<10000xi32, #tpu.memory_space<hbm>>
    tpu.enqueue_dma source(%dma_start3A_5 : memref<10000xi32, #tpu.memory_space<hbm>>) target(%arg8 : memref<10000xi32, #tpu.memory_space<vmem>>) target_semaphore(%arg14 : memref<!tpu.dma_semaphore, #tpu.memory_space<semaphore_mem>>)
    %mul3A_6 = arith.constant 640 : i32
    %mul3A_7 = arith.muli %arg1, %mul3A_6 : i32
    "tpu.region"() ({
      %run_scoped3A = tpu.sem_alloc : memref<!tpu.dma_semaphore, #tpu.memory_space<semaphore_mem>>
      %dma_start3A_63 = arith.constant 0 : i32
      %dma_start3A_64 = tpu.memref_slice %arg13[%mul3A_7, %dma_start3A_63] : memref<10240x64xf32, #tpu.memory_space<vmem_shared>> -> memref<640x64xf32, #tpu.memory_space<vmem_shared>>
      tpu.enqueue_dma source(%arg5 : memref<640x64xf32, #tpu.memory_space<hbm>>) target(%dma_start3A_64 : memref<640x64xf32, #tpu.memory_space<vmem_shared>>) target_semaphore(%run_scoped3A : memref<!tpu.dma_semaphore, #tpu.memory_space<semaphore_mem>>)
      %dma_wait3A_65 = arith.constant 0 : i32
      %dma_wait3A_66 = tpu.memref_slice %arg13[%mul3A_7, %dma_wait3A_65] : memref<10240x64xf32, #tpu.memory_space<vmem_shared>> -> memref<640x64xf32, #tpu.memory_space<vmem_shared>>
      tpu.wait_dma2 semaphore(%run_scoped3A : memref<!tpu.dma_semaphore, #tpu.memory_space<semaphore_mem>>) src(%arg5 : memref<640x64xf32, #tpu.memory_space<hbm>>) dst(%dma_wait3A_66 : memref<640x64xf32, #tpu.memory_space<vmem_shared>>)
      tpu.yield
    }) : () -> ()
    %dma_wait3A = tpu.memref_slice %arg3[%mul3A_2] : memref<320000xi32, #tpu.memory_space<hbm>> -> memref<10000xi32, #tpu.memory_space<hbm>>
    %dma_wait3A_8 = tpu.memref_slice %arg3[%mul3A_2] : memref<320000xi32, #tpu.memory_space<hbm>> -> memref<10000xi32, #tpu.memory_space<hbm>>
    tpu.wait_dma2 semaphore(%arg14 : memref<!tpu.dma_semaphore, #tpu.memory_space<semaphore_mem>>) src(%dma_wait3A_8 : memref<10000xi32, #tpu.memory_space<hbm>>) dst(%arg7 : memref<10000xi32, #tpu.memory_space<vmem>>)
    %dma_wait3A_9 = tpu.memref_slice %arg4[%mul3A_2] : memref<320000xi32, #tpu.memory_space<hbm>> -> memref<10000xi32, #tpu.memory_space<hbm>>
    %dma_wait3A_10 = tpu.memref_slice %arg4[%mul3A_2] : memref<320000xi32, #tpu.memory_space<hbm>> -> memref<10000xi32, #tpu.memory_space<hbm>>
    tpu.wait_dma2 semaphore(%arg14 : memref<!tpu.dma_semaphore, #tpu.memory_space<semaphore_mem>>) src(%dma_wait3A_10 : memref<10000xi32, #tpu.memory_space<hbm>>) dst(%arg8 : memref<10000xi32, #tpu.memory_space<vmem>>)
    %barrier3A = arith.constant 0 : index
    tpu.barrier barrier_id(%barrier3A)
    %dma_start3A_11 = arith.constant 0 : i32
    %dma_start3A_12 = tpu.memref_slice %arg7[%dma_start3A_11] : memref<10000xi32, #tpu.memory_space<vmem>> -> memref<128xi32, #tpu.memory_space<vmem>>
    %dma_start3A_13 = arith.constant 0 : i32
    %dma_start3A_14 = arith.constant 0 : i32
    %dma_start3A_15 = tpu.memref_slice %arg2[%dma_start3A_13, %dma_start3A_14] : memref<10000x64xf32, #tpu.memory_space<hbm>> -> memref<10000x64xf32, #tpu.memory_space<hbm>>
    tpu.enqueue_indirect_dma source(%dma_start3A_15 : memref<10000x64xf32, #tpu.memory_space<hbm>>) target(%arg9 : memref<128x64xf32, #tpu.memory_space<vmem>>) offsets(%dma_start3A_12 : memref<128xi32, #tpu.memory_space<vmem>>) semaphore(%arg15 : memref<!tpu.dma_semaphore, #tpu.memory_space<semaphore_mem>>)
    %dma_start3A_16 = arith.constant 128 : i32
    %dma_start3A_17 = tpu.memref_slice %arg7[%dma_start3A_16] : memref<10000xi32, #tpu.memory_space<vmem>> -> memref<128xi32, #tpu.memory_space<vmem>>
    %dma_start3A_18 = arith.constant 0 : i32
    %dma_start3A_19 = arith.constant 0 : i32
    %dma_start3A_20 = tpu.memref_slice %arg2[%dma_start3A_18, %dma_start3A_19] : memref<10000x64xf32, #tpu.memory_space<hbm>> -> memref<10000x64xf32, #tpu.memory_space<hbm>>
    tpu.enqueue_indirect_dma source(%dma_start3A_20 : memref<10000x64xf32, #tpu.memory_space<hbm>>) target(%arg10 : memref<128x64xf32, #tpu.memory_space<vmem>>) offsets(%dma_start3A_17 : memref<128xi32, #tpu.memory_space<vmem>>) semaphore(%arg16 : memref<!tpu.dma_semaphore, #tpu.memory_space<semaphore_mem>>)
    %dma_start3A_21 = arith.constant 256 : i32
    %dma_start3A_22 = tpu.memref_slice %arg7[%dma_start3A_21] : memref<10000xi32, #tpu.memory_space<vmem>> -> memref<128xi32, #tpu.memory_space<vmem>>
    %dma_start3A_23 = arith.constant 0 : i32
    %dma_start3A_24 = arith.constant 0 : i32
    %dma_start3A_25 = tpu.memref_slice %arg2[%dma_start3A_23, %dma_start3A_24] : memref<10000x64xf32, #tpu.memory_space<hbm>> -> memref<10000x64xf32, #tpu.memory_space<hbm>>
    tpu.enqueue_indirect_dma source(%dma_start3A_25 : memref<10000x64xf32, #tpu.memory_space<hbm>>) target(%arg11 : memref<128x64xf32, #tpu.memory_space<vmem>>) offsets(%dma_start3A_22 : memref<128xi32, #tpu.memory_space<vmem>>) semaphore(%arg17 : memref<!tpu.dma_semaphore, #tpu.memory_space<semaphore_mem>>)
    %scan3A = arith.constant 0 : i32
    %scan3A_26 = arith.constant 25 : i32
    %scan3A_27 = arith.addi %scan3A, %scan3A_26 : i32
    %scan3A_28 = arith.constant 1 : i32
    scf.for %scan3A_63 = %scan3A to %scan3A_27 step %scan3A_28  : i32 {
      %mul3A_64 = arith.constant 3 : i32
      %mul3A_65 = arith.muli %scan3A_63, %mul3A_64 : i32
      %add3A_66 = arith.constant 0 : i32
      %add3A_67 = arith.addi %add3A_66, %mul3A_65 : i32
      %add3A_68 = arith.constant 0 : i32
      %add3A_69 = arith.addi %add3A_67, %add3A_68 : i32
      %mul3A_70 = arith.constant 128 : i32
      %mul3A_71 = arith.muli %add3A_69, %mul3A_70 : i32
      %dma_wait3A_72 = tpu.memref_slice %arg7[%mul3A_71] : memref<10000xi32, #tpu.memory_space<vmem>> -> memref<128xi32, #tpu.memory_space<vmem>>
      %dma_wait3A_73 = arith.constant 0 : i32
      %dma_wait3A_74 = arith.constant 0 : i32
      %dma_wait3A_75 = tpu.memref_slice %arg2[%dma_wait3A_73, %dma_wait3A_74] : memref<10000x64xf32, #tpu.memory_space<hbm>> -> memref<10000x64xf32, #tpu.memory_space<hbm>>
      tpu.wait_indirect_dma semaphore(%arg15 : memref<!tpu.dma_semaphore, #tpu.memory_space<semaphore_mem>>) src(%dma_wait3A_75 : memref<10000x64xf32, #tpu.memory_space<hbm>>) dst(%arg9 : memref<128x64xf32, #tpu.memory_space<vmem>>)
      %add3A_76 = arith.constant 0 : i32
      %add3A_77 = arith.addi %add3A_67, %add3A_76 : i32
      %mul3A_78 = arith.constant 128 : i32
      %mul3A_79 = arith.muli %add3A_77, %mul3A_78 : i32
      "tpu.region"() ({
        %run_scoped3A = tpu.sem_alloc : memref<!tpu.dma_semaphore, #tpu.memory_space<semaphore_mem>>
        %dma_start3A_134 = tpu.memref_slice %arg8[%mul3A_79] : memref<10000xi32, #tpu.memory_space<vmem>> -> memref<128xi32, #tpu.memory_space<vmem>>
        %dma_start3A_135 = arith.constant 0 : i32
        %dma_start3A_136 = arith.constant 0 : i32
        %dma_start3A_137 = tpu.memref_slice %arg13[%dma_start3A_135, %dma_start3A_136] : memref<10240x64xf32, #tpu.memory_space<vmem_shared>> -> memref<10240x64xf32, #tpu.memory_space<vmem_shared>>
        tpu.enqueue_indirect_dma source(%arg9 : memref<128x64xf32, #tpu.memory_space<vmem>>) target(%dma_start3A_137 : memref<10240x64xf32, #tpu.memory_space<vmem_shared>>) offsets(%dma_start3A_134 : memref<128xi32, #tpu.memory_space<vmem>>) semaphore(%run_scoped3A : memref<!tpu.dma_semaphore, #tpu.memory_space<semaphore_mem>>) {add = true}
        %dma_wait3A_138 = tpu.memref_slice %arg8[%mul3A_79] : memref<10000xi32, #tpu.memory_space<vmem>> -> memref<128xi32, #tpu.memory_space<vmem>>
        %dma_wait3A_139 = arith.constant 0 : i32
        %dma_wait3A_140 = arith.constant 0 : i32
        %dma_wait3A_141 = tpu.memref_slice %arg13[%dma_wait3A_139, %dma_wait3A_140] : memref<10240x64xf32, #tpu.memory_space<vmem_shared>> -> memref<10240x64xf32, #tpu.memory_space<vmem_shared>>
        tpu.wait_indirect_dma semaphore(%run_scoped3A : memref<!tpu.dma_semaphore, #tpu.memory_space<semaphore_mem>>) src(%arg9 : memref<128x64xf32, #tpu.memory_space<vmem>>) dst(%dma_wait3A_141 : memref<10240x64xf32, #tpu.memory_space<vmem_shared>>)
        tpu.yield
      }) : () -> ()
      %add3A_80 = arith.constant 0 : i32
      %add3A_81 = arith.addi %add3A_67, %add3A_80 : i32
      %add3A_82 = arith.constant 3 : i32
      %add3A_83 = arith.addi %add3A_81, %add3A_82 : i32
      %mul3A_84 = arith.constant 128 : i32
      %mul3A_85 = arith.muli %add3A_83, %mul3A_84 : i32
      %dma_start3A_86 = tpu.memref_slice %arg7[%mul3A_85] : memref<10000xi32, #tpu.memory_space<vmem>> -> memref<128xi32, #tpu.memory_space<vmem>>
      %dma_start3A_87 = arith.constant 0 : i32
      %dma_start3A_88 = arith.constant 0 : i32
      %dma_start3A_89 = tpu.memref_slice %arg2[%dma_start3A_87, %dma_start3A_88] : memref<10000x64xf32, #tpu.memory_space<hbm>> -> memref<10000x64xf32, #tpu.memory_space<hbm>>
      tpu.enqueue_indirect_dma source(%dma_start3A_89 : memref<10000x64xf32, #tpu.memory_space<hbm>>) target(%arg9 : memref<128x64xf32, #tpu.memory_space<vmem>>) offsets(%dma_start3A_86 : memref<128xi32, #tpu.memory_space<vmem>>) semaphore(%arg15 : memref<!tpu.dma_semaphore, #tpu.memory_space<semaphore_mem>>)
      %add3A_90 = arith.constant 1 : i32
      %add3A_91 = arith.addi %add3A_67, %add3A_90 : i32
      %mul3A_92 = arith.constant 128 : i32
      %mul3A_93 = arith.muli %add3A_91, %mul3A_92 : i32
      %dma_wait3A_94 = tpu.memref_slice %arg7[%mul3A_93] : memref<10000xi32, #tpu.memory_space<vmem>> -> memref<128xi32, #tpu.memory_space<vmem>>
      %dma_wait3A_95 = arith.constant 0 : i32
      %dma_wait3A_96 = arith.constant 0 : i32
      %dma_wait3A_97 = tpu.memref_slice %arg2[%dma_wait3A_95, %dma_wait3A_96] : memref<10000x64xf32, #tpu.memory_space<hbm>> -> memref<10000x64xf32, #tpu.memory_space<hbm>>
      tpu.wait_indirect_dma semaphore(%arg16 : memref<!tpu.dma_semaphore, #tpu.memory_space<semaphore_mem>>) src(%dma_wait3A_97 : memref<10000x64xf32, #tpu.memory_space<hbm>>) dst(%arg10 : memref<128x64xf32, #tpu.memory_space<vmem>>)
      %add3A_98 = arith.constant 1 : i32
      %add3A_99 = arith.addi %add3A_67, %add3A_98 : i32
      %mul3A_100 = arith.constant 128 : i32
      %mul3A_101 = arith.muli %add3A_99, %mul3A_100 : i32
      "tpu.region"() ({
        %run_scoped3A = tpu.sem_alloc : memref<!tpu.dma_semaphore, #tpu.memory_space<semaphore_mem>>
        %dma_start3A_134 = tpu.memref_slice %arg8[%mul3A_101] : memref<10000xi32, #tpu.memory_space<vmem>> -> memref<128xi32, #tpu.memory_space<vmem>>
        %dma_start3A_135 = arith.constant 0 : i32
        %dma_start3A_136 = arith.constant 0 : i32
        %dma_start3A_137 = tpu.memref_slice %arg13[%dma_start3A_135, %dma_start3A_136] : memref<10240x64xf32, #tpu.memory_space<vmem_shared>> -> memref<10240x64xf32, #tpu.memory_space<vmem_shared>>
        tpu.enqueue_indirect_dma source(%arg10 : memref<128x64xf32, #tpu.memory_space<vmem>>) target(%dma_start3A_137 : memref<10240x64xf32, #tpu.memory_space<vmem_shared>>) offsets(%dma_start3A_134 : memref<128xi32, #tpu.memory_space<vmem>>) semaphore(%run_scoped3A : memref<!tpu.dma_semaphore, #tpu.memory_space<semaphore_mem>>) {add = true}
        %dma_wait3A_138 = tpu.memref_slice %arg8[%mul3A_101] : memref<10000xi32, #tpu.memory_space<vmem>> -> memref<128xi32, #tpu.memory_space<vmem>>
        %dma_wait3A_139 = arith.constant 0 : i32
        %dma_wait3A_140 = arith.constant 0 : i32
        %dma_wait3A_141 = tpu.memref_slice %arg13[%dma_wait3A_139, %dma_wait3A_140] : memref<10240x64xf32, #tpu.memory_space<vmem_shared>> -> memref<10240x64xf32, #tpu.memory_space<vmem_shared>>
        tpu.wait_indirect_dma semaphore(%run_scoped3A : memref<!tpu.dma_semaphore, #tpu.memory_space<semaphore_mem>>) src(%arg10 : memref<128x64xf32, #tpu.memory_space<vmem>>) dst(%dma_wait3A_141 : memref<10240x64xf32, #tpu.memory_space<vmem_shared>>)
        tpu.yield
      }) : () -> ()
      %add3A_102 = arith.constant 1 : i32
      %add3A_103 = arith.addi %add3A_67, %add3A_102 : i32
      %add3A_104 = arith.constant 3 : i32
      %add3A_105 = arith.addi %add3A_103, %add3A_104 : i32
      %mul3A_106 = arith.constant 128 : i32
      %mul3A_107 = arith.muli %add3A_105, %mul3A_106 : i32
      %dma_start3A_108 = tpu.memref_slice %arg7[%mul3A_107] : memref<10000xi32, #tpu.memory_space<vmem>> -> memref<128xi32, #tpu.memory_space<vmem>>
      %dma_start3A_109 = arith.constant 0 : i32
      %dma_start3A_110 = arith.constant 0 : i32
      %dma_start3A_111 = tpu.memref_slice %arg2[%dma_start3A_109, %dma_start3A_110] : memref<10000x64xf32, #tpu.memory_space<hbm>> -> memref<10000x64xf32, #tpu.memory_space<hbm>>
      tpu.enqueue_indirect_dma source(%dma_start3A_111 : memref<10000x64xf32, #tpu.memory_space<hbm>>) target(%arg10 : memref<128x64xf32, #tpu.memory_space<vmem>>) offsets(%dma_start3A_108 : memref<128xi32, #tpu.memory_space<vmem>>) semaphore(%arg16 : memref<!tpu.dma_semaphore, #tpu.memory_space<semaphore_mem>>)
      %add3A_112 = arith.constant 2 : i32
      %add3A_113 = arith.addi %add3A_67, %add3A_112 : i32
      %mul3A_114 = arith.constant 128 : i32
      %mul3A_115 = arith.muli %add3A_113, %mul3A_114 : i32
      %dma_wait3A_116 = tpu.memref_slice %arg7[%mul3A_115] : memref<10000xi32, #tpu.memory_space<vmem>> -> memref<128xi32, #tpu.memory_space<vmem>>
      %dma_wait3A_117 = arith.constant 0 : i32
      %dma_wait3A_118 = arith.constant 0 : i32
      %dma_wait3A_119 = tpu.memref_slice %arg2[%dma_wait3A_117, %dma_wait3A_118] : memref<10000x64xf32, #tpu.memory_space<hbm>> -> memref<10000x64xf32, #tpu.memory_space<hbm>>
      tpu.wait_indirect_dma semaphore(%arg17 : memref<!tpu.dma_semaphore, #tpu.memory_space<semaphore_mem>>) src(%dma_wait3A_119 : memref<10000x64xf32, #tpu.memory_space<hbm>>) dst(%arg11 : memref<128x64xf32, #tpu.memory_space<vmem>>)
      %add3A_120 = arith.constant 2 : i32
      %add3A_121 = arith.addi %add3A_67, %add3A_120 : i32
      %mul3A_122 = arith.constant 128 : i32
      %mul3A_123 = arith.muli %add3A_121, %mul3A_122 : i32
      "tpu.region"() ({
        %run_scoped3A = tpu.sem_alloc : memref<!tpu.dma_semaphore, #tpu.memory_space<semaphore_mem>>
        %dma_start3A_134 = tpu.memref_slice %arg8[%mul3A_123] : memref<10000xi32, #tpu.memory_space<vmem>> -> memref<128xi32, #tpu.memory_space<vmem>>
        %dma_start3A_135 = arith.constant 0 : i32
        %dma_start3A_136 = arith.constant 0 : i32
        %dma_start3A_137 = tpu.memref_slice %arg13[%dma_start3A_135, %dma_start3A_136] : memref<10240x64xf32, #tpu.memory_space<vmem_shared>> -> memref<10240x64xf32, #tpu.memory_space<vmem_shared>>
        tpu.enqueue_indirect_dma source(%arg11 : memref<128x64xf32, #tpu.memory_space<vmem>>) target(%dma_start3A_137 : memref<10240x64xf32, #tpu.memory_space<vmem_shared>>) offsets(%dma_start3A_134 : memref<128xi32, #tpu.memory_space<vmem>>) semaphore(%run_scoped3A : memref<!tpu.dma_semaphore, #tpu.memory_space<semaphore_mem>>) {add = true}
        %dma_wait3A_138 = tpu.memref_slice %arg8[%mul3A_123] : memref<10000xi32, #tpu.memory_space<vmem>> -> memref<128xi32, #tpu.memory_space<vmem>>
        %dma_wait3A_139 = arith.constant 0 : i32
        %dma_wait3A_140 = arith.constant 0 : i32
        %dma_wait3A_141 = tpu.memref_slice %arg13[%dma_wait3A_139, %dma_wait3A_140] : memref<10240x64xf32, #tpu.memory_space<vmem_shared>> -> memref<10240x64xf32, #tpu.memory_space<vmem_shared>>
        tpu.wait_indirect_dma semaphore(%run_scoped3A : memref<!tpu.dma_semaphore, #tpu.memory_space<semaphore_mem>>) src(%arg11 : memref<128x64xf32, #tpu.memory_space<vmem>>) dst(%dma_wait3A_141 : memref<10240x64xf32, #tpu.memory_space<vmem_shared>>)
        tpu.yield
      }) : () -> ()
      %add3A_124 = arith.constant 2 : i32
      %add3A_125 = arith.addi %add3A_67, %add3A_124 : i32
      %add3A_126 = arith.constant 3 : i32
      %add3A_127 = arith.addi %add3A_125, %add3A_126 : i32
      %mul3A_128 = arith.constant 128 : i32
      %mul3A_129 = arith.muli %add3A_127, %mul3A_128 : i32
      %dma_start3A_130 = tpu.memref_slice %arg7[%mul3A_129] : memref<10000xi32, #tpu.memory_space<vmem>> -> memref<128xi32, #tpu.memory_space<vmem>>
      %dma_start3A_131 = arith.constant 0 : i32
      %dma_start3A_132 = arith.constant 0 : i32
      %dma_start3A_133 = tpu.memref_slice %arg2[%dma_start3A_131, %dma_start3A_132] : memref<10000x64xf32, #tpu.memory_space<hbm>> -> memref<10000x64xf32, #tpu.memory_space<hbm>>
      tpu.enqueue_indirect_dma source(%dma_start3A_133 : memref<10000x64xf32, #tpu.memory_space<hbm>>) target(%arg11 : memref<128x64xf32, #tpu.memory_space<vmem>>) offsets(%dma_start3A_130 : memref<128xi32, #tpu.memory_space<vmem>>) semaphore(%arg17 : memref<!tpu.dma_semaphore, #tpu.memory_space<semaphore_mem>>)
    }
    %scan3A_29 = arith.constant 25 : i32
    %dma_wait3A_30 = arith.constant 9600 : i32
    %dma_wait3A_31 = tpu.memref_slice %arg7[%dma_wait3A_30] : memref<10000xi32, #tpu.memory_space<vmem>> -> memref<128xi32, #tpu.memory_space<vmem>>
    %dma_wait3A_32 = arith.constant 0 : i32
    %dma_wait3A_33 = arith.constant 0 : i32
    %dma_wait3A_34 = tpu.memref_slice %arg2[%dma_wait3A_32, %dma_wait3A_33] : memref<10000x64xf32, #tpu.memory_space<hbm>> -> memref<10000x64xf32, #tpu.memory_space<hbm>>
    tpu.wait_indirect_dma semaphore(%arg15 : memref<!tpu.dma_semaphore, #tpu.memory_space<semaphore_mem>>) src(%dma_wait3A_34 : memref<10000x64xf32, #tpu.memory_space<hbm>>) dst(%arg9 : memref<128x64xf32, #tpu.memory_space<vmem>>)
    "tpu.region"() ({
      %run_scoped3A = tpu.sem_alloc : memref<!tpu.dma_semaphore, #tpu.memory_space<semaphore_mem>>
      %dma_start3A_63 = arith.constant 9600 : i32
      %dma_start3A_64 = tpu.memref_slice %arg8[%dma_start3A_63] : memref<10000xi32, #tpu.memory_space<vmem>> -> memref<128xi32, #tpu.memory_space<vmem>>
      %dma_start3A_65 = arith.constant 0 : i32
      %dma_start3A_66 = arith.constant 0 : i32
      %dma_start3A_67 = tpu.memref_slice %arg13[%dma_start3A_65, %dma_start3A_66] : memref<10240x64xf32, #tpu.memory_space<vmem_shared>> -> memref<10240x64xf32, #tpu.memory_space<vmem_shared>>
      tpu.enqueue_indirect_dma source(%arg9 : memref<128x64xf32, #tpu.memory_space<vmem>>) target(%dma_start3A_67 : memref<10240x64xf32, #tpu.memory_space<vmem_shared>>) offsets(%dma_start3A_64 : memref<128xi32, #tpu.memory_space<vmem>>) semaphore(%run_scoped3A : memref<!tpu.dma_semaphore, #tpu.memory_space<semaphore_mem>>) {add = true}
      %dma_wait3A_68 = arith.constant 9600 : i32
      %dma_wait3A_69 = tpu.memref_slice %arg8[%dma_wait3A_68] : memref<10000xi32, #tpu.memory_space<vmem>> -> memref<128xi32, #tpu.memory_space<vmem>>
      %dma_wait3A_70 = arith.constant 0 : i32
      %dma_wait3A_71 = arith.constant 0 : i32
      %dma_wait3A_72 = tpu.memref_slice %arg13[%dma_wait3A_70, %dma_wait3A_71] : memref<10240x64xf32, #tpu.memory_space<vmem_shared>> -> memref<10240x64xf32, #tpu.memory_space<vmem_shared>>
      tpu.wait_indirect_dma semaphore(%run_scoped3A : memref<!tpu.dma_semaphore, #tpu.memory_space<semaphore_mem>>) src(%arg9 : memref<128x64xf32, #tpu.memory_space<vmem>>) dst(%dma_wait3A_72 : memref<10240x64xf32, #tpu.memory_space<vmem_shared>>)
      tpu.yield
    }) : () -> ()
    %dma_wait3A_35 = arith.constant 9728 : i32
    %dma_wait3A_36 = tpu.memref_slice %arg7[%dma_wait3A_35] : memref<10000xi32, #tpu.memory_space<vmem>> -> memref<128xi32, #tpu.memory_space<vmem>>
    %dma_wait3A_37 = arith.constant 0 : i32
    %dma_wait3A_38 = arith.constant 0 : i32
    %dma_wait3A_39 = tpu.memref_slice %arg2[%dma_wait3A_37, %dma_wait3A_38] : memref<10000x64xf32, #tpu.memory_space<hbm>> -> memref<10000x64xf32, #tpu.memory_space<hbm>>
    tpu.wait_indirect_dma semaphore(%arg16 : memref<!tpu.dma_semaphore, #tpu.memory_space<semaphore_mem>>) src(%dma_wait3A_39 : memref<10000x64xf32, #tpu.memory_space<hbm>>) dst(%arg10 : memref<128x64xf32, #tpu.memory_space<vmem>>)
    "tpu.region"() ({
      %run_scoped3A = tpu.sem_alloc : memref<!tpu.dma_semaphore, #tpu.memory_space<semaphore_mem>>
      %dma_start3A_63 = arith.constant 9728 : i32
      %dma_start3A_64 = tpu.memref_slice %arg8[%dma_start3A_63] : memref<10000xi32, #tpu.memory_space<vmem>> -> memref<128xi32, #tpu.memory_space<vmem>>
      %dma_start3A_65 = arith.constant 0 : i32
      %dma_start3A_66 = arith.constant 0 : i32
      %dma_start3A_67 = tpu.memref_slice %arg13[%dma_start3A_65, %dma_start3A_66] : memref<10240x64xf32, #tpu.memory_space<vmem_shared>> -> memref<10240x64xf32, #tpu.memory_space<vmem_shared>>
      tpu.enqueue_indirect_dma source(%arg10 : memref<128x64xf32, #tpu.memory_space<vmem>>) target(%dma_start3A_67 : memref<10240x64xf32, #tpu.memory_space<vmem_shared>>) offsets(%dma_start3A_64 : memref<128xi32, #tpu.memory_space<vmem>>) semaphore(%run_scoped3A : memref<!tpu.dma_semaphore, #tpu.memory_space<semaphore_mem>>) {add = true}
      %dma_wait3A_68 = arith.constant 9728 : i32
      %dma_wait3A_69 = tpu.memref_slice %arg8[%dma_wait3A_68] : memref<10000xi32, #tpu.memory_space<vmem>> -> memref<128xi32, #tpu.memory_space<vmem>>
      %dma_wait3A_70 = arith.constant 0 : i32
      %dma_wait3A_71 = arith.constant 0 : i32
      %dma_wait3A_72 = tpu.memref_slice %arg13[%dma_wait3A_70, %dma_wait3A_71] : memref<10240x64xf32, #tpu.memory_space<vmem_shared>> -> memref<10240x64xf32, #tpu.memory_space<vmem_shared>>
      tpu.wait_indirect_dma semaphore(%run_scoped3A : memref<!tpu.dma_semaphore, #tpu.memory_space<semaphore_mem>>) src(%arg10 : memref<128x64xf32, #tpu.memory_space<vmem>>) dst(%dma_wait3A_72 : memref<10240x64xf32, #tpu.memory_space<vmem_shared>>)
      tpu.yield
    }) : () -> ()
    %dma_wait3A_40 = arith.constant 9856 : i32
    %dma_wait3A_41 = tpu.memref_slice %arg7[%dma_wait3A_40] : memref<10000xi32, #tpu.memory_space<vmem>> -> memref<128xi32, #tpu.memory_space<vmem>>
    %dma_wait3A_42 = arith.constant 0 : i32
    %dma_wait3A_43 = arith.constant 0 : i32
    %dma_wait3A_44 = tpu.memref_slice %arg2[%dma_wait3A_42, %dma_wait3A_43] : memref<10000x64xf32, #tpu.memory_space<hbm>> -> memref<10000x64xf32, #tpu.memory_space<hbm>>
    tpu.wait_indirect_dma semaphore(%arg17 : memref<!tpu.dma_semaphore, #tpu.memory_space<semaphore_mem>>) src(%dma_wait3A_44 : memref<10000x64xf32, #tpu.memory_space<hbm>>) dst(%arg11 : memref<128x64xf32, #tpu.memory_space<vmem>>)
    "tpu.region"() ({
      %run_scoped3A = tpu.sem_alloc : memref<!tpu.dma_semaphore, #tpu.memory_space<semaphore_mem>>
      %dma_start3A_63 = arith.constant 9856 : i32
      %dma_start3A_64 = tpu.memref_slice %arg8[%dma_start3A_63] : memref<10000xi32, #tpu.memory_space<vmem>> -> memref<128xi32, #tpu.memory_space<vmem>>
      %dma_start3A_65 = arith.constant 0 : i32
      %dma_start3A_66 = arith.constant 0 : i32
      %dma_start3A_67 = tpu.memref_slice %arg13[%dma_start3A_65, %dma_start3A_66] : memref<10240x64xf32, #tpu.memory_space<vmem_shared>> -> memref<10240x64xf32, #tpu.memory_space<vmem_shared>>
      tpu.enqueue_indirect_dma source(%arg11 : memref<128x64xf32, #tpu.memory_space<vmem>>) target(%dma_start3A_67 : memref<10240x64xf32, #tpu.memory_space<vmem_shared>>) offsets(%dma_start3A_64 : memref<128xi32, #tpu.memory_space<vmem>>) semaphore(%run_scoped3A : memref<!tpu.dma_semaphore, #tpu.memory_space<semaphore_mem>>) {add = true}
      %dma_wait3A_68 = arith.constant 9856 : i32
      %dma_wait3A_69 = tpu.memref_slice %arg8[%dma_wait3A_68] : memref<10000xi32, #tpu.memory_space<vmem>> -> memref<128xi32, #tpu.memory_space<vmem>>
      %dma_wait3A_70 = arith.constant 0 : i32
      %dma_wait3A_71 = arith.constant 0 : i32
      %dma_wait3A_72 = tpu.memref_slice %arg13[%dma_wait3A_70, %dma_wait3A_71] : memref<10240x64xf32, #tpu.memory_space<vmem_shared>> -> memref<10240x64xf32, #tpu.memory_space<vmem_shared>>
      tpu.wait_indirect_dma semaphore(%run_scoped3A : memref<!tpu.dma_semaphore, #tpu.memory_space<semaphore_mem>>) src(%arg11 : memref<128x64xf32, #tpu.memory_space<vmem>>) dst(%dma_wait3A_72 : memref<10240x64xf32, #tpu.memory_space<vmem_shared>>)
      tpu.yield
    }) : () -> ()
    %dma_start3A_45 = arith.constant 9984 : i32
    %dma_start3A_46 = tpu.memref_slice %arg7[%dma_start3A_45] : memref<10000xi32, #tpu.memory_space<vmem>> -> memref<16xi32, #tpu.memory_space<vmem>>
    %dma_start3A_47 = arith.constant 0 : i32
    %dma_start3A_48 = arith.constant 0 : i32
    %dma_start3A_49 = tpu.memref_slice %arg2[%dma_start3A_47, %dma_start3A_48] : memref<10000x64xf32, #tpu.memory_space<hbm>> -> memref<10000x64xf32, #tpu.memory_space<hbm>>
    tpu.enqueue_indirect_dma source(%dma_start3A_49 : memref<10000x64xf32, #tpu.memory_space<hbm>>) target(%arg12 : memref<16x64xf32, #tpu.memory_space<vmem>>) offsets(%dma_start3A_46 : memref<16xi32, #tpu.memory_space<vmem>>) semaphore(%arg14 : memref<!tpu.dma_semaphore, #tpu.memory_space<semaphore_mem>>)
    %dma_wait3A_50 = arith.constant 9984 : i32
    %dma_wait3A_51 = tpu.memref_slice %arg7[%dma_wait3A_50] : memref<10000xi32, #tpu.memory_space<vmem>> -> memref<16xi32, #tpu.memory_space<vmem>>
    %dma_wait3A_52 = arith.constant 0 : i32
    %dma_wait3A_53 = arith.constant 0 : i32
    %dma_wait3A_54 = tpu.memref_slice %arg2[%dma_wait3A_52, %dma_wait3A_53] : memref<10000x64xf32, #tpu.memory_space<hbm>> -> memref<10000x64xf32, #tpu.memory_space<hbm>>
    tpu.wait_indirect_dma semaphore(%arg14 : memref<!tpu.dma_semaphore, #tpu.memory_space<semaphore_mem>>) src(%dma_wait3A_54 : memref<10000x64xf32, #tpu.memory_space<hbm>>) dst(%arg12 : memref<16x64xf32, #tpu.memory_space<vmem>>)
    "tpu.region"() ({
      %run_scoped3A = tpu.sem_alloc : memref<!tpu.dma_semaphore, #tpu.memory_space<semaphore_mem>>
      %dma_start3A_63 = arith.constant 9984 : i32
      %dma_start3A_64 = tpu.memref_slice %arg8[%dma_start3A_63] : memref<10000xi32, #tpu.memory_space<vmem>> -> memref<16xi32, #tpu.memory_space<vmem>>
      %dma_start3A_65 = arith.constant 0 : i32
      %dma_start3A_66 = arith.constant 0 : i32
      %dma_start3A_67 = tpu.memref_slice %arg13[%dma_start3A_65, %dma_start3A_66] : memref<10240x64xf32, #tpu.memory_space<vmem_shared>> -> memref<10240x64xf32, #tpu.memory_space<vmem_shared>>
      tpu.enqueue_indirect_dma source(%arg12 : memref<16x64xf32, #tpu.memory_space<vmem>>) target(%dma_start3A_67 : memref<10240x64xf32, #tpu.memory_space<vmem_shared>>) offsets(%dma_start3A_64 : memref<16xi32, #tpu.memory_space<vmem>>) semaphore(%run_scoped3A : memref<!tpu.dma_semaphore, #tpu.memory_space<semaphore_mem>>) {add = true}
      %dma_wait3A_68 = arith.constant 9984 : i32
      %dma_wait3A_69 = tpu.memref_slice %arg8[%dma_wait3A_68] : memref<10000xi32, #tpu.memory_space<vmem>> -> memref<16xi32, #tpu.memory_space<vmem>>
      %dma_wait3A_70 = arith.constant 0 : i32
      %dma_wait3A_71 = arith.constant 0 : i32
      %dma_wait3A_72 = tpu.memref_slice %arg13[%dma_wait3A_70, %dma_wait3A_71] : memref<10240x64xf32, #tpu.memory_space<vmem_shared>> -> memref<10240x64xf32, #tpu.memory_space<vmem_shared>>
      tpu.wait_indirect_dma semaphore(%run_scoped3A : memref<!tpu.dma_semaphore, #tpu.memory_space<semaphore_mem>>) src(%arg12 : memref<16x64xf32, #tpu.memory_space<vmem>>) dst(%dma_wait3A_72 : memref<10240x64xf32, #tpu.memory_space<vmem_shared>>)
      tpu.yield
    }) : () -> ()
    %barrier3A_55 = arith.constant 0 : index
    tpu.barrier barrier_id(%barrier3A_55)
    %mul3A_56 = arith.constant 640 : i32
    %mul3A_57 = arith.muli %arg1, %mul3A_56 : i32
    %mul3A_58 = arith.constant 10240 : i32
    %mul3A_59 = arith.muli %arg0, %mul3A_58 : i32
    %mul3A_60 = arith.constant 640 : i32
    %mul3A_61 = arith.muli %arg1, %mul3A_60 : i32
    %add3A_62 = arith.addi %mul3A_59, %mul3A_61 : i32
    "tpu.region"() ({
      %run_scoped3A = tpu.sem_alloc : memref<!tpu.dma_semaphore, #tpu.memory_space<semaphore_mem>>
      %dma_start3A_63 = arith.constant 0 : i32
      %dma_start3A_64 = tpu.memref_slice %arg6[%add3A_62, %dma_start3A_63] : memref<20480x64xf32, #tpu.memory_space<hbm>> -> memref<640x64xf32, #tpu.memory_space<hbm>>
      %dma_start3A_65 = arith.constant 0 : i32
      %dma_start3A_66 = tpu.memref_slice %arg13[%mul3A_57, %dma_start3A_65] : memref<10240x64xf32, #tpu.memory_space<vmem_shared>> -> memref<640x64xf32, #tpu.memory_space<vmem_shared>>
      tpu.enqueue_dma source(%dma_start3A_66 : memref<640x64xf32, #tpu.memory_space<vmem_shared>>) target(%dma_start3A_64 : memref<640x64xf32, #tpu.memory_space<hbm>>) target_semaphore(%run_scoped3A : memref<!tpu.dma_semaphore, #tpu.memory_space<semaphore_mem>>)
      %dma_wait3A_67 = arith.constant 0 : i32
      %dma_wait3A_68 = tpu.memref_slice %arg6[%add3A_62, %dma_wait3A_67] : memref<20480x64xf32, #tpu.memory_space<hbm>> -> memref<640x64xf32, #tpu.memory_space<hbm>>
      %dma_wait3A_69 = arith.constant 0 : i32
      %dma_wait3A_70 = tpu.memref_slice %arg13[%mul3A_57, %dma_wait3A_69] : memref<10240x64xf32, #tpu.memory_space<vmem_shared>> -> memref<640x64xf32, #tpu.memory_space<vmem_shared>>
      tpu.wait_dma2 semaphore(%run_scoped3A : memref<!tpu.dma_semaphore, #tpu.memory_space<semaphore_mem>>) src(%dma_wait3A_70 : memref<640x64xf32, #tpu.memory_space<vmem_shared>>) dst(%dma_wait3A_68 : memref<640x64xf32, #tpu.memory_space<hbm>>)
      tpu.yield
    }) : () -> ()
    return
  }
}

#map = affine_map<(d0, d1) -> (0)>
#map1 = affine_map<(d0, d1) -> (0, 0)>
module attributes {stable_mosaic.version = 14 : i64} {
  func.func @k(%arg0: i32, %arg1: i32, %arg2: memref<320000xi32, #tpu.memory_space<hbm>>, %arg3: memref<128x16xf32, #tpu.memory_space<hbm>>, %arg4: memref<640x16xf32, #tpu.memory_space<hbm>>, %arg5: memref<20480x16xf32, #tpu.memory_space<hbm>>, %arg6: memref<10000xi32, #tpu.memory_space<vmem>>, %arg7: memref<128x16xf32, #tpu.memory_space<vmem>>, %arg8: memref<10240x16xf32, #tpu.memory_space<vmem_shared>>, %arg9: memref<!tpu.dma_semaphore, #tpu.memory_space<semaphore_mem>>) attributes {dimension_semantics = [#tpu.dimension_semantics<core_parallel>, #tpu.dimension_semantics<subcore_parallel>], iteration_bounds = array<i64: 2, 16>, scalar_prefetch = 0 : i64, scratch_operands = 4 : i64, tpu.core_type = #tpu.core_type<sc_vector_subcore>, window_params = [{transform_indices = #map}, {transform_indices = #map1}, {transform_indices = #map1}, {transform_indices = #map1}]} {
    %mul3A = arith.constant 16 : i32
    %mul3A_0 = arith.muli %arg0, %mul3A : i32
    %add3A = arith.addi %mul3A_0, %arg1 : i32
    %mul3A_1 = arith.constant 10000 : i32
    %mul3A_2 = arith.muli %add3A, %mul3A_1 : i32
    %dma_start3A = tpu.memref_slice %arg2[%mul3A_2] : memref<320000xi32, #tpu.memory_space<hbm>> -> memref<10000xi32, #tpu.memory_space<hbm>>
    %dma_start3A_3 = tpu.memref_slice %arg2[%mul3A_2] : memref<320000xi32, #tpu.memory_space<hbm>> -> memref<10000xi32, #tpu.memory_space<hbm>>
    tpu.enqueue_dma source(%dma_start3A_3 : memref<10000xi32, #tpu.memory_space<hbm>>) target(%arg6 : memref<10000xi32, #tpu.memory_space<vmem>>) target_semaphore(%arg9 : memref<!tpu.dma_semaphore, #tpu.memory_space<semaphore_mem>>)
    %mul3A_4 = arith.constant 640 : i32
    %mul3A_5 = arith.muli %arg1, %mul3A_4 : i32
    "tpu.region"() ({
      %run_scoped3A = tpu.sem_alloc : memref<!tpu.dma_semaphore, #tpu.memory_space<semaphore_mem>>
      %dma_start3A_19 = arith.constant 0 : i32
      %dma_start3A_20 = tpu.memref_slice %arg8[%mul3A_5, %dma_start3A_19] : memref<10240x16xf32, #tpu.memory_space<vmem_shared>> -> memref<640x16xf32, #tpu.memory_space<vmem_shared>>
      tpu.enqueue_dma source(%arg4 : memref<640x16xf32, #tpu.memory_space<hbm>>) target(%dma_start3A_20 : memref<640x16xf32, #tpu.memory_space<vmem_shared>>) target_semaphore(%run_scoped3A : memref<!tpu.dma_semaphore, #tpu.memory_space<semaphore_mem>>)
      %dma_wait3A_21 = arith.constant 0 : i32
      %dma_wait3A_22 = tpu.memref_slice %arg8[%mul3A_5, %dma_wait3A_21] : memref<10240x16xf32, #tpu.memory_space<vmem_shared>> -> memref<640x16xf32, #tpu.memory_space<vmem_shared>>
      tpu.wait_dma2 semaphore(%run_scoped3A : memref<!tpu.dma_semaphore, #tpu.memory_space<semaphore_mem>>) src(%arg4 : memref<640x16xf32, #tpu.memory_space<hbm>>) dst(%dma_wait3A_22 : memref<640x16xf32, #tpu.memory_space<vmem_shared>>)
      tpu.yield
    }) : () -> ()
    "tpu.region"() ({
      %run_scoped3A = tpu.sem_alloc : memref<!tpu.dma_semaphore, #tpu.memory_space<semaphore_mem>>
      tpu.enqueue_dma source(%arg3 : memref<128x16xf32, #tpu.memory_space<hbm>>) target(%arg7 : memref<128x16xf32, #tpu.memory_space<vmem>>) target_semaphore(%run_scoped3A : memref<!tpu.dma_semaphore, #tpu.memory_space<semaphore_mem>>)
      tpu.wait_dma2 semaphore(%run_scoped3A : memref<!tpu.dma_semaphore, #tpu.memory_space<semaphore_mem>>) src(%arg3 : memref<128x16xf32, #tpu.memory_space<hbm>>) dst(%arg7 : memref<128x16xf32, #tpu.memory_space<vmem>>)
      tpu.yield
    }) : () -> ()
    %dma_wait3A = tpu.memref_slice %arg2[%mul3A_2] : memref<320000xi32, #tpu.memory_space<hbm>> -> memref<10000xi32, #tpu.memory_space<hbm>>
    %dma_wait3A_6 = tpu.memref_slice %arg2[%mul3A_2] : memref<320000xi32, #tpu.memory_space<hbm>> -> memref<10000xi32, #tpu.memory_space<hbm>>
    tpu.wait_dma2 semaphore(%arg9 : memref<!tpu.dma_semaphore, #tpu.memory_space<semaphore_mem>>) src(%dma_wait3A_6 : memref<10000xi32, #tpu.memory_space<hbm>>) dst(%arg6 : memref<10000xi32, #tpu.memory_space<vmem>>)
    %barrier3A = arith.constant 0 : index
    tpu.barrier barrier_id(%barrier3A)
    %scan3A = arith.constant 0 : i32
    %scan3A_7 = arith.constant 78 : i32
    %scan3A_8 = arith.addi %scan3A, %scan3A_7 : i32
    %scan3A_9 = arith.constant 1 : i32
    scf.for %scan3A_19 = %scan3A to %scan3A_8 step %scan3A_9  : i32 {
      %mul3A_20 = arith.constant 1 : i32
      %mul3A_21 = arith.muli %scan3A_19, %mul3A_20 : i32
      %add3A_22 = arith.constant 0 : i32
      %add3A_23 = arith.addi %add3A_22, %mul3A_21 : i32
      %mul3A_24 = arith.constant 128 : i32
      %mul3A_25 = arith.muli %add3A_23, %mul3A_24 : i32
      "tpu.region"() ({
        %run_scoped3A = tpu.sem_alloc : memref<!tpu.dma_semaphore, #tpu.memory_space<semaphore_mem>>
        %dma_start3A_26 = tpu.memref_slice %arg6[%mul3A_25] : memref<10000xi32, #tpu.memory_space<vmem>> -> memref<128xi32, #tpu.memory_space<vmem>>
        %dma_start3A_27 = arith.constant 0 : i32
        %dma_start3A_28 = arith.constant 0 : i32
        %dma_start3A_29 = tpu.memref_slice %arg8[%dma_start3A_27, %dma_start3A_28] : memref<10240x16xf32, #tpu.memory_space<vmem_shared>> -> memref<10240x16xf32, #tpu.memory_space<vmem_shared>>
        tpu.enqueue_indirect_dma source(%arg7 : memref<128x16xf32, #tpu.memory_space<vmem>>) target(%dma_start3A_29 : memref<10240x16xf32, #tpu.memory_space<vmem_shared>>) offsets(%dma_start3A_26 : memref<128xi32, #tpu.memory_space<vmem>>) semaphore(%run_scoped3A : memref<!tpu.dma_semaphore, #tpu.memory_space<semaphore_mem>>) {add = true}
        %dma_wait3A_30 = tpu.memref_slice %arg6[%mul3A_25] : memref<10000xi32, #tpu.memory_space<vmem>> -> memref<128xi32, #tpu.memory_space<vmem>>
        %dma_wait3A_31 = arith.constant 0 : i32
        %dma_wait3A_32 = arith.constant 0 : i32
        %dma_wait3A_33 = tpu.memref_slice %arg8[%dma_wait3A_31, %dma_wait3A_32] : memref<10240x16xf32, #tpu.memory_space<vmem_shared>> -> memref<10240x16xf32, #tpu.memory_space<vmem_shared>>
        tpu.wait_indirect_dma semaphore(%run_scoped3A : memref<!tpu.dma_semaphore, #tpu.memory_space<semaphore_mem>>) src(%arg7 : memref<128x16xf32, #tpu.memory_space<vmem>>) dst(%dma_wait3A_33 : memref<10240x16xf32, #tpu.memory_space<vmem_shared>>)
        tpu.yield
      }) : () -> ()
    }
    %scan3A_10 = arith.constant 78 : i32
    "tpu.region"() ({
      %run_scoped3A = tpu.sem_alloc : memref<!tpu.dma_semaphore, #tpu.memory_space<semaphore_mem>>
      %dma_start3A_19 = arith.constant 0 : i32
      %dma_start3A_20 = arith.constant 0 : i32
      %dma_start3A_21 = tpu.memref_slice %arg7[%dma_start3A_19, %dma_start3A_20] : memref<128x16xf32, #tpu.memory_space<vmem>> -> memref<16x16xf32, #tpu.memory_space<vmem>>
      %dma_start3A_22 = arith.constant 9984 : i32
      %dma_start3A_23 = tpu.memref_slice %arg6[%dma_start3A_22] : memref<10000xi32, #tpu.memory_space<vmem>> -> memref<16xi32, #tpu.memory_space<vmem>>
      %dma_start3A_24 = arith.constant 0 : i32
      %dma_start3A_25 = arith.constant 0 : i32
      %dma_start3A_26 = tpu.memref_slice %arg8[%dma_start3A_24, %dma_start3A_25] : memref<10240x16xf32, #tpu.memory_space<vmem_shared>> -> memref<10240x16xf32, #tpu.memory_space<vmem_shared>>
      tpu.enqueue_indirect_dma source(%dma_start3A_21 : memref<16x16xf32, #tpu.memory_space<vmem>>) target(%dma_start3A_26 : memref<10240x16xf32, #tpu.memory_space<vmem_shared>>) offsets(%dma_start3A_23 : memref<16xi32, #tpu.memory_space<vmem>>) semaphore(%run_scoped3A : memref<!tpu.dma_semaphore, #tpu.memory_space<semaphore_mem>>) {add = true}
      %dma_wait3A_27 = arith.constant 0 : i32
      %dma_wait3A_28 = arith.constant 0 : i32
      %dma_wait3A_29 = tpu.memref_slice %arg7[%dma_wait3A_27, %dma_wait3A_28] : memref<128x16xf32, #tpu.memory_space<vmem>> -> memref<16x16xf32, #tpu.memory_space<vmem>>
      %dma_wait3A_30 = arith.constant 9984 : i32
      %dma_wait3A_31 = tpu.memref_slice %arg6[%dma_wait3A_30] : memref<10000xi32, #tpu.memory_space<vmem>> -> memref<16xi32, #tpu.memory_space<vmem>>
      %dma_wait3A_32 = arith.constant 0 : i32
      %dma_wait3A_33 = arith.constant 0 : i32
      %dma_wait3A_34 = tpu.memref_slice %arg8[%dma_wait3A_32, %dma_wait3A_33] : memref<10240x16xf32, #tpu.memory_space<vmem_shared>> -> memref<10240x16xf32, #tpu.memory_space<vmem_shared>>
      tpu.wait_indirect_dma semaphore(%run_scoped3A : memref<!tpu.dma_semaphore, #tpu.memory_space<semaphore_mem>>) src(%dma_wait3A_29 : memref<16x16xf32, #tpu.memory_space<vmem>>) dst(%dma_wait3A_34 : memref<10240x16xf32, #tpu.memory_space<vmem_shared>>)
      tpu.yield
    }) : () -> ()
    %barrier3A_11 = arith.constant 0 : index
    tpu.barrier barrier_id(%barrier3A_11)
    %mul3A_12 = arith.constant 640 : i32
    %mul3A_13 = arith.muli %arg1, %mul3A_12 : i32
    %mul3A_14 = arith.constant 10240 : i32
    %mul3A_15 = arith.muli %arg0, %mul3A_14 : i32
    %mul3A_16 = arith.constant 640 : i32
    %mul3A_17 = arith.muli %arg1, %mul3A_16 : i32
    %add3A_18 = arith.addi %mul3A_15, %mul3A_17 : i32
    "tpu.region"() ({
      %run_scoped3A = tpu.sem_alloc : memref<!tpu.dma_semaphore, #tpu.memory_space<semaphore_mem>>
      %dma_start3A_19 = arith.constant 0 : i32
      %dma_start3A_20 = tpu.memref_slice %arg5[%add3A_18, %dma_start3A_19] : memref<20480x16xf32, #tpu.memory_space<hbm>> -> memref<640x16xf32, #tpu.memory_space<hbm>>
      %dma_start3A_21 = arith.constant 0 : i32
      %dma_start3A_22 = tpu.memref_slice %arg8[%mul3A_13, %dma_start3A_21] : memref<10240x16xf32, #tpu.memory_space<vmem_shared>> -> memref<640x16xf32, #tpu.memory_space<vmem_shared>>
      tpu.enqueue_dma source(%dma_start3A_22 : memref<640x16xf32, #tpu.memory_space<vmem_shared>>) target(%dma_start3A_20 : memref<640x16xf32, #tpu.memory_space<hbm>>) target_semaphore(%run_scoped3A : memref<!tpu.dma_semaphore, #tpu.memory_space<semaphore_mem>>)
      %dma_wait3A_23 = arith.constant 0 : i32
      %dma_wait3A_24 = tpu.memref_slice %arg5[%add3A_18, %dma_wait3A_23] : memref<20480x16xf32, #tpu.memory_space<hbm>> -> memref<640x16xf32, #tpu.memory_space<hbm>>
      %dma_wait3A_25 = arith.constant 0 : i32
      %dma_wait3A_26 = tpu.memref_slice %arg8[%mul3A_13, %dma_wait3A_25] : memref<10240x16xf32, #tpu.memory_space<vmem_shared>> -> memref<640x16xf32, #tpu.memory_space<vmem_shared>>
      tpu.wait_dma2 semaphore(%run_scoped3A : memref<!tpu.dma_semaphore, #tpu.memory_space<semaphore_mem>>) src(%dma_wait3A_26 : memref<640x16xf32, #tpu.memory_space<vmem_shared>>) dst(%dma_wait3A_24 : memref<640x16xf32, #tpu.memory_space<hbm>>)
      tpu.yield
    }) : () -> ()
    return
  }
}

#map = affine_map<(d0, d1) -> (0, 0)>
#map1 = affine_map<(d0, d1) -> (0)>
module attributes {stable_mosaic.version = 14 : i64} {
  func.func @k(%arg0: i32, %arg1: i32, %arg2: memref<10000x128xf32, #tpu.memory_space<hbm>>, %arg3: memref<320000xi32, #tpu.memory_space<hbm>>, %arg4: memref<320000xi32, #tpu.memory_space<hbm>>, %arg5: memref<640x128xf32, #tpu.memory_space<hbm>>, %arg6: memref<20480x128xf32, #tpu.memory_space<hbm>>, %arg7: memref<10000xi32, #tpu.memory_space<vmem>>, %arg8: memref<10000xi32, #tpu.memory_space<vmem>>, %arg9: memref<64x128xf32, #tpu.memory_space<vmem>>, %arg10: memref<64x128xf32, #tpu.memory_space<vmem>>, %arg11: memref<64x128xf32, #tpu.memory_space<vmem>>, %arg12: memref<16x128xf32, #tpu.memory_space<vmem>>, %arg13: memref<10240x128xf32, #tpu.memory_space<vmem_shared>>, %arg14: memref<!tpu.dma_semaphore, #tpu.memory_space<semaphore_mem>>, %arg15: memref<!tpu.dma_semaphore, #tpu.memory_space<semaphore_mem>>, %arg16: memref<!tpu.dma_semaphore, #tpu.memory_space<semaphore_mem>>, %arg17: memref<!tpu.dma_semaphore, #tpu.memory_space<semaphore_mem>>) attributes {dimension_semantics = [#tpu.dimension_semantics<core_parallel>, #tpu.dimension_semantics<subcore_parallel>], iteration_bounds = array<i64: 2, 16>, scalar_prefetch = 0 : i64, scratch_operands = 11 : i64, tpu.core_type = #tpu.core_type<sc_vector_subcore>, window_params = [{transform_indices = #map}, {transform_indices = #map1}, {transform_indices = #map1}, {transform_indices = #map}, {transform_indices = #map}]} {
    %mul3A = arith.constant 16 : i32
    %mul3A_0 = arith.muli %arg0, %mul3A : i32
    %add3A = arith.addi %mul3A_0, %arg1 : i32
    %mul3A_1 = arith.constant 10000 : i32
    %mul3A_2 = arith.muli %add3A, %mul3A_1 : i32
    %dma_start3A = tpu.memref_slice %arg3[%mul3A_2] : memref<320000xi32, #tpu.memory_space<hbm>> -> memref<10000xi32, #tpu.memory_space<hbm>>
    %dma_start3A_3 = tpu.memref_slice %arg3[%mul3A_2] : memref<320000xi32, #tpu.memory_space<hbm>> -> memref<10000xi32, #tpu.memory_space<hbm>>
    tpu.enqueue_dma source(%dma_start3A_3 : memref<10000xi32, #tpu.memory_space<hbm>>) target(%arg7 : memref<10000xi32, #tpu.memory_space<vmem>>) target_semaphore(%arg14 : memref<!tpu.dma_semaphore, #tpu.memory_space<semaphore_mem>>)
    %dma_start3A_4 = tpu.memref_slice %arg4[%mul3A_2] : memref<320000xi32, #tpu.memory_space<hbm>> -> memref<10000xi32, #tpu.memory_space<hbm>>
    %dma_start3A_5 = tpu.memref_slice %arg4[%mul3A_2] : memref<320000xi32, #tpu.memory_space<hbm>> -> memref<10000xi32, #tpu.memory_space<hbm>>
    tpu.enqueue_dma source(%dma_start3A_5 : memref<10000xi32, #tpu.memory_space<hbm>>) target(%arg8 : memref<10000xi32, #tpu.memory_space<vmem>>) target_semaphore(%arg14 : memref<!tpu.dma_semaphore, #tpu.memory_space<semaphore_mem>>)
    %mul3A_6 = arith.constant 640 : i32
    %mul3A_7 = arith.muli %arg1, %mul3A_6 : i32
    "tpu.region"() ({
      %run_scoped3A = tpu.sem_alloc : memref<!tpu.dma_semaphore, #tpu.memory_space<semaphore_mem>>
      %dma_start3A_63 = arith.constant 0 : i32
      %dma_start3A_64 = tpu.memref_slice %arg13[%mul3A_7, %dma_start3A_63] : memref<10240x128xf32, #tpu.memory_space<vmem_shared>> -> memref<640x128xf32, #tpu.memory_space<vmem_shared>>
      tpu.enqueue_dma source(%arg5 : memref<640x128xf32, #tpu.memory_space<hbm>>) target(%dma_start3A_64 : memref<640x128xf32, #tpu.memory_space<vmem_shared>>) target_semaphore(%run_scoped3A : memref<!tpu.dma_semaphore, #tpu.memory_space<semaphore_mem>>)
      %dma_wait3A_65 = arith.constant 0 : i32
      %dma_wait3A_66 = tpu.memref_slice %arg13[%mul3A_7, %dma_wait3A_65] : memref<10240x128xf32, #tpu.memory_space<vmem_shared>> -> memref<640x128xf32, #tpu.memory_space<vmem_shared>>
      tpu.wait_dma2 semaphore(%run_scoped3A : memref<!tpu.dma_semaphore, #tpu.memory_space<semaphore_mem>>) src(%arg5 : memref<640x128xf32, #tpu.memory_space<hbm>>) dst(%dma_wait3A_66 : memref<640x128xf32, #tpu.memory_space<vmem_shared>>)
      tpu.yield
    }) : () -> ()
    %dma_wait3A = tpu.memref_slice %arg3[%mul3A_2] : memref<320000xi32, #tpu.memory_space<hbm>> -> memref<10000xi32, #tpu.memory_space<hbm>>
    %dma_wait3A_8 = tpu.memref_slice %arg3[%mul3A_2] : memref<320000xi32, #tpu.memory_space<hbm>> -> memref<10000xi32, #tpu.memory_space<hbm>>
    tpu.wait_dma2 semaphore(%arg14 : memref<!tpu.dma_semaphore, #tpu.memory_space<semaphore_mem>>) src(%dma_wait3A_8 : memref<10000xi32, #tpu.memory_space<hbm>>) dst(%arg7 : memref<10000xi32, #tpu.memory_space<vmem>>)
    %dma_wait3A_9 = tpu.memref_slice %arg4[%mul3A_2] : memref<320000xi32, #tpu.memory_space<hbm>> -> memref<10000xi32, #tpu.memory_space<hbm>>
    %dma_wait3A_10 = tpu.memref_slice %arg4[%mul3A_2] : memref<320000xi32, #tpu.memory_space<hbm>> -> memref<10000xi32, #tpu.memory_space<hbm>>
    tpu.wait_dma2 semaphore(%arg14 : memref<!tpu.dma_semaphore, #tpu.memory_space<semaphore_mem>>) src(%dma_wait3A_10 : memref<10000xi32, #tpu.memory_space<hbm>>) dst(%arg8 : memref<10000xi32, #tpu.memory_space<vmem>>)
    %barrier3A = arith.constant 0 : index
    tpu.barrier barrier_id(%barrier3A)
    %dma_start3A_11 = arith.constant 0 : i32
    %dma_start3A_12 = tpu.memref_slice %arg7[%dma_start3A_11] : memref<10000xi32, #tpu.memory_space<vmem>> -> memref<64xi32, #tpu.memory_space<vmem>>
    %dma_start3A_13 = arith.constant 0 : i32
    %dma_start3A_14 = arith.constant 0 : i32
    %dma_start3A_15 = tpu.memref_slice %arg2[%dma_start3A_13, %dma_start3A_14] : memref<10000x128xf32, #tpu.memory_space<hbm>> -> memref<10000x128xf32, #tpu.memory_space<hbm>>
    tpu.enqueue_indirect_dma source(%dma_start3A_15 : memref<10000x128xf32, #tpu.memory_space<hbm>>) target(%arg9 : memref<64x128xf32, #tpu.memory_space<vmem>>) offsets(%dma_start3A_12 : memref<64xi32, #tpu.memory_space<vmem>>) semaphore(%arg15 : memref<!tpu.dma_semaphore, #tpu.memory_space<semaphore_mem>>)
    %dma_start3A_16 = arith.constant 64 : i32
    %dma_start3A_17 = tpu.memref_slice %arg7[%dma_start3A_16] : memref<10000xi32, #tpu.memory_space<vmem>> -> memref<64xi32, #tpu.memory_space<vmem>>
    %dma_start3A_18 = arith.constant 0 : i32
    %dma_start3A_19 = arith.constant 0 : i32
    %dma_start3A_20 = tpu.memref_slice %arg2[%dma_start3A_18, %dma_start3A_19] : memref<10000x128xf32, #tpu.memory_space<hbm>> -> memref<10000x128xf32, #tpu.memory_space<hbm>>
    tpu.enqueue_indirect_dma source(%dma_start3A_20 : memref<10000x128xf32, #tpu.memory_space<hbm>>) target(%arg10 : memref<64x128xf32, #tpu.memory_space<vmem>>) offsets(%dma_start3A_17 : memref<64xi32, #tpu.memory_space<vmem>>) semaphore(%arg16 : memref<!tpu.dma_semaphore, #tpu.memory_space<semaphore_mem>>)
    %dma_start3A_21 = arith.constant 128 : i32
    %dma_start3A_22 = tpu.memref_slice %arg7[%dma_start3A_21] : memref<10000xi32, #tpu.memory_space<vmem>> -> memref<64xi32, #tpu.memory_space<vmem>>
    %dma_start3A_23 = arith.constant 0 : i32
    %dma_start3A_24 = arith.constant 0 : i32
    %dma_start3A_25 = tpu.memref_slice %arg2[%dma_start3A_23, %dma_start3A_24] : memref<10000x128xf32, #tpu.memory_space<hbm>> -> memref<10000x128xf32, #tpu.memory_space<hbm>>
    tpu.enqueue_indirect_dma source(%dma_start3A_25 : memref<10000x128xf32, #tpu.memory_space<hbm>>) target(%arg11 : memref<64x128xf32, #tpu.memory_space<vmem>>) offsets(%dma_start3A_22 : memref<64xi32, #tpu.memory_space<vmem>>) semaphore(%arg17 : memref<!tpu.dma_semaphore, #tpu.memory_space<semaphore_mem>>)
    %scan3A = arith.constant 0 : i32
    %scan3A_26 = arith.constant 51 : i32
    %scan3A_27 = arith.addi %scan3A, %scan3A_26 : i32
    %scan3A_28 = arith.constant 1 : i32
    scf.for %scan3A_63 = %scan3A to %scan3A_27 step %scan3A_28  : i32 {
      %mul3A_64 = arith.constant 3 : i32
      %mul3A_65 = arith.muli %scan3A_63, %mul3A_64 : i32
      %add3A_66 = arith.constant 0 : i32
      %add3A_67 = arith.addi %add3A_66, %mul3A_65 : i32
      %add3A_68 = arith.constant 0 : i32
      %add3A_69 = arith.addi %add3A_67, %add3A_68 : i32
      %mul3A_70 = arith.constant 64 : i32
      %mul3A_71 = arith.muli %add3A_69, %mul3A_70 : i32
      %dma_wait3A_72 = tpu.memref_slice %arg7[%mul3A_71] : memref<10000xi32, #tpu.memory_space<vmem>> -> memref<64xi32, #tpu.memory_space<vmem>>
      %dma_wait3A_73 = arith.constant 0 : i32
      %dma_wait3A_74 = arith.constant 0 : i32
      %dma_wait3A_75 = tpu.memref_slice %arg2[%dma_wait3A_73, %dma_wait3A_74] : memref<10000x128xf32, #tpu.memory_space<hbm>> -> memref<10000x128xf32, #tpu.memory_space<hbm>>
      tpu.wait_indirect_dma semaphore(%arg15 : memref<!tpu.dma_semaphore, #tpu.memory_space<semaphore_mem>>) src(%dma_wait3A_75 : memref<10000x128xf32, #tpu.memory_space<hbm>>) dst(%arg9 : memref<64x128xf32, #tpu.memory_space<vmem>>)
      %add3A_76 = arith.constant 0 : i32
      %add3A_77 = arith.addi %add3A_67, %add3A_76 : i32
      %mul3A_78 = arith.constant 64 : i32
      %mul3A_79 = arith.muli %add3A_77, %mul3A_78 : i32
      "tpu.region"() ({
        %run_scoped3A = tpu.sem_alloc : memref<!tpu.dma_semaphore, #tpu.memory_space<semaphore_mem>>
        %dma_start3A_134 = tpu.memref_slice %arg8[%mul3A_79] : memref<10000xi32, #tpu.memory_space<vmem>> -> memref<64xi32, #tpu.memory_space<vmem>>
        %dma_start3A_135 = arith.constant 0 : i32
        %dma_start3A_136 = arith.constant 0 : i32
        %dma_start3A_137 = tpu.memref_slice %arg13[%dma_start3A_135, %dma_start3A_136] : memref<10240x128xf32, #tpu.memory_space<vmem_shared>> -> memref<10240x128xf32, #tpu.memory_space<vmem_shared>>
        tpu.enqueue_indirect_dma source(%arg9 : memref<64x128xf32, #tpu.memory_space<vmem>>) target(%dma_start3A_137 : memref<10240x128xf32, #tpu.memory_space<vmem_shared>>) offsets(%dma_start3A_134 : memref<64xi32, #tpu.memory_space<vmem>>) semaphore(%run_scoped3A : memref<!tpu.dma_semaphore, #tpu.memory_space<semaphore_mem>>) {add = true}
        %dma_wait3A_138 = tpu.memref_slice %arg8[%mul3A_79] : memref<10000xi32, #tpu.memory_space<vmem>> -> memref<64xi32, #tpu.memory_space<vmem>>
        %dma_wait3A_139 = arith.constant 0 : i32
        %dma_wait3A_140 = arith.constant 0 : i32
        %dma_wait3A_141 = tpu.memref_slice %arg13[%dma_wait3A_139, %dma_wait3A_140] : memref<10240x128xf32, #tpu.memory_space<vmem_shared>> -> memref<10240x128xf32, #tpu.memory_space<vmem_shared>>
        tpu.wait_indirect_dma semaphore(%run_scoped3A : memref<!tpu.dma_semaphore, #tpu.memory_space<semaphore_mem>>) src(%arg9 : memref<64x128xf32, #tpu.memory_space<vmem>>) dst(%dma_wait3A_141 : memref<10240x128xf32, #tpu.memory_space<vmem_shared>>)
        tpu.yield
      }) : () -> ()
      %add3A_80 = arith.constant 0 : i32
      %add3A_81 = arith.addi %add3A_67, %add3A_80 : i32
      %add3A_82 = arith.constant 3 : i32
      %add3A_83 = arith.addi %add3A_81, %add3A_82 : i32
      %mul3A_84 = arith.constant 64 : i32
      %mul3A_85 = arith.muli %add3A_83, %mul3A_84 : i32
      %dma_start3A_86 = tpu.memref_slice %arg7[%mul3A_85] : memref<10000xi32, #tpu.memory_space<vmem>> -> memref<64xi32, #tpu.memory_space<vmem>>
      %dma_start3A_87 = arith.constant 0 : i32
      %dma_start3A_88 = arith.constant 0 : i32
      %dma_start3A_89 = tpu.memref_slice %arg2[%dma_start3A_87, %dma_start3A_88] : memref<10000x128xf32, #tpu.memory_space<hbm>> -> memref<10000x128xf32, #tpu.memory_space<hbm>>
      tpu.enqueue_indirect_dma source(%dma_start3A_89 : memref<10000x128xf32, #tpu.memory_space<hbm>>) target(%arg9 : memref<64x128xf32, #tpu.memory_space<vmem>>) offsets(%dma_start3A_86 : memref<64xi32, #tpu.memory_space<vmem>>) semaphore(%arg15 : memref<!tpu.dma_semaphore, #tpu.memory_space<semaphore_mem>>)
      %add3A_90 = arith.constant 1 : i32
      %add3A_91 = arith.addi %add3A_67, %add3A_90 : i32
      %mul3A_92 = arith.constant 64 : i32
      %mul3A_93 = arith.muli %add3A_91, %mul3A_92 : i32
      %dma_wait3A_94 = tpu.memref_slice %arg7[%mul3A_93] : memref<10000xi32, #tpu.memory_space<vmem>> -> memref<64xi32, #tpu.memory_space<vmem>>
      %dma_wait3A_95 = arith.constant 0 : i32
      %dma_wait3A_96 = arith.constant 0 : i32
      %dma_wait3A_97 = tpu.memref_slice %arg2[%dma_wait3A_95, %dma_wait3A_96] : memref<10000x128xf32, #tpu.memory_space<hbm>> -> memref<10000x128xf32, #tpu.memory_space<hbm>>
      tpu.wait_indirect_dma semaphore(%arg16 : memref<!tpu.dma_semaphore, #tpu.memory_space<semaphore_mem>>) src(%dma_wait3A_97 : memref<10000x128xf32, #tpu.memory_space<hbm>>) dst(%arg10 : memref<64x128xf32, #tpu.memory_space<vmem>>)
      %add3A_98 = arith.constant 1 : i32
      %add3A_99 = arith.addi %add3A_67, %add3A_98 : i32
      %mul3A_100 = arith.constant 64 : i32
      %mul3A_101 = arith.muli %add3A_99, %mul3A_100 : i32
      "tpu.region"() ({
        %run_scoped3A = tpu.sem_alloc : memref<!tpu.dma_semaphore, #tpu.memory_space<semaphore_mem>>
        %dma_start3A_134 = tpu.memref_slice %arg8[%mul3A_101] : memref<10000xi32, #tpu.memory_space<vmem>> -> memref<64xi32, #tpu.memory_space<vmem>>
        %dma_start3A_135 = arith.constant 0 : i32
        %dma_start3A_136 = arith.constant 0 : i32
        %dma_start3A_137 = tpu.memref_slice %arg13[%dma_start3A_135, %dma_start3A_136] : memref<10240x128xf32, #tpu.memory_space<vmem_shared>> -> memref<10240x128xf32, #tpu.memory_space<vmem_shared>>
        tpu.enqueue_indirect_dma source(%arg10 : memref<64x128xf32, #tpu.memory_space<vmem>>) target(%dma_start3A_137 : memref<10240x128xf32, #tpu.memory_space<vmem_shared>>) offsets(%dma_start3A_134 : memref<64xi32, #tpu.memory_space<vmem>>) semaphore(%run_scoped3A : memref<!tpu.dma_semaphore, #tpu.memory_space<semaphore_mem>>) {add = true}
        %dma_wait3A_138 = tpu.memref_slice %arg8[%mul3A_101] : memref<10000xi32, #tpu.memory_space<vmem>> -> memref<64xi32, #tpu.memory_space<vmem>>
        %dma_wait3A_139 = arith.constant 0 : i32
        %dma_wait3A_140 = arith.constant 0 : i32
        %dma_wait3A_141 = tpu.memref_slice %arg13[%dma_wait3A_139, %dma_wait3A_140] : memref<10240x128xf32, #tpu.memory_space<vmem_shared>> -> memref<10240x128xf32, #tpu.memory_space<vmem_shared>>
        tpu.wait_indirect_dma semaphore(%run_scoped3A : memref<!tpu.dma_semaphore, #tpu.memory_space<semaphore_mem>>) src(%arg10 : memref<64x128xf32, #tpu.memory_space<vmem>>) dst(%dma_wait3A_141 : memref<10240x128xf32, #tpu.memory_space<vmem_shared>>)
        tpu.yield
      }) : () -> ()
      %add3A_102 = arith.constant 1 : i32
      %add3A_103 = arith.addi %add3A_67, %add3A_102 : i32
      %add3A_104 = arith.constant 3 : i32
      %add3A_105 = arith.addi %add3A_103, %add3A_104 : i32
      %mul3A_106 = arith.constant 64 : i32
      %mul3A_107 = arith.muli %add3A_105, %mul3A_106 : i32
      %dma_start3A_108 = tpu.memref_slice %arg7[%mul3A_107] : memref<10000xi32, #tpu.memory_space<vmem>> -> memref<64xi32, #tpu.memory_space<vmem>>
      %dma_start3A_109 = arith.constant 0 : i32
      %dma_start3A_110 = arith.constant 0 : i32
      %dma_start3A_111 = tpu.memref_slice %arg2[%dma_start3A_109, %dma_start3A_110] : memref<10000x128xf32, #tpu.memory_space<hbm>> -> memref<10000x128xf32, #tpu.memory_space<hbm>>
      tpu.enqueue_indirect_dma source(%dma_start3A_111 : memref<10000x128xf32, #tpu.memory_space<hbm>>) target(%arg10 : memref<64x128xf32, #tpu.memory_space<vmem>>) offsets(%dma_start3A_108 : memref<64xi32, #tpu.memory_space<vmem>>) semaphore(%arg16 : memref<!tpu.dma_semaphore, #tpu.memory_space<semaphore_mem>>)
      %add3A_112 = arith.constant 2 : i32
      %add3A_113 = arith.addi %add3A_67, %add3A_112 : i32
      %mul3A_114 = arith.constant 64 : i32
      %mul3A_115 = arith.muli %add3A_113, %mul3A_114 : i32
      %dma_wait3A_116 = tpu.memref_slice %arg7[%mul3A_115] : memref<10000xi32, #tpu.memory_space<vmem>> -> memref<64xi32, #tpu.memory_space<vmem>>
      %dma_wait3A_117 = arith.constant 0 : i32
      %dma_wait3A_118 = arith.constant 0 : i32
      %dma_wait3A_119 = tpu.memref_slice %arg2[%dma_wait3A_117, %dma_wait3A_118] : memref<10000x128xf32, #tpu.memory_space<hbm>> -> memref<10000x128xf32, #tpu.memory_space<hbm>>
      tpu.wait_indirect_dma semaphore(%arg17 : memref<!tpu.dma_semaphore, #tpu.memory_space<semaphore_mem>>) src(%dma_wait3A_119 : memref<10000x128xf32, #tpu.memory_space<hbm>>) dst(%arg11 : memref<64x128xf32, #tpu.memory_space<vmem>>)
      %add3A_120 = arith.constant 2 : i32
      %add3A_121 = arith.addi %add3A_67, %add3A_120 : i32
      %mul3A_122 = arith.constant 64 : i32
      %mul3A_123 = arith.muli %add3A_121, %mul3A_122 : i32
      "tpu.region"() ({
        %run_scoped3A = tpu.sem_alloc : memref<!tpu.dma_semaphore, #tpu.memory_space<semaphore_mem>>
        %dma_start3A_134 = tpu.memref_slice %arg8[%mul3A_123] : memref<10000xi32, #tpu.memory_space<vmem>> -> memref<64xi32, #tpu.memory_space<vmem>>
        %dma_start3A_135 = arith.constant 0 : i32
        %dma_start3A_136 = arith.constant 0 : i32
        %dma_start3A_137 = tpu.memref_slice %arg13[%dma_start3A_135, %dma_start3A_136] : memref<10240x128xf32, #tpu.memory_space<vmem_shared>> -> memref<10240x128xf32, #tpu.memory_space<vmem_shared>>
        tpu.enqueue_indirect_dma source(%arg11 : memref<64x128xf32, #tpu.memory_space<vmem>>) target(%dma_start3A_137 : memref<10240x128xf32, #tpu.memory_space<vmem_shared>>) offsets(%dma_start3A_134 : memref<64xi32, #tpu.memory_space<vmem>>) semaphore(%run_scoped3A : memref<!tpu.dma_semaphore, #tpu.memory_space<semaphore_mem>>) {add = true}
        %dma_wait3A_138 = tpu.memref_slice %arg8[%mul3A_123] : memref<10000xi32, #tpu.memory_space<vmem>> -> memref<64xi32, #tpu.memory_space<vmem>>
        %dma_wait3A_139 = arith.constant 0 : i32
        %dma_wait3A_140 = arith.constant 0 : i32
        %dma_wait3A_141 = tpu.memref_slice %arg13[%dma_wait3A_139, %dma_wait3A_140] : memref<10240x128xf32, #tpu.memory_space<vmem_shared>> -> memref<10240x128xf32, #tpu.memory_space<vmem_shared>>
        tpu.wait_indirect_dma semaphore(%run_scoped3A : memref<!tpu.dma_semaphore, #tpu.memory_space<semaphore_mem>>) src(%arg11 : memref<64x128xf32, #tpu.memory_space<vmem>>) dst(%dma_wait3A_141 : memref<10240x128xf32, #tpu.memory_space<vmem_shared>>)
        tpu.yield
      }) : () -> ()
      %add3A_124 = arith.constant 2 : i32
      %add3A_125 = arith.addi %add3A_67, %add3A_124 : i32
      %add3A_126 = arith.constant 3 : i32
      %add3A_127 = arith.addi %add3A_125, %add3A_126 : i32
      %mul3A_128 = arith.constant 64 : i32
      %mul3A_129 = arith.muli %add3A_127, %mul3A_128 : i32
      %dma_start3A_130 = tpu.memref_slice %arg7[%mul3A_129] : memref<10000xi32, #tpu.memory_space<vmem>> -> memref<64xi32, #tpu.memory_space<vmem>>
      %dma_start3A_131 = arith.constant 0 : i32
      %dma_start3A_132 = arith.constant 0 : i32
      %dma_start3A_133 = tpu.memref_slice %arg2[%dma_start3A_131, %dma_start3A_132] : memref<10000x128xf32, #tpu.memory_space<hbm>> -> memref<10000x128xf32, #tpu.memory_space<hbm>>
      tpu.enqueue_indirect_dma source(%dma_start3A_133 : memref<10000x128xf32, #tpu.memory_space<hbm>>) target(%arg11 : memref<64x128xf32, #tpu.memory_space<vmem>>) offsets(%dma_start3A_130 : memref<64xi32, #tpu.memory_space<vmem>>) semaphore(%arg17 : memref<!tpu.dma_semaphore, #tpu.memory_space<semaphore_mem>>)
    }
    %scan3A_29 = arith.constant 51 : i32
    %dma_wait3A_30 = arith.constant 9792 : i32
    %dma_wait3A_31 = tpu.memref_slice %arg7[%dma_wait3A_30] : memref<10000xi32, #tpu.memory_space<vmem>> -> memref<64xi32, #tpu.memory_space<vmem>>
    %dma_wait3A_32 = arith.constant 0 : i32
    %dma_wait3A_33 = arith.constant 0 : i32
    %dma_wait3A_34 = tpu.memref_slice %arg2[%dma_wait3A_32, %dma_wait3A_33] : memref<10000x128xf32, #tpu.memory_space<hbm>> -> memref<10000x128xf32, #tpu.memory_space<hbm>>
    tpu.wait_indirect_dma semaphore(%arg15 : memref<!tpu.dma_semaphore, #tpu.memory_space<semaphore_mem>>) src(%dma_wait3A_34 : memref<10000x128xf32, #tpu.memory_space<hbm>>) dst(%arg9 : memref<64x128xf32, #tpu.memory_space<vmem>>)
    "tpu.region"() ({
      %run_scoped3A = tpu.sem_alloc : memref<!tpu.dma_semaphore, #tpu.memory_space<semaphore_mem>>
      %dma_start3A_63 = arith.constant 9792 : i32
      %dma_start3A_64 = tpu.memref_slice %arg8[%dma_start3A_63] : memref<10000xi32, #tpu.memory_space<vmem>> -> memref<64xi32, #tpu.memory_space<vmem>>
      %dma_start3A_65 = arith.constant 0 : i32
      %dma_start3A_66 = arith.constant 0 : i32
      %dma_start3A_67 = tpu.memref_slice %arg13[%dma_start3A_65, %dma_start3A_66] : memref<10240x128xf32, #tpu.memory_space<vmem_shared>> -> memref<10240x128xf32, #tpu.memory_space<vmem_shared>>
      tpu.enqueue_indirect_dma source(%arg9 : memref<64x128xf32, #tpu.memory_space<vmem>>) target(%dma_start3A_67 : memref<10240x128xf32, #tpu.memory_space<vmem_shared>>) offsets(%dma_start3A_64 : memref<64xi32, #tpu.memory_space<vmem>>) semaphore(%run_scoped3A : memref<!tpu.dma_semaphore, #tpu.memory_space<semaphore_mem>>) {add = true}
      %dma_wait3A_68 = arith.constant 9792 : i32
      %dma_wait3A_69 = tpu.memref_slice %arg8[%dma_wait3A_68] : memref<10000xi32, #tpu.memory_space<vmem>> -> memref<64xi32, #tpu.memory_space<vmem>>
      %dma_wait3A_70 = arith.constant 0 : i32
      %dma_wait3A_71 = arith.constant 0 : i32
      %dma_wait3A_72 = tpu.memref_slice %arg13[%dma_wait3A_70, %dma_wait3A_71] : memref<10240x128xf32, #tpu.memory_space<vmem_shared>> -> memref<10240x128xf32, #tpu.memory_space<vmem_shared>>
      tpu.wait_indirect_dma semaphore(%run_scoped3A : memref<!tpu.dma_semaphore, #tpu.memory_space<semaphore_mem>>) src(%arg9 : memref<64x128xf32, #tpu.memory_space<vmem>>) dst(%dma_wait3A_72 : memref<10240x128xf32, #tpu.memory_space<vmem_shared>>)
      tpu.yield
    }) : () -> ()
    %dma_wait3A_35 = arith.constant 9856 : i32
    %dma_wait3A_36 = tpu.memref_slice %arg7[%dma_wait3A_35] : memref<10000xi32, #tpu.memory_space<vmem>> -> memref<64xi32, #tpu.memory_space<vmem>>
    %dma_wait3A_37 = arith.constant 0 : i32
    %dma_wait3A_38 = arith.constant 0 : i32
    %dma_wait3A_39 = tpu.memref_slice %arg2[%dma_wait3A_37, %dma_wait3A_38] : memref<10000x128xf32, #tpu.memory_space<hbm>> -> memref<10000x128xf32, #tpu.memory_space<hbm>>
    tpu.wait_indirect_dma semaphore(%arg16 : memref<!tpu.dma_semaphore, #tpu.memory_space<semaphore_mem>>) src(%dma_wait3A_39 : memref<10000x128xf32, #tpu.memory_space<hbm>>) dst(%arg10 : memref<64x128xf32, #tpu.memory_space<vmem>>)
    "tpu.region"() ({
      %run_scoped3A = tpu.sem_alloc : memref<!tpu.dma_semaphore, #tpu.memory_space<semaphore_mem>>
      %dma_start3A_63 = arith.constant 9856 : i32
      %dma_start3A_64 = tpu.memref_slice %arg8[%dma_start3A_63] : memref<10000xi32, #tpu.memory_space<vmem>> -> memref<64xi32, #tpu.memory_space<vmem>>
      %dma_start3A_65 = arith.constant 0 : i32
      %dma_start3A_66 = arith.constant 0 : i32
      %dma_start3A_67 = tpu.memref_slice %arg13[%dma_start3A_65, %dma_start3A_66] : memref<10240x128xf32, #tpu.memory_space<vmem_shared>> -> memref<10240x128xf32, #tpu.memory_space<vmem_shared>>
      tpu.enqueue_indirect_dma source(%arg10 : memref<64x128xf32, #tpu.memory_space<vmem>>) target(%dma_start3A_67 : memref<10240x128xf32, #tpu.memory_space<vmem_shared>>) offsets(%dma_start3A_64 : memref<64xi32, #tpu.memory_space<vmem>>) semaphore(%run_scoped3A : memref<!tpu.dma_semaphore, #tpu.memory_space<semaphore_mem>>) {add = true}
      %dma_wait3A_68 = arith.constant 9856 : i32
      %dma_wait3A_69 = tpu.memref_slice %arg8[%dma_wait3A_68] : memref<10000xi32, #tpu.memory_space<vmem>> -> memref<64xi32, #tpu.memory_space<vmem>>
      %dma_wait3A_70 = arith.constant 0 : i32
      %dma_wait3A_71 = arith.constant 0 : i32
      %dma_wait3A_72 = tpu.memref_slice %arg13[%dma_wait3A_70, %dma_wait3A_71] : memref<10240x128xf32, #tpu.memory_space<vmem_shared>> -> memref<10240x128xf32, #tpu.memory_space<vmem_shared>>
      tpu.wait_indirect_dma semaphore(%run_scoped3A : memref<!tpu.dma_semaphore, #tpu.memory_space<semaphore_mem>>) src(%arg10 : memref<64x128xf32, #tpu.memory_space<vmem>>) dst(%dma_wait3A_72 : memref<10240x128xf32, #tpu.memory_space<vmem_shared>>)
      tpu.yield
    }) : () -> ()
    %dma_wait3A_40 = arith.constant 9920 : i32
    %dma_wait3A_41 = tpu.memref_slice %arg7[%dma_wait3A_40] : memref<10000xi32, #tpu.memory_space<vmem>> -> memref<64xi32, #tpu.memory_space<vmem>>
    %dma_wait3A_42 = arith.constant 0 : i32
    %dma_wait3A_43 = arith.constant 0 : i32
    %dma_wait3A_44 = tpu.memref_slice %arg2[%dma_wait3A_42, %dma_wait3A_43] : memref<10000x128xf32, #tpu.memory_space<hbm>> -> memref<10000x128xf32, #tpu.memory_space<hbm>>
    tpu.wait_indirect_dma semaphore(%arg17 : memref<!tpu.dma_semaphore, #tpu.memory_space<semaphore_mem>>) src(%dma_wait3A_44 : memref<10000x128xf32, #tpu.memory_space<hbm>>) dst(%arg11 : memref<64x128xf32, #tpu.memory_space<vmem>>)
    "tpu.region"() ({
      %run_scoped3A = tpu.sem_alloc : memref<!tpu.dma_semaphore, #tpu.memory_space<semaphore_mem>>
      %dma_start3A_63 = arith.constant 9920 : i32
      %dma_start3A_64 = tpu.memref_slice %arg8[%dma_start3A_63] : memref<10000xi32, #tpu.memory_space<vmem>> -> memref<64xi32, #tpu.memory_space<vmem>>
      %dma_start3A_65 = arith.constant 0 : i32
      %dma_start3A_66 = arith.constant 0 : i32
      %dma_start3A_67 = tpu.memref_slice %arg13[%dma_start3A_65, %dma_start3A_66] : memref<10240x128xf32, #tpu.memory_space<vmem_shared>> -> memref<10240x128xf32, #tpu.memory_space<vmem_shared>>
      tpu.enqueue_indirect_dma source(%arg11 : memref<64x128xf32, #tpu.memory_space<vmem>>) target(%dma_start3A_67 : memref<10240x128xf32, #tpu.memory_space<vmem_shared>>) offsets(%dma_start3A_64 : memref<64xi32, #tpu.memory_space<vmem>>) semaphore(%run_scoped3A : memref<!tpu.dma_semaphore, #tpu.memory_space<semaphore_mem>>) {add = true}
      %dma_wait3A_68 = arith.constant 9920 : i32
      %dma_wait3A_69 = tpu.memref_slice %arg8[%dma_wait3A_68] : memref<10000xi32, #tpu.memory_space<vmem>> -> memref<64xi32, #tpu.memory_space<vmem>>
      %dma_wait3A_70 = arith.constant 0 : i32
      %dma_wait3A_71 = arith.constant 0 : i32
      %dma_wait3A_72 = tpu.memref_slice %arg13[%dma_wait3A_70, %dma_wait3A_71] : memref<10240x128xf32, #tpu.memory_space<vmem_shared>> -> memref<10240x128xf32, #tpu.memory_space<vmem_shared>>
      tpu.wait_indirect_dma semaphore(%run_scoped3A : memref<!tpu.dma_semaphore, #tpu.memory_space<semaphore_mem>>) src(%arg11 : memref<64x128xf32, #tpu.memory_space<vmem>>) dst(%dma_wait3A_72 : memref<10240x128xf32, #tpu.memory_space<vmem_shared>>)
      tpu.yield
    }) : () -> ()
    %dma_start3A_45 = arith.constant 9984 : i32
    %dma_start3A_46 = tpu.memref_slice %arg7[%dma_start3A_45] : memref<10000xi32, #tpu.memory_space<vmem>> -> memref<16xi32, #tpu.memory_space<vmem>>
    %dma_start3A_47 = arith.constant 0 : i32
    %dma_start3A_48 = arith.constant 0 : i32
    %dma_start3A_49 = tpu.memref_slice %arg2[%dma_start3A_47, %dma_start3A_48] : memref<10000x128xf32, #tpu.memory_space<hbm>> -> memref<10000x128xf32, #tpu.memory_space<hbm>>
    tpu.enqueue_indirect_dma source(%dma_start3A_49 : memref<10000x128xf32, #tpu.memory_space<hbm>>) target(%arg12 : memref<16x128xf32, #tpu.memory_space<vmem>>) offsets(%dma_start3A_46 : memref<16xi32, #tpu.memory_space<vmem>>) semaphore(%arg14 : memref<!tpu.dma_semaphore, #tpu.memory_space<semaphore_mem>>)
    %dma_wait3A_50 = arith.constant 9984 : i32
    %dma_wait3A_51 = tpu.memref_slice %arg7[%dma_wait3A_50] : memref<10000xi32, #tpu.memory_space<vmem>> -> memref<16xi32, #tpu.memory_space<vmem>>
    %dma_wait3A_52 = arith.constant 0 : i32
    %dma_wait3A_53 = arith.constant 0 : i32
    %dma_wait3A_54 = tpu.memref_slice %arg2[%dma_wait3A_52, %dma_wait3A_53] : memref<10000x128xf32, #tpu.memory_space<hbm>> -> memref<10000x128xf32, #tpu.memory_space<hbm>>
    tpu.wait_indirect_dma semaphore(%arg14 : memref<!tpu.dma_semaphore, #tpu.memory_space<semaphore_mem>>) src(%dma_wait3A_54 : memref<10000x128xf32, #tpu.memory_space<hbm>>) dst(%arg12 : memref<16x128xf32, #tpu.memory_space<vmem>>)
    "tpu.region"() ({
      %run_scoped3A = tpu.sem_alloc : memref<!tpu.dma_semaphore, #tpu.memory_space<semaphore_mem>>
      %dma_start3A_63 = arith.constant 9984 : i32
      %dma_start3A_64 = tpu.memref_slice %arg8[%dma_start3A_63] : memref<10000xi32, #tpu.memory_space<vmem>> -> memref<16xi32, #tpu.memory_space<vmem>>
      %dma_start3A_65 = arith.constant 0 : i32
      %dma_start3A_66 = arith.constant 0 : i32
      %dma_start3A_67 = tpu.memref_slice %arg13[%dma_start3A_65, %dma_start3A_66] : memref<10240x128xf32, #tpu.memory_space<vmem_shared>> -> memref<10240x128xf32, #tpu.memory_space<vmem_shared>>
      tpu.enqueue_indirect_dma source(%arg12 : memref<16x128xf32, #tpu.memory_space<vmem>>) target(%dma_start3A_67 : memref<10240x128xf32, #tpu.memory_space<vmem_shared>>) offsets(%dma_start3A_64 : memref<16xi32, #tpu.memory_space<vmem>>) semaphore(%run_scoped3A : memref<!tpu.dma_semaphore, #tpu.memory_space<semaphore_mem>>) {add = true}
      %dma_wait3A_68 = arith.constant 9984 : i32
      %dma_wait3A_69 = tpu.memref_slice %arg8[%dma_wait3A_68] : memref<10000xi32, #tpu.memory_space<vmem>> -> memref<16xi32, #tpu.memory_space<vmem>>
      %dma_wait3A_70 = arith.constant 0 : i32
      %dma_wait3A_71 = arith.constant 0 : i32
      %dma_wait3A_72 = tpu.memref_slice %arg13[%dma_wait3A_70, %dma_wait3A_71] : memref<10240x128xf32, #tpu.memory_space<vmem_shared>> -> memref<10240x128xf32, #tpu.memory_space<vmem_shared>>
      tpu.wait_indirect_dma semaphore(%run_scoped3A : memref<!tpu.dma_semaphore, #tpu.memory_space<semaphore_mem>>) src(%arg12 : memref<16x128xf32, #tpu.memory_space<vmem>>) dst(%dma_wait3A_72 : memref<10240x128xf32, #tpu.memory_space<vmem_shared>>)
      tpu.yield
    }) : () -> ()
    %barrier3A_55 = arith.constant 0 : index
    tpu.barrier barrier_id(%barrier3A_55)
    %mul3A_56 = arith.constant 640 : i32
    %mul3A_57 = arith.muli %arg1, %mul3A_56 : i32
    %mul3A_58 = arith.constant 10240 : i32
    %mul3A_59 = arith.muli %arg0, %mul3A_58 : i32
    %mul3A_60 = arith.constant 640 : i32
    %mul3A_61 = arith.muli %arg1, %mul3A_60 : i32
    %add3A_62 = arith.addi %mul3A_59, %mul3A_61 : i32
    "tpu.region"() ({
      %run_scoped3A = tpu.sem_alloc : memref<!tpu.dma_semaphore, #tpu.memory_space<semaphore_mem>>
      %dma_start3A_63 = arith.constant 0 : i32
      %dma_start3A_64 = tpu.memref_slice %arg6[%add3A_62, %dma_start3A_63] : memref<20480x128xf32, #tpu.memory_space<hbm>> -> memref<640x128xf32, #tpu.memory_space<hbm>>
      %dma_start3A_65 = arith.constant 0 : i32
      %dma_start3A_66 = tpu.memref_slice %arg13[%mul3A_57, %dma_start3A_65] : memref<10240x128xf32, #tpu.memory_space<vmem_shared>> -> memref<640x128xf32, #tpu.memory_space<vmem_shared>>
      tpu.enqueue_dma source(%dma_start3A_66 : memref<640x128xf32, #tpu.memory_space<vmem_shared>>) target(%dma_start3A_64 : memref<640x128xf32, #tpu.memory_space<hbm>>) target_semaphore(%run_scoped3A : memref<!tpu.dma_semaphore, #tpu.memory_space<semaphore_mem>>)
      %dma_wait3A_67 = arith.constant 0 : i32
      %dma_wait3A_68 = tpu.memref_slice %arg6[%add3A_62, %dma_wait3A_67] : memref<20480x128xf32, #tpu.memory_space<hbm>> -> memref<640x128xf32, #tpu.memory_space<hbm>>
      %dma_wait3A_69 = arith.constant 0 : i32
      %dma_wait3A_70 = tpu.memref_slice %arg13[%mul3A_57, %dma_wait3A_69] : memref<10240x128xf32, #tpu.memory_space<vmem_shared>> -> memref<640x128xf32, #tpu.memory_space<vmem_shared>>
      tpu.wait_dma2 semaphore(%run_scoped3A : memref<!tpu.dma_semaphore, #tpu.memory_space<semaphore_mem>>) src(%dma_wait3A_70 : memref<640x128xf32, #tpu.memory_space<vmem_shared>>) dst(%dma_wait3A_68 : memref<640x128xf32, #tpu.memory_space<hbm>>)
      tpu.yield
    }) : () -> ()
    return
  }
}

#map = affine_map<(d0, d1) -> (0, 0)>
#map1 = affine_map<(d0, d1) -> (0)>
module attributes {stable_mosaic.version = 14 : i64} {
  func.func @k(%arg0: i32, %arg1: i32, %arg2: memref<10000x64xf32, #tpu.memory_space<hbm>>, %arg3: memref<320000xi32, #tpu.memory_space<hbm>>, %arg4: memref<320000xi32, #tpu.memory_space<hbm>>, %arg5: memref<160000x128xf32, #tpu.memory_space<hbm>>, %arg6: memref<5000xi32, #tpu.memory_space<vmem>>, %arg7: memref<5000xi32, #tpu.memory_space<vmem>>, %arg8: memref<128x64xf32, #tpu.memory_space<vmem>>, %arg9: memref<128x64xf32, #tpu.memory_space<vmem>>, %arg10: memref<128x64xf32, #tpu.memory_space<vmem>>, %arg11: memref<128x64xf32, #tpu.memory_space<vmem>>, %arg12: memref<128x64xf32, #tpu.memory_space<vmem>>, %arg13: memref<128x64xf32, #tpu.memory_space<vmem>>, %arg14: memref<8x64xf32, #tpu.memory_space<vmem>>, %arg15: memref<8x64xf32, #tpu.memory_space<vmem>>, %arg16: memref<!tpu.dma_semaphore, #tpu.memory_space<semaphore_mem>>, %arg17: memref<!tpu.dma_semaphore, #tpu.memory_space<semaphore_mem>>, %arg18: memref<!tpu.dma_semaphore, #tpu.memory_space<semaphore_mem>>, %arg19: memref<!tpu.dma_semaphore, #tpu.memory_space<semaphore_mem>>) attributes {dimension_semantics = [#tpu.dimension_semantics<core_parallel>, #tpu.dimension_semantics<subcore_parallel>], iteration_bounds = array<i64: 2, 16>, scalar_prefetch = 0 : i64, scratch_operands = 14 : i64, tpu.core_type = #tpu.core_type<sc_vector_subcore>, window_params = [{transform_indices = #map}, {transform_indices = #map1}, {transform_indices = #map1}, {transform_indices = #map}]} {
    %mul3A = arith.constant 16 : i32
    %mul3A_0 = arith.muli %arg0, %mul3A : i32
    %add3A = arith.addi %mul3A_0, %arg1 : i32
    %mul3A_1 = arith.constant 5000 : i32
    %mul3A_2 = arith.muli %add3A, %mul3A_1 : i32
    %add3A_3 = arith.constant 160000 : i32
    %add3A_4 = arith.addi %add3A_3, %mul3A_2 : i32
    %dma_start3A = tpu.memref_slice %arg3[%add3A_4] : memref<320000xi32, #tpu.memory_space<hbm>> -> memref<5000xi32, #tpu.memory_space<hbm>>
    %dma_start3A_5 = tpu.memref_slice %arg3[%add3A_4] : memref<320000xi32, #tpu.memory_space<hbm>> -> memref<5000xi32, #tpu.memory_space<hbm>>
    tpu.enqueue_dma source(%dma_start3A_5 : memref<5000xi32, #tpu.memory_space<hbm>>) target(%arg6 : memref<5000xi32, #tpu.memory_space<vmem>>) target_semaphore(%arg16 : memref<!tpu.dma_semaphore, #tpu.memory_space<semaphore_mem>>)
    %add3A_6 = arith.constant 160000 : i32
    %add3A_7 = arith.addi %add3A_6, %mul3A_2 : i32
    %dma_start3A_8 = tpu.memref_slice %arg4[%add3A_7] : memref<320000xi32, #tpu.memory_space<hbm>> -> memref<5000xi32, #tpu.memory_space<hbm>>
    %dma_start3A_9 = tpu.memref_slice %arg4[%add3A_7] : memref<320000xi32, #tpu.memory_space<hbm>> -> memref<5000xi32, #tpu.memory_space<hbm>>
    tpu.enqueue_dma source(%dma_start3A_9 : memref<5000xi32, #tpu.memory_space<hbm>>) target(%arg7 : memref<5000xi32, #tpu.memory_space<vmem>>) target_semaphore(%arg16 : memref<!tpu.dma_semaphore, #tpu.memory_space<semaphore_mem>>)
    %dma_wait3A = tpu.memref_slice %arg3[%add3A_4] : memref<320000xi32, #tpu.memory_space<hbm>> -> memref<5000xi32, #tpu.memory_space<hbm>>
    %dma_wait3A_10 = tpu.memref_slice %arg3[%add3A_4] : memref<320000xi32, #tpu.memory_space<hbm>> -> memref<5000xi32, #tpu.memory_space<hbm>>
    tpu.wait_dma2 semaphore(%arg16 : memref<!tpu.dma_semaphore, #tpu.memory_space<semaphore_mem>>) src(%dma_wait3A_10 : memref<5000xi32, #tpu.memory_space<hbm>>) dst(%arg6 : memref<5000xi32, #tpu.memory_space<vmem>>)
    %dma_wait3A_11 = tpu.memref_slice %arg4[%add3A_7] : memref<320000xi32, #tpu.memory_space<hbm>> -> memref<5000xi32, #tpu.memory_space<hbm>>
    %dma_wait3A_12 = tpu.memref_slice %arg4[%add3A_7] : memref<320000xi32, #tpu.memory_space<hbm>> -> memref<5000xi32, #tpu.memory_space<hbm>>
    tpu.wait_dma2 semaphore(%arg16 : memref<!tpu.dma_semaphore, #tpu.memory_space<semaphore_mem>>) src(%dma_wait3A_12 : memref<5000xi32, #tpu.memory_space<hbm>>) dst(%arg7 : memref<5000xi32, #tpu.memory_space<vmem>>)
    %dma_start3A_13 = arith.constant 0 : i32
    %dma_start3A_14 = tpu.memref_slice %arg6[%dma_start3A_13] : memref<5000xi32, #tpu.memory_space<vmem>> -> memref<128xi32, #tpu.memory_space<vmem>>
    %dma_start3A_15 = arith.constant 0 : i32
    %dma_start3A_16 = arith.constant 0 : i32
    %dma_start3A_17 = tpu.memref_slice %arg2[%dma_start3A_15, %dma_start3A_16] : memref<10000x64xf32, #tpu.memory_space<hbm>> -> memref<10000x64xf32, #tpu.memory_space<hbm>>
    tpu.enqueue_indirect_dma source(%dma_start3A_17 : memref<10000x64xf32, #tpu.memory_space<hbm>>) target(%arg8 : memref<128x64xf32, #tpu.memory_space<vmem>>) offsets(%dma_start3A_14 : memref<128xi32, #tpu.memory_space<vmem>>) semaphore(%arg17 : memref<!tpu.dma_semaphore, #tpu.memory_space<semaphore_mem>>)
    %dma_start3A_18 = arith.constant 0 : i32
    %dma_start3A_19 = tpu.memref_slice %arg7[%dma_start3A_18] : memref<5000xi32, #tpu.memory_space<vmem>> -> memref<128xi32, #tpu.memory_space<vmem>>
    %dma_start3A_20 = arith.constant 0 : i32
    %dma_start3A_21 = arith.constant 0 : i32
    %dma_start3A_22 = tpu.memref_slice %arg2[%dma_start3A_20, %dma_start3A_21] : memref<10000x64xf32, #tpu.memory_space<hbm>> -> memref<10000x64xf32, #tpu.memory_space<hbm>>
    tpu.enqueue_indirect_dma source(%dma_start3A_22 : memref<10000x64xf32, #tpu.memory_space<hbm>>) target(%arg11 : memref<128x64xf32, #tpu.memory_space<vmem>>) offsets(%dma_start3A_19 : memref<128xi32, #tpu.memory_space<vmem>>) semaphore(%arg17 : memref<!tpu.dma_semaphore, #tpu.memory_space<semaphore_mem>>)
    %dma_start3A_23 = arith.constant 128 : i32
    %dma_start3A_24 = tpu.memref_slice %arg6[%dma_start3A_23] : memref<5000xi32, #tpu.memory_space<vmem>> -> memref<128xi32, #tpu.memory_space<vmem>>
    %dma_start3A_25 = arith.constant 0 : i32
    %dma_start3A_26 = arith.constant 0 : i32
    %dma_start3A_27 = tpu.memref_slice %arg2[%dma_start3A_25, %dma_start3A_26] : memref<10000x64xf32, #tpu.memory_space<hbm>> -> memref<10000x64xf32, #tpu.memory_space<hbm>>
    tpu.enqueue_indirect_dma source(%dma_start3A_27 : memref<10000x64xf32, #tpu.memory_space<hbm>>) target(%arg9 : memref<128x64xf32, #tpu.memory_space<vmem>>) offsets(%dma_start3A_24 : memref<128xi32, #tpu.memory_space<vmem>>) semaphore(%arg18 : memref<!tpu.dma_semaphore, #tpu.memory_space<semaphore_mem>>)
    %dma_start3A_28 = arith.constant 128 : i32
    %dma_start3A_29 = tpu.memref_slice %arg7[%dma_start3A_28] : memref<5000xi32, #tpu.memory_space<vmem>> -> memref<128xi32, #tpu.memory_space<vmem>>
    %dma_start3A_30 = arith.constant 0 : i32
    %dma_start3A_31 = arith.constant 0 : i32
    %dma_start3A_32 = tpu.memref_slice %arg2[%dma_start3A_30, %dma_start3A_31] : memref<10000x64xf32, #tpu.memory_space<hbm>> -> memref<10000x64xf32, #tpu.memory_space<hbm>>
    tpu.enqueue_indirect_dma source(%dma_start3A_32 : memref<10000x64xf32, #tpu.memory_space<hbm>>) target(%arg12 : memref<128x64xf32, #tpu.memory_space<vmem>>) offsets(%dma_start3A_29 : memref<128xi32, #tpu.memory_space<vmem>>) semaphore(%arg18 : memref<!tpu.dma_semaphore, #tpu.memory_space<semaphore_mem>>)
    %dma_start3A_33 = arith.constant 256 : i32
    %dma_start3A_34 = tpu.memref_slice %arg6[%dma_start3A_33] : memref<5000xi32, #tpu.memory_space<vmem>> -> memref<128xi32, #tpu.memory_space<vmem>>
    %dma_start3A_35 = arith.constant 0 : i32
    %dma_start3A_36 = arith.constant 0 : i32
    %dma_start3A_37 = tpu.memref_slice %arg2[%dma_start3A_35, %dma_start3A_36] : memref<10000x64xf32, #tpu.memory_space<hbm>> -> memref<10000x64xf32, #tpu.memory_space<hbm>>
    tpu.enqueue_indirect_dma source(%dma_start3A_37 : memref<10000x64xf32, #tpu.memory_space<hbm>>) target(%arg10 : memref<128x64xf32, #tpu.memory_space<vmem>>) offsets(%dma_start3A_34 : memref<128xi32, #tpu.memory_space<vmem>>) semaphore(%arg19 : memref<!tpu.dma_semaphore, #tpu.memory_space<semaphore_mem>>)
    %dma_start3A_38 = arith.constant 256 : i32
    %dma_start3A_39 = tpu.memref_slice %arg7[%dma_start3A_38] : memref<5000xi32, #tpu.memory_space<vmem>> -> memref<128xi32, #tpu.memory_space<vmem>>
    %dma_start3A_40 = arith.constant 0 : i32
    %dma_start3A_41 = arith.constant 0 : i32
    %dma_start3A_42 = tpu.memref_slice %arg2[%dma_start3A_40, %dma_start3A_41] : memref<10000x64xf32, #tpu.memory_space<hbm>> -> memref<10000x64xf32, #tpu.memory_space<hbm>>
    tpu.enqueue_indirect_dma source(%dma_start3A_42 : memref<10000x64xf32, #tpu.memory_space<hbm>>) target(%arg13 : memref<128x64xf32, #tpu.memory_space<vmem>>) offsets(%dma_start3A_39 : memref<128xi32, #tpu.memory_space<vmem>>) semaphore(%arg19 : memref<!tpu.dma_semaphore, #tpu.memory_space<semaphore_mem>>)
    %scan3A = arith.constant 0 : i32
    %scan3A_43 = arith.constant 12 : i32
    %scan3A_44 = arith.addi %scan3A, %scan3A_43 : i32
    %scan3A_45 = arith.constant 1 : i32
    scf.for %scan3A_105 = %scan3A to %scan3A_44 step %scan3A_45  : i32 {
      %mul3A_106 = arith.constant 3 : i32
      %mul3A_107 = arith.muli %scan3A_105, %mul3A_106 : i32
      %add3A_108 = arith.constant 0 : i32
      %add3A_109 = arith.addi %add3A_108, %mul3A_107 : i32
      %add3A_110 = arith.constant 0 : i32
      %add3A_111 = arith.addi %add3A_109, %add3A_110 : i32
      %mul3A_112 = arith.constant 128 : i32
      %mul3A_113 = arith.muli %add3A_111, %mul3A_112 : i32
      %dma_wait3A_114 = tpu.memref_slice %arg6[%mul3A_113] : memref<5000xi32, #tpu.memory_space<vmem>> -> memref<128xi32, #tpu.memory_space<vmem>>
      %dma_wait3A_115 = arith.constant 0 : i32
      %dma_wait3A_116 = arith.constant 0 : i32
      %dma_wait3A_117 = tpu.memref_slice %arg2[%dma_wait3A_115, %dma_wait3A_116] : memref<10000x64xf32, #tpu.memory_space<hbm>> -> memref<10000x64xf32, #tpu.memory_space<hbm>>
      tpu.wait_indirect_dma semaphore(%arg17 : memref<!tpu.dma_semaphore, #tpu.memory_space<semaphore_mem>>) src(%dma_wait3A_117 : memref<10000x64xf32, #tpu.memory_space<hbm>>) dst(%arg8 : memref<128x64xf32, #tpu.memory_space<vmem>>)
      %mul3A_118 = arith.constant 128 : i32
      %mul3A_119 = arith.muli %add3A_111, %mul3A_118 : i32
      %dma_wait3A_120 = tpu.memref_slice %arg7[%mul3A_119] : memref<5000xi32, #tpu.memory_space<vmem>> -> memref<128xi32, #tpu.memory_space<vmem>>
      %dma_wait3A_121 = arith.constant 0 : i32
      %dma_wait3A_122 = arith.constant 0 : i32
      %dma_wait3A_123 = tpu.memref_slice %arg2[%dma_wait3A_121, %dma_wait3A_122] : memref<10000x64xf32, #tpu.memory_space<hbm>> -> memref<10000x64xf32, #tpu.memory_space<hbm>>
      tpu.wait_indirect_dma semaphore(%arg17 : memref<!tpu.dma_semaphore, #tpu.memory_space<semaphore_mem>>) src(%dma_wait3A_123 : memref<10000x64xf32, #tpu.memory_space<hbm>>) dst(%arg11 : memref<128x64xf32, #tpu.memory_space<vmem>>)
      %add3A_124 = arith.constant 0 : i32
      %add3A_125 = arith.addi %add3A_109, %add3A_124 : i32
      %mul3A_126 = arith.constant 128 : i32
      %mul3A_127 = arith.muli %add3A_125, %mul3A_126 : i32
      %add3A_128 = arith.addi %mul3A_2, %mul3A_127 : i32
      "tpu.region"() ({
        %run_scoped3A = tpu.sem_alloc : memref<!tpu.dma_semaphore, #tpu.memory_space<semaphore_mem>>
        %dma_start3A_215 = arith.constant 0 : i32
        %dma_start3A_216 = tpu.memref_slice %arg5[%add3A_128, %dma_start3A_215] : memref<160000x128xf32, #tpu.memory_space<hbm>> -> memref<128x64xf32, #tpu.memory_space<hbm>>
        %dma_start3A_217 = arith.constant 0 : i32
        %dma_start3A_218 = tpu.memref_slice %arg5[%add3A_128, %dma_start3A_217] : memref<160000x128xf32, #tpu.memory_space<hbm>> -> memref<128x64xf32, #tpu.memory_space<hbm>>
        tpu.enqueue_dma source(%arg8 : memref<128x64xf32, #tpu.memory_space<vmem>>) target(%dma_start3A_218 : memref<128x64xf32, #tpu.memory_space<hbm>>) target_semaphore(%run_scoped3A : memref<!tpu.dma_semaphore, #tpu.memory_space<semaphore_mem>>)
        %dma_wait3A_219 = arith.constant 0 : i32
        %dma_wait3A_220 = tpu.memref_slice %arg5[%add3A_128, %dma_wait3A_219] : memref<160000x128xf32, #tpu.memory_space<hbm>> -> memref<128x64xf32, #tpu.memory_space<hbm>>
        %dma_wait3A_221 = arith.constant 0 : i32
        %dma_wait3A_222 = tpu.memref_slice %arg5[%add3A_128, %dma_wait3A_221] : memref<160000x128xf32, #tpu.memory_space<hbm>> -> memref<128x64xf32, #tpu.memory_space<hbm>>
        tpu.wait_dma2 semaphore(%run_scoped3A : memref<!tpu.dma_semaphore, #tpu.memory_space<semaphore_mem>>) src(%arg8 : memref<128x64xf32, #tpu.memory_space<vmem>>) dst(%dma_wait3A_222 : memref<128x64xf32, #tpu.memory_space<hbm>>)
        tpu.yield
      }) : () -> ()
      "tpu.region"() ({
        %run_scoped3A = tpu.sem_alloc : memref<!tpu.dma_semaphore, #tpu.memory_space<semaphore_mem>>
        %dma_start3A_215 = arith.constant 64 : i32
        %dma_start3A_216 = tpu.memref_slice %arg5[%add3A_128, %dma_start3A_215] : memref<160000x128xf32, #tpu.memory_space<hbm>> -> memref<128x64xf32, #tpu.memory_space<hbm>>
        %dma_start3A_217 = arith.constant 64 : i32
        %dma_start3A_218 = tpu.memref_slice %arg5[%add3A_128, %dma_start3A_217] : memref<160000x128xf32, #tpu.memory_space<hbm>> -> memref<128x64xf32, #tpu.memory_space<hbm>>
        tpu.enqueue_dma source(%arg11 : memref<128x64xf32, #tpu.memory_space<vmem>>) target(%dma_start3A_218 : memref<128x64xf32, #tpu.memory_space<hbm>>) target_semaphore(%run_scoped3A : memref<!tpu.dma_semaphore, #tpu.memory_space<semaphore_mem>>)
        %dma_wait3A_219 = arith.constant 64 : i32
        %dma_wait3A_220 = tpu.memref_slice %arg5[%add3A_128, %dma_wait3A_219] : memref<160000x128xf32, #tpu.memory_space<hbm>> -> memref<128x64xf32, #tpu.memory_space<hbm>>
        %dma_wait3A_221 = arith.constant 64 : i32
        %dma_wait3A_222 = tpu.memref_slice %arg5[%add3A_128, %dma_wait3A_221] : memref<160000x128xf32, #tpu.memory_space<hbm>> -> memref<128x64xf32, #tpu.memory_space<hbm>>
        tpu.wait_dma2 semaphore(%run_scoped3A : memref<!tpu.dma_semaphore, #tpu.memory_space<semaphore_mem>>) src(%arg11 : memref<128x64xf32, #tpu.memory_space<vmem>>) dst(%dma_wait3A_222 : memref<128x64xf32, #tpu.memory_space<hbm>>)
        tpu.yield
      }) : () -> ()
      %add3A_129 = arith.constant 0 : i32
      %add3A_130 = arith.addi %add3A_109, %add3A_129 : i32
      %add3A_131 = arith.constant 3 : i32
      %add3A_132 = arith.addi %add3A_130, %add3A_131 : i32
      %mul3A_133 = arith.constant 128 : i32
      %mul3A_134 = arith.muli %add3A_132, %mul3A_133 : i32
      %dma_start3A_135 = tpu.memref_slice %arg6[%mul3A_134] : memref<5000xi32, #tpu.memory_space<vmem>> -> memref<128xi32, #tpu.memory_space<vmem>>
      %dma_start3A_136 = arith.constant 0 : i32
      %dma_start3A_137 = arith.constant 0 : i32
      %dma_start3A_138 = tpu.memref_slice %arg2[%dma_start3A_136, %dma_start3A_137] : memref<10000x64xf32, #tpu.memory_space<hbm>> -> memref<10000x64xf32, #tpu.memory_space<hbm>>
      tpu.enqueue_indirect_dma source(%dma_start3A_138 : memref<10000x64xf32, #tpu.memory_space<hbm>>) target(%arg8 : memref<128x64xf32, #tpu.memory_space<vmem>>) offsets(%dma_start3A_135 : memref<128xi32, #tpu.memory_space<vmem>>) semaphore(%arg17 : memref<!tpu.dma_semaphore, #tpu.memory_space<semaphore_mem>>)
      %mul3A_139 = arith.constant 128 : i32
      %mul3A_140 = arith.muli %add3A_132, %mul3A_139 : i32
      %dma_start3A_141 = tpu.memref_slice %arg7[%mul3A_140] : memref<5000xi32, #tpu.memory_space<vmem>> -> memref<128xi32, #tpu.memory_space<vmem>>
      %dma_start3A_142 = arith.constant 0 : i32
      %dma_start3A_143 = arith.constant 0 : i32
      %dma_start3A_144 = tpu.memref_slice %arg2[%dma_start3A_142, %dma_start3A_143] : memref<10000x64xf32, #tpu.memory_space<hbm>> -> memref<10000x64xf32, #tpu.memory_space<hbm>>
      tpu.enqueue_indirect_dma source(%dma_start3A_144 : memref<10000x64xf32, #tpu.memory_space<hbm>>) target(%arg11 : memref<128x64xf32, #tpu.memory_space<vmem>>) offsets(%dma_start3A_141 : memref<128xi32, #tpu.memory_space<vmem>>) semaphore(%arg17 : memref<!tpu.dma_semaphore, #tpu.memory_space<semaphore_mem>>)
      %add3A_145 = arith.constant 1 : i32
      %add3A_146 = arith.addi %add3A_109, %add3A_145 : i32
      %mul3A_147 = arith.constant 128 : i32
      %mul3A_148 = arith.muli %add3A_146, %mul3A_147 : i32
      %dma_wait3A_149 = tpu.memref_slice %arg6[%mul3A_148] : memref<5000xi32, #tpu.memory_space<vmem>> -> memref<128xi32, #tpu.memory_space<vmem>>
      %dma_wait3A_150 = arith.constant 0 : i32
      %dma_wait3A_151 = arith.constant 0 : i32
      %dma_wait3A_152 = tpu.memref_slice %arg2[%dma_wait3A_150, %dma_wait3A_151] : memref<10000x64xf32, #tpu.memory_space<hbm>> -> memref<10000x64xf32, #tpu.memory_space<hbm>>
      tpu.wait_indirect_dma semaphore(%arg18 : memref<!tpu.dma_semaphore, #tpu.memory_space<semaphore_mem>>) src(%dma_wait3A_152 : memref<10000x64xf32, #tpu.memory_space<hbm>>) dst(%arg9 : memref<128x64xf32, #tpu.memory_space<vmem>>)
      %mul3A_153 = arith.constant 128 : i32
      %mul3A_154 = arith.muli %add3A_146, %mul3A_153 : i32
      %dma_wait3A_155 = tpu.memref_slice %arg7[%mul3A_154] : memref<5000xi32, #tpu.memory_space<vmem>> -> memref<128xi32, #tpu.memory_space<vmem>>
      %dma_wait3A_156 = arith.constant 0 : i32
      %dma_wait3A_157 = arith.constant 0 : i32
      %dma_wait3A_158 = tpu.memref_slice %arg2[%dma_wait3A_156, %dma_wait3A_157] : memref<10000x64xf32, #tpu.memory_space<hbm>> -> memref<10000x64xf32, #tpu.memory_space<hbm>>
      tpu.wait_indirect_dma semaphore(%arg18 : memref<!tpu.dma_semaphore, #tpu.memory_space<semaphore_mem>>) src(%dma_wait3A_158 : memref<10000x64xf32, #tpu.memory_space<hbm>>) dst(%arg12 : memref<128x64xf32, #tpu.memory_space<vmem>>)
      %add3A_159 = arith.constant 1 : i32
      %add3A_160 = arith.addi %add3A_109, %add3A_159 : i32
      %mul3A_161 = arith.constant 128 : i32
      %mul3A_162 = arith.muli %add3A_160, %mul3A_161 : i32
      %add3A_163 = arith.addi %mul3A_2, %mul3A_162 : i32
      "tpu.region"() ({
        %run_scoped3A = tpu.sem_alloc : memref<!tpu.dma_semaphore, #tpu.memory_space<semaphore_mem>>
        %dma_start3A_215 = arith.constant 0 : i32
        %dma_start3A_216 = tpu.memref_slice %arg5[%add3A_163, %dma_start3A_215] : memref<160000x128xf32, #tpu.memory_space<hbm>> -> memref<128x64xf32, #tpu.memory_space<hbm>>
        %dma_start3A_217 = arith.constant 0 : i32
        %dma_start3A_218 = tpu.memref_slice %arg5[%add3A_163, %dma_start3A_217] : memref<160000x128xf32, #tpu.memory_space<hbm>> -> memref<128x64xf32, #tpu.memory_space<hbm>>
        tpu.enqueue_dma source(%arg9 : memref<128x64xf32, #tpu.memory_space<vmem>>) target(%dma_start3A_218 : memref<128x64xf32, #tpu.memory_space<hbm>>) target_semaphore(%run_scoped3A : memref<!tpu.dma_semaphore, #tpu.memory_space<semaphore_mem>>)
        %dma_wait3A_219 = arith.constant 0 : i32
        %dma_wait3A_220 = tpu.memref_slice %arg5[%add3A_163, %dma_wait3A_219] : memref<160000x128xf32, #tpu.memory_space<hbm>> -> memref<128x64xf32, #tpu.memory_space<hbm>>
        %dma_wait3A_221 = arith.constant 0 : i32
        %dma_wait3A_222 = tpu.memref_slice %arg5[%add3A_163, %dma_wait3A_221] : memref<160000x128xf32, #tpu.memory_space<hbm>> -> memref<128x64xf32, #tpu.memory_space<hbm>>
        tpu.wait_dma2 semaphore(%run_scoped3A : memref<!tpu.dma_semaphore, #tpu.memory_space<semaphore_mem>>) src(%arg9 : memref<128x64xf32, #tpu.memory_space<vmem>>) dst(%dma_wait3A_222 : memref<128x64xf32, #tpu.memory_space<hbm>>)
        tpu.yield
      }) : () -> ()
      "tpu.region"() ({
        %run_scoped3A = tpu.sem_alloc : memref<!tpu.dma_semaphore, #tpu.memory_space<semaphore_mem>>
        %dma_start3A_215 = arith.constant 64 : i32
        %dma_start3A_216 = tpu.memref_slice %arg5[%add3A_163, %dma_start3A_215] : memref<160000x128xf32, #tpu.memory_space<hbm>> -> memref<128x64xf32, #tpu.memory_space<hbm>>
        %dma_start3A_217 = arith.constant 64 : i32
        %dma_start3A_218 = tpu.memref_slice %arg5[%add3A_163, %dma_start3A_217] : memref<160000x128xf32, #tpu.memory_space<hbm>> -> memref<128x64xf32, #tpu.memory_space<hbm>>
        tpu.enqueue_dma source(%arg12 : memref<128x64xf32, #tpu.memory_space<vmem>>) target(%dma_start3A_218 : memref<128x64xf32, #tpu.memory_space<hbm>>) target_semaphore(%run_scoped3A : memref<!tpu.dma_semaphore, #tpu.memory_space<semaphore_mem>>)
        %dma_wait3A_219 = arith.constant 64 : i32
        %dma_wait3A_220 = tpu.memref_slice %arg5[%add3A_163, %dma_wait3A_219] : memref<160000x128xf32, #tpu.memory_space<hbm>> -> memref<128x64xf32, #tpu.memory_space<hbm>>
        %dma_wait3A_221 = arith.constant 64 : i32
        %dma_wait3A_222 = tpu.memref_slice %arg5[%add3A_163, %dma_wait3A_221] : memref<160000x128xf32, #tpu.memory_space<hbm>> -> memref<128x64xf32, #tpu.memory_space<hbm>>
        tpu.wait_dma2 semaphore(%run_scoped3A : memref<!tpu.dma_semaphore, #tpu.memory_space<semaphore_mem>>) src(%arg12 : memref<128x64xf32, #tpu.memory_space<vmem>>) dst(%dma_wait3A_222 : memref<128x64xf32, #tpu.memory_space<hbm>>)
        tpu.yield
      }) : () -> ()
      %add3A_164 = arith.constant 1 : i32
      %add3A_165 = arith.addi %add3A_109, %add3A_164 : i32
      %add3A_166 = arith.constant 3 : i32
      %add3A_167 = arith.addi %add3A_165, %add3A_166 : i32
      %mul3A_168 = arith.constant 128 : i32
      %mul3A_169 = arith.muli %add3A_167, %mul3A_168 : i32
      %dma_start3A_170 = tpu.memref_slice %arg6[%mul3A_169] : memref<5000xi32, #tpu.memory_space<vmem>> -> memref<128xi32, #tpu.memory_space<vmem>>
      %dma_start3A_171 = arith.constant 0 : i32
      %dma_start3A_172 = arith.constant 0 : i32
      %dma_start3A_173 = tpu.memref_slice %arg2[%dma_start3A_171, %dma_start3A_172] : memref<10000x64xf32, #tpu.memory_space<hbm>> -> memref<10000x64xf32, #tpu.memory_space<hbm>>
      tpu.enqueue_indirect_dma source(%dma_start3A_173 : memref<10000x64xf32, #tpu.memory_space<hbm>>) target(%arg9 : memref<128x64xf32, #tpu.memory_space<vmem>>) offsets(%dma_start3A_170 : memref<128xi32, #tpu.memory_space<vmem>>) semaphore(%arg18 : memref<!tpu.dma_semaphore, #tpu.memory_space<semaphore_mem>>)
      %mul3A_174 = arith.constant 128 : i32
      %mul3A_175 = arith.muli %add3A_167, %mul3A_174 : i32
      %dma_start3A_176 = tpu.memref_slice %arg7[%mul3A_175] : memref<5000xi32, #tpu.memory_space<vmem>> -> memref<128xi32, #tpu.memory_space<vmem>>
      %dma_start3A_177 = arith.constant 0 : i32
      %dma_start3A_178 = arith.constant 0 : i32
      %dma_start3A_179 = tpu.memref_slice %arg2[%dma_start3A_177, %dma_start3A_178] : memref<10000x64xf32, #tpu.memory_space<hbm>> -> memref<10000x64xf32, #tpu.memory_space<hbm>>
      tpu.enqueue_indirect_dma source(%dma_start3A_179 : memref<10000x64xf32, #tpu.memory_space<hbm>>) target(%arg12 : memref<128x64xf32, #tpu.memory_space<vmem>>) offsets(%dma_start3A_176 : memref<128xi32, #tpu.memory_space<vmem>>) semaphore(%arg18 : memref<!tpu.dma_semaphore, #tpu.memory_space<semaphore_mem>>)
      %add3A_180 = arith.constant 2 : i32
      %add3A_181 = arith.addi %add3A_109, %add3A_180 : i32
      %mul3A_182 = arith.constant 128 : i32
      %mul3A_183 = arith.muli %add3A_181, %mul3A_182 : i32
      %dma_wait3A_184 = tpu.memref_slice %arg6[%mul3A_183] : memref<5000xi32, #tpu.memory_space<vmem>> -> memref<128xi32, #tpu.memory_space<vmem>>
      %dma_wait3A_185 = arith.constant 0 : i32
      %dma_wait3A_186 = arith.constant 0 : i32
      %dma_wait3A_187 = tpu.memref_slice %arg2[%dma_wait3A_185, %dma_wait3A_186] : memref<10000x64xf32, #tpu.memory_space<hbm>> -> memref<10000x64xf32, #tpu.memory_space<hbm>>
      tpu.wait_indirect_dma semaphore(%arg19 : memref<!tpu.dma_semaphore, #tpu.memory_space<semaphore_mem>>) src(%dma_wait3A_187 : memref<10000x64xf32, #tpu.memory_space<hbm>>) dst(%arg10 : memref<128x64xf32, #tpu.memory_space<vmem>>)
      %mul3A_188 = arith.constant 128 : i32
      %mul3A_189 = arith.muli %add3A_181, %mul3A_188 : i32
      %dma_wait3A_190 = tpu.memref_slice %arg7[%mul3A_189] : memref<5000xi32, #tpu.memory_space<vmem>> -> memref<128xi32, #tpu.memory_space<vmem>>
      %dma_wait3A_191 = arith.constant 0 : i32
      %dma_wait3A_192 = arith.constant 0 : i32
      %dma_wait3A_193 = tpu.memref_slice %arg2[%dma_wait3A_191, %dma_wait3A_192] : memref<10000x64xf32, #tpu.memory_space<hbm>> -> memref<10000x64xf32, #tpu.memory_space<hbm>>
      tpu.wait_indirect_dma semaphore(%arg19 : memref<!tpu.dma_semaphore, #tpu.memory_space<semaphore_mem>>) src(%dma_wait3A_193 : memref<10000x64xf32, #tpu.memory_space<hbm>>) dst(%arg13 : memref<128x64xf32, #tpu.memory_space<vmem>>)
      %add3A_194 = arith.constant 2 : i32
      %add3A_195 = arith.addi %add3A_109, %add3A_194 : i32
      %mul3A_196 = arith.constant 128 : i32
      %mul3A_197 = arith.muli %add3A_195, %mul3A_196 : i32
      %add3A_198 = arith.addi %mul3A_2, %mul3A_197 : i32
      "tpu.region"() ({
        %run_scoped3A = tpu.sem_alloc : memref<!tpu.dma_semaphore, #tpu.memory_space<semaphore_mem>>
        %dma_start3A_215 = arith.constant 0 : i32
        %dma_start3A_216 = tpu.memref_slice %arg5[%add3A_198, %dma_start3A_215] : memref<160000x128xf32, #tpu.memory_space<hbm>> -> memref<128x64xf32, #tpu.memory_space<hbm>>
        %dma_start3A_217 = arith.constant 0 : i32
        %dma_start3A_218 = tpu.memref_slice %arg5[%add3A_198, %dma_start3A_217] : memref<160000x128xf32, #tpu.memory_space<hbm>> -> memref<128x64xf32, #tpu.memory_space<hbm>>
        tpu.enqueue_dma source(%arg10 : memref<128x64xf32, #tpu.memory_space<vmem>>) target(%dma_start3A_218 : memref<128x64xf32, #tpu.memory_space<hbm>>) target_semaphore(%run_scoped3A : memref<!tpu.dma_semaphore, #tpu.memory_space<semaphore_mem>>)
        %dma_wait3A_219 = arith.constant 0 : i32
        %dma_wait3A_220 = tpu.memref_slice %arg5[%add3A_198, %dma_wait3A_219] : memref<160000x128xf32, #tpu.memory_space<hbm>> -> memref<128x64xf32, #tpu.memory_space<hbm>>
        %dma_wait3A_221 = arith.constant 0 : i32
        %dma_wait3A_222 = tpu.memref_slice %arg5[%add3A_198, %dma_wait3A_221] : memref<160000x128xf32, #tpu.memory_space<hbm>> -> memref<128x64xf32, #tpu.memory_space<hbm>>
        tpu.wait_dma2 semaphore(%run_scoped3A : memref<!tpu.dma_semaphore, #tpu.memory_space<semaphore_mem>>) src(%arg10 : memref<128x64xf32, #tpu.memory_space<vmem>>) dst(%dma_wait3A_222 : memref<128x64xf32, #tpu.memory_space<hbm>>)
        tpu.yield
      }) : () -> ()
      "tpu.region"() ({
        %run_scoped3A = tpu.sem_alloc : memref<!tpu.dma_semaphore, #tpu.memory_space<semaphore_mem>>
        %dma_start3A_215 = arith.constant 64 : i32
        %dma_start3A_216 = tpu.memref_slice %arg5[%add3A_198, %dma_start3A_215] : memref<160000x128xf32, #tpu.memory_space<hbm>> -> memref<128x64xf32, #tpu.memory_space<hbm>>
        %dma_start3A_217 = arith.constant 64 : i32
        %dma_start3A_218 = tpu.memref_slice %arg5[%add3A_198, %dma_start3A_217] : memref<160000x128xf32, #tpu.memory_space<hbm>> -> memref<128x64xf32, #tpu.memory_space<hbm>>
        tpu.enqueue_dma source(%arg13 : memref<128x64xf32, #tpu.memory_space<vmem>>) target(%dma_start3A_218 : memref<128x64xf32, #tpu.memory_space<hbm>>) target_semaphore(%run_scoped3A : memref<!tpu.dma_semaphore, #tpu.memory_space<semaphore_mem>>)
        %dma_wait3A_219 = arith.constant 64 : i32
        %dma_wait3A_220 = tpu.memref_slice %arg5[%add3A_198, %dma_wait3A_219] : memref<160000x128xf32, #tpu.memory_space<hbm>> -> memref<128x64xf32, #tpu.memory_space<hbm>>
        %dma_wait3A_221 = arith.constant 64 : i32
        %dma_wait3A_222 = tpu.memref_slice %arg5[%add3A_198, %dma_wait3A_221] : memref<160000x128xf32, #tpu.memory_space<hbm>> -> memref<128x64xf32, #tpu.memory_space<hbm>>
        tpu.wait_dma2 semaphore(%run_scoped3A : memref<!tpu.dma_semaphore, #tpu.memory_space<semaphore_mem>>) src(%arg13 : memref<128x64xf32, #tpu.memory_space<vmem>>) dst(%dma_wait3A_222 : memref<128x64xf32, #tpu.memory_space<hbm>>)
        tpu.yield
      }) : () -> ()
      %add3A_199 = arith.constant 2 : i32
      %add3A_200 = arith.addi %add3A_109, %add3A_199 : i32
      %add3A_201 = arith.constant 3 : i32
      %add3A_202 = arith.addi %add3A_200, %add3A_201 : i32
      %mul3A_203 = arith.constant 128 : i32
      %mul3A_204 = arith.muli %add3A_202, %mul3A_203 : i32
      %dma_start3A_205 = tpu.memref_slice %arg6[%mul3A_204] : memref<5000xi32, #tpu.memory_space<vmem>> -> memref<128xi32, #tpu.memory_space<vmem>>
      %dma_start3A_206 = arith.constant 0 : i32
      %dma_start3A_207 = arith.constant 0 : i32
      %dma_start3A_208 = tpu.memref_slice %arg2[%dma_start3A_206, %dma_start3A_207] : memref<10000x64xf32, #tpu.memory_space<hbm>> -> memref<10000x64xf32, #tpu.memory_space<hbm>>
      tpu.enqueue_indirect_dma source(%dma_start3A_208 : memref<10000x64xf32, #tpu.memory_space<hbm>>) target(%arg10 : memref<128x64xf32, #tpu.memory_space<vmem>>) offsets(%dma_start3A_205 : memref<128xi32, #tpu.memory_space<vmem>>) semaphore(%arg19 : memref<!tpu.dma_semaphore, #tpu.memory_space<semaphore_mem>>)
      %mul3A_209 = arith.constant 128 : i32
      %mul3A_210 = arith.muli %add3A_202, %mul3A_209 : i32
      %dma_start3A_211 = tpu.memref_slice %arg7[%mul3A_210] : memref<5000xi32, #tpu.memory_space<vmem>> -> memref<128xi32, #tpu.memory_space<vmem>>
      %dma_start3A_212 = arith.constant 0 : i32
      %dma_start3A_213 = arith.constant 0 : i32
      %dma_start3A_214 = tpu.memref_slice %arg2[%dma_start3A_212, %dma_start3A_213] : memref<10000x64xf32, #tpu.memory_space<hbm>> -> memref<10000x64xf32, #tpu.memory_space<hbm>>
      tpu.enqueue_indirect_dma source(%dma_start3A_214 : memref<10000x64xf32, #tpu.memory_space<hbm>>) target(%arg13 : memref<128x64xf32, #tpu.memory_space<vmem>>) offsets(%dma_start3A_211 : memref<128xi32, #tpu.memory_space<vmem>>) semaphore(%arg19 : memref<!tpu.dma_semaphore, #tpu.memory_space<semaphore_mem>>)
    }
    %scan3A_46 = arith.constant 12 : i32
    %dma_wait3A_47 = arith.constant 4608 : i32
    %dma_wait3A_48 = tpu.memref_slice %arg6[%dma_wait3A_47] : memref<5000xi32, #tpu.memory_space<vmem>> -> memref<128xi32, #tpu.memory_space<vmem>>
    %dma_wait3A_49 = arith.constant 0 : i32
    %dma_wait3A_50 = arith.constant 0 : i32
    %dma_wait3A_51 = tpu.memref_slice %arg2[%dma_wait3A_49, %dma_wait3A_50] : memref<10000x64xf32, #tpu.memory_space<hbm>> -> memref<10000x64xf32, #tpu.memory_space<hbm>>
    tpu.wait_indirect_dma semaphore(%arg17 : memref<!tpu.dma_semaphore, #tpu.memory_space<semaphore_mem>>) src(%dma_wait3A_51 : memref<10000x64xf32, #tpu.memory_space<hbm>>) dst(%arg8 : memref<128x64xf32, #tpu.memory_space<vmem>>)
    %dma_wait3A_52 = arith.constant 4608 : i32
    %dma_wait3A_53 = tpu.memref_slice %arg7[%dma_wait3A_52] : memref<5000xi32, #tpu.memory_space<vmem>> -> memref<128xi32, #tpu.memory_space<vmem>>
    %dma_wait3A_54 = arith.constant 0 : i32
    %dma_wait3A_55 = arith.constant 0 : i32
    %dma_wait3A_56 = tpu.memref_slice %arg2[%dma_wait3A_54, %dma_wait3A_55] : memref<10000x64xf32, #tpu.memory_space<hbm>> -> memref<10000x64xf32, #tpu.memory_space<hbm>>
    tpu.wait_indirect_dma semaphore(%arg17 : memref<!tpu.dma_semaphore, #tpu.memory_space<semaphore_mem>>) src(%dma_wait3A_56 : memref<10000x64xf32, #tpu.memory_space<hbm>>) dst(%arg11 : memref<128x64xf32, #tpu.memory_space<vmem>>)
    %add3A_57 = arith.constant 4608 : i32
    %add3A_58 = arith.addi %mul3A_2, %add3A_57 : i32
    "tpu.region"() ({
      %run_scoped3A = tpu.sem_alloc : memref<!tpu.dma_semaphore, #tpu.memory_space<semaphore_mem>>
      %dma_start3A_105 = arith.constant 0 : i32
      %dma_start3A_106 = tpu.memref_slice %arg5[%add3A_58, %dma_start3A_105] : memref<160000x128xf32, #tpu.memory_space<hbm>> -> memref<128x64xf32, #tpu.memory_space<hbm>>
      %dma_start3A_107 = arith.constant 0 : i32
      %dma_start3A_108 = tpu.memref_slice %arg5[%add3A_58, %dma_start3A_107] : memref<160000x128xf32, #tpu.memory_space<hbm>> -> memref<128x64xf32, #tpu.memory_space<hbm>>
      tpu.enqueue_dma source(%arg8 : memref<128x64xf32, #tpu.memory_space<vmem>>) target(%dma_start3A_108 : memref<128x64xf32, #tpu.memory_space<hbm>>) target_semaphore(%run_scoped3A : memref<!tpu.dma_semaphore, #tpu.memory_space<semaphore_mem>>)
      %dma_wait3A_109 = arith.constant 0 : i32
      %dma_wait3A_110 = tpu.memref_slice %arg5[%add3A_58, %dma_wait3A_109] : memref<160000x128xf32, #tpu.memory_space<hbm>> -> memref<128x64xf32, #tpu.memory_space<hbm>>
      %dma_wait3A_111 = arith.constant 0 : i32
      %dma_wait3A_112 = tpu.memref_slice %arg5[%add3A_58, %dma_wait3A_111] : memref<160000x128xf32, #tpu.memory_space<hbm>> -> memref<128x64xf32, #tpu.memory_space<hbm>>
      tpu.wait_dma2 semaphore(%run_scoped3A : memref<!tpu.dma_semaphore, #tpu.memory_space<semaphore_mem>>) src(%arg8 : memref<128x64xf32, #tpu.memory_space<vmem>>) dst(%dma_wait3A_112 : memref<128x64xf32, #tpu.memory_space<hbm>>)
      tpu.yield
    }) : () -> ()
    "tpu.region"() ({
      %run_scoped3A = tpu.sem_alloc : memref<!tpu.dma_semaphore, #tpu.memory_space<semaphore_mem>>
      %dma_start3A_105 = arith.constant 64 : i32
      %dma_start3A_106 = tpu.memref_slice %arg5[%add3A_58, %dma_start3A_105] : memref<160000x128xf32, #tpu.memory_space<hbm>> -> memref<128x64xf32, #tpu.memory_space<hbm>>
      %dma_start3A_107 = arith.constant 64 : i32
      %dma_start3A_108 = tpu.memref_slice %arg5[%add3A_58, %dma_start3A_107] : memref<160000x128xf32, #tpu.memory_space<hbm>> -> memref<128x64xf32, #tpu.memory_space<hbm>>
      tpu.enqueue_dma source(%arg11 : memref<128x64xf32, #tpu.memory_space<vmem>>) target(%dma_start3A_108 : memref<128x64xf32, #tpu.memory_space<hbm>>) target_semaphore(%run_scoped3A : memref<!tpu.dma_semaphore, #tpu.memory_space<semaphore_mem>>)
      %dma_wait3A_109 = arith.constant 64 : i32
      %dma_wait3A_110 = tpu.memref_slice %arg5[%add3A_58, %dma_wait3A_109] : memref<160000x128xf32, #tpu.memory_space<hbm>> -> memref<128x64xf32, #tpu.memory_space<hbm>>
      %dma_wait3A_111 = arith.constant 64 : i32
      %dma_wait3A_112 = tpu.memref_slice %arg5[%add3A_58, %dma_wait3A_111] : memref<160000x128xf32, #tpu.memory_space<hbm>> -> memref<128x64xf32, #tpu.memory_space<hbm>>
      tpu.wait_dma2 semaphore(%run_scoped3A : memref<!tpu.dma_semaphore, #tpu.memory_space<semaphore_mem>>) src(%arg11 : memref<128x64xf32, #tpu.memory_space<vmem>>) dst(%dma_wait3A_112 : memref<128x64xf32, #tpu.memory_space<hbm>>)
      tpu.yield
    }) : () -> ()
    %dma_wait3A_59 = arith.constant 4736 : i32
    %dma_wait3A_60 = tpu.memref_slice %arg6[%dma_wait3A_59] : memref<5000xi32, #tpu.memory_space<vmem>> -> memref<128xi32, #tpu.memory_space<vmem>>
    %dma_wait3A_61 = arith.constant 0 : i32
    %dma_wait3A_62 = arith.constant 0 : i32
    %dma_wait3A_63 = tpu.memref_slice %arg2[%dma_wait3A_61, %dma_wait3A_62] : memref<10000x64xf32, #tpu.memory_space<hbm>> -> memref<10000x64xf32, #tpu.memory_space<hbm>>
    tpu.wait_indirect_dma semaphore(%arg18 : memref<!tpu.dma_semaphore, #tpu.memory_space<semaphore_mem>>) src(%dma_wait3A_63 : memref<10000x64xf32, #tpu.memory_space<hbm>>) dst(%arg9 : memref<128x64xf32, #tpu.memory_space<vmem>>)
    %dma_wait3A_64 = arith.constant 4736 : i32
    %dma_wait3A_65 = tpu.memref_slice %arg7[%dma_wait3A_64] : memref<5000xi32, #tpu.memory_space<vmem>> -> memref<128xi32, #tpu.memory_space<vmem>>
    %dma_wait3A_66 = arith.constant 0 : i32
    %dma_wait3A_67 = arith.constant 0 : i32
    %dma_wait3A_68 = tpu.memref_slice %arg2[%dma_wait3A_66, %dma_wait3A_67] : memref<10000x64xf32, #tpu.memory_space<hbm>> -> memref<10000x64xf32, #tpu.memory_space<hbm>>
    tpu.wait_indirect_dma semaphore(%arg18 : memref<!tpu.dma_semaphore, #tpu.memory_space<semaphore_mem>>) src(%dma_wait3A_68 : memref<10000x64xf32, #tpu.memory_space<hbm>>) dst(%arg12 : memref<128x64xf32, #tpu.memory_space<vmem>>)
    %add3A_69 = arith.constant 4736 : i32
    %add3A_70 = arith.addi %mul3A_2, %add3A_69 : i32
    "tpu.region"() ({
      %run_scoped3A = tpu.sem_alloc : memref<!tpu.dma_semaphore, #tpu.memory_space<semaphore_mem>>
      %dma_start3A_105 = arith.constant 0 : i32
      %dma_start3A_106 = tpu.memref_slice %arg5[%add3A_70, %dma_start3A_105] : memref<160000x128xf32, #tpu.memory_space<hbm>> -> memref<128x64xf32, #tpu.memory_space<hbm>>
      %dma_start3A_107 = arith.constant 0 : i32
      %dma_start3A_108 = tpu.memref_slice %arg5[%add3A_70, %dma_start3A_107] : memref<160000x128xf32, #tpu.memory_space<hbm>> -> memref<128x64xf32, #tpu.memory_space<hbm>>
      tpu.enqueue_dma source(%arg9 : memref<128x64xf32, #tpu.memory_space<vmem>>) target(%dma_start3A_108 : memref<128x64xf32, #tpu.memory_space<hbm>>) target_semaphore(%run_scoped3A : memref<!tpu.dma_semaphore, #tpu.memory_space<semaphore_mem>>)
      %dma_wait3A_109 = arith.constant 0 : i32
      %dma_wait3A_110 = tpu.memref_slice %arg5[%add3A_70, %dma_wait3A_109] : memref<160000x128xf32, #tpu.memory_space<hbm>> -> memref<128x64xf32, #tpu.memory_space<hbm>>
      %dma_wait3A_111 = arith.constant 0 : i32
      %dma_wait3A_112 = tpu.memref_slice %arg5[%add3A_70, %dma_wait3A_111] : memref<160000x128xf32, #tpu.memory_space<hbm>> -> memref<128x64xf32, #tpu.memory_space<hbm>>
      tpu.wait_dma2 semaphore(%run_scoped3A : memref<!tpu.dma_semaphore, #tpu.memory_space<semaphore_mem>>) src(%arg9 : memref<128x64xf32, #tpu.memory_space<vmem>>) dst(%dma_wait3A_112 : memref<128x64xf32, #tpu.memory_space<hbm>>)
      tpu.yield
    }) : () -> ()
    "tpu.region"() ({
      %run_scoped3A = tpu.sem_alloc : memref<!tpu.dma_semaphore, #tpu.memory_space<semaphore_mem>>
      %dma_start3A_105 = arith.constant 64 : i32
      %dma_start3A_106 = tpu.memref_slice %arg5[%add3A_70, %dma_start3A_105] : memref<160000x128xf32, #tpu.memory_space<hbm>> -> memref<128x64xf32, #tpu.memory_space<hbm>>
      %dma_start3A_107 = arith.constant 64 : i32
      %dma_start3A_108 = tpu.memref_slice %arg5[%add3A_70, %dma_start3A_107] : memref<160000x128xf32, #tpu.memory_space<hbm>> -> memref<128x64xf32, #tpu.memory_space<hbm>>
      tpu.enqueue_dma source(%arg12 : memref<128x64xf32, #tpu.memory_space<vmem>>) target(%dma_start3A_108 : memref<128x64xf32, #tpu.memory_space<hbm>>) target_semaphore(%run_scoped3A : memref<!tpu.dma_semaphore, #tpu.memory_space<semaphore_mem>>)
      %dma_wait3A_109 = arith.constant 64 : i32
      %dma_wait3A_110 = tpu.memref_slice %arg5[%add3A_70, %dma_wait3A_109] : memref<160000x128xf32, #tpu.memory_space<hbm>> -> memref<128x64xf32, #tpu.memory_space<hbm>>
      %dma_wait3A_111 = arith.constant 64 : i32
      %dma_wait3A_112 = tpu.memref_slice %arg5[%add3A_70, %dma_wait3A_111] : memref<160000x128xf32, #tpu.memory_space<hbm>> -> memref<128x64xf32, #tpu.memory_space<hbm>>
      tpu.wait_dma2 semaphore(%run_scoped3A : memref<!tpu.dma_semaphore, #tpu.memory_space<semaphore_mem>>) src(%arg12 : memref<128x64xf32, #tpu.memory_space<vmem>>) dst(%dma_wait3A_112 : memref<128x64xf32, #tpu.memory_space<hbm>>)
      tpu.yield
    }) : () -> ()
    %dma_wait3A_71 = arith.constant 4864 : i32
    %dma_wait3A_72 = tpu.memref_slice %arg6[%dma_wait3A_71] : memref<5000xi32, #tpu.memory_space<vmem>> -> memref<128xi32, #tpu.memory_space<vmem>>
    %dma_wait3A_73 = arith.constant 0 : i32
    %dma_wait3A_74 = arith.constant 0 : i32
    %dma_wait3A_75 = tpu.memref_slice %arg2[%dma_wait3A_73, %dma_wait3A_74] : memref<10000x64xf32, #tpu.memory_space<hbm>> -> memref<10000x64xf32, #tpu.memory_space<hbm>>
    tpu.wait_indirect_dma semaphore(%arg19 : memref<!tpu.dma_semaphore, #tpu.memory_space<semaphore_mem>>) src(%dma_wait3A_75 : memref<10000x64xf32, #tpu.memory_space<hbm>>) dst(%arg10 : memref<128x64xf32, #tpu.memory_space<vmem>>)
    %dma_wait3A_76 = arith.constant 4864 : i32
    %dma_wait3A_77 = tpu.memref_slice %arg7[%dma_wait3A_76] : memref<5000xi32, #tpu.memory_space<vmem>> -> memref<128xi32, #tpu.memory_space<vmem>>
    %dma_wait3A_78 = arith.constant 0 : i32
    %dma_wait3A_79 = arith.constant 0 : i32
    %dma_wait3A_80 = tpu.memref_slice %arg2[%dma_wait3A_78, %dma_wait3A_79] : memref<10000x64xf32, #tpu.memory_space<hbm>> -> memref<10000x64xf32, #tpu.memory_space<hbm>>
    tpu.wait_indirect_dma semaphore(%arg19 : memref<!tpu.dma_semaphore, #tpu.memory_space<semaphore_mem>>) src(%dma_wait3A_80 : memref<10000x64xf32, #tpu.memory_space<hbm>>) dst(%arg13 : memref<128x64xf32, #tpu.memory_space<vmem>>)
    %add3A_81 = arith.constant 4864 : i32
    %add3A_82 = arith.addi %mul3A_2, %add3A_81 : i32
    "tpu.region"() ({
      %run_scoped3A = tpu.sem_alloc : memref<!tpu.dma_semaphore, #tpu.memory_space<semaphore_mem>>
      %dma_start3A_105 = arith.constant 0 : i32
      %dma_start3A_106 = tpu.memref_slice %arg5[%add3A_82, %dma_start3A_105] : memref<160000x128xf32, #tpu.memory_space<hbm>> -> memref<128x64xf32, #tpu.memory_space<hbm>>
      %dma_start3A_107 = arith.constant 0 : i32
      %dma_start3A_108 = tpu.memref_slice %arg5[%add3A_82, %dma_start3A_107] : memref<160000x128xf32, #tpu.memory_space<hbm>> -> memref<128x64xf32, #tpu.memory_space<hbm>>
      tpu.enqueue_dma source(%arg10 : memref<128x64xf32, #tpu.memory_space<vmem>>) target(%dma_start3A_108 : memref<128x64xf32, #tpu.memory_space<hbm>>) target_semaphore(%run_scoped3A : memref<!tpu.dma_semaphore, #tpu.memory_space<semaphore_mem>>)
      %dma_wait3A_109 = arith.constant 0 : i32
      %dma_wait3A_110 = tpu.memref_slice %arg5[%add3A_82, %dma_wait3A_109] : memref<160000x128xf32, #tpu.memory_space<hbm>> -> memref<128x64xf32, #tpu.memory_space<hbm>>
      %dma_wait3A_111 = arith.constant 0 : i32
      %dma_wait3A_112 = tpu.memref_slice %arg5[%add3A_82, %dma_wait3A_111] : memref<160000x128xf32, #tpu.memory_space<hbm>> -> memref<128x64xf32, #tpu.memory_space<hbm>>
      tpu.wait_dma2 semaphore(%run_scoped3A : memref<!tpu.dma_semaphore, #tpu.memory_space<semaphore_mem>>) src(%arg10 : memref<128x64xf32, #tpu.memory_space<vmem>>) dst(%dma_wait3A_112 : memref<128x64xf32, #tpu.memory_space<hbm>>)
      tpu.yield
    }) : () -> ()
    "tpu.region"() ({
      %run_scoped3A = tpu.sem_alloc : memref<!tpu.dma_semaphore, #tpu.memory_space<semaphore_mem>>
      %dma_start3A_105 = arith.constant 64 : i32
      %dma_start3A_106 = tpu.memref_slice %arg5[%add3A_82, %dma_start3A_105] : memref<160000x128xf32, #tpu.memory_space<hbm>> -> memref<128x64xf32, #tpu.memory_space<hbm>>
      %dma_start3A_107 = arith.constant 64 : i32
      %dma_start3A_108 = tpu.memref_slice %arg5[%add3A_82, %dma_start3A_107] : memref<160000x128xf32, #tpu.memory_space<hbm>> -> memref<128x64xf32, #tpu.memory_space<hbm>>
      tpu.enqueue_dma source(%arg13 : memref<128x64xf32, #tpu.memory_space<vmem>>) target(%dma_start3A_108 : memref<128x64xf32, #tpu.memory_space<hbm>>) target_semaphore(%run_scoped3A : memref<!tpu.dma_semaphore, #tpu.memory_space<semaphore_mem>>)
      %dma_wait3A_109 = arith.constant 64 : i32
      %dma_wait3A_110 = tpu.memref_slice %arg5[%add3A_82, %dma_wait3A_109] : memref<160000x128xf32, #tpu.memory_space<hbm>> -> memref<128x64xf32, #tpu.memory_space<hbm>>
      %dma_wait3A_111 = arith.constant 64 : i32
      %dma_wait3A_112 = tpu.memref_slice %arg5[%add3A_82, %dma_wait3A_111] : memref<160000x128xf32, #tpu.memory_space<hbm>> -> memref<128x64xf32, #tpu.memory_space<hbm>>
      tpu.wait_dma2 semaphore(%run_scoped3A : memref<!tpu.dma_semaphore, #tpu.memory_space<semaphore_mem>>) src(%arg13 : memref<128x64xf32, #tpu.memory_space<vmem>>) dst(%dma_wait3A_112 : memref<128x64xf32, #tpu.memory_space<hbm>>)
      tpu.yield
    }) : () -> ()
    %dma_start3A_83 = arith.constant 4992 : i32
    %dma_start3A_84 = tpu.memref_slice %arg6[%dma_start3A_83] : memref<5000xi32, #tpu.memory_space<vmem>> -> memref<8xi32, #tpu.memory_space<vmem>>
    %dma_start3A_85 = arith.constant 0 : i32
    %dma_start3A_86 = arith.constant 0 : i32
    %dma_start3A_87 = tpu.memref_slice %arg2[%dma_start3A_85, %dma_start3A_86] : memref<10000x64xf32, #tpu.memory_space<hbm>> -> memref<10000x64xf32, #tpu.memory_space<hbm>>
    tpu.enqueue_indirect_dma source(%dma_start3A_87 : memref<10000x64xf32, #tpu.memory_space<hbm>>) target(%arg14 : memref<8x64xf32, #tpu.memory_space<vmem>>) offsets(%dma_start3A_84 : memref<8xi32, #tpu.memory_space<vmem>>) semaphore(%arg16 : memref<!tpu.dma_semaphore, #tpu.memory_space<semaphore_mem>>)
    %dma_start3A_88 = arith.constant 4992 : i32
    %dma_start3A_89 = tpu.memref_slice %arg7[%dma_start3A_88] : memref<5000xi32, #tpu.memory_space<vmem>> -> memref<8xi32, #tpu.memory_space<vmem>>
    %dma_start3A_90 = arith.constant 0 : i32
    %dma_start3A_91 = arith.constant 0 : i32
    %dma_start3A_92 = tpu.memref_slice %arg2[%dma_start3A_90, %dma_start3A_91] : memref<10000x64xf32, #tpu.memory_space<hbm>> -> memref<10000x64xf32, #tpu.memory_space<hbm>>
    tpu.enqueue_indirect_dma source(%dma_start3A_92 : memref<10000x64xf32, #tpu.memory_space<hbm>>) target(%arg15 : memref<8x64xf32, #tpu.memory_space<vmem>>) offsets(%dma_start3A_89 : memref<8xi32, #tpu.memory_space<vmem>>) semaphore(%arg16 : memref<!tpu.dma_semaphore, #tpu.memory_space<semaphore_mem>>)
    %dma_wait3A_93 = arith.constant 4992 : i32
    %dma_wait3A_94 = tpu.memref_slice %arg6[%dma_wait3A_93] : memref<5000xi32, #tpu.memory_space<vmem>> -> memref<8xi32, #tpu.memory_space<vmem>>
    %dma_wait3A_95 = arith.constant 0 : i32
    %dma_wait3A_96 = arith.constant 0 : i32
    %dma_wait3A_97 = tpu.memref_slice %arg2[%dma_wait3A_95, %dma_wait3A_96] : memref<10000x64xf32, #tpu.memory_space<hbm>> -> memref<10000x64xf32, #tpu.memory_space<hbm>>
    tpu.wait_indirect_dma semaphore(%arg16 : memref<!tpu.dma_semaphore, #tpu.memory_space<semaphore_mem>>) src(%dma_wait3A_97 : memref<10000x64xf32, #tpu.memory_space<hbm>>) dst(%arg14 : memref<8x64xf32, #tpu.memory_space<vmem>>)
    %dma_wait3A_98 = arith.constant 4992 : i32
    %dma_wait3A_99 = tpu.memref_slice %arg7[%dma_wait3A_98] : memref<5000xi32, #tpu.memory_space<vmem>> -> memref<8xi32, #tpu.memory_space<vmem>>
    %dma_wait3A_100 = arith.constant 0 : i32
    %dma_wait3A_101 = arith.constant 0 : i32
    %dma_wait3A_102 = tpu.memref_slice %arg2[%dma_wait3A_100, %dma_wait3A_101] : memref<10000x64xf32, #tpu.memory_space<hbm>> -> memref<10000x64xf32, #tpu.memory_space<hbm>>
    tpu.wait_indirect_dma semaphore(%arg16 : memref<!tpu.dma_semaphore, #tpu.memory_space<semaphore_mem>>) src(%dma_wait3A_102 : memref<10000x64xf32, #tpu.memory_space<hbm>>) dst(%arg15 : memref<8x64xf32, #tpu.memory_space<vmem>>)
    %add3A_103 = arith.constant 4992 : i32
    %add3A_104 = arith.addi %mul3A_2, %add3A_103 : i32
    "tpu.region"() ({
      %run_scoped3A = tpu.sem_alloc : memref<!tpu.dma_semaphore, #tpu.memory_space<semaphore_mem>>
      %dma_start3A_105 = arith.constant 0 : i32
      %dma_start3A_106 = tpu.memref_slice %arg5[%add3A_104, %dma_start3A_105] : memref<160000x128xf32, #tpu.memory_space<hbm>> -> memref<8x64xf32, #tpu.memory_space<hbm>>
      %dma_start3A_107 = arith.constant 0 : i32
      %dma_start3A_108 = tpu.memref_slice %arg5[%add3A_104, %dma_start3A_107] : memref<160000x128xf32, #tpu.memory_space<hbm>> -> memref<8x64xf32, #tpu.memory_space<hbm>>
      tpu.enqueue_dma source(%arg14 : memref<8x64xf32, #tpu.memory_space<vmem>>) target(%dma_start3A_108 : memref<8x64xf32, #tpu.memory_space<hbm>>) target_semaphore(%run_scoped3A : memref<!tpu.dma_semaphore, #tpu.memory_space<semaphore_mem>>)
      %dma_wait3A_109 = arith.constant 0 : i32
      %dma_wait3A_110 = tpu.memref_slice %arg5[%add3A_104, %dma_wait3A_109] : memref<160000x128xf32, #tpu.memory_space<hbm>> -> memref<8x64xf32, #tpu.memory_space<hbm>>
      %dma_wait3A_111 = arith.constant 0 : i32
      %dma_wait3A_112 = tpu.memref_slice %arg5[%add3A_104, %dma_wait3A_111] : memref<160000x128xf32, #tpu.memory_space<hbm>> -> memref<8x64xf32, #tpu.memory_space<hbm>>
      tpu.wait_dma2 semaphore(%run_scoped3A : memref<!tpu.dma_semaphore, #tpu.memory_space<semaphore_mem>>) src(%arg14 : memref<8x64xf32, #tpu.memory_space<vmem>>) dst(%dma_wait3A_112 : memref<8x64xf32, #tpu.memory_space<hbm>>)
      tpu.yield
    }) : () -> ()
    "tpu.region"() ({
      %run_scoped3A = tpu.sem_alloc : memref<!tpu.dma_semaphore, #tpu.memory_space<semaphore_mem>>
      %dma_start3A_105 = arith.constant 64 : i32
      %dma_start3A_106 = tpu.memref_slice %arg5[%add3A_104, %dma_start3A_105] : memref<160000x128xf32, #tpu.memory_space<hbm>> -> memref<8x64xf32, #tpu.memory_space<hbm>>
      %dma_start3A_107 = arith.constant 64 : i32
      %dma_start3A_108 = tpu.memref_slice %arg5[%add3A_104, %dma_start3A_107] : memref<160000x128xf32, #tpu.memory_space<hbm>> -> memref<8x64xf32, #tpu.memory_space<hbm>>
      tpu.enqueue_dma source(%arg15 : memref<8x64xf32, #tpu.memory_space<vmem>>) target(%dma_start3A_108 : memref<8x64xf32, #tpu.memory_space<hbm>>) target_semaphore(%run_scoped3A : memref<!tpu.dma_semaphore, #tpu.memory_space<semaphore_mem>>)
      %dma_wait3A_109 = arith.constant 64 : i32
      %dma_wait3A_110 = tpu.memref_slice %arg5[%add3A_104, %dma_wait3A_109] : memref<160000x128xf32, #tpu.memory_space<hbm>> -> memref<8x64xf32, #tpu.memory_space<hbm>>
      %dma_wait3A_111 = arith.constant 64 : i32
      %dma_wait3A_112 = tpu.memref_slice %arg5[%add3A_104, %dma_wait3A_111] : memref<160000x128xf32, #tpu.memory_space<hbm>> -> memref<8x64xf32, #tpu.memory_space<hbm>>
      tpu.wait_dma2 semaphore(%run_scoped3A : memref<!tpu.dma_semaphore, #tpu.memory_space<semaphore_mem>>) src(%arg15 : memref<8x64xf32, #tpu.memory_space<vmem>>) dst(%dma_wait3A_112 : memref<8x64xf32, #tpu.memory_space<hbm>>)
      tpu.yield
    }) : () -> ()
    return
  }
}

#map = affine_map<(d0, d1) -> (0, 0)>
#map1 = affine_map<(d0, d1) -> (0)>
module attributes {stable_mosaic.version = 14 : i64} {
  func.func @k(%arg0: i32, %arg1: i32, %arg2: memref<10000x64xf32, #tpu.memory_space<hbm>>, %arg3: memref<320000xi32, #tpu.memory_space<hbm>>, %arg4: memref<320000xi32, #tpu.memory_space<hbm>>, %arg5: memref<160000x128xf32, #tpu.memory_space<hbm>>, %arg6: memref<5000xi32, #tpu.memory_space<vmem>>, %arg7: memref<5000xi32, #tpu.memory_space<vmem>>, %arg8: memref<128x64xf32, #tpu.memory_space<vmem>>, %arg9: memref<128x64xf32, #tpu.memory_space<vmem>>, %arg10: memref<128x64xf32, #tpu.memory_space<vmem>>, %arg11: memref<128x64xf32, #tpu.memory_space<vmem>>, %arg12: memref<128x64xf32, #tpu.memory_space<vmem>>, %arg13: memref<128x64xf32, #tpu.memory_space<vmem>>, %arg14: memref<8x64xf32, #tpu.memory_space<vmem>>, %arg15: memref<8x64xf32, #tpu.memory_space<vmem>>, %arg16: memref<!tpu.dma_semaphore, #tpu.memory_space<semaphore_mem>>, %arg17: memref<!tpu.dma_semaphore, #tpu.memory_space<semaphore_mem>>, %arg18: memref<!tpu.dma_semaphore, #tpu.memory_space<semaphore_mem>>, %arg19: memref<!tpu.dma_semaphore, #tpu.memory_space<semaphore_mem>>) attributes {dimension_semantics = [#tpu.dimension_semantics<core_parallel>, #tpu.dimension_semantics<subcore_parallel>], iteration_bounds = array<i64: 2, 16>, scalar_prefetch = 0 : i64, scratch_operands = 14 : i64, tpu.core_type = #tpu.core_type<sc_vector_subcore>, window_params = [{transform_indices = #map}, {transform_indices = #map1}, {transform_indices = #map1}, {transform_indices = #map}]} {
    %mul3A = arith.constant 16 : i32
    %mul3A_0 = arith.muli %arg0, %mul3A : i32
    %add3A = arith.addi %mul3A_0, %arg1 : i32
    %mul3A_1 = arith.constant 5000 : i32
    %mul3A_2 = arith.muli %add3A, %mul3A_1 : i32
    %add3A_3 = arith.constant 0 : i32
    %add3A_4 = arith.addi %add3A_3, %mul3A_2 : i32
    %dma_start3A = tpu.memref_slice %arg3[%add3A_4] : memref<320000xi32, #tpu.memory_space<hbm>> -> memref<5000xi32, #tpu.memory_space<hbm>>
    %dma_start3A_5 = tpu.memref_slice %arg3[%add3A_4] : memref<320000xi32, #tpu.memory_space<hbm>> -> memref<5000xi32, #tpu.memory_space<hbm>>
    tpu.enqueue_dma source(%dma_start3A_5 : memref<5000xi32, #tpu.memory_space<hbm>>) target(%arg6 : memref<5000xi32, #tpu.memory_space<vmem>>) target_semaphore(%arg16 : memref<!tpu.dma_semaphore, #tpu.memory_space<semaphore_mem>>)
    %add3A_6 = arith.constant 0 : i32
    %add3A_7 = arith.addi %add3A_6, %mul3A_2 : i32
    %dma_start3A_8 = tpu.memref_slice %arg4[%add3A_7] : memref<320000xi32, #tpu.memory_space<hbm>> -> memref<5000xi32, #tpu.memory_space<hbm>>
    %dma_start3A_9 = tpu.memref_slice %arg4[%add3A_7] : memref<320000xi32, #tpu.memory_space<hbm>> -> memref<5000xi32, #tpu.memory_space<hbm>>
    tpu.enqueue_dma source(%dma_start3A_9 : memref<5000xi32, #tpu.memory_space<hbm>>) target(%arg7 : memref<5000xi32, #tpu.memory_space<vmem>>) target_semaphore(%arg16 : memref<!tpu.dma_semaphore, #tpu.memory_space<semaphore_mem>>)
    %dma_wait3A = tpu.memref_slice %arg3[%add3A_4] : memref<320000xi32, #tpu.memory_space<hbm>> -> memref<5000xi32, #tpu.memory_space<hbm>>
    %dma_wait3A_10 = tpu.memref_slice %arg3[%add3A_4] : memref<320000xi32, #tpu.memory_space<hbm>> -> memref<5000xi32, #tpu.memory_space<hbm>>
    tpu.wait_dma2 semaphore(%arg16 : memref<!tpu.dma_semaphore, #tpu.memory_space<semaphore_mem>>) src(%dma_wait3A_10 : memref<5000xi32, #tpu.memory_space<hbm>>) dst(%arg6 : memref<5000xi32, #tpu.memory_space<vmem>>)
    %dma_wait3A_11 = tpu.memref_slice %arg4[%add3A_7] : memref<320000xi32, #tpu.memory_space<hbm>> -> memref<5000xi32, #tpu.memory_space<hbm>>
    %dma_wait3A_12 = tpu.memref_slice %arg4[%add3A_7] : memref<320000xi32, #tpu.memory_space<hbm>> -> memref<5000xi32, #tpu.memory_space<hbm>>
    tpu.wait_dma2 semaphore(%arg16 : memref<!tpu.dma_semaphore, #tpu.memory_space<semaphore_mem>>) src(%dma_wait3A_12 : memref<5000xi32, #tpu.memory_space<hbm>>) dst(%arg7 : memref<5000xi32, #tpu.memory_space<vmem>>)
    %dma_start3A_13 = arith.constant 0 : i32
    %dma_start3A_14 = tpu.memref_slice %arg6[%dma_start3A_13] : memref<5000xi32, #tpu.memory_space<vmem>> -> memref<128xi32, #tpu.memory_space<vmem>>
    %dma_start3A_15 = arith.constant 0 : i32
    %dma_start3A_16 = arith.constant 0 : i32
    %dma_start3A_17 = tpu.memref_slice %arg2[%dma_start3A_15, %dma_start3A_16] : memref<10000x64xf32, #tpu.memory_space<hbm>> -> memref<10000x64xf32, #tpu.memory_space<hbm>>
    tpu.enqueue_indirect_dma source(%dma_start3A_17 : memref<10000x64xf32, #tpu.memory_space<hbm>>) target(%arg8 : memref<128x64xf32, #tpu.memory_space<vmem>>) offsets(%dma_start3A_14 : memref<128xi32, #tpu.memory_space<vmem>>) semaphore(%arg17 : memref<!tpu.dma_semaphore, #tpu.memory_space<semaphore_mem>>)
    %dma_start3A_18 = arith.constant 0 : i32
    %dma_start3A_19 = tpu.memref_slice %arg7[%dma_start3A_18] : memref<5000xi32, #tpu.memory_space<vmem>> -> memref<128xi32, #tpu.memory_space<vmem>>
    %dma_start3A_20 = arith.constant 0 : i32
    %dma_start3A_21 = arith.constant 0 : i32
    %dma_start3A_22 = tpu.memref_slice %arg2[%dma_start3A_20, %dma_start3A_21] : memref<10000x64xf32, #tpu.memory_space<hbm>> -> memref<10000x64xf32, #tpu.memory_space<hbm>>
    tpu.enqueue_indirect_dma source(%dma_start3A_22 : memref<10000x64xf32, #tpu.memory_space<hbm>>) target(%arg11 : memref<128x64xf32, #tpu.memory_space<vmem>>) offsets(%dma_start3A_19 : memref<128xi32, #tpu.memory_space<vmem>>) semaphore(%arg17 : memref<!tpu.dma_semaphore, #tpu.memory_space<semaphore_mem>>)
    %dma_start3A_23 = arith.constant 128 : i32
    %dma_start3A_24 = tpu.memref_slice %arg6[%dma_start3A_23] : memref<5000xi32, #tpu.memory_space<vmem>> -> memref<128xi32, #tpu.memory_space<vmem>>
    %dma_start3A_25 = arith.constant 0 : i32
    %dma_start3A_26 = arith.constant 0 : i32
    %dma_start3A_27 = tpu.memref_slice %arg2[%dma_start3A_25, %dma_start3A_26] : memref<10000x64xf32, #tpu.memory_space<hbm>> -> memref<10000x64xf32, #tpu.memory_space<hbm>>
    tpu.enqueue_indirect_dma source(%dma_start3A_27 : memref<10000x64xf32, #tpu.memory_space<hbm>>) target(%arg9 : memref<128x64xf32, #tpu.memory_space<vmem>>) offsets(%dma_start3A_24 : memref<128xi32, #tpu.memory_space<vmem>>) semaphore(%arg18 : memref<!tpu.dma_semaphore, #tpu.memory_space<semaphore_mem>>)
    %dma_start3A_28 = arith.constant 128 : i32
    %dma_start3A_29 = tpu.memref_slice %arg7[%dma_start3A_28] : memref<5000xi32, #tpu.memory_space<vmem>> -> memref<128xi32, #tpu.memory_space<vmem>>
    %dma_start3A_30 = arith.constant 0 : i32
    %dma_start3A_31 = arith.constant 0 : i32
    %dma_start3A_32 = tpu.memref_slice %arg2[%dma_start3A_30, %dma_start3A_31] : memref<10000x64xf32, #tpu.memory_space<hbm>> -> memref<10000x64xf32, #tpu.memory_space<hbm>>
    tpu.enqueue_indirect_dma source(%dma_start3A_32 : memref<10000x64xf32, #tpu.memory_space<hbm>>) target(%arg12 : memref<128x64xf32, #tpu.memory_space<vmem>>) offsets(%dma_start3A_29 : memref<128xi32, #tpu.memory_space<vmem>>) semaphore(%arg18 : memref<!tpu.dma_semaphore, #tpu.memory_space<semaphore_mem>>)
    %dma_start3A_33 = arith.constant 256 : i32
    %dma_start3A_34 = tpu.memref_slice %arg6[%dma_start3A_33] : memref<5000xi32, #tpu.memory_space<vmem>> -> memref<128xi32, #tpu.memory_space<vmem>>
    %dma_start3A_35 = arith.constant 0 : i32
    %dma_start3A_36 = arith.constant 0 : i32
    %dma_start3A_37 = tpu.memref_slice %arg2[%dma_start3A_35, %dma_start3A_36] : memref<10000x64xf32, #tpu.memory_space<hbm>> -> memref<10000x64xf32, #tpu.memory_space<hbm>>
    tpu.enqueue_indirect_dma source(%dma_start3A_37 : memref<10000x64xf32, #tpu.memory_space<hbm>>) target(%arg10 : memref<128x64xf32, #tpu.memory_space<vmem>>) offsets(%dma_start3A_34 : memref<128xi32, #tpu.memory_space<vmem>>) semaphore(%arg19 : memref<!tpu.dma_semaphore, #tpu.memory_space<semaphore_mem>>)
    %dma_start3A_38 = arith.constant 256 : i32
    %dma_start3A_39 = tpu.memref_slice %arg7[%dma_start3A_38] : memref<5000xi32, #tpu.memory_space<vmem>> -> memref<128xi32, #tpu.memory_space<vmem>>
    %dma_start3A_40 = arith.constant 0 : i32
    %dma_start3A_41 = arith.constant 0 : i32
    %dma_start3A_42 = tpu.memref_slice %arg2[%dma_start3A_40, %dma_start3A_41] : memref<10000x64xf32, #tpu.memory_space<hbm>> -> memref<10000x64xf32, #tpu.memory_space<hbm>>
    tpu.enqueue_indirect_dma source(%dma_start3A_42 : memref<10000x64xf32, #tpu.memory_space<hbm>>) target(%arg13 : memref<128x64xf32, #tpu.memory_space<vmem>>) offsets(%dma_start3A_39 : memref<128xi32, #tpu.memory_space<vmem>>) semaphore(%arg19 : memref<!tpu.dma_semaphore, #tpu.memory_space<semaphore_mem>>)
    %scan3A = arith.constant 0 : i32
    %scan3A_43 = arith.constant 12 : i32
    %scan3A_44 = arith.addi %scan3A, %scan3A_43 : i32
    %scan3A_45 = arith.constant 1 : i32
    scf.for %scan3A_105 = %scan3A to %scan3A_44 step %scan3A_45  : i32 {
      %mul3A_106 = arith.constant 3 : i32
      %mul3A_107 = arith.muli %scan3A_105, %mul3A_106 : i32
      %add3A_108 = arith.constant 0 : i32
      %add3A_109 = arith.addi %add3A_108, %mul3A_107 : i32
      %add3A_110 = arith.constant 0 : i32
      %add3A_111 = arith.addi %add3A_109, %add3A_110 : i32
      %mul3A_112 = arith.constant 128 : i32
      %mul3A_113 = arith.muli %add3A_111, %mul3A_112 : i32
      %dma_wait3A_114 = tpu.memref_slice %arg6[%mul3A_113] : memref<5000xi32, #tpu.memory_space<vmem>> -> memref<128xi32, #tpu.memory_space<vmem>>
      %dma_wait3A_115 = arith.constant 0 : i32
      %dma_wait3A_116 = arith.constant 0 : i32
      %dma_wait3A_117 = tpu.memref_slice %arg2[%dma_wait3A_115, %dma_wait3A_116] : memref<10000x64xf32, #tpu.memory_space<hbm>> -> memref<10000x64xf32, #tpu.memory_space<hbm>>
      tpu.wait_indirect_dma semaphore(%arg17 : memref<!tpu.dma_semaphore, #tpu.memory_space<semaphore_mem>>) src(%dma_wait3A_117 : memref<10000x64xf32, #tpu.memory_space<hbm>>) dst(%arg8 : memref<128x64xf32, #tpu.memory_space<vmem>>)
      %mul3A_118 = arith.constant 128 : i32
      %mul3A_119 = arith.muli %add3A_111, %mul3A_118 : i32
      %dma_wait3A_120 = tpu.memref_slice %arg7[%mul3A_119] : memref<5000xi32, #tpu.memory_space<vmem>> -> memref<128xi32, #tpu.memory_space<vmem>>
      %dma_wait3A_121 = arith.constant 0 : i32
      %dma_wait3A_122 = arith.constant 0 : i32
      %dma_wait3A_123 = tpu.memref_slice %arg2[%dma_wait3A_121, %dma_wait3A_122] : memref<10000x64xf32, #tpu.memory_space<hbm>> -> memref<10000x64xf32, #tpu.memory_space<hbm>>
      tpu.wait_indirect_dma semaphore(%arg17 : memref<!tpu.dma_semaphore, #tpu.memory_space<semaphore_mem>>) src(%dma_wait3A_123 : memref<10000x64xf32, #tpu.memory_space<hbm>>) dst(%arg11 : memref<128x64xf32, #tpu.memory_space<vmem>>)
      %add3A_124 = arith.constant 0 : i32
      %add3A_125 = arith.addi %add3A_109, %add3A_124 : i32
      %mul3A_126 = arith.constant 128 : i32
      %mul3A_127 = arith.muli %add3A_125, %mul3A_126 : i32
      %add3A_128 = arith.addi %mul3A_2, %mul3A_127 : i32
      "tpu.region"() ({
        %run_scoped3A = tpu.sem_alloc : memref<!tpu.dma_semaphore, #tpu.memory_space<semaphore_mem>>
        %dma_start3A_215 = arith.constant 0 : i32
        %dma_start3A_216 = tpu.memref_slice %arg5[%add3A_128, %dma_start3A_215] : memref<160000x128xf32, #tpu.memory_space<hbm>> -> memref<128x64xf32, #tpu.memory_space<hbm>>
        %dma_start3A_217 = arith.constant 0 : i32
        %dma_start3A_218 = tpu.memref_slice %arg5[%add3A_128, %dma_start3A_217] : memref<160000x128xf32, #tpu.memory_space<hbm>> -> memref<128x64xf32, #tpu.memory_space<hbm>>
        tpu.enqueue_dma source(%arg8 : memref<128x64xf32, #tpu.memory_space<vmem>>) target(%dma_start3A_218 : memref<128x64xf32, #tpu.memory_space<hbm>>) target_semaphore(%run_scoped3A : memref<!tpu.dma_semaphore, #tpu.memory_space<semaphore_mem>>)
        %dma_wait3A_219 = arith.constant 0 : i32
        %dma_wait3A_220 = tpu.memref_slice %arg5[%add3A_128, %dma_wait3A_219] : memref<160000x128xf32, #tpu.memory_space<hbm>> -> memref<128x64xf32, #tpu.memory_space<hbm>>
        %dma_wait3A_221 = arith.constant 0 : i32
        %dma_wait3A_222 = tpu.memref_slice %arg5[%add3A_128, %dma_wait3A_221] : memref<160000x128xf32, #tpu.memory_space<hbm>> -> memref<128x64xf32, #tpu.memory_space<hbm>>
        tpu.wait_dma2 semaphore(%run_scoped3A : memref<!tpu.dma_semaphore, #tpu.memory_space<semaphore_mem>>) src(%arg8 : memref<128x64xf32, #tpu.memory_space<vmem>>) dst(%dma_wait3A_222 : memref<128x64xf32, #tpu.memory_space<hbm>>)
        tpu.yield
      }) : () -> ()
      "tpu.region"() ({
        %run_scoped3A = tpu.sem_alloc : memref<!tpu.dma_semaphore, #tpu.memory_space<semaphore_mem>>
        %dma_start3A_215 = arith.constant 64 : i32
        %dma_start3A_216 = tpu.memref_slice %arg5[%add3A_128, %dma_start3A_215] : memref<160000x128xf32, #tpu.memory_space<hbm>> -> memref<128x64xf32, #tpu.memory_space<hbm>>
        %dma_start3A_217 = arith.constant 64 : i32
        %dma_start3A_218 = tpu.memref_slice %arg5[%add3A_128, %dma_start3A_217] : memref<160000x128xf32, #tpu.memory_space<hbm>> -> memref<128x64xf32, #tpu.memory_space<hbm>>
        tpu.enqueue_dma source(%arg11 : memref<128x64xf32, #tpu.memory_space<vmem>>) target(%dma_start3A_218 : memref<128x64xf32, #tpu.memory_space<hbm>>) target_semaphore(%run_scoped3A : memref<!tpu.dma_semaphore, #tpu.memory_space<semaphore_mem>>)
        %dma_wait3A_219 = arith.constant 64 : i32
        %dma_wait3A_220 = tpu.memref_slice %arg5[%add3A_128, %dma_wait3A_219] : memref<160000x128xf32, #tpu.memory_space<hbm>> -> memref<128x64xf32, #tpu.memory_space<hbm>>
        %dma_wait3A_221 = arith.constant 64 : i32
        %dma_wait3A_222 = tpu.memref_slice %arg5[%add3A_128, %dma_wait3A_221] : memref<160000x128xf32, #tpu.memory_space<hbm>> -> memref<128x64xf32, #tpu.memory_space<hbm>>
        tpu.wait_dma2 semaphore(%run_scoped3A : memref<!tpu.dma_semaphore, #tpu.memory_space<semaphore_mem>>) src(%arg11 : memref<128x64xf32, #tpu.memory_space<vmem>>) dst(%dma_wait3A_222 : memref<128x64xf32, #tpu.memory_space<hbm>>)
        tpu.yield
      }) : () -> ()
      %add3A_129 = arith.constant 0 : i32
      %add3A_130 = arith.addi %add3A_109, %add3A_129 : i32
      %add3A_131 = arith.constant 3 : i32
      %add3A_132 = arith.addi %add3A_130, %add3A_131 : i32
      %mul3A_133 = arith.constant 128 : i32
      %mul3A_134 = arith.muli %add3A_132, %mul3A_133 : i32
      %dma_start3A_135 = tpu.memref_slice %arg6[%mul3A_134] : memref<5000xi32, #tpu.memory_space<vmem>> -> memref<128xi32, #tpu.memory_space<vmem>>
      %dma_start3A_136 = arith.constant 0 : i32
      %dma_start3A_137 = arith.constant 0 : i32
      %dma_start3A_138 = tpu.memref_slice %arg2[%dma_start3A_136, %dma_start3A_137] : memref<10000x64xf32, #tpu.memory_space<hbm>> -> memref<10000x64xf32, #tpu.memory_space<hbm>>
      tpu.enqueue_indirect_dma source(%dma_start3A_138 : memref<10000x64xf32, #tpu.memory_space<hbm>>) target(%arg8 : memref<128x64xf32, #tpu.memory_space<vmem>>) offsets(%dma_start3A_135 : memref<128xi32, #tpu.memory_space<vmem>>) semaphore(%arg17 : memref<!tpu.dma_semaphore, #tpu.memory_space<semaphore_mem>>)
      %mul3A_139 = arith.constant 128 : i32
      %mul3A_140 = arith.muli %add3A_132, %mul3A_139 : i32
      %dma_start3A_141 = tpu.memref_slice %arg7[%mul3A_140] : memref<5000xi32, #tpu.memory_space<vmem>> -> memref<128xi32, #tpu.memory_space<vmem>>
      %dma_start3A_142 = arith.constant 0 : i32
      %dma_start3A_143 = arith.constant 0 : i32
      %dma_start3A_144 = tpu.memref_slice %arg2[%dma_start3A_142, %dma_start3A_143] : memref<10000x64xf32, #tpu.memory_space<hbm>> -> memref<10000x64xf32, #tpu.memory_space<hbm>>
      tpu.enqueue_indirect_dma source(%dma_start3A_144 : memref<10000x64xf32, #tpu.memory_space<hbm>>) target(%arg11 : memref<128x64xf32, #tpu.memory_space<vmem>>) offsets(%dma_start3A_141 : memref<128xi32, #tpu.memory_space<vmem>>) semaphore(%arg17 : memref<!tpu.dma_semaphore, #tpu.memory_space<semaphore_mem>>)
      %add3A_145 = arith.constant 1 : i32
      %add3A_146 = arith.addi %add3A_109, %add3A_145 : i32
      %mul3A_147 = arith.constant 128 : i32
      %mul3A_148 = arith.muli %add3A_146, %mul3A_147 : i32
      %dma_wait3A_149 = tpu.memref_slice %arg6[%mul3A_148] : memref<5000xi32, #tpu.memory_space<vmem>> -> memref<128xi32, #tpu.memory_space<vmem>>
      %dma_wait3A_150 = arith.constant 0 : i32
      %dma_wait3A_151 = arith.constant 0 : i32
      %dma_wait3A_152 = tpu.memref_slice %arg2[%dma_wait3A_150, %dma_wait3A_151] : memref<10000x64xf32, #tpu.memory_space<hbm>> -> memref<10000x64xf32, #tpu.memory_space<hbm>>
      tpu.wait_indirect_dma semaphore(%arg18 : memref<!tpu.dma_semaphore, #tpu.memory_space<semaphore_mem>>) src(%dma_wait3A_152 : memref<10000x64xf32, #tpu.memory_space<hbm>>) dst(%arg9 : memref<128x64xf32, #tpu.memory_space<vmem>>)
      %mul3A_153 = arith.constant 128 : i32
      %mul3A_154 = arith.muli %add3A_146, %mul3A_153 : i32
      %dma_wait3A_155 = tpu.memref_slice %arg7[%mul3A_154] : memref<5000xi32, #tpu.memory_space<vmem>> -> memref<128xi32, #tpu.memory_space<vmem>>
      %dma_wait3A_156 = arith.constant 0 : i32
      %dma_wait3A_157 = arith.constant 0 : i32
      %dma_wait3A_158 = tpu.memref_slice %arg2[%dma_wait3A_156, %dma_wait3A_157] : memref<10000x64xf32, #tpu.memory_space<hbm>> -> memref<10000x64xf32, #tpu.memory_space<hbm>>
      tpu.wait_indirect_dma semaphore(%arg18 : memref<!tpu.dma_semaphore, #tpu.memory_space<semaphore_mem>>) src(%dma_wait3A_158 : memref<10000x64xf32, #tpu.memory_space<hbm>>) dst(%arg12 : memref<128x64xf32, #tpu.memory_space<vmem>>)
      %add3A_159 = arith.constant 1 : i32
      %add3A_160 = arith.addi %add3A_109, %add3A_159 : i32
      %mul3A_161 = arith.constant 128 : i32
      %mul3A_162 = arith.muli %add3A_160, %mul3A_161 : i32
      %add3A_163 = arith.addi %mul3A_2, %mul3A_162 : i32
      "tpu.region"() ({
        %run_scoped3A = tpu.sem_alloc : memref<!tpu.dma_semaphore, #tpu.memory_space<semaphore_mem>>
        %dma_start3A_215 = arith.constant 0 : i32
        %dma_start3A_216 = tpu.memref_slice %arg5[%add3A_163, %dma_start3A_215] : memref<160000x128xf32, #tpu.memory_space<hbm>> -> memref<128x64xf32, #tpu.memory_space<hbm>>
        %dma_start3A_217 = arith.constant 0 : i32
        %dma_start3A_218 = tpu.memref_slice %arg5[%add3A_163, %dma_start3A_217] : memref<160000x128xf32, #tpu.memory_space<hbm>> -> memref<128x64xf32, #tpu.memory_space<hbm>>
        tpu.enqueue_dma source(%arg9 : memref<128x64xf32, #tpu.memory_space<vmem>>) target(%dma_start3A_218 : memref<128x64xf32, #tpu.memory_space<hbm>>) target_semaphore(%run_scoped3A : memref<!tpu.dma_semaphore, #tpu.memory_space<semaphore_mem>>)
        %dma_wait3A_219 = arith.constant 0 : i32
        %dma_wait3A_220 = tpu.memref_slice %arg5[%add3A_163, %dma_wait3A_219] : memref<160000x128xf32, #tpu.memory_space<hbm>> -> memref<128x64xf32, #tpu.memory_space<hbm>>
        %dma_wait3A_221 = arith.constant 0 : i32
        %dma_wait3A_222 = tpu.memref_slice %arg5[%add3A_163, %dma_wait3A_221] : memref<160000x128xf32, #tpu.memory_space<hbm>> -> memref<128x64xf32, #tpu.memory_space<hbm>>
        tpu.wait_dma2 semaphore(%run_scoped3A : memref<!tpu.dma_semaphore, #tpu.memory_space<semaphore_mem>>) src(%arg9 : memref<128x64xf32, #tpu.memory_space<vmem>>) dst(%dma_wait3A_222 : memref<128x64xf32, #tpu.memory_space<hbm>>)
        tpu.yield
      }) : () -> ()
      "tpu.region"() ({
        %run_scoped3A = tpu.sem_alloc : memref<!tpu.dma_semaphore, #tpu.memory_space<semaphore_mem>>
        %dma_start3A_215 = arith.constant 64 : i32
        %dma_start3A_216 = tpu.memref_slice %arg5[%add3A_163, %dma_start3A_215] : memref<160000x128xf32, #tpu.memory_space<hbm>> -> memref<128x64xf32, #tpu.memory_space<hbm>>
        %dma_start3A_217 = arith.constant 64 : i32
        %dma_start3A_218 = tpu.memref_slice %arg5[%add3A_163, %dma_start3A_217] : memref<160000x128xf32, #tpu.memory_space<hbm>> -> memref<128x64xf32, #tpu.memory_space<hbm>>
        tpu.enqueue_dma source(%arg12 : memref<128x64xf32, #tpu.memory_space<vmem>>) target(%dma_start3A_218 : memref<128x64xf32, #tpu.memory_space<hbm>>) target_semaphore(%run_scoped3A : memref<!tpu.dma_semaphore, #tpu.memory_space<semaphore_mem>>)
        %dma_wait3A_219 = arith.constant 64 : i32
        %dma_wait3A_220 = tpu.memref_slice %arg5[%add3A_163, %dma_wait3A_219] : memref<160000x128xf32, #tpu.memory_space<hbm>> -> memref<128x64xf32, #tpu.memory_space<hbm>>
        %dma_wait3A_221 = arith.constant 64 : i32
        %dma_wait3A_222 = tpu.memref_slice %arg5[%add3A_163, %dma_wait3A_221] : memref<160000x128xf32, #tpu.memory_space<hbm>> -> memref<128x64xf32, #tpu.memory_space<hbm>>
        tpu.wait_dma2 semaphore(%run_scoped3A : memref<!tpu.dma_semaphore, #tpu.memory_space<semaphore_mem>>) src(%arg12 : memref<128x64xf32, #tpu.memory_space<vmem>>) dst(%dma_wait3A_222 : memref<128x64xf32, #tpu.memory_space<hbm>>)
        tpu.yield
      }) : () -> ()
      %add3A_164 = arith.constant 1 : i32
      %add3A_165 = arith.addi %add3A_109, %add3A_164 : i32
      %add3A_166 = arith.constant 3 : i32
      %add3A_167 = arith.addi %add3A_165, %add3A_166 : i32
      %mul3A_168 = arith.constant 128 : i32
      %mul3A_169 = arith.muli %add3A_167, %mul3A_168 : i32
      %dma_start3A_170 = tpu.memref_slice %arg6[%mul3A_169] : memref<5000xi32, #tpu.memory_space<vmem>> -> memref<128xi32, #tpu.memory_space<vmem>>
      %dma_start3A_171 = arith.constant 0 : i32
      %dma_start3A_172 = arith.constant 0 : i32
      %dma_start3A_173 = tpu.memref_slice %arg2[%dma_start3A_171, %dma_start3A_172] : memref<10000x64xf32, #tpu.memory_space<hbm>> -> memref<10000x64xf32, #tpu.memory_space<hbm>>
      tpu.enqueue_indirect_dma source(%dma_start3A_173 : memref<10000x64xf32, #tpu.memory_space<hbm>>) target(%arg9 : memref<128x64xf32, #tpu.memory_space<vmem>>) offsets(%dma_start3A_170 : memref<128xi32, #tpu.memory_space<vmem>>) semaphore(%arg18 : memref<!tpu.dma_semaphore, #tpu.memory_space<semaphore_mem>>)
      %mul3A_174 = arith.constant 128 : i32
      %mul3A_175 = arith.muli %add3A_167, %mul3A_174 : i32
      %dma_start3A_176 = tpu.memref_slice %arg7[%mul3A_175] : memref<5000xi32, #tpu.memory_space<vmem>> -> memref<128xi32, #tpu.memory_space<vmem>>
      %dma_start3A_177 = arith.constant 0 : i32
      %dma_start3A_178 = arith.constant 0 : i32
      %dma_start3A_179 = tpu.memref_slice %arg2[%dma_start3A_177, %dma_start3A_178] : memref<10000x64xf32, #tpu.memory_space<hbm>> -> memref<10000x64xf32, #tpu.memory_space<hbm>>
      tpu.enqueue_indirect_dma source(%dma_start3A_179 : memref<10000x64xf32, #tpu.memory_space<hbm>>) target(%arg12 : memref<128x64xf32, #tpu.memory_space<vmem>>) offsets(%dma_start3A_176 : memref<128xi32, #tpu.memory_space<vmem>>) semaphore(%arg18 : memref<!tpu.dma_semaphore, #tpu.memory_space<semaphore_mem>>)
      %add3A_180 = arith.constant 2 : i32
      %add3A_181 = arith.addi %add3A_109, %add3A_180 : i32
      %mul3A_182 = arith.constant 128 : i32
      %mul3A_183 = arith.muli %add3A_181, %mul3A_182 : i32
      %dma_wait3A_184 = tpu.memref_slice %arg6[%mul3A_183] : memref<5000xi32, #tpu.memory_space<vmem>> -> memref<128xi32, #tpu.memory_space<vmem>>
      %dma_wait3A_185 = arith.constant 0 : i32
      %dma_wait3A_186 = arith.constant 0 : i32
      %dma_wait3A_187 = tpu.memref_slice %arg2[%dma_wait3A_185, %dma_wait3A_186] : memref<10000x64xf32, #tpu.memory_space<hbm>> -> memref<10000x64xf32, #tpu.memory_space<hbm>>
      tpu.wait_indirect_dma semaphore(%arg19 : memref<!tpu.dma_semaphore, #tpu.memory_space<semaphore_mem>>) src(%dma_wait3A_187 : memref<10000x64xf32, #tpu.memory_space<hbm>>) dst(%arg10 : memref<128x64xf32, #tpu.memory_space<vmem>>)
      %mul3A_188 = arith.constant 128 : i32
      %mul3A_189 = arith.muli %add3A_181, %mul3A_188 : i32
      %dma_wait3A_190 = tpu.memref_slice %arg7[%mul3A_189] : memref<5000xi32, #tpu.memory_space<vmem>> -> memref<128xi32, #tpu.memory_space<vmem>>
      %dma_wait3A_191 = arith.constant 0 : i32
      %dma_wait3A_192 = arith.constant 0 : i32
      %dma_wait3A_193 = tpu.memref_slice %arg2[%dma_wait3A_191, %dma_wait3A_192] : memref<10000x64xf32, #tpu.memory_space<hbm>> -> memref<10000x64xf32, #tpu.memory_space<hbm>>
      tpu.wait_indirect_dma semaphore(%arg19 : memref<!tpu.dma_semaphore, #tpu.memory_space<semaphore_mem>>) src(%dma_wait3A_193 : memref<10000x64xf32, #tpu.memory_space<hbm>>) dst(%arg13 : memref<128x64xf32, #tpu.memory_space<vmem>>)
      %add3A_194 = arith.constant 2 : i32
      %add3A_195 = arith.addi %add3A_109, %add3A_194 : i32
      %mul3A_196 = arith.constant 128 : i32
      %mul3A_197 = arith.muli %add3A_195, %mul3A_196 : i32
      %add3A_198 = arith.addi %mul3A_2, %mul3A_197 : i32
      "tpu.region"() ({
        %run_scoped3A = tpu.sem_alloc : memref<!tpu.dma_semaphore, #tpu.memory_space<semaphore_mem>>
        %dma_start3A_215 = arith.constant 0 : i32
        %dma_start3A_216 = tpu.memref_slice %arg5[%add3A_198, %dma_start3A_215] : memref<160000x128xf32, #tpu.memory_space<hbm>> -> memref<128x64xf32, #tpu.memory_space<hbm>>
        %dma_start3A_217 = arith.constant 0 : i32
        %dma_start3A_218 = tpu.memref_slice %arg5[%add3A_198, %dma_start3A_217] : memref<160000x128xf32, #tpu.memory_space<hbm>> -> memref<128x64xf32, #tpu.memory_space<hbm>>
        tpu.enqueue_dma source(%arg10 : memref<128x64xf32, #tpu.memory_space<vmem>>) target(%dma_start3A_218 : memref<128x64xf32, #tpu.memory_space<hbm>>) target_semaphore(%run_scoped3A : memref<!tpu.dma_semaphore, #tpu.memory_space<semaphore_mem>>)
        %dma_wait3A_219 = arith.constant 0 : i32
        %dma_wait3A_220 = tpu.memref_slice %arg5[%add3A_198, %dma_wait3A_219] : memref<160000x128xf32, #tpu.memory_space<hbm>> -> memref<128x64xf32, #tpu.memory_space<hbm>>
        %dma_wait3A_221 = arith.constant 0 : i32
        %dma_wait3A_222 = tpu.memref_slice %arg5[%add3A_198, %dma_wait3A_221] : memref<160000x128xf32, #tpu.memory_space<hbm>> -> memref<128x64xf32, #tpu.memory_space<hbm>>
        tpu.wait_dma2 semaphore(%run_scoped3A : memref<!tpu.dma_semaphore, #tpu.memory_space<semaphore_mem>>) src(%arg10 : memref<128x64xf32, #tpu.memory_space<vmem>>) dst(%dma_wait3A_222 : memref<128x64xf32, #tpu.memory_space<hbm>>)
        tpu.yield
      }) : () -> ()
      "tpu.region"() ({
        %run_scoped3A = tpu.sem_alloc : memref<!tpu.dma_semaphore, #tpu.memory_space<semaphore_mem>>
        %dma_start3A_215 = arith.constant 64 : i32
        %dma_start3A_216 = tpu.memref_slice %arg5[%add3A_198, %dma_start3A_215] : memref<160000x128xf32, #tpu.memory_space<hbm>> -> memref<128x64xf32, #tpu.memory_space<hbm>>
        %dma_start3A_217 = arith.constant 64 : i32
        %dma_start3A_218 = tpu.memref_slice %arg5[%add3A_198, %dma_start3A_217] : memref<160000x128xf32, #tpu.memory_space<hbm>> -> memref<128x64xf32, #tpu.memory_space<hbm>>
        tpu.enqueue_dma source(%arg13 : memref<128x64xf32, #tpu.memory_space<vmem>>) target(%dma_start3A_218 : memref<128x64xf32, #tpu.memory_space<hbm>>) target_semaphore(%run_scoped3A : memref<!tpu.dma_semaphore, #tpu.memory_space<semaphore_mem>>)
        %dma_wait3A_219 = arith.constant 64 : i32
        %dma_wait3A_220 = tpu.memref_slice %arg5[%add3A_198, %dma_wait3A_219] : memref<160000x128xf32, #tpu.memory_space<hbm>> -> memref<128x64xf32, #tpu.memory_space<hbm>>
        %dma_wait3A_221 = arith.constant 64 : i32
        %dma_wait3A_222 = tpu.memref_slice %arg5[%add3A_198, %dma_wait3A_221] : memref<160000x128xf32, #tpu.memory_space<hbm>> -> memref<128x64xf32, #tpu.memory_space<hbm>>
        tpu.wait_dma2 semaphore(%run_scoped3A : memref<!tpu.dma_semaphore, #tpu.memory_space<semaphore_mem>>) src(%arg13 : memref<128x64xf32, #tpu.memory_space<vmem>>) dst(%dma_wait3A_222 : memref<128x64xf32, #tpu.memory_space<hbm>>)
        tpu.yield
      }) : () -> ()
      %add3A_199 = arith.constant 2 : i32
      %add3A_200 = arith.addi %add3A_109, %add3A_199 : i32
      %add3A_201 = arith.constant 3 : i32
      %add3A_202 = arith.addi %add3A_200, %add3A_201 : i32
      %mul3A_203 = arith.constant 128 : i32
      %mul3A_204 = arith.muli %add3A_202, %mul3A_203 : i32
      %dma_start3A_205 = tpu.memref_slice %arg6[%mul3A_204] : memref<5000xi32, #tpu.memory_space<vmem>> -> memref<128xi32, #tpu.memory_space<vmem>>
      %dma_start3A_206 = arith.constant 0 : i32
      %dma_start3A_207 = arith.constant 0 : i32
      %dma_start3A_208 = tpu.memref_slice %arg2[%dma_start3A_206, %dma_start3A_207] : memref<10000x64xf32, #tpu.memory_space<hbm>> -> memref<10000x64xf32, #tpu.memory_space<hbm>>
      tpu.enqueue_indirect_dma source(%dma_start3A_208 : memref<10000x64xf32, #tpu.memory_space<hbm>>) target(%arg10 : memref<128x64xf32, #tpu.memory_space<vmem>>) offsets(%dma_start3A_205 : memref<128xi32, #tpu.memory_space<vmem>>) semaphore(%arg19 : memref<!tpu.dma_semaphore, #tpu.memory_space<semaphore_mem>>)
      %mul3A_209 = arith.constant 128 : i32
      %mul3A_210 = arith.muli %add3A_202, %mul3A_209 : i32
      %dma_start3A_211 = tpu.memref_slice %arg7[%mul3A_210] : memref<5000xi32, #tpu.memory_space<vmem>> -> memref<128xi32, #tpu.memory_space<vmem>>
      %dma_start3A_212 = arith.constant 0 : i32
      %dma_start3A_213 = arith.constant 0 : i32
      %dma_start3A_214 = tpu.memref_slice %arg2[%dma_start3A_212, %dma_start3A_213] : memref<10000x64xf32, #tpu.memory_space<hbm>> -> memref<10000x64xf32, #tpu.memory_space<hbm>>
      tpu.enqueue_indirect_dma source(%dma_start3A_214 : memref<10000x64xf32, #tpu.memory_space<hbm>>) target(%arg13 : memref<128x64xf32, #tpu.memory_space<vmem>>) offsets(%dma_start3A_211 : memref<128xi32, #tpu.memory_space<vmem>>) semaphore(%arg19 : memref<!tpu.dma_semaphore, #tpu.memory_space<semaphore_mem>>)
    }
    %scan3A_46 = arith.constant 12 : i32
    %dma_wait3A_47 = arith.constant 4608 : i32
    %dma_wait3A_48 = tpu.memref_slice %arg6[%dma_wait3A_47] : memref<5000xi32, #tpu.memory_space<vmem>> -> memref<128xi32, #tpu.memory_space<vmem>>
    %dma_wait3A_49 = arith.constant 0 : i32
    %dma_wait3A_50 = arith.constant 0 : i32
    %dma_wait3A_51 = tpu.memref_slice %arg2[%dma_wait3A_49, %dma_wait3A_50] : memref<10000x64xf32, #tpu.memory_space<hbm>> -> memref<10000x64xf32, #tpu.memory_space<hbm>>
    tpu.wait_indirect_dma semaphore(%arg17 : memref<!tpu.dma_semaphore, #tpu.memory_space<semaphore_mem>>) src(%dma_wait3A_51 : memref<10000x64xf32, #tpu.memory_space<hbm>>) dst(%arg8 : memref<128x64xf32, #tpu.memory_space<vmem>>)
    %dma_wait3A_52 = arith.constant 4608 : i32
    %dma_wait3A_53 = tpu.memref_slice %arg7[%dma_wait3A_52] : memref<5000xi32, #tpu.memory_space<vmem>> -> memref<128xi32, #tpu.memory_space<vmem>>
    %dma_wait3A_54 = arith.constant 0 : i32
    %dma_wait3A_55 = arith.constant 0 : i32
    %dma_wait3A_56 = tpu.memref_slice %arg2[%dma_wait3A_54, %dma_wait3A_55] : memref<10000x64xf32, #tpu.memory_space<hbm>> -> memref<10000x64xf32, #tpu.memory_space<hbm>>
    tpu.wait_indirect_dma semaphore(%arg17 : memref<!tpu.dma_semaphore, #tpu.memory_space<semaphore_mem>>) src(%dma_wait3A_56 : memref<10000x64xf32, #tpu.memory_space<hbm>>) dst(%arg11 : memref<128x64xf32, #tpu.memory_space<vmem>>)
    %add3A_57 = arith.constant 4608 : i32
    %add3A_58 = arith.addi %mul3A_2, %add3A_57 : i32
    "tpu.region"() ({
      %run_scoped3A = tpu.sem_alloc : memref<!tpu.dma_semaphore, #tpu.memory_space<semaphore_mem>>
      %dma_start3A_105 = arith.constant 0 : i32
      %dma_start3A_106 = tpu.memref_slice %arg5[%add3A_58, %dma_start3A_105] : memref<160000x128xf32, #tpu.memory_space<hbm>> -> memref<128x64xf32, #tpu.memory_space<hbm>>
      %dma_start3A_107 = arith.constant 0 : i32
      %dma_start3A_108 = tpu.memref_slice %arg5[%add3A_58, %dma_start3A_107] : memref<160000x128xf32, #tpu.memory_space<hbm>> -> memref<128x64xf32, #tpu.memory_space<hbm>>
      tpu.enqueue_dma source(%arg8 : memref<128x64xf32, #tpu.memory_space<vmem>>) target(%dma_start3A_108 : memref<128x64xf32, #tpu.memory_space<hbm>>) target_semaphore(%run_scoped3A : memref<!tpu.dma_semaphore, #tpu.memory_space<semaphore_mem>>)
      %dma_wait3A_109 = arith.constant 0 : i32
      %dma_wait3A_110 = tpu.memref_slice %arg5[%add3A_58, %dma_wait3A_109] : memref<160000x128xf32, #tpu.memory_space<hbm>> -> memref<128x64xf32, #tpu.memory_space<hbm>>
      %dma_wait3A_111 = arith.constant 0 : i32
      %dma_wait3A_112 = tpu.memref_slice %arg5[%add3A_58, %dma_wait3A_111] : memref<160000x128xf32, #tpu.memory_space<hbm>> -> memref<128x64xf32, #tpu.memory_space<hbm>>
      tpu.wait_dma2 semaphore(%run_scoped3A : memref<!tpu.dma_semaphore, #tpu.memory_space<semaphore_mem>>) src(%arg8 : memref<128x64xf32, #tpu.memory_space<vmem>>) dst(%dma_wait3A_112 : memref<128x64xf32, #tpu.memory_space<hbm>>)
      tpu.yield
    }) : () -> ()
    "tpu.region"() ({
      %run_scoped3A = tpu.sem_alloc : memref<!tpu.dma_semaphore, #tpu.memory_space<semaphore_mem>>
      %dma_start3A_105 = arith.constant 64 : i32
      %dma_start3A_106 = tpu.memref_slice %arg5[%add3A_58, %dma_start3A_105] : memref<160000x128xf32, #tpu.memory_space<hbm>> -> memref<128x64xf32, #tpu.memory_space<hbm>>
      %dma_start3A_107 = arith.constant 64 : i32
      %dma_start3A_108 = tpu.memref_slice %arg5[%add3A_58, %dma_start3A_107] : memref<160000x128xf32, #tpu.memory_space<hbm>> -> memref<128x64xf32, #tpu.memory_space<hbm>>
      tpu.enqueue_dma source(%arg11 : memref<128x64xf32, #tpu.memory_space<vmem>>) target(%dma_start3A_108 : memref<128x64xf32, #tpu.memory_space<hbm>>) target_semaphore(%run_scoped3A : memref<!tpu.dma_semaphore, #tpu.memory_space<semaphore_mem>>)
      %dma_wait3A_109 = arith.constant 64 : i32
      %dma_wait3A_110 = tpu.memref_slice %arg5[%add3A_58, %dma_wait3A_109] : memref<160000x128xf32, #tpu.memory_space<hbm>> -> memref<128x64xf32, #tpu.memory_space<hbm>>
      %dma_wait3A_111 = arith.constant 64 : i32
      %dma_wait3A_112 = tpu.memref_slice %arg5[%add3A_58, %dma_wait3A_111] : memref<160000x128xf32, #tpu.memory_space<hbm>> -> memref<128x64xf32, #tpu.memory_space<hbm>>
      tpu.wait_dma2 semaphore(%run_scoped3A : memref<!tpu.dma_semaphore, #tpu.memory_space<semaphore_mem>>) src(%arg11 : memref<128x64xf32, #tpu.memory_space<vmem>>) dst(%dma_wait3A_112 : memref<128x64xf32, #tpu.memory_space<hbm>>)
      tpu.yield
    }) : () -> ()
    %dma_wait3A_59 = arith.constant 4736 : i32
    %dma_wait3A_60 = tpu.memref_slice %arg6[%dma_wait3A_59] : memref<5000xi32, #tpu.memory_space<vmem>> -> memref<128xi32, #tpu.memory_space<vmem>>
    %dma_wait3A_61 = arith.constant 0 : i32
    %dma_wait3A_62 = arith.constant 0 : i32
    %dma_wait3A_63 = tpu.memref_slice %arg2[%dma_wait3A_61, %dma_wait3A_62] : memref<10000x64xf32, #tpu.memory_space<hbm>> -> memref<10000x64xf32, #tpu.memory_space<hbm>>
    tpu.wait_indirect_dma semaphore(%arg18 : memref<!tpu.dma_semaphore, #tpu.memory_space<semaphore_mem>>) src(%dma_wait3A_63 : memref<10000x64xf32, #tpu.memory_space<hbm>>) dst(%arg9 : memref<128x64xf32, #tpu.memory_space<vmem>>)
    %dma_wait3A_64 = arith.constant 4736 : i32
    %dma_wait3A_65 = tpu.memref_slice %arg7[%dma_wait3A_64] : memref<5000xi32, #tpu.memory_space<vmem>> -> memref<128xi32, #tpu.memory_space<vmem>>
    %dma_wait3A_66 = arith.constant 0 : i32
    %dma_wait3A_67 = arith.constant 0 : i32
    %dma_wait3A_68 = tpu.memref_slice %arg2[%dma_wait3A_66, %dma_wait3A_67] : memref<10000x64xf32, #tpu.memory_space<hbm>> -> memref<10000x64xf32, #tpu.memory_space<hbm>>
    tpu.wait_indirect_dma semaphore(%arg18 : memref<!tpu.dma_semaphore, #tpu.memory_space<semaphore_mem>>) src(%dma_wait3A_68 : memref<10000x64xf32, #tpu.memory_space<hbm>>) dst(%arg12 : memref<128x64xf32, #tpu.memory_space<vmem>>)
    %add3A_69 = arith.constant 4736 : i32
    %add3A_70 = arith.addi %mul3A_2, %add3A_69 : i32
    "tpu.region"() ({
      %run_scoped3A = tpu.sem_alloc : memref<!tpu.dma_semaphore, #tpu.memory_space<semaphore_mem>>
      %dma_start3A_105 = arith.constant 0 : i32
      %dma_start3A_106 = tpu.memref_slice %arg5[%add3A_70, %dma_start3A_105] : memref<160000x128xf32, #tpu.memory_space<hbm>> -> memref<128x64xf32, #tpu.memory_space<hbm>>
      %dma_start3A_107 = arith.constant 0 : i32
      %dma_start3A_108 = tpu.memref_slice %arg5[%add3A_70, %dma_start3A_107] : memref<160000x128xf32, #tpu.memory_space<hbm>> -> memref<128x64xf32, #tpu.memory_space<hbm>>
      tpu.enqueue_dma source(%arg9 : memref<128x64xf32, #tpu.memory_space<vmem>>) target(%dma_start3A_108 : memref<128x64xf32, #tpu.memory_space<hbm>>) target_semaphore(%run_scoped3A : memref<!tpu.dma_semaphore, #tpu.memory_space<semaphore_mem>>)
      %dma_wait3A_109 = arith.constant 0 : i32
      %dma_wait3A_110 = tpu.memref_slice %arg5[%add3A_70, %dma_wait3A_109] : memref<160000x128xf32, #tpu.memory_space<hbm>> -> memref<128x64xf32, #tpu.memory_space<hbm>>
      %dma_wait3A_111 = arith.constant 0 : i32
      %dma_wait3A_112 = tpu.memref_slice %arg5[%add3A_70, %dma_wait3A_111] : memref<160000x128xf32, #tpu.memory_space<hbm>> -> memref<128x64xf32, #tpu.memory_space<hbm>>
      tpu.wait_dma2 semaphore(%run_scoped3A : memref<!tpu.dma_semaphore, #tpu.memory_space<semaphore_mem>>) src(%arg9 : memref<128x64xf32, #tpu.memory_space<vmem>>) dst(%dma_wait3A_112 : memref<128x64xf32, #tpu.memory_space<hbm>>)
      tpu.yield
    }) : () -> ()
    "tpu.region"() ({
      %run_scoped3A = tpu.sem_alloc : memref<!tpu.dma_semaphore, #tpu.memory_space<semaphore_mem>>
      %dma_start3A_105 = arith.constant 64 : i32
      %dma_start3A_106 = tpu.memref_slice %arg5[%add3A_70, %dma_start3A_105] : memref<160000x128xf32, #tpu.memory_space<hbm>> -> memref<128x64xf32, #tpu.memory_space<hbm>>
      %dma_start3A_107 = arith.constant 64 : i32
      %dma_start3A_108 = tpu.memref_slice %arg5[%add3A_70, %dma_start3A_107] : memref<160000x128xf32, #tpu.memory_space<hbm>> -> memref<128x64xf32, #tpu.memory_space<hbm>>
      tpu.enqueue_dma source(%arg12 : memref<128x64xf32, #tpu.memory_space<vmem>>) target(%dma_start3A_108 : memref<128x64xf32, #tpu.memory_space<hbm>>) target_semaphore(%run_scoped3A : memref<!tpu.dma_semaphore, #tpu.memory_space<semaphore_mem>>)
      %dma_wait3A_109 = arith.constant 64 : i32
      %dma_wait3A_110 = tpu.memref_slice %arg5[%add3A_70, %dma_wait3A_109] : memref<160000x128xf32, #tpu.memory_space<hbm>> -> memref<128x64xf32, #tpu.memory_space<hbm>>
      %dma_wait3A_111 = arith.constant 64 : i32
      %dma_wait3A_112 = tpu.memref_slice %arg5[%add3A_70, %dma_wait3A_111] : memref<160000x128xf32, #tpu.memory_space<hbm>> -> memref<128x64xf32, #tpu.memory_space<hbm>>
      tpu.wait_dma2 semaphore(%run_scoped3A : memref<!tpu.dma_semaphore, #tpu.memory_space<semaphore_mem>>) src(%arg12 : memref<128x64xf32, #tpu.memory_space<vmem>>) dst(%dma_wait3A_112 : memref<128x64xf32, #tpu.memory_space<hbm>>)
      tpu.yield
    }) : () -> ()
    %dma_wait3A_71 = arith.constant 4864 : i32
    %dma_wait3A_72 = tpu.memref_slice %arg6[%dma_wait3A_71] : memref<5000xi32, #tpu.memory_space<vmem>> -> memref<128xi32, #tpu.memory_space<vmem>>
    %dma_wait3A_73 = arith.constant 0 : i32
    %dma_wait3A_74 = arith.constant 0 : i32
    %dma_wait3A_75 = tpu.memref_slice %arg2[%dma_wait3A_73, %dma_wait3A_74] : memref<10000x64xf32, #tpu.memory_space<hbm>> -> memref<10000x64xf32, #tpu.memory_space<hbm>>
    tpu.wait_indirect_dma semaphore(%arg19 : memref<!tpu.dma_semaphore, #tpu.memory_space<semaphore_mem>>) src(%dma_wait3A_75 : memref<10000x64xf32, #tpu.memory_space<hbm>>) dst(%arg10 : memref<128x64xf32, #tpu.memory_space<vmem>>)
    %dma_wait3A_76 = arith.constant 4864 : i32
    %dma_wait3A_77 = tpu.memref_slice %arg7[%dma_wait3A_76] : memref<5000xi32, #tpu.memory_space<vmem>> -> memref<128xi32, #tpu.memory_space<vmem>>
    %dma_wait3A_78 = arith.constant 0 : i32
    %dma_wait3A_79 = arith.constant 0 : i32
    %dma_wait3A_80 = tpu.memref_slice %arg2[%dma_wait3A_78, %dma_wait3A_79] : memref<10000x64xf32, #tpu.memory_space<hbm>> -> memref<10000x64xf32, #tpu.memory_space<hbm>>
    tpu.wait_indirect_dma semaphore(%arg19 : memref<!tpu.dma_semaphore, #tpu.memory_space<semaphore_mem>>) src(%dma_wait3A_80 : memref<10000x64xf32, #tpu.memory_space<hbm>>) dst(%arg13 : memref<128x64xf32, #tpu.memory_space<vmem>>)
    %add3A_81 = arith.constant 4864 : i32
    %add3A_82 = arith.addi %mul3A_2, %add3A_81 : i32
    "tpu.region"() ({
      %run_scoped3A = tpu.sem_alloc : memref<!tpu.dma_semaphore, #tpu.memory_space<semaphore_mem>>
      %dma_start3A_105 = arith.constant 0 : i32
      %dma_start3A_106 = tpu.memref_slice %arg5[%add3A_82, %dma_start3A_105] : memref<160000x128xf32, #tpu.memory_space<hbm>> -> memref<128x64xf32, #tpu.memory_space<hbm>>
      %dma_start3A_107 = arith.constant 0 : i32
      %dma_start3A_108 = tpu.memref_slice %arg5[%add3A_82, %dma_start3A_107] : memref<160000x128xf32, #tpu.memory_space<hbm>> -> memref<128x64xf32, #tpu.memory_space<hbm>>
      tpu.enqueue_dma source(%arg10 : memref<128x64xf32, #tpu.memory_space<vmem>>) target(%dma_start3A_108 : memref<128x64xf32, #tpu.memory_space<hbm>>) target_semaphore(%run_scoped3A : memref<!tpu.dma_semaphore, #tpu.memory_space<semaphore_mem>>)
      %dma_wait3A_109 = arith.constant 0 : i32
      %dma_wait3A_110 = tpu.memref_slice %arg5[%add3A_82, %dma_wait3A_109] : memref<160000x128xf32, #tpu.memory_space<hbm>> -> memref<128x64xf32, #tpu.memory_space<hbm>>
      %dma_wait3A_111 = arith.constant 0 : i32
      %dma_wait3A_112 = tpu.memref_slice %arg5[%add3A_82, %dma_wait3A_111] : memref<160000x128xf32, #tpu.memory_space<hbm>> -> memref<128x64xf32, #tpu.memory_space<hbm>>
      tpu.wait_dma2 semaphore(%run_scoped3A : memref<!tpu.dma_semaphore, #tpu.memory_space<semaphore_mem>>) src(%arg10 : memref<128x64xf32, #tpu.memory_space<vmem>>) dst(%dma_wait3A_112 : memref<128x64xf32, #tpu.memory_space<hbm>>)
      tpu.yield
    }) : () -> ()
    "tpu.region"() ({
      %run_scoped3A = tpu.sem_alloc : memref<!tpu.dma_semaphore, #tpu.memory_space<semaphore_mem>>
      %dma_start3A_105 = arith.constant 64 : i32
      %dma_start3A_106 = tpu.memref_slice %arg5[%add3A_82, %dma_start3A_105] : memref<160000x128xf32, #tpu.memory_space<hbm>> -> memref<128x64xf32, #tpu.memory_space<hbm>>
      %dma_start3A_107 = arith.constant 64 : i32
      %dma_start3A_108 = tpu.memref_slice %arg5[%add3A_82, %dma_start3A_107] : memref<160000x128xf32, #tpu.memory_space<hbm>> -> memref<128x64xf32, #tpu.memory_space<hbm>>
      tpu.enqueue_dma source(%arg13 : memref<128x64xf32, #tpu.memory_space<vmem>>) target(%dma_start3A_108 : memref<128x64xf32, #tpu.memory_space<hbm>>) target_semaphore(%run_scoped3A : memref<!tpu.dma_semaphore, #tpu.memory_space<semaphore_mem>>)
      %dma_wait3A_109 = arith.constant 64 : i32
      %dma_wait3A_110 = tpu.memref_slice %arg5[%add3A_82, %dma_wait3A_109] : memref<160000x128xf32, #tpu.memory_space<hbm>> -> memref<128x64xf32, #tpu.memory_space<hbm>>
      %dma_wait3A_111 = arith.constant 64 : i32
      %dma_wait3A_112 = tpu.memref_slice %arg5[%add3A_82, %dma_wait3A_111] : memref<160000x128xf32, #tpu.memory_space<hbm>> -> memref<128x64xf32, #tpu.memory_space<hbm>>
      tpu.wait_dma2 semaphore(%run_scoped3A : memref<!tpu.dma_semaphore, #tpu.memory_space<semaphore_mem>>) src(%arg13 : memref<128x64xf32, #tpu.memory_space<vmem>>) dst(%dma_wait3A_112 : memref<128x64xf32, #tpu.memory_space<hbm>>)
      tpu.yield
    }) : () -> ()
    %dma_start3A_83 = arith.constant 4992 : i32
    %dma_start3A_84 = tpu.memref_slice %arg6[%dma_start3A_83] : memref<5000xi32, #tpu.memory_space<vmem>> -> memref<8xi32, #tpu.memory_space<vmem>>
    %dma_start3A_85 = arith.constant 0 : i32
    %dma_start3A_86 = arith.constant 0 : i32
    %dma_start3A_87 = tpu.memref_slice %arg2[%dma_start3A_85, %dma_start3A_86] : memref<10000x64xf32, #tpu.memory_space<hbm>> -> memref<10000x64xf32, #tpu.memory_space<hbm>>
    tpu.enqueue_indirect_dma source(%dma_start3A_87 : memref<10000x64xf32, #tpu.memory_space<hbm>>) target(%arg14 : memref<8x64xf32, #tpu.memory_space<vmem>>) offsets(%dma_start3A_84 : memref<8xi32, #tpu.memory_space<vmem>>) semaphore(%arg16 : memref<!tpu.dma_semaphore, #tpu.memory_space<semaphore_mem>>)
    %dma_start3A_88 = arith.constant 4992 : i32
    %dma_start3A_89 = tpu.memref_slice %arg7[%dma_start3A_88] : memref<5000xi32, #tpu.memory_space<vmem>> -> memref<8xi32, #tpu.memory_space<vmem>>
    %dma_start3A_90 = arith.constant 0 : i32
    %dma_start3A_91 = arith.constant 0 : i32
    %dma_start3A_92 = tpu.memref_slice %arg2[%dma_start3A_90, %dma_start3A_91] : memref<10000x64xf32, #tpu.memory_space<hbm>> -> memref<10000x64xf32, #tpu.memory_space<hbm>>
    tpu.enqueue_indirect_dma source(%dma_start3A_92 : memref<10000x64xf32, #tpu.memory_space<hbm>>) target(%arg15 : memref<8x64xf32, #tpu.memory_space<vmem>>) offsets(%dma_start3A_89 : memref<8xi32, #tpu.memory_space<vmem>>) semaphore(%arg16 : memref<!tpu.dma_semaphore, #tpu.memory_space<semaphore_mem>>)
    %dma_wait3A_93 = arith.constant 4992 : i32
    %dma_wait3A_94 = tpu.memref_slice %arg6[%dma_wait3A_93] : memref<5000xi32, #tpu.memory_space<vmem>> -> memref<8xi32, #tpu.memory_space<vmem>>
    %dma_wait3A_95 = arith.constant 0 : i32
    %dma_wait3A_96 = arith.constant 0 : i32
    %dma_wait3A_97 = tpu.memref_slice %arg2[%dma_wait3A_95, %dma_wait3A_96] : memref<10000x64xf32, #tpu.memory_space<hbm>> -> memref<10000x64xf32, #tpu.memory_space<hbm>>
    tpu.wait_indirect_dma semaphore(%arg16 : memref<!tpu.dma_semaphore, #tpu.memory_space<semaphore_mem>>) src(%dma_wait3A_97 : memref<10000x64xf32, #tpu.memory_space<hbm>>) dst(%arg14 : memref<8x64xf32, #tpu.memory_space<vmem>>)
    %dma_wait3A_98 = arith.constant 4992 : i32
    %dma_wait3A_99 = tpu.memref_slice %arg7[%dma_wait3A_98] : memref<5000xi32, #tpu.memory_space<vmem>> -> memref<8xi32, #tpu.memory_space<vmem>>
    %dma_wait3A_100 = arith.constant 0 : i32
    %dma_wait3A_101 = arith.constant 0 : i32
    %dma_wait3A_102 = tpu.memref_slice %arg2[%dma_wait3A_100, %dma_wait3A_101] : memref<10000x64xf32, #tpu.memory_space<hbm>> -> memref<10000x64xf32, #tpu.memory_space<hbm>>
    tpu.wait_indirect_dma semaphore(%arg16 : memref<!tpu.dma_semaphore, #tpu.memory_space<semaphore_mem>>) src(%dma_wait3A_102 : memref<10000x64xf32, #tpu.memory_space<hbm>>) dst(%arg15 : memref<8x64xf32, #tpu.memory_space<vmem>>)
    %add3A_103 = arith.constant 4992 : i32
    %add3A_104 = arith.addi %mul3A_2, %add3A_103 : i32
    "tpu.region"() ({
      %run_scoped3A = tpu.sem_alloc : memref<!tpu.dma_semaphore, #tpu.memory_space<semaphore_mem>>
      %dma_start3A_105 = arith.constant 0 : i32
      %dma_start3A_106 = tpu.memref_slice %arg5[%add3A_104, %dma_start3A_105] : memref<160000x128xf32, #tpu.memory_space<hbm>> -> memref<8x64xf32, #tpu.memory_space<hbm>>
      %dma_start3A_107 = arith.constant 0 : i32
      %dma_start3A_108 = tpu.memref_slice %arg5[%add3A_104, %dma_start3A_107] : memref<160000x128xf32, #tpu.memory_space<hbm>> -> memref<8x64xf32, #tpu.memory_space<hbm>>
      tpu.enqueue_dma source(%arg14 : memref<8x64xf32, #tpu.memory_space<vmem>>) target(%dma_start3A_108 : memref<8x64xf32, #tpu.memory_space<hbm>>) target_semaphore(%run_scoped3A : memref<!tpu.dma_semaphore, #tpu.memory_space<semaphore_mem>>)
      %dma_wait3A_109 = arith.constant 0 : i32
      %dma_wait3A_110 = tpu.memref_slice %arg5[%add3A_104, %dma_wait3A_109] : memref<160000x128xf32, #tpu.memory_space<hbm>> -> memref<8x64xf32, #tpu.memory_space<hbm>>
      %dma_wait3A_111 = arith.constant 0 : i32
      %dma_wait3A_112 = tpu.memref_slice %arg5[%add3A_104, %dma_wait3A_111] : memref<160000x128xf32, #tpu.memory_space<hbm>> -> memref<8x64xf32, #tpu.memory_space<hbm>>
      tpu.wait_dma2 semaphore(%run_scoped3A : memref<!tpu.dma_semaphore, #tpu.memory_space<semaphore_mem>>) src(%arg14 : memref<8x64xf32, #tpu.memory_space<vmem>>) dst(%dma_wait3A_112 : memref<8x64xf32, #tpu.memory_space<hbm>>)
      tpu.yield
    }) : () -> ()
    "tpu.region"() ({
      %run_scoped3A = tpu.sem_alloc : memref<!tpu.dma_semaphore, #tpu.memory_space<semaphore_mem>>
      %dma_start3A_105 = arith.constant 64 : i32
      %dma_start3A_106 = tpu.memref_slice %arg5[%add3A_104, %dma_start3A_105] : memref<160000x128xf32, #tpu.memory_space<hbm>> -> memref<8x64xf32, #tpu.memory_space<hbm>>
      %dma_start3A_107 = arith.constant 64 : i32
      %dma_start3A_108 = tpu.memref_slice %arg5[%add3A_104, %dma_start3A_107] : memref<160000x128xf32, #tpu.memory_space<hbm>> -> memref<8x64xf32, #tpu.memory_space<hbm>>
      tpu.enqueue_dma source(%arg15 : memref<8x64xf32, #tpu.memory_space<vmem>>) target(%dma_start3A_108 : memref<8x64xf32, #tpu.memory_space<hbm>>) target_semaphore(%run_scoped3A : memref<!tpu.dma_semaphore, #tpu.memory_space<semaphore_mem>>)
      %dma_wait3A_109 = arith.constant 64 : i32
      %dma_wait3A_110 = tpu.memref_slice %arg5[%add3A_104, %dma_wait3A_109] : memref<160000x128xf32, #tpu.memory_space<hbm>> -> memref<8x64xf32, #tpu.memory_space<hbm>>
      %dma_wait3A_111 = arith.constant 64 : i32
      %dma_wait3A_112 = tpu.memref_slice %arg5[%add3A_104, %dma_wait3A_111] : memref<160000x128xf32, #tpu.memory_space<hbm>> -> memref<8x64xf32, #tpu.memory_space<hbm>>
      tpu.wait_dma2 semaphore(%run_scoped3A : memref<!tpu.dma_semaphore, #tpu.memory_space<semaphore_mem>>) src(%arg15 : memref<8x64xf32, #tpu.memory_space<vmem>>) dst(%dma_wait3A_112 : memref<8x64xf32, #tpu.memory_space<hbm>>)
      tpu.yield
    }) : () -> ()
    return
  }
}

module attributes {stable_mosaic.version = 14 : i64} {
  func.func @_enc1_body(%arg0: i32, %arg1: memref<2000x128xf32, #tpu.memory_space<vmem>>, %arg2: memref<128x128xf32, #tpu.memory_space<vmem>>, %arg3: memref<2x2000x16xf32, #tpu.memory_space<vmem>>, %arg4: memref<2000x128xf32, #tpu.memory_space<vmem>>, %arg5: memref<2000x128xf32, #tpu.memory_space<vmem>>) attributes {dimension_semantics = [#tpu.dimension_semantics<arbitrary>], iteration_bounds = array<i64: 5>, scalar_prefetch = 0 : i64, scratch_operands = 0 : i64, tpu.core_type = #tpu.core_type<tc>, window_params = [{transform_indices = @transform_0, window_bounds = array<i64: 2000, 128>}, {pipeline_mode = #tpu.pipeline_mode<synchronous>, transform_indices = @transform_1, window_bounds = array<i64: 128, 128>}, {transform_indices = @transform_2, window_bounds = array<i64: 2, 2000, 16>}, {transform_indices = @transform_3, window_bounds = array<i64: 2000, 128>}, {transform_indices = @transform_4, window_bounds = array<i64: 2000, 128>}]} {
    %get3A = arith.constant 0 : index
    %get3A_0 = arith.constant 0 : index
    %get3A_1 = arith.constant 0 : index
    %get3A_2 = vector.load %arg3[%get3A, %get3A_0, %get3A_1] : memref<2x2000x16xf32, #tpu.memory_space<vmem>>, vector<1x2000x1xf32>
    %get3A_3 = vector.shape_cast %get3A_2 : vector<1x2000x1xf32> to vector<2000x1xf32>
    %get3A_4 = arith.constant 1 : index
    %get3A_5 = arith.constant 0 : index
    %get3A_6 = arith.constant 0 : index
    %get3A_7 = vector.load %arg3[%get3A_4, %get3A_5, %get3A_6] : memref<2x2000x16xf32, #tpu.memory_space<vmem>>, vector<1x2000x1xf32>
    %get3A_8 = vector.shape_cast %get3A_7 : vector<1x2000x1xf32> to vector<2000x1xf32>
    %add3A = arith.addf %get3A_3, %get3A_8 : vector<2000x1xf32>
    %add3A_9 = arith.constant 1.000000e+00 : f32
    %add3A_10 = vector.broadcast %add3A_9 : f32 to vector<2000x1xf32>
    %add3A_11 = arith.addf %add3A, %add3A_10 : vector<2000x1xf32>
    %rsqrt3A = math.rsqrt %add3A_11 : vector<2000x1xf32>
    %get3A_12 = arith.constant 0 : index
    %get3A_13 = arith.constant 0 : index
    %get3A_14 = vector.load %arg1[%get3A_12, %get3A_13] : memref<2000x128xf32, #tpu.memory_space<vmem>>, vector<2000x128xf32>
    %get3A_15 = arith.constant 0 : index
    %get3A_16 = arith.constant 0 : index
    %get3A_17 = vector.load %arg2[%get3A_15, %get3A_16] : memref<128x128xf32, #tpu.memory_space<vmem>>, vector<128x128xf32>
    %dot_general3A = arith.constant dense<0.000000e+00> : vector<2000x128xf32>
    %dot_general3A_18 = tpu.matmul %get3A_14, %get3A_17, %dot_general3A {dimension_numbers = #tpu.dot_dimension_numbers<[1], [0], [0], [1], [0, 0, 1, 1], [], []>, transpose_lhs_hint = false} : vector<2000x128xf32>, vector<128x128xf32>, vector<2000x128xf32> -> vector<2000x128xf32>
    %swap3A = arith.constant 0 : index
    %swap3A_19 = arith.constant 0 : index
    %swap3A_20 = vector.load %arg4[%swap3A, %swap3A_19] : memref<2000x128xf32, #tpu.memory_space<vmem>>, vector<2000x128xf32>
    tpu.vector_store %arg4[%swap3A, %swap3A_19], %dot_general3A_18 {strides = array<i32>} : memref<2000x128xf32, #tpu.memory_space<vmem>>, vector<2000x128xf32>,
    %mul3A = vector.broadcast %rsqrt3A : vector<2000x1xf32> to vector<2000x128xf32>
    %mul3A_21 = arith.mulf %dot_general3A_18, %mul3A : vector<2000x128xf32>
    %swap3A_22 = arith.constant 0 : index
    %swap3A_23 = arith.constant 0 : index
    %swap3A_24 = vector.load %arg5[%swap3A_22, %swap3A_23] : memref<2000x128xf32, #tpu.memory_space<vmem>>, vector<2000x128xf32>
    tpu.vector_store %arg5[%swap3A_22, %swap3A_23], %mul3A_21 {strides = array<i32>} : memref<2000x128xf32, #tpu.memory_space<vmem>>, vector<2000x128xf32>,
    return
  }
  func.func @transform_0(%arg0: i32) -> (i32, i32) {
    %c0_i32 = arith.constant 0 : i32
    %c0_i32_0 = arith.constant 0 : i32
    return %arg0, %c0_i32 : i32, i32
  }
  func.func @transform_1(%arg0: i32) -> (i32, i32) {
    %c0_i32 = arith.constant 0 : i32
    %c0_i32_0 = arith.constant 0 : i32
    %c0_i32_1 = arith.constant 0 : i32
    return %c0_i32, %c0_i32_0 : i32, i32
  }
  func.func @transform_2(%arg0: i32) -> (i32, i32, i32) {
    %c0_i32 = arith.constant 0 : i32
    %c0_i32_0 = arith.constant 0 : i32
    %c0_i32_1 = arith.constant 0 : i32
    return %c0_i32, %arg0, %c0_i32_0 : i32, i32, i32
  }
  func.func @transform_3(%arg0: i32) -> (i32, i32) {
    %c0_i32 = arith.constant 0 : i32
    %c0_i32_0 = arith.constant 0 : i32
    return %arg0, %c0_i32 : i32, i32
  }
  func.func @transform_4(%arg0: i32) -> (i32, i32) {
    %c0_i32 = arith.constant 0 : i32
    %c0_i32_0 = arith.constant 0 : i32
    return %arg0, %c0_i32 : i32, i32
  }
}

module attributes {stable_mosaic.version = 14 : i64} {
  func.func @_enc23_body(%arg0: i32, %arg1: memref<2x10000x128xf32, #tpu.memory_space<vmem>>, %arg2: memref<10000x128xf32, #tpu.memory_space<vmem>>, %arg3: memref<2x10000x16xf32, #tpu.memory_space<vmem>>, %arg4: memref<1x128xf32, #tpu.memory_space<vmem>>, %arg5: memref<1x128xf32, #tpu.memory_space<vmem>>, %arg6: memref<128x64xf32, #tpu.memory_space<vmem>>, %arg7: memref<10000x64xf32, #tpu.memory_space<vmem>>, %arg8: memref<10000x64xf32, #tpu.memory_space<vmem>>) attributes {dimension_semantics = [#tpu.dimension_semantics<arbitrary>], iteration_bounds = array<i64: 1>, scalar_prefetch = 0 : i64, scratch_operands = 0 : i64, tpu.core_type = #tpu.core_type<tc>, window_params = [{transform_indices = @transform_0, window_bounds = array<i64: 2, 10000, 128>}, {pipeline_mode = #tpu.pipeline_mode<synchronous>, transform_indices = @transform_1, window_bounds = array<i64: 10000, 128>}, {transform_indices = @transform_2, window_bounds = array<i64: 2, 10000, 16>}, {pipeline_mode = #tpu.pipeline_mode<synchronous>, transform_indices = @transform_3, window_bounds = array<i64: 1, 128>}, {pipeline_mode = #tpu.pipeline_mode<synchronous>, transform_indices = @transform_4, window_bounds = array<i64: 1, 128>}, {pipeline_mode = #tpu.pipeline_mode<synchronous>, transform_indices = @transform_5, window_bounds = array<i64: 128, 64>}, {pipeline_mode = #tpu.pipeline_mode<synchronous>, transform_indices = @transform_6, window_bounds = array<i64: 10000, 64>}, {pipeline_mode = #tpu.pipeline_mode<synchronous>, transform_indices = @transform_7, window_bounds = array<i64: 10000, 64>}]} {
    %get3A = arith.constant 0 : index
    %get3A_0 = arith.constant 0 : index
    %get3A_1 = arith.constant 0 : index
    %get3A_2 = vector.load %arg3[%get3A, %get3A_0, %get3A_1] : memref<2x10000x16xf32, #tpu.memory_space<vmem>>, vector<1x10000x1xf32>
    %get3A_3 = vector.shape_cast %get3A_2 : vector<1x10000x1xf32> to vector<10000x1xf32>
    %get3A_4 = arith.constant 1 : index
    %get3A_5 = arith.constant 0 : index
    %get3A_6 = arith.constant 0 : index
    %get3A_7 = vector.load %arg3[%get3A_4, %get3A_5, %get3A_6] : memref<2x10000x16xf32, #tpu.memory_space<vmem>>, vector<1x10000x1xf32>
    %get3A_8 = vector.shape_cast %get3A_7 : vector<1x10000x1xf32> to vector<10000x1xf32>
    %add3A = arith.addf %get3A_3, %get3A_8 : vector<10000x1xf32>
    %add3A_9 = arith.constant 1.000000e+00 : f32
    %add3A_10 = vector.broadcast %add3A_9 : f32 to vector<10000x1xf32>
    %add3A_11 = arith.addf %add3A, %add3A_10 : vector<10000x1xf32>
    %rsqrt3A = math.rsqrt %add3A_11 : vector<10000x1xf32>
    %get3A_12 = arith.constant 0 : index
    %get3A_13 = arith.constant 0 : index
    %get3A_14 = arith.constant 0 : index
    %get3A_15 = vector.load %arg1[%get3A_12, %get3A_13, %get3A_14] : memref<2x10000x128xf32, #tpu.memory_space<vmem>>, vector<1x10000x128xf32>
    %get3A_16 = vector.shape_cast %get3A_15 : vector<1x10000x128xf32> to vector<10000x128xf32>
    %get3A_17 = arith.constant 1 : index
    %get3A_18 = arith.constant 0 : index
    %get3A_19 = arith.constant 0 : index
    %get3A_20 = vector.load %arg1[%get3A_17, %get3A_18, %get3A_19] : memref<2x10000x128xf32, #tpu.memory_space<vmem>>, vector<1x10000x128xf32>
    %get3A_21 = vector.shape_cast %get3A_20 : vector<1x10000x128xf32> to vector<10000x128xf32>
    %add3A_22 = arith.addf %get3A_16, %get3A_21 : vector<10000x128xf32>
    %mul3A = vector.broadcast %rsqrt3A : vector<10000x1xf32> to vector<10000x128xf32>
    %mul3A_23 = arith.mulf %mul3A, %add3A_22 : vector<10000x128xf32>
    %mul3A_24 = arith.mulf %rsqrt3A, %rsqrt3A : vector<10000x1xf32>
    %get3A_25 = arith.constant 0 : index
    %get3A_26 = arith.constant 0 : index
    %get3A_27 = vector.load %arg2[%get3A_25, %get3A_26] : memref<10000x128xf32, #tpu.memory_space<vmem>>, vector<10000x128xf32>
    %mul3A_28 = vector.broadcast %mul3A_24 : vector<10000x1xf32> to vector<10000x128xf32>
    %mul3A_29 = arith.mulf %mul3A_28, %get3A_27 : vector<10000x128xf32>
    %add3A_30 = arith.addf %mul3A_23, %mul3A_29 : vector<10000x128xf32>
    %get3A_31 = arith.constant 0 : index
    %get3A_32 = arith.constant 0 : index
    %get3A_33 = vector.load %arg4[%get3A_31, %get3A_32] : memref<1x128xf32, #tpu.memory_space<vmem>>, vector<1x128xf32>
    %add3A_34 = vector.broadcast %get3A_33 : vector<1x128xf32> to vector<10000x128xf32>
    %add3A_35 = arith.addf %add3A_30, %add3A_34 : vector<10000x128xf32>
    %max3A = arith.constant 0.000000e+00 : f32
    %max3A_36 = vector.broadcast %max3A : f32 to vector<10000x128xf32>
    %max3A_37 = arith.maximumf %add3A_35, %max3A_36 : vector<10000x128xf32>
    %reduce_sum3A = arith.constant dense<0.000000e+00> : vector<128xf32>
    %reduce_sum3A_38 = vector.multi_reduction <add>, %max3A_37, %reduce_sum3A [0] : vector<10000x128xf32> to vector<128xf32>
    %broadcast_in_dim3A = vector.shape_cast %reduce_sum3A_38 : vector<128xf32> to vector<1x128xf32>
    %mul3A_39 = arith.constant 9.99999974E-5 : f32
    %mul3A_40 = vector.broadcast %mul3A_39 : f32 to vector<1x128xf32>
    %mul3A_41 = arith.mulf %broadcast_in_dim3A, %mul3A_40 : vector<1x128xf32>
    %mul3A_42 = arith.mulf %max3A_37, %max3A_37 : vector<10000x128xf32>
    %reduce_sum3A_43 = arith.constant dense<0.000000e+00> : vector<128xf32>
    %reduce_sum3A_44 = vector.multi_reduction <add>, %mul3A_42, %reduce_sum3A_43 [0] : vector<10000x128xf32> to vector<128xf32>
    %broadcast_in_dim3A_45 = vector.shape_cast %reduce_sum3A_44 : vector<128xf32> to vector<1x128xf32>
    %mul3A_46 = arith.constant 9.99999974E-5 : f32
    %mul3A_47 = vector.broadcast %mul3A_46 : f32 to vector<1x128xf32>
    %mul3A_48 = arith.mulf %broadcast_in_dim3A_45, %mul3A_47 : vector<1x128xf32>
    %mul3A_49 = arith.mulf %mul3A_41, %mul3A_41 : vector<1x128xf32>
    %sub3A = arith.subf %mul3A_48, %mul3A_49 : vector<1x128xf32>
    %max3A_50 = arith.constant 0.000000e+00 : f32
    %max3A_51 = vector.broadcast %max3A_50 : f32 to vector<1x128xf32>
    %max3A_52 = arith.maximumf %sub3A, %max3A_51 : vector<1x128xf32>
    %sqrt3A = math.sqrt %max3A_52 : vector<1x128xf32>
    %get3A_53 = arith.constant 0 : index
    %get3A_54 = arith.constant 0 : index
    %get3A_55 = vector.load %arg5[%get3A_53, %get3A_54] : memref<1x128xf32, #tpu.memory_space<vmem>>, vector<1x128xf32>
    %mul3A_56 = arith.mulf %sqrt3A, %get3A_55 : vector<1x128xf32>
    %add3A_57 = arith.addf %mul3A_41, %mul3A_56 : vector<1x128xf32>
    %add3A_58 = vector.broadcast %add3A_57 : vector<1x128xf32> to vector<10000x128xf32>
    %add3A_59 = arith.addf %max3A_37, %add3A_58 : vector<10000x128xf32>
    %get3A_60 = arith.constant 0 : index
    %get3A_61 = arith.constant 0 : index
    %get3A_62 = vector.load %arg6[%get3A_60, %get3A_61] : memref<128x64xf32, #tpu.memory_space<vmem>>, vector<128x64xf32>
    %dot_general3A = arith.constant dense<0.000000e+00> : vector<10000x64xf32>
    %dot_general3A_63 = tpu.matmul %add3A_59, %get3A_62, %dot_general3A {dimension_numbers = #tpu.dot_dimension_numbers<[1], [0], [0], [1], [0, 0, 1, 1], [], []>, transpose_lhs_hint = false} : vector<10000x128xf32>, vector<128x64xf32>, vector<10000x64xf32> -> vector<10000x64xf32>
    %swap3A = arith.constant 0 : index
    %swap3A_64 = arith.constant 0 : index
    %swap3A_65 = vector.load %arg7[%swap3A, %swap3A_64] : memref<10000x64xf32, #tpu.memory_space<vmem>>, vector<10000x64xf32>
    tpu.vector_store %arg7[%swap3A, %swap3A_64], %dot_general3A_63 {strides = array<i32>} : memref<10000x64xf32, #tpu.memory_space<vmem>>, vector<10000x64xf32>,
    %mul3A_66 = vector.broadcast %rsqrt3A : vector<10000x1xf32> to vector<10000x64xf32>
    %mul3A_67 = arith.mulf %dot_general3A_63, %mul3A_66 : vector<10000x64xf32>
    %swap3A_68 = arith.constant 0 : index
    %swap3A_69 = arith.constant 0 : index
    %swap3A_70 = vector.load %arg8[%swap3A_68, %swap3A_69] : memref<10000x64xf32, #tpu.memory_space<vmem>>, vector<10000x64xf32>
    tpu.vector_store %arg8[%swap3A_68, %swap3A_69], %mul3A_67 {strides = array<i32>} : memref<10000x64xf32, #tpu.memory_space<vmem>>, vector<10000x64xf32>,
    return
  }
  func.func @transform_0(%arg0: i32) -> (i32, i32, i32) {
    %c0_i32 = arith.constant 0 : i32
    %c0_i32_0 = arith.constant 0 : i32
    %c0_i32_1 = arith.constant 0 : i32
    %c0_i32_2 = arith.constant 0 : i32
    return %c0_i32, %c0_i32_0, %c0_i32_1 : i32, i32, i32
  }
  func.func @transform_1(%arg0: i32) -> (i32, i32) {
    %c0_i32 = arith.constant 0 : i32
    %c0_i32_0 = arith.constant 0 : i32
    %c0_i32_1 = arith.constant 0 : i32
    return %c0_i32, %c0_i32_0 : i32, i32
  }
  func.func @transform_2(%arg0: i32) -> (i32, i32, i32) {
    %c0_i32 = arith.constant 0 : i32
    %c0_i32_0 = arith.constant 0 : i32
    %c0_i32_1 = arith.constant 0 : i32
    %c0_i32_2 = arith.constant 0 : i32
    return %c0_i32, %c0_i32_0, %c0_i32_1 : i32, i32, i32
  }
  func.func @transform_3(%arg0: i32) -> (i32, i32) {
    %c0_i32 = arith.constant 0 : i32
    %c0_i32_0 = arith.constant 0 : i32
    %c0_i32_1 = arith.constant 0 : i32
    return %c0_i32, %c0_i32_0 : i32, i32
  }
  func.func @transform_4(%arg0: i32) -> (i32, i32) {
    %c0_i32 = arith.constant 0 : i32
    %c0_i32_0 = arith.constant 0 : i32
    %c0_i32_1 = arith.constant 0 : i32
    return %c0_i32, %c0_i32_0 : i32, i32
  }
  func.func @transform_5(%arg0: i32) -> (i32, i32) {
    %c0_i32 = arith.constant 0 : i32
    %c0_i32_0 = arith.constant 0 : i32
    %c0_i32_1 = arith.constant 0 : i32
    return %c0_i32, %c0_i32_0 : i32, i32
  }
  func.func @transform_6(%arg0: i32) -> (i32, i32) {
    %c0_i32 = arith.constant 0 : i32
    %c0_i32_0 = arith.constant 0 : i32
    %c0_i32_1 = arith.constant 0 : i32
    return %c0_i32, %c0_i32_0 : i32, i32
  }
  func.func @transform_7(%arg0: i32) -> (i32, i32) {
    %c0_i32 = arith.constant 0 : i32
    %c0_i32_0 = arith.constant 0 : i32
    %c0_i32_1 = arith.constant 0 : i32
    return %c0_i32, %c0_i32_0 : i32, i32
  }
}

module attributes {stable_mosaic.version = 14 : i64} {
  func.func @_enc4_body(%arg0: i32, %arg1: memref<2x2000x64xf32, #tpu.memory_space<vmem>>, %arg2: memref<2000x64xf32, #tpu.memory_space<vmem>>, %arg3: memref<2x2000x16xf32, #tpu.memory_space<vmem>>, %arg4: memref<1x64xf32, #tpu.memory_space<vmem>>, %arg5: memref<2000x64xf32, #tpu.memory_space<vmem>>) attributes {dimension_semantics = [#tpu.dimension_semantics<arbitrary>], iteration_bounds = array<i64: 5>, scalar_prefetch = 0 : i64, scratch_operands = 0 : i64, tpu.core_type = #tpu.core_type<tc>, window_params = [{transform_indices = @transform_0, window_bounds = array<i64: 2, 2000, 64>}, {transform_indices = @transform_1, window_bounds = array<i64: 2000, 64>}, {transform_indices = @transform_2, window_bounds = array<i64: 2, 2000, 16>}, {pipeline_mode = #tpu.pipeline_mode<synchronous>, transform_indices = @transform_3, window_bounds = array<i64: 1, 64>}, {transform_indices = @transform_4, window_bounds = array<i64: 2000, 64>}]} {
    %get3A = arith.constant 0 : index
    %get3A_0 = arith.constant 0 : index
    %get3A_1 = arith.constant 0 : index
    %get3A_2 = vector.load %arg3[%get3A, %get3A_0, %get3A_1] : memref<2x2000x16xf32, #tpu.memory_space<vmem>>, vector<1x2000x1xf32>
    %get3A_3 = vector.shape_cast %get3A_2 : vector<1x2000x1xf32> to vector<2000x1xf32>
    %get3A_4 = arith.constant 1 : index
    %get3A_5 = arith.constant 0 : index
    %get3A_6 = arith.constant 0 : index
    %get3A_7 = vector.load %arg3[%get3A_4, %get3A_5, %get3A_6] : memref<2x2000x16xf32, #tpu.memory_space<vmem>>, vector<1x2000x1xf32>
    %get3A_8 = vector.shape_cast %get3A_7 : vector<1x2000x1xf32> to vector<2000x1xf32>
    %add3A = arith.addf %get3A_3, %get3A_8 : vector<2000x1xf32>
    %add3A_9 = arith.constant 1.000000e+00 : f32
    %add3A_10 = vector.broadcast %add3A_9 : f32 to vector<2000x1xf32>
    %add3A_11 = arith.addf %add3A, %add3A_10 : vector<2000x1xf32>
    %rsqrt3A = math.rsqrt %add3A_11 : vector<2000x1xf32>
    %get3A_12 = arith.constant 0 : index
    %get3A_13 = arith.constant 0 : index
    %get3A_14 = arith.constant 0 : index
    %get3A_15 = vector.load %arg1[%get3A_12, %get3A_13, %get3A_14] : memref<2x2000x64xf32, #tpu.memory_space<vmem>>, vector<1x2000x64xf32>
    %get3A_16 = vector.shape_cast %get3A_15 : vector<1x2000x64xf32> to vector<2000x64xf32>
    %get3A_17 = arith.constant 1 : index
    %get3A_18 = arith.constant 0 : index
    %get3A_19 = arith.constant 0 : index
    %get3A_20 = vector.load %arg1[%get3A_17, %get3A_18, %get3A_19] : memref<2x2000x64xf32, #tpu.memory_space<vmem>>, vector<1x2000x64xf32>
    %get3A_21 = vector.shape_cast %get3A_20 : vector<1x2000x64xf32> to vector<2000x64xf32>
    %add3A_22 = arith.addf %get3A_16, %get3A_21 : vector<2000x64xf32>
    %mul3A = vector.broadcast %rsqrt3A : vector<2000x1xf32> to vector<2000x64xf32>
    %mul3A_23 = arith.mulf %mul3A, %add3A_22 : vector<2000x64xf32>
    %mul3A_24 = arith.mulf %rsqrt3A, %rsqrt3A : vector<2000x1xf32>
    %get3A_25 = arith.constant 0 : index
    %get3A_26 = arith.constant 0 : index
    %get3A_27 = vector.load %arg2[%get3A_25, %get3A_26] : memref<2000x64xf32, #tpu.memory_space<vmem>>, vector<2000x64xf32>
    %mul3A_28 = vector.broadcast %mul3A_24 : vector<2000x1xf32> to vector<2000x64xf32>
    %mul3A_29 = arith.mulf %mul3A_28, %get3A_27 : vector<2000x64xf32>
    %add3A_30 = arith.addf %mul3A_23, %mul3A_29 : vector<2000x64xf32>
    %get3A_31 = arith.constant 0 : index
    %get3A_32 = arith.constant 0 : index
    %get3A_33 = vector.load %arg4[%get3A_31, %get3A_32] : memref<1x64xf32, #tpu.memory_space<vmem>>, vector<1x64xf32>
    %add3A_34 = vector.broadcast %get3A_33 : vector<1x64xf32> to vector<2000x64xf32>
    %add3A_35 = arith.addf %add3A_30, %add3A_34 : vector<2000x64xf32>
    %swap3A = arith.constant 0 : index
    %swap3A_36 = arith.constant 0 : index
    %swap3A_37 = vector.load %arg5[%swap3A, %swap3A_36] : memref<2000x64xf32, #tpu.memory_space<vmem>>, vector<2000x64xf32>
    tpu.vector_store %arg5[%swap3A, %swap3A_36], %add3A_35 {strides = array<i32>} : memref<2000x64xf32, #tpu.memory_space<vmem>>, vector<2000x64xf32>,
    return
  }
  func.func @transform_0(%arg0: i32) -> (i32, i32, i32) {
    %c0_i32 = arith.constant 0 : i32
    %c0_i32_0 = arith.constant 0 : i32
    %c0_i32_1 = arith.constant 0 : i32
    return %c0_i32, %arg0, %c0_i32_0 : i32, i32, i32
  }
  func.func @transform_1(%arg0: i32) -> (i32, i32) {
    %c0_i32 = arith.constant 0 : i32
    %c0_i32_0 = arith.constant 0 : i32
    return %arg0, %c0_i32 : i32, i32
  }
  func.func @transform_2(%arg0: i32) -> (i32, i32, i32) {
    %c0_i32 = arith.constant 0 : i32
    %c0_i32_0 = arith.constant 0 : i32
    %c0_i32_1 = arith.constant 0 : i32
    return %c0_i32, %arg0, %c0_i32_0 : i32, i32, i32
  }
  func.func @transform_3(%arg0: i32) -> (i32, i32) {
    %c0_i32 = arith.constant 0 : i32
    %c0_i32_0 = arith.constant 0 : i32
    %c0_i32_1 = arith.constant 0 : i32
    return %c0_i32, %c0_i32_0 : i32, i32
  }
  func.func @transform_4(%arg0: i32) -> (i32, i32) {
    %c0_i32 = arith.constant 0 : i32
    %c0_i32_0 = arith.constant 0 : i32
    return %arg0, %c0_i32 : i32, i32
  }
}

module attributes {stable_mosaic.version = 14 : i64} {
  func.func @_dot_body(%arg0: i32, %arg1: memref<5120x128xf32, #tpu.memory_space<vmem>>, %arg2: memref<40x128xf32, #tpu.memory_space<vmem>>) attributes {dimension_semantics = [#tpu.dimension_semantics<parallel>], iteration_bounds = array<i64: 32>, scalar_prefetch = 0 : i64, scratch_operands = 0 : i64, tpu.core_type = #tpu.core_type<tc>, window_params = [{transform_indices = @transform_0, window_bounds = array<i64: 5120, 128>}, {transform_indices = @transform_1, window_bounds = array<i64: 40, 128>}]} {
    %get3A = arith.constant 0 : index
    %get3A_0 = arith.constant 0 : index
    %get3A_1 = vector.load %arg1[%get3A, %get3A_0] : memref<5120x128xf32, #tpu.memory_space<vmem>>, vector<5120x128xf32>
    %slice3A = vector.extract_strided_slice %get3A_1 {offsets = [0, 0], sizes = [5120, 64], strides = [1, 1]} : vector<5120x128xf32> to vector<5120x64xf32>
    %slice3A_2 = vector.extract_strided_slice %get3A_1 {offsets = [0, 64], sizes = [5120, 64], strides = [1, 1]} : vector<5120x128xf32> to vector<5120x64xf32>
    %mul3A = arith.mulf %slice3A, %slice3A_2 : vector<5120x64xf32>
    %reduce_sum3A = arith.constant dense<0.000000e+00> : vector<5120xf32>
    %reduce_sum3A_3 = vector.multi_reduction <add>, %mul3A, %reduce_sum3A [1] : vector<5120x64xf32> to vector<5120xf32>
    %reshape3A = vector.shape_cast %reduce_sum3A_3 : vector<5120xf32> to vector<40x128xf32>
    %swap3A = arith.constant 0 : index
    %swap3A_4 = arith.constant 0 : index
    %swap3A_5 = vector.load %arg2[%swap3A, %swap3A_4] : memref<40x128xf32, #tpu.memory_space<vmem>>, vector<40x128xf32>
    tpu.vector_store %arg2[%swap3A, %swap3A_4], %reshape3A {strides = array<i32>} : memref<40x128xf32, #tpu.memory_space<vmem>>, vector<40x128xf32>,
    return
  }
  func.func @transform_0(%arg0: i32) -> (i32, i32) {
    %c0_i32 = arith.constant 0 : i32
    %c0_i32_0 = arith.constant 0 : i32
    return %arg0, %c0_i32 : i32, i32
  }
  func.func @transform_1(%arg0: i32) -> (i32, i32) {
    %c0_i32 = arith.constant 0 : i32
    %c0_i32_0 = arith.constant 0 : i32
    return %arg0, %c0_i32 : i32, i32
  }
}

</mosaic_0001>

<sc_bundles>
// kernel: kernel.12.cloned.1.call-start
scs
__scs_entry_jumppad:
0x0: {  	(pc) =	sbr.rel $0x88, $3  }
0x1: {  	(tag) =	ssettag $0x0;
	lr =	simm.s32 $0x1  }
0x2: {  	[smem:$0x3F9A] =	sst lr;
	_ =	strace $0xD0000000  }
0x3: {  	_ = 	snop  }
0x4: {  	_ = 	snop  }
0x5: {  	_ = 	snop  }
0x6: {  	_ = 	snop  }
0x7: {  	_ = 	snop  }
__scs_overlays_trampoline_lowered:
0x8: {  	[smem:$0x3FA9] =	sst s0  }
0x9: {  	[smem:$0x3FAA] =	sst s1  }
0xa: {  	[smem:$0x3FAB] =	sst s2  }
0xb: {  	[smem:$0x3FAC] =	sst s3  }
0xc: {  	[smem:$0x3FAD] =	sst s4  }
0xd: {  	[smem:$0x3FAE] =	sst s5  }
0xe: {  	[smem:$0x3FAF] =	sst s6  }
0xf: {  	[smem:$0x3FB0] =	sst s7  }
0x10: {  	[smem:$0x3FB1] =	sst s8  }
0x11: {  	[smem:$0x3FB2] =	sst s9;
	s0 =	simm.s32 @!p0 $0x0  }
0x12: {  	s1 =	sld [smem:$0x3F98];
	s0 =	simm.s32 @p0 $0x1  }
0x13: {  	[smem:$0x3FB3] =	sst s0;
	s0 =	simm.s32 @!p1 $0x0  }
0x14: {  	s2 =	sld [smem:$0x3F97];
	s0 =	simm.s32 @p1 $0x1  }
0x15: {  	[smem:$0x3FB4] =	sst s0;
	s0 =	simm.s32 @!p2 $0x0  }
0x16: {  	s3 =	sld [smem:$0x3FDB];
	s0 =	simm.s32 @p2 $0x1  }
0x17: {  	s4 =	simm.s32 $0x1BF5;
	[smem:$0x3FB6] =	sst s0  }
0x18: {  	s0 =	sld [smem:$0x3F99];
	_ =	swait.ge [sflag:s4], $0x0  }
0x19: {  	s7 =	sld [smem:$0x3F9A]  }
0x1a: {  	s8 =	sadd.s32 $0xFFFFE003, lr  }
0x1b: {  	s9 =	sadd.s32 $0xFFFFFEF7, lr;
	s5 =	simm.s32 $0xFFFFFFFF;
	p2 =	slt.u32 s8, $0xFFFFF086  }
0x1c: {  	p1 =	slt.u32 s9, $0xF7A;
	s5 =	simm.s32 @!p2 $0x0  }
0x1d: {  	s5 =	simm.s32 @p1 $0x1;
	p0 =	seq.s32 s7, s2  }
0x1e: {  	s7 =	smul.u32 @!p0 $0xF7A, s2;
	p2 =	seq.s32 @!p0 s5, $0x0  }
0x1f: {  	s9 =	smul.u32 $0xF7A, s1;
	s8 =	simm.s32 @!p0 $0x1BF5;
	p2 =	por !p2, p0  }
0x20: {  	[sflag:s8] =	ssyncset.s32 @!p0 $0xFFFFF086;
	s6 =	sadd.s32 @!p0 s3, s7;
	s7 =	simm.s32 @!p0 $0x108  }
0x21: {  	s3 =	sadd.s32 s3, s9;
	s6 =	sadd.s32 @!p0 $0x88, s6;
	s7 =	simm.s32 @p2 $0x1082  }
0x22: {  	[simem:s7], [sflag:s8] =	dma.local @!p0 [hbm:s6], $0xF7A  }
0x23: {  	s9 =	sor.u32 $0xD0000000, s2;
	s6 =	simm.s32 $0x108;
	_ =	swait.ge @!p0 [sflag:s8], $0x0  }
0x24: {  	s3 =	sadd.s32 $0x88, s3;
	s6 =	simm.s32 @!p1 $0x1082;
	[sflag:s4] =	ssyncset.s32 $0xFFFFF086  }
0x25: {  	[simem:s6], [sflag:s4] =	dma.local [hbm:s3], $0xF7A  }
0x26: {  	[smem:$0x3F9A] =	sst s1;
	(tag) =	ssettag s2;
	_ =	strace s9  }
0x27: {  	s1 =	sld [smem:$0x3FAA]  }
0x28: {  	s2 =	sld [smem:$0x3FAB]  }
0x29: {  	s4 =	sld [smem:$0x3FAD]  }
0x2a: {  	p0 =	seq.s32 s5, $0x0;
	s5 =	sld [smem:$0x3FAE]  }
0x2b: {  	s6 =	sld [smem:$0x3FAF]  }
0x2c: {  	s7 =	sld [smem:$0x3FB0]  }
0x2d: {  	s3 =	simm.s32 $0x108;
	s8 =	sld [smem:$0x3FB1]  }
0x2e: {  	s3 =	simm.s32 @!p0 $0x1082;
	s9 =	sld [smem:$0x3FB2]  }
0x2f: {  	lr =	sadd.s32 s0, s3;
	s0 =	sld [smem:$0x3FA9]  }
0x30: {  	s3 =	sld [smem:$0x3FAC]  }
0x31: {  	[smem:$0x3FB5] =	sst s10  }
0x32: {  	s10 =	sld [smem:$0x3FB3];
	_ =	sdelay $0x3  }
0x33: {  	p0 =	seq.s32 s10, $0x1;
	s10 =	sld [smem:$0x3FB5];
	_ =	sdelay $0x3  }
0x34: {  	[smem:$0x3FB5] =	sst s10  }
0x35: {  	s10 =	sld [smem:$0x3FB4];
	_ =	sdelay $0x3  }
0x36: {  	p1 =	seq.s32 s10, $0x1;
	s10 =	sld [smem:$0x3FB5];
	_ =	sdelay $0x3  }
0x37: {  	[smem:$0x3FB5] =	sst s10  }
0x38: {  	s10 =	sld [smem:$0x3FB6]  }
0x39: {  	_ = 	snop;
	(pc) =	sbr.ind lr, $3  }
0x3a: {  	_ = 	snop  }
0x3b: {  	_ = 	snop  }
0x3c: {  	p2 =	seq.s32 s10, $0x1;
	s10 =	sld [smem:$0x3FB5]  }
0x3d: {  	_ =	shalt  }
0x3e: {  	_ =	shalt  }
0x3f: {  	_ =	shalt  }
0x40: {  	_ =	shalt  }
0x41: {  	_ =	shalt  }
0x42: {  	_ =	shalt  }
0x43: {  	_ =	shalt  }
0x44: {  	_ =	shalt  }
0x45: {  	_ =	shalt  }
0x46: {  	_ =	shalt  }
0x47: {  	_ =	shalt  }
0x48: {  	_ =	shalt  }
0x49: {  	_ =	shalt  }
0x4a: {  	_ =	shalt  }
0x4b: {  	_ =	shalt  }
0x4c: {  	_ =	shalt  }
0x4d: {  	_ =	shalt  }
0x4e: {  	_ =	shalt  }
0x4f: {  	_ =	shalt  }
0x50: {  	_ =	shalt  }
0x51: {  	_ =	shalt  }
0x52: {  	_ =	shalt  }
0x53: {  	_ =	shalt  }
0x54: {  	_ =	shalt  }
0x55: {  	_ =	shalt  }
0x56: {  	_ =	shalt  }
0x57: {  	_ =	shalt  }
0x58: {  	_ =	shalt  }
0x59: {  	_ =	shalt  }
0x5a: {  	_ =	shalt  }
0x5b: {  	_ =	shalt  }
0x5c: {  	_ =	shalt  }
0x5d: {  	_ =	shalt  }
0x5e: {  	_ =	shalt  }
0x5f: {  	_ =	shalt  }
0x60: {  	_ =	shalt  }
0x61: {  	_ =	shalt  }
0x62: {  	_ =	shalt  }
0x63: {  	_ =	shalt  }
0x64: {  	_ =	shalt  }
0x65: {  	_ =	shalt  }
0x66: {  	_ =	shalt  }
0x67: {  	_ =	shalt  }
0x68: {  	_ =	shalt  }
0x69: {  	_ =	shalt  }
0x6a: {  	_ =	shalt  }
0x6b: {  	_ =	shalt  }
0x6c: {  	_ =	shalt  }
0x6d: {  	_ =	shalt  }
0x6e: {  	_ =	shalt  }
0x6f: {  	_ =	shalt  }
0x70: {  	_ =	shalt  }
0x71: {  	_ =	shalt  }
0x72: {  	_ =	shalt  }
0x73: {  	_ =	shalt  }
0x74: {  	_ =	shalt  }
0x75: {  	_ =	shalt  }
0x76: {  	_ =	shalt  }
0x77: {  	_ =	shalt  }
0x78: {  	_ =	shalt  }
0x79: {  	_ =	shalt  }
0x7a: {  	_ =	shalt  }
0x7b: {  	_ =	shalt  }
0x7c: {  	_ =	shalt  }
0x7d: {  	_ =	shalt  }
0x7e: {  	_ =	shalt  }
0x7f: {  	_ =	shalt  }
0x80: {  	_ =	shalt  }
0x81: {  	_ =	shalt  }
0x82: {  	_ =	shalt  }
0x83: {  	_ =	shalt  }
0x84: {  	_ =	shalt  }
0x85: {  	_ =	shalt  }
0x86: {  	_ =	shalt  }
0x87: {  	_ =	shalt  }
.Lfunc_end0:
.L_simem_size_0:
called_computation_lowered:
.L_overlay_start_0:
0x88: {  	s2 =	sld [smem:$0x3FD9]  }
0x89: {  	s3 =	sld [smem:$0x3FFE];
	_ =	sdelay $0x1  }
0x8a: {  	s1 =	srdreg.scid  }
0x8b: {  	s0 =	sand.u32 $0x1, s1  }
0x8c: {  	s16 =	sshll.u32 s0, $0xA;
	s2 =	sadd.s32 s3, s2  }
0x8d: {  	s2 =	sadd.s32 s2, s16  }
0x8e: {  	[smem:$0x3FC1] =	sst s2  }
0x8f: {  	_ = 	snop  }
0x90: {  	(tm) =	ssettm $0x1  }
0x91: {  	s17 =	sld [smem:$0x3FFB];
	_ =	sdelay $0x3  }
0x92: {  	_ =	strace s17  }
0x93: {  	s2 =	sld [smem:$0x3FFC];
	_ =	sdelay $0x3  }
0x94: {  	_ =	strace s2  }
0x95: {  	s2 =	sld [smem:$0x3FFD];
	_ =	sdelay $0x3  }
0x96: {  	_ =	strace s2  }
0x97: {  	_ =	strace $0x8FFFFFFF  }
0x98: {  	s18 =	sld [smem:$0x3FDB];
	_ =	sdelay $0x1  }
0x99: {  	s19 =	simm.s32 $_scs_section_size  }
0x9a: {  	s4 =	simm.s32 $_size__tile_overlayer_lowered;
	s5 =	simm.s32 $_tile_overlayer_lowered  }
0x9b: {  	s22 =	simm.s32 $0x1BFF;
	s21 =	sshll.u32 s5, $0x1;
	s2 =	sadd.s32 s19, s18  }
0x9c: {  	s6 =	simm.s32 $0x0;
	s20 =	sshll.u32 s4, $0x1;
	s4 =	sadd.s32 s21, s2  }
0x9d: {  	[timem:s6], [sflag:s22] =	dma.local [hbm:s4], s20  }
0x9e: {  	_ =	swait.ge [sflag:s22], s20  }
0x9f: {  	s3 =	ssub.s32 $0x0, s20;
	[sflag:s22] =	ssyncset.done $0x0  }
0xa0: {  	[sflag:s22] =	ssyncadd.s32 s3;
	_ =	sdelay $0x1  }
0xa1: {  	s23 =	simm.s32 $0x1B8B  }
0xa2: {  	_ =	swait.ge [sflag:s23], $0x1  }
0xa3: {  	[sflag:s23] =	ssyncset.done $0x0  }
0xa4: {  	s25 =	simm.s32 $0x1B8E;
	s24 =	sld [smem:$0x3FFE];
	[sflag:s23] =	ssyncadd.s32 $0xFFFFFFFF  }
0xa5: {  	s26 =	simm.s32 $execute0_lowered;
	[smem:$0x3FD2] =	sst s25  }
0xa6: {  	s4 =	sshll.u32 s26, $0x1;
	_ =	strace $0x80000046;
	[dreg:$0x1] =	wrdreg $0xFFFFFFFF  }
0xa7: {  	s28 =	simm.s32 $_size_execute0_lowered;
	s2 =	sadd.s32 s2, s4;
	[dreg:$0x0] =	wrdreg $0x0  }
0xa8: {  	s4 =	sshll.u32 s28, $0x1;
	[dreg:$0x2] =	wrdreg s2  }
0xa9: {  	[dreg:$0x3] =	wrdreg s4  }
0xaa: {  	[dreg:$0x4] =	wrdreg $0xC0  }
0xab: {  	_ =	task [dreg:s6], $0x5FFFF  }
0xac: {  	[dreg:$0x1] =	wrdreg $0xFFFFFFFF  }
0xad: {  	[dreg:$0x0] =	wrdreg $0x60  }
0xae: {  	[dreg:$0x2] =	wrdreg s24  }
0xaf: {  	[dreg:$0x3] =	wrdreg $0x2F100  }
0xb0: {  	[dreg:$0x4] =	wrdreg $0x9  }
0xb1: {  	_ =	task.clear_ibuf [dreg:s6], $0x5FFFF;
	_ =	strace $0x90000046  }
0xb2: {  	s29 =	simm.s32 $0x9;
	_ =	strace $0x80000048  }
0xb3: {  	_ =	swait.ge [sflag:s29], $0x1  }
0xb4: {  	[sflag:s29] =	ssyncadd.s32 $0xFFFFFFFF  }
0xb5: {  	_ =	strace $0x90000048  }
0xb6: {  	_ =	sfence  }
0xb7: {  	s30 =	sld [smem:$0x0];
	_ =	sdelay $0x2  }
0xb8: {  	s31 =	sshll.u32 s1, $0xD;
	s1 =	sshrl.u32 s1, $0x2  }
0xb9: {  	s3 =	sand.u32 $0x4000, s31;
	s1 =	sadd.s32 s1, s30  }
0xba: {  	s0 =	sor.u32 s3, s0;
	s1 =	sshll.u32 s1, $0x11  }
0xbb: {  	s0 =	sor.u32 s1, s0  }
0xbc: {  	s0 =	sadd.s32 $0x8F2B, s0  }
0xbd: {  	[sflag:s0] =	ssyncadd.remote.s32 $0x1  }
0xbe: {  	_ =	sfence.sel $0xFFFF  }
0xbf: {  	[dreg:$0x0] =	wrdreg $0xFFFFFFFF;
	(pc) =	sbr.abs _section_cstart, $3  }
0xc0: {  	[dreg:$0x1] =	wrdreg $0xFFFFFFFF  }
0xc1: {  	_ =	task.clear_ibuf [dreg:s6], $0x2FFFF;
	_ =	strace $0x9FFFFFFF  }
0xc2: {  	(tm) =	ssettm $0x7FFFFFFF  }
0xc3: {  	_ =	shalt  }
tec
execute0_lowered:
.L_overlay_start_1:
0x0: {  	(tag) =	ssettag $0x1  }
0x1: {  	s0 =	srdreg.scid;
	s6 =	rddreg [dreg:$0x0]  }
0x2: {  	s2 =	rddreg [dreg:$0x1];
	s3 =	simm.s32 $0x0;
	s13 =	simm.s32 $0x1  }
0x3: {  	s14 =	simm.s32 $0x80;
	s5 =	sand.u32 $0x1, s0;
	s0 =	stileid.u32  }
0x4: {  	s15 =	simm.s32 $0x10;
	s16 =	simm.s32 $0x2700;
	s7 =	smul.u32 $0x500, s0  }
0x5: {  	s17 =	simm.s32 $0x0;
	[smem:$0x7FF] =	sst s3;
	s8 =	smul.u32 $0x5000, s5  }
0x6: {  	s1 =	sshll.u32 s5, $0x4;
	s10 =	ssub.s32 $0x2, s5;
	s11 =	smul.u32 $0xA000, s0  }
0x7: {  	s5 =	sadd.s32 $0xBA00, s6;
	s31 =	sshll.u32 s0, $0x6;
	s4 =	sor.u32 s0, s1  }
0x8: {  	s1 =	rddreg [dreg:$0x2];
	_ =	strace $0x80000047;
	s29 =	sshrl.u32 s10, $0x1  }
0x9: {  	s4 =	smul.u32 $0x4E2, s4;
	s7 =	sadd.s32 s7, s8;
	s30 =	sshrl.u32 s11, $0x2  }
0xa: {  	s10 =	ssub.s32 s10, s29;
	s12 =	sadd.s32 s7, s6;
	s11 =	sadd.s32 s30, s2  }
0xb: {  	s7 =	sor.u32 $0x1C02, s31;
	s9 =	sadd.s32 s4, s6;
	s4 =	sadd.s32 $0xB800, s6  }
0xc: {  	s8 =	sadd.s32 $0xC000, s12;
	s12 =	simm.s32 $0x2710;
	s6 =	sadd.s32 $0x1A00, s9  }
0xd: {  	s9 =	smax.u32 s10, $0x1;
	s10 =	sshrl.u32 s11, $0x3;
	s11 =	simm.s32 $0x2  }
.LBB2_1:
0xe: {  	[tilespmem:s3], [sflag:$0x1] =	stream.linear.gather [hbm4b:s6+s3], $0x2710, $0x38;
	[tilespmem:$0x5710] =	vst v63  }
0xf: {  	[spmem:s10], [sflag:s7] =	dma.local [hbm:s5], $0x500  }
0x10: {  	_ =	swait.ge [sflag:s11], $0x500  }
0x11: {  	[sflag:s11] =	ssyncset.done $0x0  }
0x12: {  	[sflag:s11] =	ssyncadd.s32 $0xFFFFFB00  }
0x13: {  	[tilespmem:s12], [sflag:$0x2] =	stream.linear.gather [hbm4b:s4+s3], $0x800, $0x38;
	[tilespmem:$0x5710] =	vst v63  }
0x14: {  	_ =	swait.ge [sflag:s11], $0x800  }
0x15: {  	[sflag:s11] =	ssyncset.done $0x0  }
0x16: {  	[sflag:s11] =	ssyncadd.s32 $0xFFFFF800  }
0x17: {  	_ =	swait.ge [sflag:s13], $0x2710  }
0x18: {  	[sflag:s13] =	ssyncset.done $0x0  }
0x19: {  	[sflag:s13] =	ssyncadd.s32 $0xFFFFD8F0  }
0x1a: {  	s18 =	simm.s32 $0x0;
	[bflag:$0x0] =	sbarrier.arrive $0xFFFF  }
0x1b: {  	[spmem:s2] =	stream.indirect.scatter.add.f32 [tilespmem:s12], [sflag:$0x2], $0x10, s18, s14, $0xb8;
	[tilespmem:$0x5710] =	vst v63  }
0x1c: {  	_ =	swait.ge [sflag:s11], $0x800  }
0x1d: {  	s18 =	simm.s32 $0x200;
	[sflag:s11] =	ssyncset.done $0x0  }
.LBB2_2:
0x1e: {  	s19 =	sshra.s32 s18, $0x2;
	[sflag:s11] =	ssyncadd.s32 $0xFFFFF800;
	p0 =	sne.s32 s18, $0x9A00  }
0x1f: {  	[spmem:s2] =	stream.indirect.scatter.add.f32 [tilespmem:s12], [sflag:$0x2], $0x10, s19, s14, $0xb8;
	[tilespmem:$0x5710] =	vst v63  }
.Ltmp0:
0x20: {  	_ = 	snop;
	(pc) =	sbr.rel @p0 .LBB2_2-.Ltmp0, $4  }
0x21: {  	_ = 	snop  }
0x22: {  	s18 =	sadd.s32 $0x200, s18  }
0x23: {  	_ =	swait.ge [sflag:s11], $0x800  }
0x24: {  	[sflag:s11] =	ssyncset.done $0x0  }
0x25: {  	[sflag:s11] =	ssyncadd.s32 $0xFFFFF800  }
0x26: {  	[spmem:s2] =	stream.indirect.scatter.add.f32 [tilespmem:s12], [sflag:$0x2], $0x10, s16, s15, $0xb8;
	[tilespmem:$0x5710] =	vst v63  }
0x27: {  	_ =	swait.ge [sflag:s11], $0x100  }
0x28: {  	s17 =	sadd.s32 $0x1, s17;
	[sflag:s11] =	ssyncset.done $0x0  }
0x29: {  	p0 =	sne.s32 s17, s9;
	[sflag:s11] =	ssyncadd.s32 $0xFFFFFF00  }
.Ltmp1:
0x2a: {  	[bflag:$0x0] =	sbarrier.arrive $0xFFFF;
	(pc) =	sbr.rel @p0 .LBB2_1-.Ltmp1, $4  }
0x2b: {  	[hbm:s8], [sflag:s7] =	dma.local [spmem:s10], $0x500  }
0x2c: {  	_ =	swait.ge [sflag:s11], $0x500  }
0x2d: {  	[sflag:s11] =	ssyncset.done $0x0  }
0x2e: {  	[sflag:s11] =	ssyncadd.s32 $0xFFFFFB00  }
0x2f: {  	_ =	sfence.sel $0x180000  }
0x30: {  	[bflag:$0x0] =	sbarrier.arrive $0xFFFF  }
0x31: {  	p0 =	sne.s32 s0, $0x0;
	_ =	strace $0x90000047  }
0x32: {  	s0 =	sadd.s32 @!p0 $0x100000, s1;
	[bflag:$0x2] =	sbarrier.arrive $0xFFFF  }
0x33: {  	[sflag:s0] =	ssyncadd.tile.s32 @!p0 $0x1;
	_ =	shalt  }
.Lfunc_end2:
_tile_overlayer_lowered:
.L_overlay_start_2:
0x34: {  	(tag) =	ssettag $0x2  }
0x35: {  	s0 =	rddreg [dreg:$0x0];
	s2 =	stileid.u32  }
0x36: {  	s1 =	rddreg [dreg:$0x1];
	p0 =	sne.s32 s2, $0x0  }
0x37: {  	s3 =	rddreg [dreg:$0x2];
	[bflag:$0x3] =	sbarrier.arrive $0xFFFF;
	s2 =	simm.s32 @!p0 $0x1C02  }
0x38: {  	[timem:s3], [sflag:s2] =	dma.local @!p0 [hbm:s0], s1  }
0x39: {  	s0 =	simm.s32 @!p0 $0x2  }
0x3a: {  	_ =	swait.ge @!p0 [sflag:s0], s1  }
0x3b: {  	s1 =	ssub.s32 @!p0 $0x0, s1;
	[sflag:s0] =	ssyncset.done @!p0 $0x0  }
0x3c: {  	[sflag:s0] =	ssyncadd.s32 @!p0 s1  }
0x3d: {  	[bflag:$0x3] =	sbarrier.arrive $0xFFFF  }
0x3e: {  	_ =	shalt  }

// kernel: kernel.15.cloned.1.call-start
scs
__scs_entry_jumppad:
0x0: {  	(pc) =	sbr.rel $0x88, $3  }
0x1: {  	(tag) =	ssettag $0x0;
	lr =	simm.s32 $0x1  }
0x2: {  	[smem:$0x3F9A] =	sst lr;
	_ =	strace $0xD0000000  }
0x3: {  	_ = 	snop  }
0x4: {  	_ = 	snop  }
0x5: {  	_ = 	snop  }
0x6: {  	_ = 	snop  }
0x7: {  	_ = 	snop  }
__scs_overlays_trampoline_lowered:
0x8: {  	[smem:$0x3FA9] =	sst s0  }
0x9: {  	[smem:$0x3FAA] =	sst s1  }
0xa: {  	[smem:$0x3FAB] =	sst s2  }
0xb: {  	[smem:$0x3FAC] =	sst s3  }
0xc: {  	[smem:$0x3FAD] =	sst s4  }
0xd: {  	[smem:$0x3FAE] =	sst s5  }
0xe: {  	[smem:$0x3FAF] =	sst s6  }
0xf: {  	[smem:$0x3FB0] =	sst s7  }
0x10: {  	[smem:$0x3FB1] =	sst s8  }
0x11: {  	[smem:$0x3FB2] =	sst s9;
	s0 =	simm.s32 @!p0 $0x0  }
0x12: {  	s1 =	sld [smem:$0x3F98];
	s0 =	simm.s32 @p0 $0x1  }
0x13: {  	[smem:$0x3FB3] =	sst s0;
	s0 =	simm.s32 @!p1 $0x0  }
0x14: {  	s2 =	sld [smem:$0x3F97];
	s0 =	simm.s32 @p1 $0x1  }
0x15: {  	[smem:$0x3FB4] =	sst s0;
	s0 =	simm.s32 @!p2 $0x0  }
0x16: {  	s3 =	sld [smem:$0x3FDB];
	s0 =	simm.s32 @p2 $0x1  }
0x17: {  	s4 =	simm.s32 $0x1BF5;
	[smem:$0x3FB6] =	sst s0  }
0x18: {  	s0 =	sld [smem:$0x3F99];
	_ =	swait.ge [sflag:s4], $0x0  }
0x19: {  	s7 =	sld [smem:$0x3F9A]  }
0x1a: {  	s8 =	sadd.s32 $0xFFFFE003, lr  }
0x1b: {  	s9 =	sadd.s32 $0xFFFFFEF7, lr;
	s5 =	simm.s32 $0xFFFFFFFF;
	p2 =	slt.u32 s8, $0xFFFFF086  }
0x1c: {  	p1 =	slt.u32 s9, $0xF7A;
	s5 =	simm.s32 @!p2 $0x0  }
0x1d: {  	s5 =	simm.s32 @p1 $0x1;
	p0 =	seq.s32 s7, s2  }
0x1e: {  	s7 =	smul.u32 @!p0 $0xF7A, s2;
	p2 =	seq.s32 @!p0 s5, $0x0  }
0x1f: {  	s9 =	smul.u32 $0xF7A, s1;
	s8 =	simm.s32 @!p0 $0x1BF5;
	p2 =	por !p2, p0  }
0x20: {  	[sflag:s8] =	ssyncset.s32 @!p0 $0xFFFFF086;
	s6 =	sadd.s32 @!p0 s3, s7;
	s7 =	simm.s32 @!p0 $0x108  }
0x21: {  	s3 =	sadd.s32 s3, s9;
	s6 =	sadd.s32 @!p0 $0x88, s6;
	s7 =	simm.s32 @p2 $0x1082  }
0x22: {  	[simem:s7], [sflag:s8] =	dma.local @!p0 [hbm:s6], $0xF7A  }
0x23: {  	s9 =	sor.u32 $0xD0000000, s2;
	s6 =	simm.s32 $0x108;
	_ =	swait.ge @!p0 [sflag:s8], $0x0  }
0x24: {  	s3 =	sadd.s32 $0x88, s3;
	s6 =	simm.s32 @!p1 $0x1082;
	[sflag:s4] =	ssyncset.s32 $0xFFFFF086  }
0x25: {  	[simem:s6], [sflag:s4] =	dma.local [hbm:s3], $0xF7A  }
0x26: {  	[smem:$0x3F9A] =	sst s1;
	(tag) =	ssettag s2;
	_ =	strace s9  }
0x27: {  	s1 =	sld [smem:$0x3FAA]  }
0x28: {  	s2 =	sld [smem:$0x3FAB]  }
0x29: {  	s4 =	sld [smem:$0x3FAD]  }
0x2a: {  	p0 =	seq.s32 s5, $0x0;
	s5 =	sld [smem:$0x3FAE]  }
0x2b: {  	s6 =	sld [smem:$0x3FAF]  }
0x2c: {  	s7 =	sld [smem:$0x3FB0]  }
0x2d: {  	s3 =	simm.s32 $0x108;
	s8 =	sld [smem:$0x3FB1]  }
0x2e: {  	s3 =	simm.s32 @!p0 $0x1082;
	s9 =	sld [smem:$0x3FB2]  }
0x2f: {  	lr =	sadd.s32 s0, s3;
	s0 =	sld [smem:$0x3FA9]  }
0x30: {  	s3 =	sld [smem:$0x3FAC]  }
0x31: {  	[smem:$0x3FB5] =	sst s10  }
0x32: {  	s10 =	sld [smem:$0x3FB3];
	_ =	sdelay $0x3  }
0x33: {  	p0 =	seq.s32 s10, $0x1;
	s10 =	sld [smem:$0x3FB5];
	_ =	sdelay $0x3  }
0x34: {  	[smem:$0x3FB5] =	sst s10  }
0x35: {  	s10 =	sld [smem:$0x3FB4];
	_ =	sdelay $0x3  }
0x36: {  	p1 =	seq.s32 s10, $0x1;
	s10 =	sld [smem:$0x3FB5];
	_ =	sdelay $0x3  }
0x37: {  	[smem:$0x3FB5] =	sst s10  }
0x38: {  	s10 =	sld [smem:$0x3FB6]  }
0x39: {  	_ = 	snop;
	(pc) =	sbr.ind lr, $3  }
0x3a: {  	_ = 	snop  }
0x3b: {  	_ = 	snop  }
0x3c: {  	p2 =	seq.s32 s10, $0x1;
	s10 =	sld [smem:$0x3FB5]  }
0x3d: {  	_ =	shalt  }
0x3e: {  	_ =	shalt  }
0x3f: {  	_ =	shalt  }
0x40: {  	_ =	shalt  }
0x41: {  	_ =	shalt  }
0x42: {  	_ =	shalt  }
0x43: {  	_ =	shalt  }
0x44: {  	_ =	shalt  }
0x45: {  	_ =	shalt  }
0x46: {  	_ =	shalt  }
0x47: {  	_ =	shalt  }
0x48: {  	_ =	shalt  }
0x49: {  	_ =	shalt  }
0x4a: {  	_ =	shalt  }
0x4b: {  	_ =	shalt  }
0x4c: {  	_ =	shalt  }
0x4d: {  	_ =	shalt  }
0x4e: {  	_ =	shalt  }
0x4f: {  	_ =	shalt  }
0x50: {  	_ =	shalt  }
0x51: {  	_ =	shalt  }
0x52: {  	_ =	shalt  }
0x53: {  	_ =	shalt  }
0x54: {  	_ =	shalt  }
0x55: {  	_ =	shalt  }
0x56: {  	_ =	shalt  }
0x57: {  	_ =	shalt  }
0x58: {  	_ =	shalt  }
0x59: {  	_ =	shalt  }
0x5a: {  	_ =	shalt  }
0x5b: {  	_ =	shalt  }
0x5c: {  	_ =	shalt  }
0x5d: {  	_ =	shalt  }
0x5e: {  	_ =	shalt  }
0x5f: {  	_ =	shalt  }
0x60: {  	_ =	shalt  }
0x61: {  	_ =	shalt  }
0x62: {  	_ =	shalt  }
0x63: {  	_ =	shalt  }
0x64: {  	_ =	shalt  }
0x65: {  	_ =	shalt  }
0x66: {  	_ =	shalt  }
0x67: {  	_ =	shalt  }
0x68: {  	_ =	shalt  }
0x69: {  	_ =	shalt  }
0x6a: {  	_ =	shalt  }
0x6b: {  	_ =	shalt  }
0x6c: {  	_ =	shalt  }
0x6d: {  	_ =	shalt  }
0x6e: {  	_ =	shalt  }
0x6f: {  	_ =	shalt  }
0x70: {  	_ =	shalt  }
0x71: {  	_ =	shalt  }
0x72: {  	_ =	shalt  }
0x73: {  	_ =	shalt  }
0x74: {  	_ =	shalt  }
0x75: {  	_ =	shalt  }
0x76: {  	_ =	shalt  }
0x77: {  	_ =	shalt  }
0x78: {  	_ =	shalt  }
0x79: {  	_ =	shalt  }
0x7a: {  	_ =	shalt  }
0x7b: {  	_ =	shalt  }
0x7c: {  	_ =	shalt  }
0x7d: {  	_ =	shalt  }
0x7e: {  	_ =	shalt  }
0x7f: {  	_ =	shalt  }
0x80: {  	_ =	shalt  }
0x81: {  	_ =	shalt  }
0x82: {  	_ =	shalt  }
0x83: {  	_ =	shalt  }
0x84: {  	_ =	shalt  }
0x85: {  	_ =	shalt  }
0x86: {  	_ =	shalt  }
0x87: {  	_ =	shalt  }
.Lfunc_end0:
.L_simem_size_0:
called_computation.1_lowered:
.L_overlay_start_0:
0x88: {  	s2 =	sld [smem:$0x3FD9]  }
0x89: {  	s3 =	sld [smem:$0x3FFE];
	_ =	sdelay $0x1  }
0x8a: {  	s1 =	srdreg.scid  }
0x8b: {  	s0 =	sand.u32 $0x1, s1  }
0x8c: {  	s17 =	sshll.u32 s0, $0xA;
	s2 =	sadd.s32 s3, s2  }
0x8d: {  	s2 =	sadd.s32 s2, s17  }
0x8e: {  	[smem:$0x3FC1] =	sst s2  }
0x8f: {  	_ = 	snop  }
0x90: {  	s2 =	sld [smem:$0x3FD0];
	(tm) =	ssettm $0x1  }
0x91: {  	s18 =	sld [smem:$0x3FFB];
	_ =	sdelay $0x3  }
0x92: {  	_ =	strace s18  }
0x93: {  	s3 =	sld [smem:$0x3FFC];
	_ =	sdelay $0x3  }
0x94: {  	_ =	strace s3  }
0x95: {  	s3 =	sld [smem:$0x3FFD];
	_ =	sdelay $0x3  }
0x96: {  	_ =	strace s3  }
0x97: {  	_ =	strace $0x8FFFFFFF  }
0x98: {  	s19 =	sld [smem:$0x3FDB];
	_ =	sdelay $0x1  }
0x99: {  	s4 =	simm.s32 $_scs_section_size  }
0x9a: {  	s5 =	simm.s32 $_size__tile_overlayer_lowered;
	s6 =	simm.s32 $_tile_overlayer_lowered  }
0x9b: {  	s22 =	simm.s32 $0x1BFF;
	s21 =	sshll.u32 s6, $0x1;
	s3 =	sadd.s32 s4, s19  }
0x9c: {  	s7 =	simm.s32 $0x0;
	s20 =	sshll.u32 s5, $0x1;
	s5 =	sadd.s32 s21, s3  }
0x9d: {  	[timem:s7], [sflag:s22] =	dma.local [hbm:s5], s20  }
0x9e: {  	_ =	swait.ge [sflag:s22], s20  }
0x9f: {  	s4 =	ssub.s32 $0x0, s20;
	[sflag:s22] =	ssyncset.done $0x0  }
0xa0: {  	[sflag:s22] =	ssyncadd.s32 s4;
	_ =	sdelay $0x1  }
0xa1: {  	s23 =	simm.s32 $0x1B8B  }
0xa2: {  	_ =	swait.ge [sflag:s23], $0x1  }
0xa3: {  	[sflag:s23] =	ssyncset.done $0x0  }
0xa4: {  	s25 =	simm.s32 $0x1B8E;
	s24 =	sld [smem:$0x3FFE];
	[sflag:s23] =	ssyncadd.s32 $0xFFFFFFFF  }
0xa5: {  	s26 =	simm.s32 $execute0_lowered;
	[smem:$0x3FD2] =	sst s25  }
0xa6: {  	s5 =	sshll.u32 s26, $0x1;
	_ =	strace $0x80000049;
	[dreg:$0x1] =	wrdreg $0xFFFFFFFF  }
0xa7: {  	s28 =	simm.s32 $_size_execute0_lowered;
	s3 =	sadd.s32 s3, s5;
	[dreg:$0x0] =	wrdreg $0x0  }
0xa8: {  	s5 =	sshll.u32 s28, $0x1;
	[dreg:$0x2] =	wrdreg s3  }
0xa9: {  	[dreg:$0x3] =	wrdreg s5  }
0xaa: {  	[dreg:$0x4] =	wrdreg $0xC0  }
0xab: {  	_ =	task [dreg:s7], $0x5FFFF  }
0xac: {  	[dreg:$0x1] =	wrdreg $0xFFFFFFFF  }
0xad: {  	[dreg:$0x0] =	wrdreg $0x60  }
0xae: {  	[dreg:$0x2] =	wrdreg s24  }
0xaf: {  	[dreg:$0x3] =	wrdreg s2  }
0xb0: {  	[dreg:$0x4] =	wrdreg $0xB6200  }
0xb1: {  	[dreg:$0x5] =	wrdreg $0x9  }
0xb2: {  	_ =	task.clear_ibuf [dreg:s7], $0x6FFFF;
	_ =	strace $0x90000049  }
0xb3: {  	s29 =	simm.s32 $0x9;
	_ =	strace $0x8000004B  }
0xb4: {  	_ =	swait.ge [sflag:s29], $0x1  }
0xb5: {  	[sflag:s29] =	ssyncadd.s32 $0xFFFFFFFF  }
0xb6: {  	_ =	strace $0x9000004B  }
0xb7: {  	_ =	sfence  }
0xb8: {  	s30 =	sld [smem:$0x0];
	_ =	sdelay $0x2  }
0xb9: {  	s31 =	sshll.u32 s1, $0xD;
	s1 =	sshrl.u32 s1, $0x2  }
0xba: {  	s3 =	sand.u32 $0x4000, s31;
	s1 =	sadd.s32 s1, s30  }
0xbb: {  	s0 =	sor.u32 s3, s0;
	s1 =	sshll.u32 s1, $0x11  }
0xbc: {  	s0 =	sor.u32 s1, s0  }
0xbd: {  	s0 =	sadd.s32 $0x8F2B, s0  }
0xbe: {  	[sflag:s0] =	ssyncadd.remote.s32 $0x1  }
0xbf: {  	_ =	sfence.sel $0xFFFF  }
0xc0: {  	[dreg:$0x0] =	wrdreg $0xFFFFFFFF;
	(pc) =	sbr.abs _section_cstart, $3  }
0xc1: {  	[dreg:$0x1] =	wrdreg $0xFFFFFFFF  }
0xc2: {  	_ =	task.clear_ibuf [dreg:s7], $0x2FFFF;
	_ =	strace $0x9FFFFFFF  }
0xc3: {  	(tm) =	ssettm $0x7FFFFFFF  }
tec
execute0_lowered:
.L_overlay_start_1:
0x0: {  	(tag) =	ssettag $0x1  }
0x1: {  	s1 =	rddreg [dreg:$0x0]  }
0x2: {  	s0 =	srdreg.scid;
	s6 =	rddreg [dreg:$0x1]  }
0x3: {  	s12 =	stileid.u32;
	s2 =	rddreg [dreg:$0x2]  }
0x4: {  	s13 =	simm.s32 $0x5;
	s14 =	simm.s32 $0x1;
	s15 =	simm.s32 $0x40  }
0x5: {  	s16 =	simm.s32 $0x4E20;
	s17 =	simm.s32 $0x6E20;
	s18 =	simm.s32 $0x80  }
0x6: {  	s19 =	simm.s32 $0x8E20;
	s20 =	simm.s32 $0x2;
	s21 =	simm.s32 $0x3  }
0x7: {  	s22 =	simm.s32 $0x4;
	s28 =	simm.s32 $0x2700;
	s29 =	simm.s32 $0xAE20  }
0x8: {  	s30 =	simm.s32 $0x4E10;
	s31 =	simm.s32 $0x0;
	s8 =	smul.u32 $0x2800, s12  }
0x9: {  	s0 =	sand.u32 $0x1, s0;
	s5 =	sadd.s32 $0xB800, s1;
	s11 =	smul.u32 $0x50000, s12  }
0xa: {  	s25 =	sshll.u32 s12, $0x6;
	s3 =	sshll.u32 s0, $0x4;
	s9 =	smul.u32 $0x28000, s0  }
0xb: {  	s0 =	ssub.s32 $0x2, s0;
	s4 =	sor.u32 s12, s3;
	s3 =	simm.s32 $0x0  }
0xc: {  	s23 =	sshrl.u32 s0, $0x1;
	s24 =	sshrl.u32 s11, $0x2;
	s7 =	smul.u32 $0x4E2, s4  }
0xd: {  	[smem:$0x7FF] =	sst s3;
	s4 =	sadd.s32 $0x66000, s1;
	s8 =	sadd.s32 s8, s9  }
0xe: {  	s0 =	ssub.s32 s0, s23;
	s26 =	sadd.s32 s24, s2;
	s23 =	simm.s32 $0x4D50  }
0xf: {  	s24 =	simm.s32 $0x4D90;
	_ =	strace $0x8000004A;
	s12 =	sshrl.u32 s26, $0x3  }
0x10: {  	s26 =	simm.s32 $0x10;
	s10 =	sadd.s32 s7, s1;
	s1 =	sadd.s32 s8, s1  }
0x11: {  	s6 =	sadd.s32 s6, s7;
	s8 =	sor.u32 $0x1C05, s25;
	s25 =	simm.s32 $0x4DD0  }
0x12: {  	s7 =	sadd.s32 $0x1A00, s10;
	s9 =	sadd.s32 $0x8D200, s1;
	s10 =	smax.u32 s0, $0x1  }
.LBB2_1:
0x13: {  	[tilespmem:s3], [sflag:$0x1] =	stream.linear.gather [hbm4b:s6+s3], $0x2710, $0x38;
	[tilespmem:$0x1F620] =	vst v63  }
0x14: {  	s0 =	simm.s32 $0x2710  }
0x15: {  	[tilespmem:s0], [sflag:$0x1] =	stream.linear.gather [hbm4b:s7+s3], $0x2710, $0x38;
	[tilespmem:$0x1F620] =	vst v63  }
0x16: {  	[spmem:s12], [sflag:s8] =	dma.local [hbm:s5], $0x2800  }
0x17: {  	_ =	swait.ge [sflag:s13], $0x2800  }
0x18: {  	[sflag:s13] =	ssyncset.done $0x0  }
0x19: {  	[sflag:s13] =	ssyncadd.s32 $0xFFFFD800  }
0x1a: {  	_ =	swait.ge [sflag:s14], $0x2710  }
0x1b: {  	[sflag:s14] =	ssyncset.done $0x0  }
0x1c: {  	[sflag:s14] =	ssyncadd.s32 $0xFFFFD8F0  }
0x1d: {  	_ =	swait.ge [sflag:s14], $0x2710  }
0x1e: {  	[sflag:s14] =	ssyncset.done $0x0  }
0x1f: {  	[sflag:s14] =	ssyncadd.s32 $0xFFFFD8F0  }
0x20: {  	[bflag:$0x0] =	sbarrier.arrive $0xFFFF  }
0x21: {  	[tilespmem:s16], [sflag:$0x2] =	stream.indirect.gather [hbm4b:s4+s15], $0x80, s3, s15, $0xb8;
	[tilespmem:$0x1F620] =	vst v63  }
0x22: {  	_ = 	snop  }
0x23: {  	[tilespmem:s17], [sflag:$0x3] =	stream.indirect.gather [hbm4b:s4+s15], $0x80, s15, s15, $0xb8;
	[tilespmem:$0x1F620] =	vst v63  }
0x24: {  	_ = 	snop  }
0x25: {  	[tilespmem:s19], [sflag:$0x4] =	stream.indirect.gather [hbm4b:s4+s15], $0x80, s18, s15, $0xb8;
	[tilespmem:$0x1F620] =	vst v63  }
0x26: {  	_ =	swait.ge [sflag:s20], $0x2000  }
0x27: {  	[sflag:s20] =	ssyncset.done $0x0  }
0x28: {  	s11 =	simm.s32 $0x2710;
	[sflag:s20] =	ssyncadd.s32 $0xFFFFE000  }
0x29: {  	[spmem:s2] =	stream.indirect.scatter.add.f32 [tilespmem:s16], [sflag:$0x5], $0x80, s11, s15, $0xb8;
	[tilespmem:$0x1F620] =	vst v63  }
0x2a: {  	_ =	swait.ge [sflag:s13], $0x2000  }
0x2b: {  	[sflag:s13] =	ssyncset.done $0x0  }
0x2c: {  	s1 =	simm.s32 $0xC0;
	[sflag:s13] =	ssyncadd.s32 $0xFFFFE000  }
0x2d: {  	[tilespmem:s16], [sflag:$0x2] =	stream.indirect.gather [hbm4b:s4+s15], $0x80, s1, s15, $0xb8;
	[tilespmem:$0x1F620] =	vst v63  }
0x2e: {  	_ =	swait.ge [sflag:s21], $0x2000  }
0x2f: {  	[sflag:s21] =	ssyncset.done $0x0  }
0x30: {  	s11 =	simm.s32 $0x2750;
	[sflag:s21] =	ssyncadd.s32 $0xFFFFE000  }
0x31: {  	[spmem:s2] =	stream.indirect.scatter.add.f32 [tilespmem:s17], [sflag:$0x5], $0x80, s11, s15, $0xb8;
	[tilespmem:$0x1F620] =	vst v63  }
0x32: {  	_ =	swait.ge [sflag:s13], $0x2000  }
0x33: {  	[sflag:s13] =	ssyncset.done $0x0  }
0x34: {  	s1 =	simm.s32 $0x100;
	[sflag:s13] =	ssyncadd.s32 $0xFFFFE000  }
0x35: {  	[tilespmem:s17], [sflag:$0x3] =	stream.indirect.gather [hbm4b:s4+s15], $0x80, s1, s15, $0xb8;
	[tilespmem:$0x1F620] =	vst v63  }
0x36: {  	_ =	swait.ge [sflag:s22], $0x2000  }
0x37: {  	[sflag:s22] =	ssyncset.done $0x0  }
0x38: {  	s11 =	simm.s32 $0x2790;
	[sflag:s22] =	ssyncadd.s32 $0xFFFFE000  }
0x39: {  	[spmem:s2] =	stream.indirect.scatter.add.f32 [tilespmem:s19], [sflag:$0x5], $0x80, s11, s15, $0xb8;
	[tilespmem:$0x1F620] =	vst v63  }
0x3a: {  	_ =	swait.ge [sflag:s13], $0x2000  }
0x3b: {  	[sflag:s13] =	ssyncset.done $0x0  }
0x3c: {  	s0 =	simm.s32 $0x140;
	s1 =	simm.s32 $0x300;
	[sflag:s13] =	ssyncadd.s32 $0xFFFFE000  }
.LBB2_2:
0x3d: {  	[tilespmem:s19], [sflag:$0x4] =	stream.indirect.gather [hbm4b:s4+s15], $0x80, s0, s15, $0xb8;
	[tilespmem:$0x1F620] =	vst v63  }
0x3e: {  	s0 =	smov.u32 s1  }
0x3f: {  	p0 =	sne.s32 s1, $0x9600;
	s1 =	sadd.s32 $0x300, s1;
	_ =	swait.ge [sflag:s20], $0x2000  }
0x40: {  	s0 =	sshra.s32 s0, $0x2;
	[sflag:s20] =	ssyncset.done $0x0  }
0x41: {  	s11 =	sadd.s32 $0x2710, s0;
	[sflag:s20] =	ssyncadd.s32 $0xFFFFE000  }
0x42: {  	[spmem:s2] =	stream.indirect.scatter.add.f32 [tilespmem:s16], [sflag:$0x5], $0x80, s11, s15, $0xb8;
	[tilespmem:$0x1F620] =	vst v63  }
0x43: {  	_ =	swait.ge [sflag:s13], $0x2000  }
0x44: {  	[sflag:s13] =	ssyncset.done $0x0  }
0x45: {  	s11 =	sadd.s32 $0xC0, s0;
	[sflag:s13] =	ssyncadd.s32 $0xFFFFE000  }
0x46: {  	[tilespmem:s16], [sflag:$0x2] =	stream.indirect.gather [hbm4b:s4+s15], $0x80, s11, s15, $0xb8;
	[tilespmem:$0x1F620] =	vst v63  }
0x47: {  	_ =	swait.ge [sflag:s21], $0x2000  }
0x48: {  	[sflag:s21] =	ssyncset.done $0x0  }
0x49: {  	s11 =	sadd.s32 $0x2750, s0;
	[sflag:s21] =	ssyncadd.s32 $0xFFFFE000  }
0x4a: {  	[spmem:s2] =	stream.indirect.scatter.add.f32 [tilespmem:s17], [sflag:$0x5], $0x80, s11, s15, $0xb8;
	[tilespmem:$0x1F620] =	vst v63  }
0x4b: {  	_ =	swait.ge [sflag:s13], $0x2000  }
0x4c: {  	[sflag:s13] =	ssyncset.done $0x0  }
0x4d: {  	s11 =	sadd.s32 $0x100, s0;
	[sflag:s13] =	ssyncadd.s32 $0xFFFFE000  }
0x4e: {  	[tilespmem:s17], [sflag:$0x3] =	stream.indirect.gather [hbm4b:s4+s15], $0x80, s11, s15, $0xb8;
	[tilespmem:$0x1F620] =	vst v63  }
0x4f: {  	_ =	swait.ge [sflag:s22], $0x2000  }
0x50: {  	[sflag:s22] =	ssyncset.done $0x0  }
.Ltmp0:
0x51: {  	s11 =	sadd.s32 $0x2790, s0;
	[sflag:s22] =	ssyncadd.s32 $0xFFFFE000;
	(pc) =	sbr.rel @p0 .LBB2_2-.Ltmp0, $4  }
0x52: {  	[spmem:s2] =	stream.indirect.scatter.add.f32 [tilespmem:s19], [sflag:$0x5], $0x80, s11, s15, $0xb8;
	[tilespmem:$0x1F620] =	vst v63  }
0x53: {  	_ =	swait.ge [sflag:s13], $0x2000  }
0x54: {  	[sflag:s13] =	ssyncset.done $0x0  }
0x55: {  	s0 =	sadd.s32 $0x140, s0;
	[sflag:s13] =	ssyncadd.s32 $0xFFFFE000  }
0x56: {  	[tilespmem:s19], [sflag:$0x4] =	stream.indirect.gather [hbm4b:s4+s15], $0x80, s0, s15, $0xb8;
	[tilespmem:$0x1F620] =	vst v63  }
0x57: {  	_ =	swait.ge [sflag:s20], $0x2000  }
0x58: {  	[sflag:s20] =	ssyncset.done $0x0  }
0x59: {  	[sflag:s20] =	ssyncadd.s32 $0xFFFFE000  }
0x5a: {  	[spmem:s2] =	stream.indirect.scatter.add.f32 [tilespmem:s16], [sflag:$0x5], $0x80, s23, s15, $0xb8;
	[tilespmem:$0x1F620] =	vst v63  }
0x5b: {  	_ =	swait.ge [sflag:s13], $0x2000  }
0x5c: {  	[sflag:s13] =	ssyncset.done $0x0  }
0x5d: {  	[sflag:s13] =	ssyncadd.s32 $0xFFFFE000  }
0x5e: {  	_ =	swait.ge [sflag:s21], $0x2000  }
0x5f: {  	[sflag:s21] =	ssyncset.done $0x0  }
0x60: {  	[sflag:s21] =	ssyncadd.s32 $0xFFFFE000  }
0x61: {  	[spmem:s2] =	stream.indirect.scatter.add.f32 [tilespmem:s17], [sflag:$0x5], $0x80, s24, s15, $0xb8;
	[tilespmem:$0x1F620] =	vst v63  }
0x62: {  	_ =	swait.ge [sflag:s13], $0x2000  }
0x63: {  	[sflag:s13] =	ssyncset.done $0x0  }
0x64: {  	[sflag:s13] =	ssyncadd.s32 $0xFFFFE000  }
0x65: {  	_ =	swait.ge [sflag:s22], $0x2000  }
0x66: {  	[sflag:s22] =	ssyncset.done $0x0  }
0x67: {  	[sflag:s22] =	ssyncadd.s32 $0xFFFFE000  }
0x68: {  	[spmem:s2] =	stream.indirect.scatter.add.f32 [tilespmem:s19], [sflag:$0x5], $0x80, s25, s15, $0xb8;
	[tilespmem:$0x1F620] =	vst v63  }
0x69: {  	_ =	swait.ge [sflag:s13], $0x2000  }
0x6a: {  	[sflag:s13] =	ssyncset.done $0x0  }
0x6b: {  	[sflag:s13] =	ssyncadd.s32 $0xFFFFE000  }
0x6c: {  	[tilespmem:s29], [sflag:$0x1] =	stream.indirect.gather [hbm4b:s4+s26], $0x80, s28, s26, $0xb8;
	[tilespmem:$0x1F620] =	vst v63  }
0x6d: {  	_ =	swait.ge [sflag:s14], $0x800  }
0x6e: {  	[sflag:s14] =	ssyncset.done $0x0  }
0x6f: {  	[sflag:s14] =	ssyncadd.s32 $0xFFFFF800  }
0x70: {  	[spmem:s2] =	stream.indirect.scatter.add.f32 [tilespmem:s29], [sflag:$0x5], $0x80, s30, s26, $0xb8;
	[tilespmem:$0x1F620] =	vst v63  }
0x71: {  	_ =	swait.ge [sflag:s13], $0x800  }
0x72: {  	s31 =	sadd.s32 $0x1, s31;
	[sflag:s13] =	ssyncset.done $0x0  }
0x73: {  	p0 =	sne.s32 s31, s10;
	[sflag:s13] =	ssyncadd.s32 $0xFFFFF800  }
.Ltmp1:
0x74: {  	[bflag:$0x0] =	sbarrier.arrive $0xFFFF;
	(pc) =	sbr.rel @p0 .LBB2_1-.Ltmp1, $4  }
0x75: {  	[hbm:s9], [sflag:s8] =	dma.local [spmem:s12], $0x2800  }
0x76: {  	_ =	swait.ge [sflag:s13], $0x2800  }
0x77: {  	[sflag:s13] =	ssyncset.done $0x0  }
0x78: {  	[sflag:s13] =	ssyncadd.s32 $0xFFFFD800  }
0x79: {  	_ =	sfence.sel $0x180000  }
0x7a: {  	[bflag:$0x0] =	sbarrier.arrive $0xFFFF  }
0x7b: {  	_ =	strace $0x9000004A  }
0x7c: {  	s0 =	stileid.u32;
	[bflag:$0x2] =	sbarrier.arrive $0xFFFF  }
0x7d: {  	p0 =	sne.s32 s0, $0x0;
	s0 =	rddreg [dreg:$0x3]  }
0x7e: {  	s0 =	sadd.s32 @!p0 $0x100000, s0  }
0x7f: {  	[sflag:s0] =	ssyncadd.tile.s32 @!p0 $0x1;
	_ =	shalt  }
.Lfunc_end2:
_tile_overlayer_lowered:
.L_overlay_start_2:
0x80: {  	(tag) =	ssettag $0x2  }
0x81: {  	s0 =	rddreg [dreg:$0x0];
	s2 =	stileid.u32  }
0x82: {  	s1 =	rddreg [dreg:$0x1];
	p0 =	sne.s32 s2, $0x0  }
0x83: {  	s3 =	rddreg [dreg:$0x2];
	[bflag:$0x3] =	sbarrier.arrive $0xFFFF;
	s2 =	simm.s32 @!p0 $0x1C05  }
0x84: {  	[timem:s3], [sflag:s2] =	dma.local @!p0 [hbm:s0], s1  }
0x85: {  	s0 =	simm.s32 @!p0 $0x5  }
0x86: {  	_ =	swait.ge @!p0 [sflag:s0], s1  }
0x87: {  	s1 =	ssub.s32 @!p0 $0x0, s1;
	[sflag:s0] =	ssyncset.done @!p0 $0x0  }
0x88: {  	[sflag:s0] =	ssyncadd.s32 @!p0 s1  }
0x89: {  	[bflag:$0x3] =	sbarrier.arrive $0xFFFF  }
0x8a: {  	_ =	shalt  }

// kernel: kernel.18.cloned.1.call-start
scs
__scs_entry_jumppad:
0x0: {  	(pc) =	sbr.rel $0x88, $3  }
0x1: {  	(tag) =	ssettag $0x0;
	lr =	simm.s32 $0x1  }
0x2: {  	[smem:$0x3F9A] =	sst lr;
	_ =	strace $0xD0000000  }
0x3: {  	_ = 	snop  }
0x4: {  	_ = 	snop  }
0x5: {  	_ = 	snop  }
0x6: {  	_ = 	snop  }
0x7: {  	_ = 	snop  }
__scs_overlays_trampoline_lowered:
0x8: {  	[smem:$0x3FA9] =	sst s0  }
0x9: {  	[smem:$0x3FAA] =	sst s1  }
0xa: {  	[smem:$0x3FAB] =	sst s2  }
0xb: {  	[smem:$0x3FAC] =	sst s3  }
0xc: {  	[smem:$0x3FAD] =	sst s4  }
0xd: {  	[smem:$0x3FAE] =	sst s5  }
0xe: {  	[smem:$0x3FAF] =	sst s6  }
0xf: {  	[smem:$0x3FB0] =	sst s7  }
0x10: {  	[smem:$0x3FB1] =	sst s8  }
0x11: {  	[smem:$0x3FB2] =	sst s9;
	s0 =	simm.s32 @!p0 $0x0  }
0x12: {  	s1 =	sld [smem:$0x3F98];
	s0 =	simm.s32 @p0 $0x1  }
0x13: {  	[smem:$0x3FB3] =	sst s0;
	s0 =	simm.s32 @!p1 $0x0  }
0x14: {  	s2 =	sld [smem:$0x3F97];
	s0 =	simm.s32 @p1 $0x1  }
0x15: {  	[smem:$0x3FB4] =	sst s0;
	s0 =	simm.s32 @!p2 $0x0  }
0x16: {  	s3 =	sld [smem:$0x3FDB];
	s0 =	simm.s32 @p2 $0x1  }
0x17: {  	s4 =	simm.s32 $0x1BF5;
	[smem:$0x3FB6] =	sst s0  }
0x18: {  	s0 =	sld [smem:$0x3F99];
	_ =	swait.ge [sflag:s4], $0x0  }
0x19: {  	s7 =	sld [smem:$0x3F9A]  }
0x1a: {  	s8 =	sadd.s32 $0xFFFFE003, lr  }
0x1b: {  	s9 =	sadd.s32 $0xFFFFFEF7, lr;
	s5 =	simm.s32 $0xFFFFFFFF;
	p2 =	slt.u32 s8, $0xFFFFF086  }
0x1c: {  	p1 =	slt.u32 s9, $0xF7A;
	s5 =	simm.s32 @!p2 $0x0  }
0x1d: {  	s5 =	simm.s32 @p1 $0x1;
	p0 =	seq.s32 s7, s2  }
0x1e: {  	s7 =	smul.u32 @!p0 $0xF7A, s2;
	p2 =	seq.s32 @!p0 s5, $0x0  }
0x1f: {  	s9 =	smul.u32 $0xF7A, s1;
	s8 =	simm.s32 @!p0 $0x1BF5;
	p2 =	por !p2, p0  }
0x20: {  	[sflag:s8] =	ssyncset.s32 @!p0 $0xFFFFF086;
	s6 =	sadd.s32 @!p0 s3, s7;
	s7 =	simm.s32 @!p0 $0x108  }
0x21: {  	s3 =	sadd.s32 s3, s9;
	s6 =	sadd.s32 @!p0 $0x88, s6;
	s7 =	simm.s32 @p2 $0x1082  }
0x22: {  	[simem:s7], [sflag:s8] =	dma.local @!p0 [hbm:s6], $0xF7A  }
0x23: {  	s9 =	sor.u32 $0xD0000000, s2;
	s6 =	simm.s32 $0x108;
	_ =	swait.ge @!p0 [sflag:s8], $0x0  }
0x24: {  	s3 =	sadd.s32 $0x88, s3;
	s6 =	simm.s32 @!p1 $0x1082;
	[sflag:s4] =	ssyncset.s32 $0xFFFFF086  }
0x25: {  	[simem:s6], [sflag:s4] =	dma.local [hbm:s3], $0xF7A  }
0x26: {  	[smem:$0x3F9A] =	sst s1;
	(tag) =	ssettag s2;
	_ =	strace s9  }
0x27: {  	s1 =	sld [smem:$0x3FAA]  }
0x28: {  	s2 =	sld [smem:$0x3FAB]  }
0x29: {  	s4 =	sld [smem:$0x3FAD]  }
0x2a: {  	p0 =	seq.s32 s5, $0x0;
	s5 =	sld [smem:$0x3FAE]  }
0x2b: {  	s6 =	sld [smem:$0x3FAF]  }
0x2c: {  	s7 =	sld [smem:$0x3FB0]  }
0x2d: {  	s3 =	simm.s32 $0x108;
	s8 =	sld [smem:$0x3FB1]  }
0x2e: {  	s3 =	simm.s32 @!p0 $0x1082;
	s9 =	sld [smem:$0x3FB2]  }
0x2f: {  	lr =	sadd.s32 s0, s3;
	s0 =	sld [smem:$0x3FA9]  }
0x30: {  	s3 =	sld [smem:$0x3FAC]  }
0x31: {  	[smem:$0x3FB5] =	sst s10  }
0x32: {  	s10 =	sld [smem:$0x3FB3];
	_ =	sdelay $0x3  }
0x33: {  	p0 =	seq.s32 s10, $0x1;
	s10 =	sld [smem:$0x3FB5];
	_ =	sdelay $0x3  }
0x34: {  	[smem:$0x3FB5] =	sst s10  }
0x35: {  	s10 =	sld [smem:$0x3FB4];
	_ =	sdelay $0x3  }
0x36: {  	p1 =	seq.s32 s10, $0x1;
	s10 =	sld [smem:$0x3FB5];
	_ =	sdelay $0x3  }
0x37: {  	[smem:$0x3FB5] =	sst s10  }
0x38: {  	s10 =	sld [smem:$0x3FB6]  }
0x39: {  	_ = 	snop;
	(pc) =	sbr.ind lr, $3  }
0x3a: {  	_ = 	snop  }
0x3b: {  	_ = 	snop  }
0x3c: {  	p2 =	seq.s32 s10, $0x1;
	s10 =	sld [smem:$0x3FB5]  }
0x3d: {  	_ =	shalt  }
0x3e: {  	_ =	shalt  }
0x3f: {  	_ =	shalt  }
0x40: {  	_ =	shalt  }
0x41: {  	_ =	shalt  }
0x42: {  	_ =	shalt  }
0x43: {  	_ =	shalt  }
0x44: {  	_ =	shalt  }
0x45: {  	_ =	shalt  }
0x46: {  	_ =	shalt  }
0x47: {  	_ =	shalt  }
0x48: {  	_ =	shalt  }
0x49: {  	_ =	shalt  }
0x4a: {  	_ =	shalt  }
0x4b: {  	_ =	shalt  }
0x4c: {  	_ =	shalt  }
0x4d: {  	_ =	shalt  }
0x4e: {  	_ =	shalt  }
0x4f: {  	_ =	shalt  }
0x50: {  	_ =	shalt  }
0x51: {  	_ =	shalt  }
0x52: {  	_ =	shalt  }
0x53: {  	_ =	shalt  }
0x54: {  	_ =	shalt  }
0x55: {  	_ =	shalt  }
0x56: {  	_ =	shalt  }
0x57: {  	_ =	shalt  }
0x58: {  	_ =	shalt  }
0x59: {  	_ =	shalt  }
0x5a: {  	_ =	shalt  }
0x5b: {  	_ =	shalt  }
0x5c: {  	_ =	shalt  }
0x5d: {  	_ =	shalt  }
0x5e: {  	_ =	shalt  }
0x5f: {  	_ =	shalt  }
0x60: {  	_ =	shalt  }
0x61: {  	_ =	shalt  }
0x62: {  	_ =	shalt  }
0x63: {  	_ =	shalt  }
0x64: {  	_ =	shalt  }
0x65: {  	_ =	shalt  }
0x66: {  	_ =	shalt  }
0x67: {  	_ =	shalt  }
0x68: {  	_ =	shalt  }
0x69: {  	_ =	shalt  }
0x6a: {  	_ =	shalt  }
0x6b: {  	_ =	shalt  }
0x6c: {  	_ =	shalt  }
0x6d: {  	_ =	shalt  }
0x6e: {  	_ =	shalt  }
0x6f: {  	_ =	shalt  }
0x70: {  	_ =	shalt  }
0x71: {  	_ =	shalt  }
0x72: {  	_ =	shalt  }
0x73: {  	_ =	shalt  }
0x74: {  	_ =	shalt  }
0x75: {  	_ =	shalt  }
0x76: {  	_ =	shalt  }
0x77: {  	_ =	shalt  }
0x78: {  	_ =	shalt  }
0x79: {  	_ =	shalt  }
0x7a: {  	_ =	shalt  }
0x7b: {  	_ =	shalt  }
0x7c: {  	_ =	shalt  }
0x7d: {  	_ =	shalt  }
0x7e: {  	_ =	shalt  }
0x7f: {  	_ =	shalt  }
0x80: {  	_ =	shalt  }
0x81: {  	_ =	shalt  }
0x82: {  	_ =	shalt  }
0x83: {  	_ =	shalt  }
0x84: {  	_ =	shalt  }
0x85: {  	_ =	shalt  }
0x86: {  	_ =	shalt  }
0x87: {  	_ =	shalt  }
.Lfunc_end0:
.L_simem_size_0:
called_computation.2_lowered:
.L_overlay_start_0:
0x88: {  	s2 =	sld [smem:$0x3FD9]  }
0x89: {  	s3 =	sld [smem:$0x3FFE];
	_ =	sdelay $0x1  }
0x8a: {  	s1 =	srdreg.scid  }
0x8b: {  	s0 =	sand.u32 $0x1, s1  }
0x8c: {  	s17 =	sshll.u32 s0, $0xA;
	s2 =	sadd.s32 s3, s2  }
0x8d: {  	s2 =	sadd.s32 s2, s17  }
0x8e: {  	[smem:$0x3FC1] =	sst s2  }
0x8f: {  	_ = 	snop  }
0x90: {  	s2 =	sld [smem:$0x3FD0];
	(tm) =	ssettm $0x1  }
0x91: {  	s18 =	sld [smem:$0x3FFB];
	_ =	sdelay $0x3  }
0x92: {  	_ =	strace s18  }
0x93: {  	s3 =	sld [smem:$0x3FFC];
	_ =	sdelay $0x3  }
0x94: {  	_ =	strace s3  }
0x95: {  	s3 =	sld [smem:$0x3FFD];
	_ =	sdelay $0x3  }
0x96: {  	_ =	strace s3  }
0x97: {  	_ =	strace $0x8FFFFFFF  }
0x98: {  	s19 =	sld [smem:$0x3FDB];
	_ =	sdelay $0x1  }
0x99: {  	s4 =	simm.s32 $_scs_section_size  }
0x9a: {  	s5 =	simm.s32 $_size__tile_overlayer_lowered;
	s6 =	simm.s32 $_tile_overlayer_lowered  }
0x9b: {  	s22 =	simm.s32 $0x1BFF;
	s21 =	sshll.u32 s6, $0x1;
	s3 =	sadd.s32 s4, s19  }
0x9c: {  	s7 =	simm.s32 $0x0;
	s20 =	sshll.u32 s5, $0x1;
	s5 =	sadd.s32 s21, s3  }
0x9d: {  	[timem:s7], [sflag:s22] =	dma.local [hbm:s5], s20  }
0x9e: {  	_ =	swait.ge [sflag:s22], s20  }
0x9f: {  	s4 =	ssub.s32 $0x0, s20;
	[sflag:s22] =	ssyncset.done $0x0  }
0xa0: {  	[sflag:s22] =	ssyncadd.s32 s4;
	_ =	sdelay $0x1  }
0xa1: {  	s23 =	simm.s32 $0x1B8B  }
0xa2: {  	_ =	swait.ge [sflag:s23], $0x1  }
0xa3: {  	[sflag:s23] =	ssyncset.done $0x0  }
0xa4: {  	s25 =	simm.s32 $0x1B8E;
	s24 =	sld [smem:$0x3FFE];
	[sflag:s23] =	ssyncadd.s32 $0xFFFFFFFF  }
0xa5: {  	s26 =	simm.s32 $execute0_lowered;
	[smem:$0x3FD2] =	sst s25  }
0xa6: {  	s5 =	sshll.u32 s26, $0x1;
	_ =	strace $0x8000004C;
	[dreg:$0x1] =	wrdreg $0xFFFFFFFF  }
0xa7: {  	s28 =	simm.s32 $_size_execute0_lowered;
	s3 =	sadd.s32 s3, s5;
	[dreg:$0x0] =	wrdreg $0x0  }
0xa8: {  	s5 =	sshll.u32 s28, $0x1;
	[dreg:$0x2] =	wrdreg s3  }
0xa9: {  	[dreg:$0x3] =	wrdreg s5  }
0xaa: {  	[dreg:$0x4] =	wrdreg $0xC0  }
0xab: {  	_ =	task [dreg:s7], $0x5FFFF  }
0xac: {  	[dreg:$0x1] =	wrdreg $0xFFFFFFFF  }
0xad: {  	[dreg:$0x0] =	wrdreg $0x60  }
0xae: {  	[dreg:$0x2] =	wrdreg s24  }
0xaf: {  	[dreg:$0x3] =	wrdreg s2  }
0xb0: {  	[dreg:$0x4] =	wrdreg $0xB2200  }
0xb1: {  	[dreg:$0x5] =	wrdreg $0x9  }
0xb2: {  	_ =	task.clear_ibuf [dreg:s7], $0x6FFFF;
	_ =	strace $0x9000004C  }
0xb3: {  	s29 =	simm.s32 $0x9;
	_ =	strace $0x8000004E  }
0xb4: {  	_ =	swait.ge [sflag:s29], $0x1  }
0xb5: {  	[sflag:s29] =	ssyncadd.s32 $0xFFFFFFFF  }
0xb6: {  	_ =	strace $0x9000004E  }
0xb7: {  	_ =	sfence  }
0xb8: {  	s30 =	sld [smem:$0x0];
	_ =	sdelay $0x2  }
0xb9: {  	s31 =	sshll.u32 s1, $0xD;
	s1 =	sshrl.u32 s1, $0x2  }
0xba: {  	s3 =	sand.u32 $0x4000, s31;
	s1 =	sadd.s32 s1, s30  }
0xbb: {  	s0 =	sor.u32 s3, s0;
	s1 =	sshll.u32 s1, $0x11  }
0xbc: {  	s0 =	sor.u32 s1, s0  }
0xbd: {  	s0 =	sadd.s32 $0x8F2B, s0  }
0xbe: {  	[sflag:s0] =	ssyncadd.remote.s32 $0x1  }
0xbf: {  	_ =	sfence.sel $0xFFFF  }
0xc0: {  	[dreg:$0x0] =	wrdreg $0xFFFFFFFF;
	(pc) =	sbr.abs _section_cstart, $3  }
0xc1: {  	[dreg:$0x1] =	wrdreg $0xFFFFFFFF  }
0xc2: {  	_ =	task.clear_ibuf [dreg:s7], $0x2FFFF;
	_ =	strace $0x9FFFFFFF  }
0xc3: {  	(tm) =	ssettm $0x7FFFFFFF  }
tec
execute0_lowered:
.L_overlay_start_1:
0x0: {  	(tag) =	ssettag $0x1  }
0x1: {  	s1 =	rddreg [dreg:$0x0]  }
0x2: {  	s0 =	srdreg.scid;
	s6 =	rddreg [dreg:$0x1]  }
0x3: {  	s12 =	stileid.u32;
	s2 =	rddreg [dreg:$0x2]  }
0x4: {  	s13 =	simm.s32 $0x5;
	s14 =	simm.s32 $0x1;
	s15 =	simm.s32 $0x80  }
0x5: {  	s16 =	simm.s32 $0x4E20;
	s17 =	simm.s32 $0x6E20;
	s18 =	simm.s32 $0x100  }
0x6: {  	s19 =	simm.s32 $0x8E20;
	s20 =	simm.s32 $0x2;
	s21 =	simm.s32 $0x3  }
0x7: {  	s22 =	simm.s32 $0x4;
	s28 =	simm.s32 $0x2700;
	s29 =	simm.s32 $0xAE20  }
0x8: {  	s30 =	simm.s32 $0x4E10;
	s31 =	simm.s32 $0x0;
	s8 =	smul.u32 $0x1400, s12  }
0x9: {  	s0 =	sand.u32 $0x1, s0;
	s5 =	sadd.s32 $0xB800, s1;
	s11 =	smul.u32 $0x28000, s12  }
0xa: {  	s25 =	sshll.u32 s12, $0x6;
	s3 =	sshll.u32 s0, $0x4;
	s9 =	smul.u32 $0x14000, s0  }
0xb: {  	s0 =	ssub.s32 $0x2, s0;
	s4 =	sor.u32 s12, s3;
	s3 =	simm.s32 $0x0  }
0xc: {  	s23 =	sshrl.u32 s0, $0x1;
	s24 =	sshrl.u32 s11, $0x2;
	s7 =	smul.u32 $0x4E2, s4  }
0xd: {  	[smem:$0x7FF] =	sst s3;
	s4 =	sadd.s32 $0x66000, s1;
	s8 =	sadd.s32 s8, s9  }
0xe: {  	s0 =	ssub.s32 s0, s23;
	s26 =	sadd.s32 s24, s2;
	s23 =	simm.s32 $0x4C90  }
0xf: {  	s24 =	simm.s32 $0x4D10;
	_ =	strace $0x8000004D;
	s12 =	sshrl.u32 s26, $0x3  }
0x10: {  	s26 =	simm.s32 $0x10;
	s10 =	sadd.s32 s7, s1;
	s1 =	sadd.s32 s8, s1  }
0x11: {  	s6 =	sadd.s32 s6, s7;
	s8 =	sor.u32 $0x1C05, s25;
	s25 =	simm.s32 $0x4D90  }
0x12: {  	s7 =	sadd.s32 $0x1A00, s10;
	s9 =	sadd.s32 $0x79A00, s1;
	s10 =	smax.u32 s0, $0x1  }
.LBB2_1:
0x13: {  	[tilespmem:s3], [sflag:$0x1] =	stream.linear.gather [hbm4b:s6+s3], $0x2710, $0x38;
	[tilespmem:$0x15220] =	vst v63  }
0x14: {  	s0 =	simm.s32 $0x2710  }
0x15: {  	[tilespmem:s0], [sflag:$0x1] =	stream.linear.gather [hbm4b:s7+s3], $0x2710, $0x38;
	[tilespmem:$0x15220] =	vst v63  }
0x16: {  	[spmem:s12], [sflag:s8] =	dma.local [hbm:s5], $0x1400  }
0x17: {  	_ =	swait.ge [sflag:s13], $0x1400  }
0x18: {  	[sflag:s13] =	ssyncset.done $0x0  }
0x19: {  	[sflag:s13] =	ssyncadd.s32 $0xFFFFEC00  }
0x1a: {  	_ =	swait.ge [sflag:s14], $0x2710  }
0x1b: {  	[sflag:s14] =	ssyncset.done $0x0  }
0x1c: {  	[sflag:s14] =	ssyncadd.s32 $0xFFFFD8F0  }
0x1d: {  	_ =	swait.ge [sflag:s14], $0x2710  }
0x1e: {  	[sflag:s14] =	ssyncset.done $0x0  }
0x1f: {  	[sflag:s14] =	ssyncadd.s32 $0xFFFFD8F0  }
0x20: {  	[bflag:$0x0] =	sbarrier.arrive $0xFFFF  }
0x21: {  	[tilespmem:s16], [sflag:$0x2] =	stream.indirect.gather [hbm4b:s4+s15], $0x40, s3, s15, $0xb8;
	[tilespmem:$0x15220] =	vst v63  }
0x22: {  	_ = 	snop  }
0x23: {  	[tilespmem:s17], [sflag:$0x3] =	stream.indirect.gather [hbm4b:s4+s15], $0x40, s15, s15, $0xb8;
	[tilespmem:$0x15220] =	vst v63  }
0x24: {  	_ = 	snop  }
0x25: {  	[tilespmem:s19], [sflag:$0x4] =	stream.indirect.gather [hbm4b:s4+s15], $0x40, s18, s15, $0xb8;
	[tilespmem:$0x15220] =	vst v63  }
0x26: {  	_ =	swait.ge [sflag:s20], $0x2000  }
0x27: {  	[sflag:s20] =	ssyncset.done $0x0  }
0x28: {  	s11 =	simm.s32 $0x2710;
	[sflag:s20] =	ssyncadd.s32 $0xFFFFE000  }
0x29: {  	[spmem:s2] =	stream.indirect.scatter.add.f32 [tilespmem:s16], [sflag:$0x5], $0x40, s11, s15, $0xb8;
	[tilespmem:$0x15220] =	vst v63  }
0x2a: {  	_ =	swait.ge [sflag:s13], $0x2000  }
0x2b: {  	[sflag:s13] =	ssyncset.done $0x0  }
0x2c: {  	s1 =	simm.s32 $0x180;
	[sflag:s13] =	ssyncadd.s32 $0xFFFFE000  }
0x2d: {  	[tilespmem:s16], [sflag:$0x2] =	stream.indirect.gather [hbm4b:s4+s15], $0x40, s1, s15, $0xb8;
	[tilespmem:$0x15220] =	vst v63  }
0x2e: {  	_ =	swait.ge [sflag:s21], $0x2000  }
0x2f: {  	[sflag:s21] =	ssyncset.done $0x0  }
0x30: {  	s11 =	simm.s32 $0x2790;
	[sflag:s21] =	ssyncadd.s32 $0xFFFFE000  }
0x31: {  	[spmem:s2] =	stream.indirect.scatter.add.f32 [tilespmem:s17], [sflag:$0x5], $0x40, s11, s15, $0xb8;
	[tilespmem:$0x15220] =	vst v63  }
0x32: {  	_ =	swait.ge [sflag:s13], $0x2000  }
0x33: {  	[sflag:s13] =	ssyncset.done $0x0  }
0x34: {  	s1 =	simm.s32 $0x200;
	[sflag:s13] =	ssyncadd.s32 $0xFFFFE000  }
0x35: {  	[tilespmem:s17], [sflag:$0x3] =	stream.indirect.gather [hbm4b:s4+s15], $0x40, s1, s15, $0xb8;
	[tilespmem:$0x15220] =	vst v63  }
0x36: {  	_ =	swait.ge [sflag:s22], $0x2000  }
0x37: {  	[sflag:s22] =	ssyncset.done $0x0  }
0x38: {  	s11 =	simm.s32 $0x2810;
	[sflag:s22] =	ssyncadd.s32 $0xFFFFE000  }
0x39: {  	[spmem:s2] =	stream.indirect.scatter.add.f32 [tilespmem:s19], [sflag:$0x5], $0x40, s11, s15, $0xb8;
	[tilespmem:$0x15220] =	vst v63  }
0x3a: {  	_ =	swait.ge [sflag:s13], $0x2000  }
0x3b: {  	[sflag:s13] =	ssyncset.done $0x0  }
0x3c: {  	s0 =	simm.s32 $0x280;
	s1 =	simm.s32 $0x600;
	[sflag:s13] =	ssyncadd.s32 $0xFFFFE000  }
.LBB2_2:
0x3d: {  	[tilespmem:s19], [sflag:$0x4] =	stream.indirect.gather [hbm4b:s4+s15], $0x40, s0, s15, $0xb8;
	[tilespmem:$0x15220] =	vst v63  }
0x3e: {  	s0 =	smov.u32 s1  }
0x3f: {  	p0 =	sne.s32 s1, $0x9000;
	s1 =	sadd.s32 $0x600, s1;
	_ =	swait.ge [sflag:s20], $0x2000  }
0x40: {  	s0 =	sshra.s32 s0, $0x2;
	[sflag:s20] =	ssyncset.done $0x0  }
0x41: {  	s11 =	sadd.s32 $0x2710, s0;
	[sflag:s20] =	ssyncadd.s32 $0xFFFFE000  }
0x42: {  	[spmem:s2] =	stream.indirect.scatter.add.f32 [tilespmem:s16], [sflag:$0x5], $0x40, s11, s15, $0xb8;
	[tilespmem:$0x15220] =	vst v63  }
0x43: {  	_ =	swait.ge [sflag:s13], $0x2000  }
0x44: {  	[sflag:s13] =	ssyncset.done $0x0  }
0x45: {  	s11 =	sadd.s32 $0x180, s0;
	[sflag:s13] =	ssyncadd.s32 $0xFFFFE000  }
0x46: {  	[tilespmem:s16], [sflag:$0x2] =	stream.indirect.gather [hbm4b:s4+s15], $0x40, s11, s15, $0xb8;
	[tilespmem:$0x15220] =	vst v63  }
0x47: {  	_ =	swait.ge [sflag:s21], $0x2000  }
0x48: {  	[sflag:s21] =	ssyncset.done $0x0  }
0x49: {  	s11 =	sadd.s32 $0x2790, s0;
	[sflag:s21] =	ssyncadd.s32 $0xFFFFE000  }
0x4a: {  	[spmem:s2] =	stream.indirect.scatter.add.f32 [tilespmem:s17], [sflag:$0x5], $0x40, s11, s15, $0xb8;
	[tilespmem:$0x15220] =	vst v63  }
0x4b: {  	_ =	swait.ge [sflag:s13], $0x2000  }
0x4c: {  	[sflag:s13] =	ssyncset.done $0x0  }
0x4d: {  	s11 =	sadd.s32 $0x200, s0;
	[sflag:s13] =	ssyncadd.s32 $0xFFFFE000  }
0x4e: {  	[tilespmem:s17], [sflag:$0x3] =	stream.indirect.gather [hbm4b:s4+s15], $0x40, s11, s15, $0xb8;
	[tilespmem:$0x15220] =	vst v63  }
0x4f: {  	_ =	swait.ge [sflag:s22], $0x2000  }
0x50: {  	[sflag:s22] =	ssyncset.done $0x0  }
.Ltmp0:
0x51: {  	s11 =	sadd.s32 $0x2810, s0;
	[sflag:s22] =	ssyncadd.s32 $0xFFFFE000;
	(pc) =	sbr.rel @p0 .LBB2_2-.Ltmp0, $4  }
0x52: {  	[spmem:s2] =	stream.indirect.scatter.add.f32 [tilespmem:s19], [sflag:$0x5], $0x40, s11, s15, $0xb8;
	[tilespmem:$0x15220] =	vst v63  }
0x53: {  	_ =	swait.ge [sflag:s13], $0x2000  }
0x54: {  	[sflag:s13] =	ssyncset.done $0x0  }
0x55: {  	s0 =	sadd.s32 $0x280, s0;
	[sflag:s13] =	ssyncadd.s32 $0xFFFFE000  }
0x56: {  	[tilespmem:s19], [sflag:$0x4] =	stream.indirect.gather [hbm4b:s4+s15], $0x40, s0, s15, $0xb8;
	[tilespmem:$0x15220] =	vst v63  }
0x57: {  	_ =	swait.ge [sflag:s20], $0x2000  }
0x58: {  	[sflag:s20] =	ssyncset.done $0x0  }
0x59: {  	[sflag:s20] =	ssyncadd.s32 $0xFFFFE000  }
0x5a: {  	[spmem:s2] =	stream.indirect.scatter.add.f32 [tilespmem:s16], [sflag:$0x5], $0x40, s23, s15, $0xb8;
	[tilespmem:$0x15220] =	vst v63  }
0x5b: {  	_ =	swait.ge [sflag:s13], $0x2000  }
0x5c: {  	[sflag:s13] =	ssyncset.done $0x0  }
0x5d: {  	[sflag:s13] =	ssyncadd.s32 $0xFFFFE000  }
0x5e: {  	_ =	swait.ge [sflag:s21], $0x2000  }
0x5f: {  	[sflag:s21] =	ssyncset.done $0x0  }
0x60: {  	[sflag:s21] =	ssyncadd.s32 $0xFFFFE000  }
0x61: {  	[spmem:s2] =	stream.indirect.scatter.add.f32 [tilespmem:s17], [sflag:$0x5], $0x40, s24, s15, $0xb8;
	[tilespmem:$0x15220] =	vst v63  }
0x62: {  	_ =	swait.ge [sflag:s13], $0x2000  }
0x63: {  	[sflag:s13] =	ssyncset.done $0x0  }
0x64: {  	[sflag:s13] =	ssyncadd.s32 $0xFFFFE000  }
0x65: {  	_ =	swait.ge [sflag:s22], $0x2000  }
0x66: {  	[sflag:s22] =	ssyncset.done $0x0  }
0x67: {  	[sflag:s22] =	ssyncadd.s32 $0xFFFFE000  }
0x68: {  	[spmem:s2] =	stream.indirect.scatter.add.f32 [tilespmem:s19], [sflag:$0x5], $0x40, s25, s15, $0xb8;
	[tilespmem:$0x15220] =	vst v63  }
0x69: {  	_ =	swait.ge [sflag:s13], $0x2000  }
0x6a: {  	[sflag:s13] =	ssyncset.done $0x0  }
0x6b: {  	[sflag:s13] =	ssyncadd.s32 $0xFFFFE000  }
0x6c: {  	[tilespmem:s29], [sflag:$0x1] =	stream.indirect.gather [hbm4b:s4+s26], $0x40, s28, s26, $0xb8;
	[tilespmem:$0x15220] =	vst v63  }
0x6d: {  	_ =	swait.ge [sflag:s14], $0x400  }
0x6e: {  	[sflag:s14] =	ssyncset.done $0x0  }
0x6f: {  	[sflag:s14] =	ssyncadd.s32 $0xFFFFFC00  }
0x70: {  	[spmem:s2] =	stream.indirect.scatter.add.f32 [tilespmem:s29], [sflag:$0x5], $0x40, s30, s26, $0xb8;
	[tilespmem:$0x15220] =	vst v63  }
0x71: {  	_ =	swait.ge [sflag:s13], $0x400  }
0x72: {  	s31 =	sadd.s32 $0x1, s31;
	[sflag:s13] =	ssyncset.done $0x0  }
0x73: {  	p0 =	sne.s32 s31, s10;
	[sflag:s13] =	ssyncadd.s32 $0xFFFFFC00  }
.Ltmp1:
0x74: {  	[bflag:$0x0] =	sbarrier.arrive $0xFFFF;
	(pc) =	sbr.rel @p0 .LBB2_1-.Ltmp1, $4  }
0x75: {  	[hbm:s9], [sflag:s8] =	dma.local [spmem:s12], $0x1400  }
0x76: {  	_ =	swait.ge [sflag:s13], $0x1400  }
0x77: {  	[sflag:s13] =	ssyncset.done $0x0  }
0x78: {  	[sflag:s13] =	ssyncadd.s32 $0xFFFFEC00  }
0x79: {  	_ =	sfence.sel $0x180000  }
0x7a: {  	[bflag:$0x0] =	sbarrier.arrive $0xFFFF  }
0x7b: {  	_ =	strace $0x9000004D  }
0x7c: {  	s0 =	stileid.u32;
	[bflag:$0x2] =	sbarrier.arrive $0xFFFF  }
0x7d: {  	p0 =	sne.s32 s0, $0x0;
	s0 =	rddreg [dreg:$0x3]  }
0x7e: {  	s0 =	sadd.s32 @!p0 $0x100000, s0  }
0x7f: {  	[sflag:s0] =	ssyncadd.tile.s32 @!p0 $0x1;
	_ =	shalt  }
.Lfunc_end2:
_tile_overlayer_lowered:
.L_overlay_start_2:
0x80: {  	(tag) =	ssettag $0x2  }
0x81: {  	s0 =	rddreg [dreg:$0x0];
	s2 =	stileid.u32  }
0x82: {  	s1 =	rddreg [dreg:$0x1];
	p0 =	sne.s32 s2, $0x0  }
0x83: {  	s3 =	rddreg [dreg:$0x2];
	[bflag:$0x3] =	sbarrier.arrive $0xFFFF;
	s2 =	simm.s32 @!p0 $0x1C05  }
0x84: {  	[timem:s3], [sflag:s2] =	dma.local @!p0 [hbm:s0], s1  }
0x85: {  	s0 =	simm.s32 @!p0 $0x5  }
0x86: {  	_ =	swait.ge @!p0 [sflag:s0], s1  }
0x87: {  	s1 =	ssub.s32 @!p0 $0x0, s1;
	[sflag:s0] =	ssyncset.done @!p0 $0x0  }
0x88: {  	[sflag:s0] =	ssyncadd.s32 @!p0 s1  }
0x89: {  	[bflag:$0x3] =	sbarrier.arrive $0xFFFF  }
0x8a: {  	_ =	shalt  }

// kernel: kernel.21.cloned.1.call-start
scs
__scs_entry_jumppad:
0x0: {  	(pc) =	sbr.rel $0x88, $3  }
0x1: {  	(tag) =	ssettag $0x0;
	lr =	simm.s32 $0x1  }
0x2: {  	[smem:$0x3F9A] =	sst lr;
	_ =	strace $0xD0000000  }
0x3: {  	_ = 	snop  }
0x4: {  	_ = 	snop  }
0x5: {  	_ = 	snop  }
0x6: {  	_ = 	snop  }
0x7: {  	_ = 	snop  }
__scs_overlays_trampoline_lowered:
0x8: {  	[smem:$0x3FA9] =	sst s0  }
0x9: {  	[smem:$0x3FAA] =	sst s1  }
0xa: {  	[smem:$0x3FAB] =	sst s2  }
0xb: {  	[smem:$0x3FAC] =	sst s3  }
0xc: {  	[smem:$0x3FAD] =	sst s4  }
0xd: {  	[smem:$0x3FAE] =	sst s5  }
0xe: {  	[smem:$0x3FAF] =	sst s6  }
0xf: {  	[smem:$0x3FB0] =	sst s7  }
0x10: {  	[smem:$0x3FB1] =	sst s8  }
0x11: {  	[smem:$0x3FB2] =	sst s9;
	s0 =	simm.s32 @!p0 $0x0  }
0x12: {  	s1 =	sld [smem:$0x3F98];
	s0 =	simm.s32 @p0 $0x1  }
0x13: {  	[smem:$0x3FB3] =	sst s0;
	s0 =	simm.s32 @!p1 $0x0  }
0x14: {  	s2 =	sld [smem:$0x3F97];
	s0 =	simm.s32 @p1 $0x1  }
0x15: {  	[smem:$0x3FB4] =	sst s0;
	s0 =	simm.s32 @!p2 $0x0  }
0x16: {  	s3 =	sld [smem:$0x3FDB];
	s0 =	simm.s32 @p2 $0x1  }
0x17: {  	s4 =	simm.s32 $0x1BF5;
	[smem:$0x3FB6] =	sst s0  }
0x18: {  	s0 =	sld [smem:$0x3F99];
	_ =	swait.ge [sflag:s4], $0x0  }
0x19: {  	s7 =	sld [smem:$0x3F9A]  }
0x1a: {  	s8 =	sadd.s32 $0xFFFFE003, lr  }
0x1b: {  	s9 =	sadd.s32 $0xFFFFFEF7, lr;
	s5 =	simm.s32 $0xFFFFFFFF;
	p2 =	slt.u32 s8, $0xFFFFF086  }
0x1c: {  	p1 =	slt.u32 s9, $0xF7A;
	s5 =	simm.s32 @!p2 $0x0  }
0x1d: {  	s5 =	simm.s32 @p1 $0x1;
	p0 =	seq.s32 s7, s2  }
0x1e: {  	s7 =	smul.u32 @!p0 $0xF7A, s2;
	p2 =	seq.s32 @!p0 s5, $0x0  }
0x1f: {  	s9 =	smul.u32 $0xF7A, s1;
	s8 =	simm.s32 @!p0 $0x1BF5;
	p2 =	por !p2, p0  }
0x20: {  	[sflag:s8] =	ssyncset.s32 @!p0 $0xFFFFF086;
	s6 =	sadd.s32 @!p0 s3, s7;
	s7 =	simm.s32 @!p0 $0x108  }
0x21: {  	s3 =	sadd.s32 s3, s9;
	s6 =	sadd.s32 @!p0 $0x88, s6;
	s7 =	simm.s32 @p2 $0x1082  }
0x22: {  	[simem:s7], [sflag:s8] =	dma.local @!p0 [hbm:s6], $0xF7A  }
0x23: {  	s9 =	sor.u32 $0xD0000000, s2;
	s6 =	simm.s32 $0x108;
	_ =	swait.ge @!p0 [sflag:s8], $0x0  }
0x24: {  	s3 =	sadd.s32 $0x88, s3;
	s6 =	simm.s32 @!p1 $0x1082;
	[sflag:s4] =	ssyncset.s32 $0xFFFFF086  }
0x25: {  	[simem:s6], [sflag:s4] =	dma.local [hbm:s3], $0xF7A  }
0x26: {  	[smem:$0x3F9A] =	sst s1;
	(tag) =	ssettag s2;
	_ =	strace s9  }
0x27: {  	s1 =	sld [smem:$0x3FAA]  }
0x28: {  	s2 =	sld [smem:$0x3FAB]  }
0x29: {  	s4 =	sld [smem:$0x3FAD]  }
0x2a: {  	p0 =	seq.s32 s5, $0x0;
	s5 =	sld [smem:$0x3FAE]  }
0x2b: {  	s6 =	sld [smem:$0x3FAF]  }
0x2c: {  	s7 =	sld [smem:$0x3FB0]  }
0x2d: {  	s3 =	simm.s32 $0x108;
	s8 =	sld [smem:$0x3FB1]  }
0x2e: {  	s3 =	simm.s32 @!p0 $0x1082;
	s9 =	sld [smem:$0x3FB2]  }
0x2f: {  	lr =	sadd.s32 s0, s3;
	s0 =	sld [smem:$0x3FA9]  }
0x30: {  	s3 =	sld [smem:$0x3FAC]  }
0x31: {  	[smem:$0x3FB5] =	sst s10  }
0x32: {  	s10 =	sld [smem:$0x3FB3];
	_ =	sdelay $0x3  }
0x33: {  	p0 =	seq.s32 s10, $0x1;
	s10 =	sld [smem:$0x3FB5];
	_ =	sdelay $0x3  }
0x34: {  	[smem:$0x3FB5] =	sst s10  }
0x35: {  	s10 =	sld [smem:$0x3FB4];
	_ =	sdelay $0x3  }
0x36: {  	p1 =	seq.s32 s10, $0x1;
	s10 =	sld [smem:$0x3FB5];
	_ =	sdelay $0x3  }
0x37: {  	[smem:$0x3FB5] =	sst s10  }
0x38: {  	s10 =	sld [smem:$0x3FB6]  }
0x39: {  	_ = 	snop;
	(pc) =	sbr.ind lr, $3  }
0x3a: {  	_ = 	snop  }
0x3b: {  	_ = 	snop  }
0x3c: {  	p2 =	seq.s32 s10, $0x1;
	s10 =	sld [smem:$0x3FB5]  }
0x3d: {  	_ =	shalt  }
0x3e: {  	_ =	shalt  }
0x3f: {  	_ =	shalt  }
0x40: {  	_ =	shalt  }
0x41: {  	_ =	shalt  }
0x42: {  	_ =	shalt  }
0x43: {  	_ =	shalt  }
0x44: {  	_ =	shalt  }
0x45: {  	_ =	shalt  }
0x46: {  	_ =	shalt  }
0x47: {  	_ =	shalt  }
0x48: {  	_ =	shalt  }
0x49: {  	_ =	shalt  }
0x4a: {  	_ =	shalt  }
0x4b: {  	_ =	shalt  }
0x4c: {  	_ =	shalt  }
0x4d: {  	_ =	shalt  }
0x4e: {  	_ =	shalt  }
0x4f: {  	_ =	shalt  }
0x50: {  	_ =	shalt  }
0x51: {  	_ =	shalt  }
0x52: {  	_ =	shalt  }
0x53: {  	_ =	shalt  }
0x54: {  	_ =	shalt  }
0x55: {  	_ =	shalt  }
0x56: {  	_ =	shalt  }
0x57: {  	_ =	shalt  }
0x58: {  	_ =	shalt  }
0x59: {  	_ =	shalt  }
0x5a: {  	_ =	shalt  }
0x5b: {  	_ =	shalt  }
0x5c: {  	_ =	shalt  }
0x5d: {  	_ =	shalt  }
0x5e: {  	_ =	shalt  }
0x5f: {  	_ =	shalt  }
0x60: {  	_ =	shalt  }
0x61: {  	_ =	shalt  }
0x62: {  	_ =	shalt  }
0x63: {  	_ =	shalt  }
0x64: {  	_ =	shalt  }
0x65: {  	_ =	shalt  }
0x66: {  	_ =	shalt  }
0x67: {  	_ =	shalt  }
0x68: {  	_ =	shalt  }
0x69: {  	_ =	shalt  }
0x6a: {  	_ =	shalt  }
0x6b: {  	_ =	shalt  }
0x6c: {  	_ =	shalt  }
0x6d: {  	_ =	shalt  }
0x6e: {  	_ =	shalt  }
0x6f: {  	_ =	shalt  }
0x70: {  	_ =	shalt  }
0x71: {  	_ =	shalt  }
0x72: {  	_ =	shalt  }
0x73: {  	_ =	shalt  }
0x74: {  	_ =	shalt  }
0x75: {  	_ =	shalt  }
0x76: {  	_ =	shalt  }
0x77: {  	_ =	shalt  }
0x78: {  	_ =	shalt  }
0x79: {  	_ =	shalt  }
0x7a: {  	_ =	shalt  }
0x7b: {  	_ =	shalt  }
0x7c: {  	_ =	shalt  }
0x7d: {  	_ =	shalt  }
0x7e: {  	_ =	shalt  }
0x7f: {  	_ =	shalt  }
0x80: {  	_ =	shalt  }
0x81: {  	_ =	shalt  }
0x82: {  	_ =	shalt  }
0x83: {  	_ =	shalt  }
0x84: {  	_ =	shalt  }
0x85: {  	_ =	shalt  }
0x86: {  	_ =	shalt  }
0x87: {  	_ =	shalt  }
.Lfunc_end0:
.L_simem_size_0:
called_computation.3_lowered:
.L_overlay_start_0:
0x88: {  	s2 =	sld [smem:$0x3FD9]  }
0x89: {  	s3 =	sld [smem:$0x3FFE];
	_ =	sdelay $0x1  }
0x8a: {  	s1 =	srdreg.scid  }
0x8b: {  	s0 =	sand.u32 $0x1, s1  }
0x8c: {  	s17 =	sshll.u32 s0, $0xA;
	s2 =	sadd.s32 s3, s2  }
0x8d: {  	s2 =	sadd.s32 s2, s17  }
0x8e: {  	[smem:$0x3FC1] =	sst s2  }
0x8f: {  	_ = 	snop  }
0x90: {  	(tm) =	ssettm $0x1  }
0x91: {  	s18 =	sld [smem:$0x3FFB];
	_ =	sdelay $0x3  }
0x92: {  	_ =	strace s18  }
0x93: {  	s2 =	sld [smem:$0x3FFC];
	_ =	sdelay $0x3  }
0x94: {  	_ =	strace s2  }
0x95: {  	s2 =	sld [smem:$0x3FFD];
	_ =	sdelay $0x3  }
0x96: {  	_ =	strace s2  }
0x97: {  	_ =	strace $0x8FFFFFFF  }
0x98: {  	s19 =	sld [smem:$0x3FDB];
	_ =	sdelay $0x1  }
0x99: {  	s20 =	simm.s32 $_scs_section_size  }
0x9a: {  	s4 =	simm.s32 $_size__tile_overlayer_lowered;
	s5 =	simm.s32 $_tile_overlayer_lowered  }
0x9b: {  	s6 =	simm.s32 $0x1BFF;
	s21 =	sshll.u32 s5, $0x1;
	s3 =	sadd.s32 s20, s19  }
0x9c: {  	s22 =	simm.s32 $0x0;
	s4 =	sshll.u32 s4, $0x1;
	s5 =	sadd.s32 s21, s3  }
0x9d: {  	[timem:s22], [sflag:s6] =	dma.local [hbm:s5], s4  }
0x9e: {  	_ =	swait.ge [sflag:s6], s4  }
0x9f: {  	s4 =	ssub.s32 $0x0, s4;
	[sflag:s6] =	ssyncset.done $0x0  }
0xa0: {  	[sflag:s6] =	ssyncadd.s32 s4;
	_ =	sdelay $0x1  }
0xa1: {  	s23 =	simm.s32 $0x1B8B  }
0xa2: {  	_ =	swait.ge [sflag:s23], $0x1  }
0xa3: {  	[sflag:s23] =	ssyncset.done $0x0  }
0xa4: {  	[sflag:s23] =	ssyncadd.s32 $0xFFFFFFFF  }
0xa5: {  	s4 =	sld [smem:$0x0]  }
0xa6: {  	s5 =	sand.u32 $0xFFFFFFFE, s1  }
0xa7: {  	p0 =	sne.s32 s1, s5  }
0xa8: {  	s5 =	sshll.u32 @p0 s5, $0xE  }
0xa9: {  	s5 =	sadd.s32 @p0 $0x11B8D, s5;
	s6 =	sshll.u32 @p0 s4, $0x11  }
0xaa: {  	s5 =	sor.u32 @p0 s6, s5  }
0xab: {  	[sflag:s5] =	ssyncadd.remote.s32 @p0 $0x1;
	_ =	sdelay $0x1  }
0xac: {  	s5 =	simm.s32 @p0 $0x1B8D  }
0xad: {  	_ =	swait.eq @p0 [sflag:s5], $0x1  }
0xae: {  	[sflag:s5] =	ssyncadd.s32 @p0 $0xFFFFFFFF  }
0xaf: {  	s6 =	sshll.u32 @!p0 s1, $0xE  }
0xb0: {  	s6 =	sor.u32 @!p0 $0x4000, s6;
	s5 =	simm.s32 @!p0 $0x1B8D  }
0xb1: {  	s4 =	sshll.u32 @!p0 s4, $0x11;
	s6 =	sadd.s32 @!p0 $0x11B8D, s6;
	_ =	swait.eq @!p0 [sflag:s5], $0x1  }
0xb2: {  	s4 =	sor.u32 @!p0 s4, s6;
	[sflag:s5] =	ssyncadd.s32 @!p0 $0xFFFFFFFF  }
0xb3: {  	s25 =	simm.s32 $0x1B8E;
	s24 =	sld [smem:$0x3FFE];
	[sflag:s4] =	ssyncadd.remote.s32 @!p0 $0x1  }
0xb4: {  	s26 =	simm.s32 $execute0_lowered;
	[smem:$0x3FD2] =	sst s25  }
0xb5: {  	s5 =	sshll.u32 s26, $0x1;
	_ =	strace $0x80000052;
	[dreg:$0x1] =	wrdreg $0xFFFFFFFF  }
0xb6: {  	s28 =	simm.s32 $_size_execute0_lowered;
	s3 =	sadd.s32 s3, s5;
	[dreg:$0x0] =	wrdreg $0x0  }
0xb7: {  	s5 =	sshll.u32 s28, $0x1;
	[dreg:$0x2] =	wrdreg s3  }
0xb8: {  	[dreg:$0x3] =	wrdreg s5  }
0xb9: {  	[dreg:$0x4] =	wrdreg $0xC0  }
0xba: {  	_ =	task [dreg:s22], $0x5FFFF  }
0xbb: {  	[dreg:$0x1] =	wrdreg $0xFFFFFFFF  }
0xbc: {  	[dreg:$0x0] =	wrdreg $0x60  }
0xbd: {  	[dreg:$0x2] =	wrdreg s24  }
0xbe: {  	[dreg:$0x3] =	wrdreg $0x9  }
0xbf: {  	_ =	task.clear_ibuf [dreg:s22], $0x4FFFF;
	_ =	strace $0x90000052  }
0xc0: {  	s29 =	simm.s32 $0x9;
	_ =	strace $0x80000054  }
0xc1: {  	_ =	swait.ge [sflag:s29], $0x1  }
0xc2: {  	[sflag:s29] =	ssyncadd.s32 $0xFFFFFFFF  }
0xc3: {  	_ =	strace $0x90000054  }
0xc4: {  	_ =	sfence  }
0xc5: {  	s30 =	sld [smem:$0x0];
	_ =	sdelay $0x2  }
0xc6: {  	s31 =	sshll.u32 s1, $0xD;
	s1 =	sshrl.u32 s1, $0x2  }
0xc7: {  	s4 =	sand.u32 $0x4000, s31;
	s1 =	sadd.s32 s1, s30  }
0xc8: {  	s0 =	sor.u32 s4, s0;
	s1 =	sshll.u32 s1, $0x11  }
0xc9: {  	s0 =	sor.u32 s1, s0  }
0xca: {  	s0 =	sadd.s32 $0x8F2B, s0  }
0xcb: {  	[sflag:s0] =	ssyncadd.remote.s32 $0x1  }
0xcc: {  	_ =	sfence.sel $0xFFFF  }
0xcd: {  	[dreg:$0x0] =	wrdreg $0xFFFFFFFF;
	(pc) =	sbr.abs _section_cstart, $3  }
0xce: {  	[dreg:$0x1] =	wrdreg $0xFFFFFFFF  }
0xcf: {  	_ =	task.clear_ibuf [dreg:s22], $0x2FFFF;
	_ =	strace $0x9FFFFFFF  }
0xd0: {  	(tm) =	ssettm $0x7FFFFFFF  }
0xd1: {  	_ =	shalt  }
tec
execute0_lowered:
.L_overlay_start_1:
0x0: {  	(tag) =	ssettag $0x1  }
0x1: {  	s0 =	srdreg.scid  }
0x2: {  	s1 =	rddreg [dreg:$0x0];
	s8 =	stileid.u32  }
0x3: {  	s2 =	simm.s32 $0x0;
	s16 =	simm.s32 $0x1388;
	s17 =	simm.s32 $0x1  }
0x4: {  	s18 =	simm.s32 $0x80;
	s19 =	simm.s32 $0x2710;
	s28 =	simm.s32 $0xC710  }
0x5: {  	s29 =	simm.s32 $0x2;
	s30 =	simm.s32 $0x40;
	s0 =	sand.u32 $0x1, s0  }
0x6: {  	s31 =	simm.s32 $0x5;
	s26 =	smul.u32 $0x13880, s8;
	s3 =	sshll.u32 s0, $0x4  }
0x7: {  	s5 =	ssub.s32 $0x2, s0;
	s0 =	smul.u32 $0x138800, s0;
	s3 =	sor.u32 s8, s3  }
0x8: {  	[smem:$0x7FF] =	sst s2;
	s7 =	sshrl.u32 s5, $0x1;
	s4 =	smul.u32 $0x1388, s3  }
0x9: {  	_ =	strace $0x80000053;
	s6 =	smul.u32 $0x9C400, s3;
	s5 =	ssub.s32 s5, s7  }
0xa: {  	s3 =	sadd.s32 $0x1A00, s1;
	s14 =	smax.u32 s5, $0x1;
	s4 =	sshrl.u32 s4, $0x3  }
0xb: {  	s6 =	sshrl.u32 s6, $0x3;
	s4 =	sadd.s32 s4, s1;
	s1 =	sadd.s32 $0x326600, s1  }
0xc: {  	s20 =	sadd.s32 $0xAB800, s4;
	s4 =	sadd.s32 $0xA1A00, s4;
	s21 =	sadd.s32 s1, s6  }
0xd: {  	s0 =	sadd.s32 s0, s1;
	s1 =	simm.s32 $0x4;
	[dreg:$0x2] =	wrdreg s20  }
0xe: {  	[dreg:$0x3] =	wrdreg s4;
	s6 =	sadd.s32 $0x12000, s21;
	s22 =	sadd.s32 $0x12008, s21  }
0xf: {  	s23 =	sadd.s32 $0x12800, s21;
	s24 =	sadd.s32 $0x12808, s21;
	s25 =	sadd.s32 $0x13000, s21  }
0x10: {  	s11 =	sadd.s32 $0x13008, s21;
	s12 =	sadd.s32 $0x13800, s21;
	[dreg:$0x4] =	wrdreg s6  }
0x11: {  	s13 =	sadd.s32 $0x13808, s21;
	s15 =	sadd.s32 s26, s0;
	[dreg:$0x5] =	wrdreg s22  }
0x12: {  	s20 =	simm.s32 $0x8710;
	s21 =	simm.s32 $0x4710;
	[dreg:$0x6] =	wrdreg s23  }
0x13: {  	s0 =	simm.s32 $0x3;
	s26 =	simm.s32 $0xE710;
	[dreg:$0x7] =	wrdreg s24  }
0x14: {  	s4 =	simm.s32 $0x0;
	[dreg:$0x8] =	wrdreg s25;
	s23 =	simm.s32 $0xA710  }
0x15: {  	s25 =	simm.s32 $0x6710;
	s22 =	simm.s32 $0x8;
	s24 =	simm.s32 $0xE910  }
.LBB2_1:
0x16: {  	s5 =	rddreg [dreg:$0x2]  }
0x17: {  	[tilespmem:s2], [sflag:$0x1] =	stream.linear.gather [hbm4b:s5+s2], $0x1388, $0x38;
	[tilespmem:$0xEB10] =	vst v63  }
0x18: {  	s8 =	rddreg [dreg:$0x3]  }
0x19: {  	[tilespmem:s16], [sflag:$0x1] =	stream.linear.gather [hbm4b:s8+s2], $0x1388, $0x38;
	[tilespmem:$0xEB10] =	vst v63  }
0x1a: {  	_ =	swait.ge [sflag:s17], $0x1388  }
0x1b: {  	[sflag:s17] =	ssyncset.done $0x0  }
0x1c: {  	[sflag:s17] =	ssyncadd.s32 $0xFFFFEC78  }
0x1d: {  	_ =	swait.ge [sflag:s17], $0x1388  }
0x1e: {  	[sflag:s17] =	ssyncset.done $0x0  }
0x1f: {  	[sflag:s17] =	ssyncadd.s32 $0xFFFFEC78  }
0x20: {  	[tilespmem:s19], [sflag:$0x2] =	stream.indirect.gather [hbm4b:s3+s18], $0x40, s2, s18, $0xb8;
	[tilespmem:$0xEB10] =	vst v63  }
0x21: {  	_ = 	snop  }
0x22: {  	[tilespmem:s20], [sflag:$0x2] =	stream.indirect.gather [hbm4b:s3+s18], $0x40, s16, s18, $0xb8;
	[tilespmem:$0xEB10] =	vst v63  }
0x23: {  	_ = 	snop  }
0x24: {  	[tilespmem:s21], [sflag:$0x3] =	stream.indirect.gather [hbm4b:s3+s18], $0x40, s18, s18, $0xb8;
	[tilespmem:$0xEB10] =	vst v63  }
0x25: {  	s9 =	simm.s32 $0x1408  }
0x26: {  	[tilespmem:s23], [sflag:$0x3] =	stream.indirect.gather [hbm4b:s3+s18], $0x40, s9, s18, $0xb8;
	[tilespmem:$0xEB10] =	vst v63  }
0x27: {  	s10 =	simm.s32 $0x100  }
0x28: {  	[tilespmem:s25], [sflag:$0x4] =	stream.indirect.gather [hbm4b:s3+s18], $0x40, s10, s18, $0xb8;
	[tilespmem:$0xEB10] =	vst v63  }
0x29: {  	s6 =	simm.s32 $0x1488  }
0x2a: {  	[tilespmem:s28], [sflag:$0x4] =	stream.indirect.gather [hbm4b:s3+s18], $0x40, s6, s18, $0xb8;
	[tilespmem:$0xEB10] =	vst v63  }
0x2b: {  	_ =	swait.ge [sflag:s29], $0x2000  }
0x2c: {  	[sflag:s29] =	ssyncset.done $0x0  }
0x2d: {  	[sflag:s29] =	ssyncadd.s32 $0xFFFFE000  }
0x2e: {  	_ =	swait.ge [sflag:s29], $0x2000  }
0x2f: {  	[sflag:s29] =	ssyncset.done $0x0  }
0x30: {  	s5 =	sadd.s32 $0x0, s15;
	[sflag:s29] =	ssyncadd.s32 $0xFFFFE000  }
0x31: {  	[hbm4b:s5+s30] =	stream.strided.scatter [tilespmem:s19], [sflag:$0x5], $0x2000, s18, s30, $0x38;
	[tilespmem:$0xEB10] =	vst v63  }
0x32: {  	_ =	swait.ge [sflag:s31], $0x2000  }
0x33: {  	[sflag:s31] =	ssyncset.done $0x0  }
0x34: {  	s6 =	sadd.s32 $0x8, s5;
	[sflag:s31] =	ssyncadd.s32 $0xFFFFE000  }
0x35: {  	[hbm4b:s6+s30] =	stream.strided.scatter [tilespmem:s20], [sflag:$0x5], $0x2000, s18, s30, $0x38;
	[tilespmem:$0xEB10] =	vst v63  }
0x36: {  	_ =	swait.ge [sflag:s31], $0x2000  }
0x37: {  	[sflag:s31] =	ssyncset.done $0x0  }
0x38: {  	s7 =	simm.s32 $0x180;
	[sflag:s31] =	ssyncadd.s32 $0xFFFFE000  }
0x39: {  	[tilespmem:s19], [sflag:$0x2] =	stream.indirect.gather [hbm4b:s3+s18], $0x40, s7, s18, $0xb8;
	[tilespmem:$0xEB10] =	vst v63  }
0x3a: {  	s8 =	simm.s32 $0x1508  }
0x3b: {  	[tilespmem:s20], [sflag:$0x2] =	stream.indirect.gather [hbm4b:s3+s18], $0x40, s8, s18, $0xb8;
	[tilespmem:$0xEB10] =	vst v63  }
0x3c: {  	_ =	swait.ge [sflag:s0], $0x2000  }
0x3d: {  	[sflag:s0] =	ssyncset.done $0x0  }
0x3e: {  	[sflag:s0] =	ssyncadd.s32 $0xFFFFE000  }
0x3f: {  	_ =	swait.ge [sflag:s0], $0x2000  }
0x40: {  	[sflag:s0] =	ssyncset.done $0x0  }
0x41: {  	s9 =	sadd.s32 $0x800, s5;
	[sflag:s0] =	ssyncadd.s32 $0xFFFFE000  }
0x42: {  	[hbm4b:s9+s30] =	stream.strided.scatter [tilespmem:s21], [sflag:$0x5], $0x2000, s18, s30, $0x38;
	[tilespmem:$0xEB10] =	vst v63  }
0x43: {  	_ =	swait.ge [sflag:s31], $0x2000  }
0x44: {  	[sflag:s31] =	ssyncset.done $0x0  }
0x45: {  	s10 =	sadd.s32 $0x808, s5;
	[sflag:s31] =	ssyncadd.s32 $0xFFFFE000  }
0x46: {  	[hbm4b:s10+s30] =	stream.strided.scatter [tilespmem:s23], [sflag:$0x5], $0x2000, s18, s30, $0x38;
	[tilespmem:$0xEB10] =	vst v63  }
0x47: {  	_ =	swait.ge [sflag:s31], $0x2000  }
0x48: {  	[sflag:s31] =	ssyncset.done $0x0  }
0x49: {  	s7 =	simm.s32 $0x200;
	[sflag:s31] =	ssyncadd.s32 $0xFFFFE000  }
0x4a: {  	[tilespmem:s21], [sflag:$0x3] =	stream.indirect.gather [hbm4b:s3+s18], $0x40, s7, s18, $0xb8;
	[tilespmem:$0xEB10] =	vst v63  }
0x4b: {  	s8 =	simm.s32 $0x1588  }
0x4c: {  	[tilespmem:s23], [sflag:$0x3] =	stream.indirect.gather [hbm4b:s3+s18], $0x40, s8, s18, $0xb8;
	[tilespmem:$0xEB10] =	vst v63  }
0x4d: {  	_ =	swait.ge [sflag:s1], $0x2000  }
0x4e: {  	[sflag:s1] =	ssyncset.done $0x0  }
0x4f: {  	[sflag:s1] =	ssyncadd.s32 $0xFFFFE000  }
0x50: {  	_ =	swait.ge [sflag:s1], $0x2000  }
0x51: {  	[sflag:s1] =	ssyncset.done $0x0  }
0x52: {  	s9 =	sadd.s32 $0x1000, s5;
	[sflag:s1] =	ssyncadd.s32 $0xFFFFE000  }
0x53: {  	[hbm4b:s9+s30] =	stream.strided.scatter [tilespmem:s25], [sflag:$0x5], $0x2000, s18, s30, $0x38;
	[tilespmem:$0xEB10] =	vst v63  }
0x54: {  	_ =	swait.ge [sflag:s31], $0x2000  }
0x55: {  	[sflag:s31] =	ssyncset.done $0x0  }
0x56: {  	s5 =	sadd.s32 $0x1008, s5;
	[sflag:s31] =	ssyncadd.s32 $0xFFFFE000  }
0x57: {  	[hbm4b:s5+s30] =	stream.strided.scatter [tilespmem:s28], [sflag:$0x5], $0x2000, s18, s30, $0x38;
	[tilespmem:$0xEB10] =	vst v63  }
0x58: {  	s6 =	simm.s32 $0x1800;
	_ =	swait.ge [sflag:s31], $0x2000  }
0x59: {  	s10 =	simm.s32 $0x280;
	s7 =	simm.s32 $0x400;
	[sflag:s31] =	ssyncset.done $0x0  }
0x5a: {  	s8 =	simm.s32 $0x1788;
	s5 =	simm.s32 $0x1608;
	[sflag:s31] =	ssyncadd.s32 $0xFFFFE000  }
0x5b: {  	[tilespmem:s25], [sflag:$0x4] =	stream.indirect.gather [hbm4b:s3+s18], $0x40, s10, s18, $0xb8;
	[tilespmem:$0xEB10] =	vst v63  }
.LBB2_2:
0x5c: {  	[tilespmem:s28], [sflag:$0x4] =	stream.indirect.gather [hbm4b:s3+s18], $0x40, s5, s18, $0xb8;
	[tilespmem:$0xEB10] =	vst v63  }
0x5d: {  	s9 =	smov.u32 s6;
	s5 =	smov.u32 s8  }
0x5e: {  	p0 =	sne.s32 s6, $0x10800;
	s6 =	sadd.s32 $0x1800, s6;
	_ =	swait.ge [sflag:s29], $0x2000  }
0x5f: {  	[sflag:s29] =	ssyncset.done $0x0  }
0x60: {  	[sflag:s29] =	ssyncadd.s32 $0xFFFFE000  }
0x61: {  	_ =	swait.ge [sflag:s29], $0x2000  }
0x62: {  	[sflag:s29] =	ssyncset.done $0x0  }
0x63: {  	s9 =	sadd.s32 s9, s15;
	[sflag:s29] =	ssyncadd.s32 $0xFFFFE000  }
0x64: {  	[hbm4b:s9+s30] =	stream.strided.scatter [tilespmem:s19], [sflag:$0x5], $0x2000, s18, s30, $0x38;
	[tilespmem:$0xEB10] =	vst v63  }
0x65: {  	_ =	swait.ge [sflag:s31], $0x2000  }
0x66: {  	[sflag:s31] =	ssyncset.done $0x0  }
0x67: {  	s10 =	sadd.s32 $0x8, s9;
	[sflag:s31] =	ssyncadd.s32 $0xFFFFE000  }
0x68: {  	[hbm4b:s10+s30] =	stream.strided.scatter [tilespmem:s20], [sflag:$0x5], $0x2000, s18, s30, $0x38;
	[tilespmem:$0xEB10] =	vst v63  }
0x69: {  	_ =	swait.ge [sflag:s31], $0x2000  }
0x6a: {  	[sflag:s31] =	ssyncset.done $0x0  }
0x6b: {  	s10 =	sadd.s32 $0xFFFFFF00, s7;
	[sflag:s31] =	ssyncadd.s32 $0xFFFFE000  }
0x6c: {  	[tilespmem:s19], [sflag:$0x2] =	stream.indirect.gather [hbm4b:s3+s18], $0x40, s10, s18, $0xb8;
	[tilespmem:$0xEB10] =	vst v63  }
0x6d: {  	s10 =	sadd.s32 $0xFFFFFF00, s8  }
0x6e: {  	[tilespmem:s20], [sflag:$0x2] =	stream.indirect.gather [hbm4b:s3+s18], $0x40, s10, s18, $0xb8;
	[tilespmem:$0xEB10] =	vst v63  }
0x6f: {  	_ =	swait.ge [sflag:s0], $0x2000  }
0x70: {  	[sflag:s0] =	ssyncset.done $0x0  }
0x71: {  	[sflag:s0] =	ssyncadd.s32 $0xFFFFE000  }
0x72: {  	_ =	swait.ge [sflag:s0], $0x2000  }
0x73: {  	[sflag:s0] =	ssyncset.done $0x0  }
0x74: {  	s10 =	sadd.s32 $0x800, s9;
	[sflag:s0] =	ssyncadd.s32 $0xFFFFE000  }
0x75: {  	[hbm4b:s10+s30] =	stream.strided.scatter [tilespmem:s21], [sflag:$0x5], $0x2000, s18, s30, $0x38;
	[tilespmem:$0xEB10] =	vst v63  }
0x76: {  	_ =	swait.ge [sflag:s31], $0x2000  }
0x77: {  	[sflag:s31] =	ssyncset.done $0x0  }
0x78: {  	s10 =	sadd.s32 $0x808, s9;
	[sflag:s31] =	ssyncadd.s32 $0xFFFFE000  }
0x79: {  	[hbm4b:s10+s30] =	stream.strided.scatter [tilespmem:s23], [sflag:$0x5], $0x2000, s18, s30, $0x38;
	[tilespmem:$0xEB10] =	vst v63  }
0x7a: {  	_ =	swait.ge [sflag:s31], $0x2000  }
0x7b: {  	[sflag:s31] =	ssyncset.done $0x0  }
0x7c: {  	s10 =	sadd.s32 $0xFFFFFF80, s7;
	[sflag:s31] =	ssyncadd.s32 $0xFFFFE000  }
0x7d: {  	[tilespmem:s21], [sflag:$0x3] =	stream.indirect.gather [hbm4b:s3+s18], $0x40, s10, s18, $0xb8;
	[tilespmem:$0xEB10] =	vst v63  }
0x7e: {  	s10 =	sadd.s32 $0xFFFFFF80, s8  }
0x7f: {  	[tilespmem:s23], [sflag:$0x3] =	stream.indirect.gather [hbm4b:s3+s18], $0x40, s10, s18, $0xb8;
	[tilespmem:$0xEB10] =	vst v63  }
0x80: {  	_ =	swait.ge [sflag:s1], $0x2000  }
0x81: {  	[sflag:s1] =	ssyncset.done $0x0  }
0x82: {  	[sflag:s1] =	ssyncadd.s32 $0xFFFFE000  }
0x83: {  	_ =	swait.ge [sflag:s1], $0x2000  }
0x84: {  	[sflag:s1] =	ssyncset.done $0x0  }
0x85: {  	s10 =	sadd.s32 $0x1000, s9;
	[sflag:s1] =	ssyncadd.s32 $0xFFFFE000  }
0x86: {  	[hbm4b:s10+s30] =	stream.strided.scatter [tilespmem:s25], [sflag:$0x5], $0x2000, s18, s30, $0x38;
	[tilespmem:$0xEB10] =	vst v63  }
0x87: {  	_ =	swait.ge [sflag:s31], $0x2000  }
0x88: {  	[sflag:s31] =	ssyncset.done $0x0  }
0x89: {  	s9 =	sadd.s32 $0x1008, s9;
	[sflag:s31] =	ssyncadd.s32 $0xFFFFE000  }
0x8a: {  	[hbm4b:s9+s30] =	stream.strided.scatter [tilespmem:s28], [sflag:$0x5], $0x2000, s18, s30, $0x38;
	[tilespmem:$0xEB10] =	vst v63  }
.Ltmp0:
0x8b: {  	_ =	swait.ge [sflag:s31], $0x2000;
	(pc) =	sbr.rel @p0 .LBB2_2-.Ltmp0, $4  }
0x8c: {  	[sflag:s31] =	ssyncset.done $0x0  }
0x8d: {  	[sflag:s31] =	ssyncadd.s32 $0xFFFFE000  }
0x8e: {  	[tilespmem:s25], [sflag:$0x4] =	stream.indirect.gather [hbm4b:s3+s18], $0x40, s7, s18, $0xb8;
	[tilespmem:$0xEB10] =	vst v63  }
0x8f: {  	s8 =	sadd.s32 $0x180, s8;
	s7 =	sadd.s32 $0x180, s7  }
0x90: {  	[tilespmem:s28], [sflag:$0x4] =	stream.indirect.gather [hbm4b:s3+s18], $0x40, s5, s18, $0xb8;
	[tilespmem:$0xEB10] =	vst v63  }
0x91: {  	_ =	swait.ge [sflag:s29], $0x2000  }
0x92: {  	[sflag:s29] =	ssyncset.done $0x0  }
0x93: {  	[sflag:s29] =	ssyncadd.s32 $0xFFFFE000  }
0x94: {  	_ =	swait.ge [sflag:s29], $0x2000  }
0x95: {  	[sflag:s29] =	ssyncset.done $0x0  }
0x96: {  	s9 =	rddreg [dreg:$0x4];
	[sflag:s29] =	ssyncadd.s32 $0xFFFFE000  }
0x97: {  	[hbm4b:s9+s30] =	stream.strided.scatter [tilespmem:s19], [sflag:$0x5], $0x2000, s18, s30, $0x38;
	[tilespmem:$0xEB10] =	vst v63  }
0x98: {  	_ =	swait.ge [sflag:s31], $0x2000  }
0x99: {  	[sflag:s31] =	ssyncset.done $0x0  }
0x9a: {  	s10 =	rddreg [dreg:$0x5];
	[sflag:s31] =	ssyncadd.s32 $0xFFFFE000  }
0x9b: {  	[hbm4b:s10+s30] =	stream.strided.scatter [tilespmem:s20], [sflag:$0x5], $0x2000, s18, s30, $0x38;
	[tilespmem:$0xEB10] =	vst v63  }
0x9c: {  	_ =	swait.ge [sflag:s31], $0x2000  }
0x9d: {  	[sflag:s31] =	ssyncset.done $0x0  }
0x9e: {  	[sflag:s31] =	ssyncadd.s32 $0xFFFFE000  }
0x9f: {  	_ =	swait.ge [sflag:s0], $0x2000  }
0xa0: {  	[sflag:s0] =	ssyncset.done $0x0  }
0xa1: {  	[sflag:s0] =	ssyncadd.s32 $0xFFFFE000  }
0xa2: {  	_ =	swait.ge [sflag:s0], $0x2000  }
0xa3: {  	[sflag:s0] =	ssyncset.done $0x0  }
0xa4: {  	s6 =	rddreg [dreg:$0x6];
	[sflag:s0] =	ssyncadd.s32 $0xFFFFE000  }
0xa5: {  	[hbm4b:s6+s30] =	stream.strided.scatter [tilespmem:s21], [sflag:$0x5], $0x2000, s18, s30, $0x38;
	[tilespmem:$0xEB10] =	vst v63  }
0xa6: {  	_ =	swait.ge [sflag:s31], $0x2000  }
0xa7: {  	[sflag:s31] =	ssyncset.done $0x0  }
0xa8: {  	s7 =	rddreg [dreg:$0x7];
	[sflag:s31] =	ssyncadd.s32 $0xFFFFE000  }
0xa9: {  	[hbm4b:s7+s30] =	stream.strided.scatter [tilespmem:s23], [sflag:$0x5], $0x2000, s18, s30, $0x38;
	[tilespmem:$0xEB10] =	vst v63  }
0xaa: {  	_ =	swait.ge [sflag:s31], $0x2000  }
0xab: {  	[sflag:s31] =	ssyncset.done $0x0  }
0xac: {  	[sflag:s31] =	ssyncadd.s32 $0xFFFFE000  }
0xad: {  	_ =	swait.ge [sflag:s1], $0x2000  }
0xae: {  	[sflag:s1] =	ssyncset.done $0x0  }
0xaf: {  	[sflag:s1] =	ssyncadd.s32 $0xFFFFE000  }
0xb0: {  	_ =	swait.ge [sflag:s1], $0x2000  }
0xb1: {  	[sflag:s1] =	ssyncset.done $0x0  }
0xb2: {  	s8 =	rddreg [dreg:$0x8];
	[sflag:s1] =	ssyncadd.s32 $0xFFFFE000  }
0xb3: {  	[hbm4b:s8+s30] =	stream.strided.scatter [tilespmem:s25], [sflag:$0x5], $0x2000, s18, s30, $0x38;
	[tilespmem:$0xEB10] =	vst v63  }
0xb4: {  	_ =	swait.ge [sflag:s31], $0x2000  }
0xb5: {  	[sflag:s31] =	ssyncset.done $0x0  }
0xb6: {  	[sflag:s31] =	ssyncadd.s32 $0xFFFFE000  }
0xb7: {  	[hbm4b:s11+s30] =	stream.strided.scatter [tilespmem:s28], [sflag:$0x5], $0x2000, s18, s30, $0x38;
	[tilespmem:$0xEB10] =	vst v63  }
0xb8: {  	_ =	swait.ge [sflag:s31], $0x2000  }
0xb9: {  	[sflag:s31] =	ssyncset.done $0x0  }
0xba: {  	s9 =	simm.s32 $0x1380;
	[sflag:s31] =	ssyncadd.s32 $0xFFFFE000  }
0xbb: {  	[tilespmem:s26], [sflag:$0x1] =	stream.indirect.gather [hbm4b:s3+s22], $0x40, s9, s22, $0xb8;
	[tilespmem:$0xEB10] =	vst v63  }
0xbc: {  	s10 =	simm.s32 $0x2708  }
0xbd: {  	[tilespmem:s24], [sflag:$0x1] =	stream.indirect.gather [hbm4b:s3+s22], $0x40, s10, s22, $0xb8;
	[tilespmem:$0xEB10] =	vst v63  }
0xbe: {  	_ =	swait.ge [sflag:s17], $0x200  }
0xbf: {  	[sflag:s17] =	ssyncset.done $0x0  }
0xc0: {  	[sflag:s17] =	ssyncadd.s32 $0xFFFFFE00  }
0xc1: {  	_ =	swait.ge [sflag:s17], $0x200  }
0xc2: {  	[sflag:s17] =	ssyncset.done $0x0  }
0xc3: {  	[sflag:s17] =	ssyncadd.s32 $0xFFFFFE00  }
0xc4: {  	[hbm4b:s12+s30] =	stream.strided.scatter [tilespmem:s26], [sflag:$0x5], $0x200, s18, s30, $0x38;
	[tilespmem:$0xEB10] =	vst v63  }
0xc5: {  	s4 =	sadd.s32 $0x1, s4;
	_ =	swait.ge [sflag:s31], $0x200  }
0xc6: {  	p0 =	sne.s32 s4, s14;
	[sflag:s31] =	ssyncset.done $0x0  }
.Ltmp1:
0xc7: {  	[sflag:s31] =	ssyncadd.s32 $0xFFFFFE00;
	(pc) =	sbr.rel @p0 .LBB2_1-.Ltmp1, $4  }
0xc8: {  	[hbm4b:s13+s30] =	stream.strided.scatter [tilespmem:s24], [sflag:$0x5], $0x200, s18, s30, $0x38;
	[tilespmem:$0xEB10] =	vst v63  }
0xc9: {  	_ =	swait.ge [sflag:s31], $0x200  }
0xca: {  	[sflag:s31] =	ssyncset.done $0x0  }
0xcb: {  	[sflag:s31] =	ssyncadd.s32 $0xFFFFFE00  }
0xcc: {  	_ =	sfence.sel $0x180000  }
0xcd: {  	[bflag:$0x0] =	sbarrier.arrive $0xFFFF  }
0xce: {  	_ =	strace $0x90000053  }
0xcf: {  	s0 =	stileid.u32;
	[bflag:$0x2] =	sbarrier.arrive $0xFFFF  }
0xd0: {  	p0 =	sne.s32 s0, $0x0;
	s0 =	rddreg [dreg:$0x1]  }
0xd1: {  	s0 =	sadd.s32 @!p0 $0x100000, s0  }
0xd2: {  	[sflag:s0] =	ssyncadd.tile.s32 @!p0 $0x1;
	_ =	shalt  }
.Lfunc_end2:
_tile_overlayer_lowered:
.L_overlay_start_2:
0xd3: {  	(tag) =	ssettag $0x2  }
0xd4: {  	s0 =	rddreg [dreg:$0x0];
	s2 =	stileid.u32  }
0xd5: {  	s1 =	rddreg [dreg:$0x1];
	p0 =	sne.s32 s2, $0x0  }
0xd6: {  	s3 =	rddreg [dreg:$0x2];
	[bflag:$0x3] =	sbarrier.arrive $0xFFFF;
	s2 =	simm.s32 @!p0 $0x1C05  }
0xd7: {  	[timem:s3], [sflag:s2] =	dma.local @!p0 [hbm:s0], s1  }
0xd8: {  	s0 =	simm.s32 @!p0 $0x5  }
0xd9: {  	_ =	swait.ge @!p0 [sflag:s0], s1  }
0xda: {  	s1 =	ssub.s32 @!p0 $0x0, s1;
	[sflag:s0] =	ssyncset.done @!p0 $0x0  }
0xdb: {  	[sflag:s0] =	ssyncadd.s32 @!p0 s1  }
0xdc: {  	[bflag:$0x3] =	sbarrier.arrive $0xFFFF  }
0xdd: {  	_ =	shalt  }

// kernel: kernel.24.cloned.1.call-start
scs
__scs_entry_jumppad:
0x0: {  	(pc) =	sbr.rel $0x88, $3  }
0x1: {  	(tag) =	ssettag $0x0;
	lr =	simm.s32 $0x1  }
0x2: {  	[smem:$0x3F9A] =	sst lr;
	_ =	strace $0xD0000000  }
0x3: {  	_ = 	snop  }
0x4: {  	_ = 	snop  }
0x5: {  	_ = 	snop  }
0x6: {  	_ = 	snop  }
0x7: {  	_ = 	snop  }
__scs_overlays_trampoline_lowered:
0x8: {  	[smem:$0x3FA9] =	sst s0  }
0x9: {  	[smem:$0x3FAA] =	sst s1  }
0xa: {  	[smem:$0x3FAB] =	sst s2  }
0xb: {  	[smem:$0x3FAC] =	sst s3  }
0xc: {  	[smem:$0x3FAD] =	sst s4  }
0xd: {  	[smem:$0x3FAE] =	sst s5  }
0xe: {  	[smem:$0x3FAF] =	sst s6  }
0xf: {  	[smem:$0x3FB0] =	sst s7  }
0x10: {  	[smem:$0x3FB1] =	sst s8  }
0x11: {  	[smem:$0x3FB2] =	sst s9;
	s0 =	simm.s32 @!p0 $0x0  }
0x12: {  	s1 =	sld [smem:$0x3F98];
	s0 =	simm.s32 @p0 $0x1  }
0x13: {  	[smem:$0x3FB3] =	sst s0;
	s0 =	simm.s32 @!p1 $0x0  }
0x14: {  	s2 =	sld [smem:$0x3F97];
	s0 =	simm.s32 @p1 $0x1  }
0x15: {  	[smem:$0x3FB4] =	sst s0;
	s0 =	simm.s32 @!p2 $0x0  }
0x16: {  	s3 =	sld [smem:$0x3FDB];
	s0 =	simm.s32 @p2 $0x1  }
0x17: {  	s4 =	simm.s32 $0x1BF5;
	[smem:$0x3FB6] =	sst s0  }
0x18: {  	s0 =	sld [smem:$0x3F99];
	_ =	swait.ge [sflag:s4], $0x0  }
0x19: {  	s7 =	sld [smem:$0x3F9A]  }
0x1a: {  	s8 =	sadd.s32 $0xFFFFE003, lr  }
0x1b: {  	s9 =	sadd.s32 $0xFFFFFEF7, lr;
	s5 =	simm.s32 $0xFFFFFFFF;
	p2 =	slt.u32 s8, $0xFFFFF086  }
0x1c: {  	p1 =	slt.u32 s9, $0xF7A;
	s5 =	simm.s32 @!p2 $0x0  }
0x1d: {  	s5 =	simm.s32 @p1 $0x1;
	p0 =	seq.s32 s7, s2  }
0x1e: {  	s7 =	smul.u32 @!p0 $0xF7A, s2;
	p2 =	seq.s32 @!p0 s5, $0x0  }
0x1f: {  	s9 =	smul.u32 $0xF7A, s1;
	s8 =	simm.s32 @!p0 $0x1BF5;
	p2 =	por !p2, p0  }
0x20: {  	[sflag:s8] =	ssyncset.s32 @!p0 $0xFFFFF086;
	s6 =	sadd.s32 @!p0 s3, s7;
	s7 =	simm.s32 @!p0 $0x108  }
0x21: {  	s3 =	sadd.s32 s3, s9;
	s6 =	sadd.s32 @!p0 $0x88, s6;
	s7 =	simm.s32 @p2 $0x1082  }
0x22: {  	[simem:s7], [sflag:s8] =	dma.local @!p0 [hbm:s6], $0xF7A  }
0x23: {  	s9 =	sor.u32 $0xD0000000, s2;
	s6 =	simm.s32 $0x108;
	_ =	swait.ge @!p0 [sflag:s8], $0x0  }
0x24: {  	s3 =	sadd.s32 $0x88, s3;
	s6 =	simm.s32 @!p1 $0x1082;
	[sflag:s4] =	ssyncset.s32 $0xFFFFF086  }
0x25: {  	[simem:s6], [sflag:s4] =	dma.local [hbm:s3], $0xF7A  }
0x26: {  	[smem:$0x3F9A] =	sst s1;
	(tag) =	ssettag s2;
	_ =	strace s9  }
0x27: {  	s1 =	sld [smem:$0x3FAA]  }
0x28: {  	s2 =	sld [smem:$0x3FAB]  }
0x29: {  	s4 =	sld [smem:$0x3FAD]  }
0x2a: {  	p0 =	seq.s32 s5, $0x0;
	s5 =	sld [smem:$0x3FAE]  }
0x2b: {  	s6 =	sld [smem:$0x3FAF]  }
0x2c: {  	s7 =	sld [smem:$0x3FB0]  }
0x2d: {  	s3 =	simm.s32 $0x108;
	s8 =	sld [smem:$0x3FB1]  }
0x2e: {  	s3 =	simm.s32 @!p0 $0x1082;
	s9 =	sld [smem:$0x3FB2]  }
0x2f: {  	lr =	sadd.s32 s0, s3;
	s0 =	sld [smem:$0x3FA9]  }
0x30: {  	s3 =	sld [smem:$0x3FAC]  }
0x31: {  	[smem:$0x3FB5] =	sst s10  }
0x32: {  	s10 =	sld [smem:$0x3FB3];
	_ =	sdelay $0x3  }
0x33: {  	p0 =	seq.s32 s10, $0x1;
	s10 =	sld [smem:$0x3FB5];
	_ =	sdelay $0x3  }
0x34: {  	[smem:$0x3FB5] =	sst s10  }
0x35: {  	s10 =	sld [smem:$0x3FB4];
	_ =	sdelay $0x3  }
0x36: {  	p1 =	seq.s32 s10, $0x1;
	s10 =	sld [smem:$0x3FB5];
	_ =	sdelay $0x3  }
0x37: {  	[smem:$0x3FB5] =	sst s10  }
0x38: {  	s10 =	sld [smem:$0x3FB6]  }
0x39: {  	_ = 	snop;
	(pc) =	sbr.ind lr, $3  }
0x3a: {  	_ = 	snop  }
0x3b: {  	_ = 	snop  }
0x3c: {  	p2 =	seq.s32 s10, $0x1;
	s10 =	sld [smem:$0x3FB5]  }
0x3d: {  	_ =	shalt  }
0x3e: {  	_ =	shalt  }
0x3f: {  	_ =	shalt  }
0x40: {  	_ =	shalt  }
0x41: {  	_ =	shalt  }
0x42: {  	_ =	shalt  }
0x43: {  	_ =	shalt  }
0x44: {  	_ =	shalt  }
0x45: {  	_ =	shalt  }
0x46: {  	_ =	shalt  }
0x47: {  	_ =	shalt  }
0x48: {  	_ =	shalt  }
0x49: {  	_ =	shalt  }
0x4a: {  	_ =	shalt  }
0x4b: {  	_ =	shalt  }
0x4c: {  	_ =	shalt  }
0x4d: {  	_ =	shalt  }
0x4e: {  	_ =	shalt  }
0x4f: {  	_ =	shalt  }
0x50: {  	_ =	shalt  }
0x51: {  	_ =	shalt  }
0x52: {  	_ =	shalt  }
0x53: {  	_ =	shalt  }
0x54: {  	_ =	shalt  }
0x55: {  	_ =	shalt  }
0x56: {  	_ =	shalt  }
0x57: {  	_ =	shalt  }
0x58: {  	_ =	shalt  }
0x59: {  	_ =	shalt  }
0x5a: {  	_ =	shalt  }
0x5b: {  	_ =	shalt  }
0x5c: {  	_ =	shalt  }
0x5d: {  	_ =	shalt  }
0x5e: {  	_ =	shalt  }
0x5f: {  	_ =	shalt  }
0x60: {  	_ =	shalt  }
0x61: {  	_ =	shalt  }
0x62: {  	_ =	shalt  }
0x63: {  	_ =	shalt  }
0x64: {  	_ =	shalt  }
0x65: {  	_ =	shalt  }
0x66: {  	_ =	shalt  }
0x67: {  	_ =	shalt  }
0x68: {  	_ =	shalt  }
0x69: {  	_ =	shalt  }
0x6a: {  	_ =	shalt  }
0x6b: {  	_ =	shalt  }
0x6c: {  	_ =	shalt  }
0x6d: {  	_ =	shalt  }
0x6e: {  	_ =	shalt  }
0x6f: {  	_ =	shalt  }
0x70: {  	_ =	shalt  }
0x71: {  	_ =	shalt  }
0x72: {  	_ =	shalt  }
0x73: {  	_ =	shalt  }
0x74: {  	_ =	shalt  }
0x75: {  	_ =	shalt  }
0x76: {  	_ =	shalt  }
0x77: {  	_ =	shalt  }
0x78: {  	_ =	shalt  }
0x79: {  	_ =	shalt  }
0x7a: {  	_ =	shalt  }
0x7b: {  	_ =	shalt  }
0x7c: {  	_ =	shalt  }
0x7d: {  	_ =	shalt  }
0x7e: {  	_ =	shalt  }
0x7f: {  	_ =	shalt  }
0x80: {  	_ =	shalt  }
0x81: {  	_ =	shalt  }
0x82: {  	_ =	shalt  }
0x83: {  	_ =	shalt  }
0x84: {  	_ =	shalt  }
0x85: {  	_ =	shalt  }
0x86: {  	_ =	shalt  }
0x87: {  	_ =	shalt  }
.Lfunc_end0:
.L_simem_size_0:
called_computation.4_lowered:
.L_overlay_start_0:
0x88: {  	s2 =	sld [smem:$0x3FD9]  }
0x89: {  	s3 =	sld [smem:$0x3FFE];
	_ =	sdelay $0x1  }
0x8a: {  	s1 =	srdreg.scid  }
0x8b: {  	s0 =	sand.u32 $0x1, s1  }
0x8c: {  	s16 =	sshll.u32 s0, $0xA;
	s2 =	sadd.s32 s3, s2  }
0x8d: {  	s2 =	sadd.s32 s2, s16  }
0x8e: {  	[smem:$0x3FC1] =	sst s2  }
0x8f: {  	_ = 	snop  }
0x90: {  	(tm) =	ssettm $0x1  }
0x91: {  	s17 =	sld [smem:$0x3FFB];
	_ =	sdelay $0x3  }
0x92: {  	_ =	strace s17  }
0x93: {  	s2 =	sld [smem:$0x3FFC];
	_ =	sdelay $0x3  }
0x94: {  	_ =	strace s2  }
0x95: {  	s2 =	sld [smem:$0x3FFD];
	_ =	sdelay $0x3  }
0x96: {  	_ =	strace s2  }
0x97: {  	_ =	strace $0x8FFFFFFF  }
0x98: {  	s18 =	sld [smem:$0x3FDB];
	_ =	sdelay $0x1  }
0x99: {  	s19 =	simm.s32 $_scs_section_size  }
0x9a: {  	s4 =	simm.s32 $_size__tile_overlayer_lowered;
	s5 =	simm.s32 $_tile_overlayer_lowered  }
0x9b: {  	s22 =	simm.s32 $0x1BFF;
	s21 =	sshll.u32 s5, $0x1;
	s2 =	sadd.s32 s19, s18  }
0x9c: {  	s6 =	simm.s32 $0x0;
	s20 =	sshll.u32 s4, $0x1;
	s4 =	sadd.s32 s21, s2  }
0x9d: {  	[timem:s6], [sflag:s22] =	dma.local [hbm:s4], s20  }
0x9e: {  	_ =	swait.ge [sflag:s22], s20  }
0x9f: {  	s3 =	ssub.s32 $0x0, s20;
	[sflag:s22] =	ssyncset.done $0x0  }
0xa0: {  	[sflag:s22] =	ssyncadd.s32 s3;
	_ =	sdelay $0x1  }
0xa1: {  	s23 =	simm.s32 $0x1B8B  }
0xa2: {  	_ =	swait.ge [sflag:s23], $0x1  }
0xa3: {  	[sflag:s23] =	ssyncset.done $0x0  }
0xa4: {  	s25 =	simm.s32 $0x1B8E;
	s24 =	sld [smem:$0x3FFE];
	[sflag:s23] =	ssyncadd.s32 $0xFFFFFFFF  }
0xa5: {  	s26 =	simm.s32 $execute0_lowered;
	[smem:$0x3FD2] =	sst s25  }
0xa6: {  	s4 =	sshll.u32 s26, $0x1;
	_ =	strace $0x8000004F;
	[dreg:$0x1] =	wrdreg $0xFFFFFFFF  }
0xa7: {  	s28 =	simm.s32 $_size_execute0_lowered;
	s2 =	sadd.s32 s2, s4;
	[dreg:$0x0] =	wrdreg $0x0  }
0xa8: {  	s4 =	sshll.u32 s28, $0x1;
	[dreg:$0x2] =	wrdreg s2  }
0xa9: {  	[dreg:$0x3] =	wrdreg s4  }
0xaa: {  	[dreg:$0x4] =	wrdreg $0xC0  }
0xab: {  	_ =	task [dreg:s6], $0x5FFFF  }
0xac: {  	[dreg:$0x1] =	wrdreg $0xFFFFFFFF  }
0xad: {  	[dreg:$0x0] =	wrdreg $0x60  }
0xae: {  	[dreg:$0x2] =	wrdreg s24  }
0xaf: {  	[dreg:$0x3] =	wrdreg $0xA  }
0xb0: {  	_ =	task.clear_ibuf [dreg:s6], $0x4FFFF;
	_ =	strace $0x9000004F  }
0xb1: {  	s29 =	simm.s32 $0xA;
	_ =	strace $0x80000051  }
0xb2: {  	_ =	swait.ge [sflag:s29], $0x1  }
0xb3: {  	[sflag:s29] =	ssyncadd.s32 $0xFFFFFFFF  }
0xb4: {  	_ =	strace $0x90000051  }
0xb5: {  	_ =	sfence  }
0xb6: {  	s30 =	sld [smem:$0x0];
	_ =	sdelay $0x2  }
0xb7: {  	s31 =	sshll.u32 s1, $0xD;
	s1 =	sshrl.u32 s1, $0x2  }
0xb8: {  	s3 =	sand.u32 $0x4000, s31;
	s1 =	sadd.s32 s1, s30  }
0xb9: {  	s0 =	sor.u32 s3, s0;
	s1 =	sshll.u32 s1, $0x11  }
0xba: {  	s0 =	sor.u32 s1, s0  }
0xbb: {  	s0 =	sadd.s32 $0x8F2B, s0  }
0xbc: {  	[sflag:s0] =	ssyncadd.remote.s32 $0x1  }
0xbd: {  	_ =	sfence.sel $0xFFFF  }
0xbe: {  	[dreg:$0x0] =	wrdreg $0xFFFFFFFF;
	(pc) =	sbr.abs _section_cstart, $3  }
0xbf: {  	[dreg:$0x1] =	wrdreg $0xFFFFFFFF  }
0xc0: {  	_ =	task.clear_ibuf [dreg:s6], $0x2FFFF;
	_ =	strace $0x9FFFFFFF  }
0xc1: {  	(tm) =	ssettm $0x7FFFFFFF  }
tec
execute0_lowered:
.L_overlay_start_1:
0x0: {  	(tag) =	ssettag $0x1  }
0x1: {  	s0 =	rddreg [dreg:$0x0];
	s1 =	srdreg.scid;
	s2 =	simm.s32 $0x0  }
0x2: {  	s9 =	stileid.u32;
	s16 =	simm.s32 $0x1388;
	s17 =	simm.s32 $0x1  }
0x3: {  	s18 =	simm.s32 $0x80;
	s19 =	simm.s32 $0x2710;
	s28 =	simm.s32 $0xC710  }
0x4: {  	s29 =	simm.s32 $0x2;
	s30 =	simm.s32 $0x40;
	s1 =	sand.u32 $0x1, s1  }
0x5: {  	s31 =	simm.s32 $0x5;
	[smem:$0x7FF] =	sst s2;
	s3 =	sshll.u32 s1, $0x4  }
0x6: {  	s7 =	sadd.s32 $0xB5600, s0;
	s25 =	smul.u32 $0x13880, s9;
	s4 =	sor.u32 s9, s3  }
0x7: {  	_ =	strace $0x80000050;
	s6 =	ssub.s32 $0x2, s1;
	s5 =	smul.u32 $0x1388, s4  }
0x8: {  	s1 =	smul.u32 $0x138800, s1;
	s3 =	sadd.s32 $0x1A00, s0;
	s8 =	sshrl.u32 s6, $0x1  }
0x9: {  	s4 =	smul.u32 $0x9C400, s4;
	s6 =	ssub.s32 s6, s8;
	s5 =	sshrl.u32 s5, $0x3  }
0xa: {  	s26 =	sadd.s32 s1, s7;
	s1 =	simm.s32 $0x4;
	s0 =	sadd.s32 s0, s5  }
0xb: {  	s14 =	smax.u32 s6, $0x1;
	s4 =	sshrl.u32 s4, $0x3;
	s5 =	sadd.s32 $0xB0620, s0  }
0xc: {  	s20 =	sadd.s32 s7, s4;
	s0 =	sadd.s32 $0xA6820, s0;
	[dreg:$0x2] =	wrdreg s5  }
0xd: {  	s15 =	sadd.s32 s25, s26;
	s4 =	sadd.s32 $0x12000, s20;
	[dreg:$0x3] =	wrdreg s0  }
0xe: {  	s25 =	simm.s32 $0x6710;
	s21 =	sadd.s32 $0x12008, s20;
	[dreg:$0x4] =	wrdreg s4  }
0xf: {  	s26 =	simm.s32 $0xE710;
	s22 =	sadd.s32 $0x12800, s20;
	[dreg:$0x5] =	wrdreg s21  }
0x10: {  	s23 =	sadd.s32 $0x12808, s20;
	s24 =	sadd.s32 $0x13000, s20;
	[dreg:$0x6] =	wrdreg s22  }
0x11: {  	s11 =	sadd.s32 $0x13008, s20;
	s12 =	sadd.s32 $0x13800, s20;
	[dreg:$0x7] =	wrdreg s23  }
0x12: {  	s13 =	sadd.s32 $0x13808, s20;
	s20 =	simm.s32 $0x8710;
	[dreg:$0x8] =	wrdreg s24  }
0x13: {  	s21 =	simm.s32 $0x4710;
	s23 =	simm.s32 $0xA710;
	s0 =	simm.s32 $0x3  }
0x14: {  	s22 =	simm.s32 $0x8;
	s24 =	simm.s32 $0xE910;
	s4 =	simm.s32 $0x0  }
.LBB2_1:
0x15: {  	s5 =	rddreg [dreg:$0x2]  }
0x16: {  	[tilespmem:s2], [sflag:$0x1] =	stream.linear.gather [hbm4b:s5+s2], $0x1388, $0x38;
	[tilespmem:$0xEB10] =	vst v63  }
0x17: {  	s8 =	rddreg [dreg:$0x3]  }
0x18: {  	[tilespmem:s16], [sflag:$0x1] =	stream.linear.gather [hbm4b:s8+s2], $0x1388, $0x38;
	[tilespmem:$0xEB10] =	vst v63  }
0x19: {  	_ =	swait.ge [sflag:s17], $0x1388  }
0x1a: {  	[sflag:s17] =	ssyncset.done $0x0  }
0x1b: {  	[sflag:s17] =	ssyncadd.s32 $0xFFFFEC78  }
0x1c: {  	_ =	swait.ge [sflag:s17], $0x1388  }
0x1d: {  	[sflag:s17] =	ssyncset.done $0x0  }
0x1e: {  	[sflag:s17] =	ssyncadd.s32 $0xFFFFEC78  }
0x1f: {  	[tilespmem:s19], [sflag:$0x2] =	stream.indirect.gather [hbm4b:s3+s18], $0x40, s2, s18, $0xb8;
	[tilespmem:$0xEB10] =	vst v63  }
0x20: {  	_ = 	snop  }
0x21: {  	[tilespmem:s20], [sflag:$0x2] =	stream.indirect.gather [hbm4b:s3+s18], $0x40, s16, s18, $0xb8;
	[tilespmem:$0xEB10] =	vst v63  }
0x22: {  	_ = 	snop  }
0x23: {  	[tilespmem:s21], [sflag:$0x3] =	stream.indirect.gather [hbm4b:s3+s18], $0x40, s18, s18, $0xb8;
	[tilespmem:$0xEB10] =	vst v63  }
0x24: {  	s9 =	simm.s32 $0x1408  }
0x25: {  	[tilespmem:s23], [sflag:$0x3] =	stream.indirect.gather [hbm4b:s3+s18], $0x40, s9, s18, $0xb8;
	[tilespmem:$0xEB10] =	vst v63  }
0x26: {  	s10 =	simm.s32 $0x100  }
0x27: {  	[tilespmem:s25], [sflag:$0x4] =	stream.indirect.gather [hbm4b:s3+s18], $0x40, s10, s18, $0xb8;
	[tilespmem:$0xEB10] =	vst v63  }
0x28: {  	s6 =	simm.s32 $0x1488  }
0x29: {  	[tilespmem:s28], [sflag:$0x4] =	stream.indirect.gather [hbm4b:s3+s18], $0x40, s6, s18, $0xb8;
	[tilespmem:$0xEB10] =	vst v63  }
0x2a: {  	_ =	swait.ge [sflag:s29], $0x2000  }
0x2b: {  	[sflag:s29] =	ssyncset.done $0x0  }
0x2c: {  	[sflag:s29] =	ssyncadd.s32 $0xFFFFE000  }
0x2d: {  	_ =	swait.ge [sflag:s29], $0x2000  }
0x2e: {  	[sflag:s29] =	ssyncset.done $0x0  }
0x2f: {  	s5 =	sadd.s32 $0x0, s15;
	[sflag:s29] =	ssyncadd.s32 $0xFFFFE000  }
0x30: {  	[hbm4b:s5+s30] =	stream.strided.scatter [tilespmem:s19], [sflag:$0x5], $0x2000, s18, s30, $0x38;
	[tilespmem:$0xEB10] =	vst v63  }
0x31: {  	_ =	swait.ge [sflag:s31], $0x2000  }
0x32: {  	[sflag:s31] =	ssyncset.done $0x0  }
0x33: {  	s6 =	sadd.s32 $0x8, s5;
	[sflag:s31] =	ssyncadd.s32 $0xFFFFE000  }
0x34: {  	[hbm4b:s6+s30] =	stream.strided.scatter [tilespmem:s20], [sflag:$0x5], $0x2000, s18, s30, $0x38;
	[tilespmem:$0xEB10] =	vst v63  }
0x35: {  	_ =	swait.ge [sflag:s31], $0x2000  }
0x36: {  	[sflag:s31] =	ssyncset.done $0x0  }
0x37: {  	s7 =	simm.s32 $0x180;
	[sflag:s31] =	ssyncadd.s32 $0xFFFFE000  }
0x38: {  	[tilespmem:s19], [sflag:$0x2] =	stream.indirect.gather [hbm4b:s3+s18], $0x40, s7, s18, $0xb8;
	[tilespmem:$0xEB10] =	vst v63  }
0x39: {  	s8 =	simm.s32 $0x1508  }
0x3a: {  	[tilespmem:s20], [sflag:$0x2] =	stream.indirect.gather [hbm4b:s3+s18], $0x40, s8, s18, $0xb8;
	[tilespmem:$0xEB10] =	vst v63  }
0x3b: {  	_ =	swait.ge [sflag:s0], $0x2000  }
0x3c: {  	[sflag:s0] =	ssyncset.done $0x0  }
0x3d: {  	[sflag:s0] =	ssyncadd.s32 $0xFFFFE000  }
0x3e: {  	_ =	swait.ge [sflag:s0], $0x2000  }
0x3f: {  	[sflag:s0] =	ssyncset.done $0x0  }
0x40: {  	s9 =	sadd.s32 $0x800, s5;
	[sflag:s0] =	ssyncadd.s32 $0xFFFFE000  }
0x41: {  	[hbm4b:s9+s30] =	stream.strided.scatter [tilespmem:s21], [sflag:$0x5], $0x2000, s18, s30, $0x38;
	[tilespmem:$0xEB10] =	vst v63  }
0x42: {  	_ =	swait.ge [sflag:s31], $0x2000  }
0x43: {  	[sflag:s31] =	ssyncset.done $0x0  }
0x44: {  	s10 =	sadd.s32 $0x808, s5;
	[sflag:s31] =	ssyncadd.s32 $0xFFFFE000  }
0x45: {  	[hbm4b:s10+s30] =	stream.strided.scatter [tilespmem:s23], [sflag:$0x5], $0x2000, s18, s30, $0x38;
	[tilespmem:$0xEB10] =	vst v63  }
0x46: {  	_ =	swait.ge [sflag:s31], $0x2000  }
0x47: {  	[sflag:s31] =	ssyncset.done $0x0  }
0x48: {  	s7 =	simm.s32 $0x200;
	[sflag:s31] =	ssyncadd.s32 $0xFFFFE000  }
0x49: {  	[tilespmem:s21], [sflag:$0x3] =	stream.indirect.gather [hbm4b:s3+s18], $0x40, s7, s18, $0xb8;
	[tilespmem:$0xEB10] =	vst v63  }
0x4a: {  	s8 =	simm.s32 $0x1588  }
0x4b: {  	[tilespmem:s23], [sflag:$0x3] =	stream.indirect.gather [hbm4b:s3+s18], $0x40, s8, s18, $0xb8;
	[tilespmem:$0xEB10] =	vst v63  }
0x4c: {  	_ =	swait.ge [sflag:s1], $0x2000  }
0x4d: {  	[sflag:s1] =	ssyncset.done $0x0  }
0x4e: {  	[sflag:s1] =	ssyncadd.s32 $0xFFFFE000  }
0x4f: {  	_ =	swait.ge [sflag:s1], $0x2000  }
0x50: {  	[sflag:s1] =	ssyncset.done $0x0  }
0x51: {  	s9 =	sadd.s32 $0x1000, s5;
	[sflag:s1] =	ssyncadd.s32 $0xFFFFE000  }
0x52: {  	[hbm4b:s9+s30] =	stream.strided.scatter [tilespmem:s25], [sflag:$0x5], $0x2000, s18, s30, $0x38;
	[tilespmem:$0xEB10] =	vst v63  }
0x53: {  	_ =	swait.ge [sflag:s31], $0x2000  }
0x54: {  	[sflag:s31] =	ssyncset.done $0x0  }
0x55: {  	s5 =	sadd.s32 $0x1008, s5;
	[sflag:s31] =	ssyncadd.s32 $0xFFFFE000  }
0x56: {  	[hbm4b:s5+s30] =	stream.strided.scatter [tilespmem:s28], [sflag:$0x5], $0x2000, s18, s30, $0x38;
	[tilespmem:$0xEB10] =	vst v63  }
0x57: {  	s6 =	simm.s32 $0x1800;
	_ =	swait.ge [sflag:s31], $0x2000  }
0x58: {  	s10 =	simm.s32 $0x280;
	s7 =	simm.s32 $0x400;
	[sflag:s31] =	ssyncset.done $0x0  }
0x59: {  	s8 =	simm.s32 $0x1788;
	s5 =	simm.s32 $0x1608;
	[sflag:s31] =	ssyncadd.s32 $0xFFFFE000  }
0x5a: {  	[tilespmem:s25], [sflag:$0x4] =	stream.indirect.gather [hbm4b:s3+s18], $0x40, s10, s18, $0xb8;
	[tilespmem:$0xEB10] =	vst v63  }
.LBB2_2:
0x5b: {  	[tilespmem:s28], [sflag:$0x4] =	stream.indirect.gather [hbm4b:s3+s18], $0x40, s5, s18, $0xb8;
	[tilespmem:$0xEB10] =	vst v63  }
0x5c: {  	s9 =	smov.u32 s6;
	s5 =	smov.u32 s8  }
0x5d: {  	p0 =	sne.s32 s6, $0x10800;
	s6 =	sadd.s32 $0x1800, s6;
	_ =	swait.ge [sflag:s29], $0x2000  }
0x5e: {  	[sflag:s29] =	ssyncset.done $0x0  }
0x5f: {  	[sflag:s29] =	ssyncadd.s32 $0xFFFFE000  }
0x60: {  	_ =	swait.ge [sflag:s29], $0x2000  }
0x61: {  	[sflag:s29] =	ssyncset.done $0x0  }
0x62: {  	s9 =	sadd.s32 s9, s15;
	[sflag:s29] =	ssyncadd.s32 $0xFFFFE000  }
0x63: {  	[hbm4b:s9+s30] =	stream.strided.scatter [tilespmem:s19], [sflag:$0x5], $0x2000, s18, s30, $0x38;
	[tilespmem:$0xEB10] =	vst v63  }
0x64: {  	_ =	swait.ge [sflag:s31], $0x2000  }
0x65: {  	[sflag:s31] =	ssyncset.done $0x0  }
0x66: {  	s10 =	sadd.s32 $0x8, s9;
	[sflag:s31] =	ssyncadd.s32 $0xFFFFE000  }
0x67: {  	[hbm4b:s10+s30] =	stream.strided.scatter [tilespmem:s20], [sflag:$0x5], $0x2000, s18, s30, $0x38;
	[tilespmem:$0xEB10] =	vst v63  }
0x68: {  	_ =	swait.ge [sflag:s31], $0x2000  }
0x69: {  	[sflag:s31] =	ssyncset.done $0x0  }
0x6a: {  	s10 =	sadd.s32 $0xFFFFFF00, s7;
	[sflag:s31] =	ssyncadd.s32 $0xFFFFE000  }
0x6b: {  	[tilespmem:s19], [sflag:$0x2] =	stream.indirect.gather [hbm4b:s3+s18], $0x40, s10, s18, $0xb8;
	[tilespmem:$0xEB10] =	vst v63  }
0x6c: {  	s10 =	sadd.s32 $0xFFFFFF00, s8  }
0x6d: {  	[tilespmem:s20], [sflag:$0x2] =	stream.indirect.gather [hbm4b:s3+s18], $0x40, s10, s18, $0xb8;
	[tilespmem:$0xEB10] =	vst v63  }
0x6e: {  	_ =	swait.ge [sflag:s0], $0x2000  }
0x6f: {  	[sflag:s0] =	ssyncset.done $0x0  }
0x70: {  	[sflag:s0] =	ssyncadd.s32 $0xFFFFE000  }
0x71: {  	_ =	swait.ge [sflag:s0], $0x2000  }
0x72: {  	[sflag:s0] =	ssyncset.done $0x0  }
0x73: {  	s10 =	sadd.s32 $0x800, s9;
	[sflag:s0] =	ssyncadd.s32 $0xFFFFE000  }
0x74: {  	[hbm4b:s10+s30] =	stream.strided.scatter [tilespmem:s21], [sflag:$0x5], $0x2000, s18, s30, $0x38;
	[tilespmem:$0xEB10] =	vst v63  }
0x75: {  	_ =	swait.ge [sflag:s31], $0x2000  }
0x76: {  	[sflag:s31] =	ssyncset.done $0x0  }
0x77: {  	s10 =	sadd.s32 $0x808, s9;
	[sflag:s31] =	ssyncadd.s32 $0xFFFFE000  }
0x78: {  	[hbm4b:s10+s30] =	stream.strided.scatter [tilespmem:s23], [sflag:$0x5], $0x2000, s18, s30, $0x38;
	[tilespmem:$0xEB10] =	vst v63  }
0x79: {  	_ =	swait.ge [sflag:s31], $0x2000  }
0x7a: {  	[sflag:s31] =	ssyncset.done $0x0  }
0x7b: {  	s10 =	sadd.s32 $0xFFFFFF80, s7;
	[sflag:s31] =	ssyncadd.s32 $0xFFFFE000  }
0x7c: {  	[tilespmem:s21], [sflag:$0x3] =	stream.indirect.gather [hbm4b:s3+s18], $0x40, s10, s18, $0xb8;
	[tilespmem:$0xEB10] =	vst v63  }
0x7d: {  	s10 =	sadd.s32 $0xFFFFFF80, s8  }
0x7e: {  	[tilespmem:s23], [sflag:$0x3] =	stream.indirect.gather [hbm4b:s3+s18], $0x40, s10, s18, $0xb8;
	[tilespmem:$0xEB10] =	vst v63  }
0x7f: {  	_ =	swait.ge [sflag:s1], $0x2000  }
0x80: {  	[sflag:s1] =	ssyncset.done $0x0  }
0x81: {  	[sflag:s1] =	ssyncadd.s32 $0xFFFFE000  }
0x82: {  	_ =	swait.ge [sflag:s1], $0x2000  }
0x83: {  	[sflag:s1] =	ssyncset.done $0x0  }
0x84: {  	s10 =	sadd.s32 $0x1000, s9;
	[sflag:s1] =	ssyncadd.s32 $0xFFFFE000  }
0x85: {  	[hbm4b:s10+s30] =	stream.strided.scatter [tilespmem:s25], [sflag:$0x5], $0x2000, s18, s30, $0x38;
	[tilespmem:$0xEB10] =	vst v63  }
0x86: {  	_ =	swait.ge [sflag:s31], $0x2000  }
0x87: {  	[sflag:s31] =	ssyncset.done $0x0  }
0x88: {  	s9 =	sadd.s32 $0x1008, s9;
	[sflag:s31] =	ssyncadd.s32 $0xFFFFE000  }
0x89: {  	[hbm4b:s9+s30] =	stream.strided.scatter [tilespmem:s28], [sflag:$0x5], $0x2000, s18, s30, $0x38;
	[tilespmem:$0xEB10] =	vst v63  }
.Ltmp0:
0x8a: {  	_ =	swait.ge [sflag:s31], $0x2000;
	(pc) =	sbr.rel @p0 .LBB2_2-.Ltmp0, $4  }
0x8b: {  	[sflag:s31] =	ssyncset.done $0x0  }
0x8c: {  	[sflag:s31] =	ssyncadd.s32 $0xFFFFE000  }
0x8d: {  	[tilespmem:s25], [sflag:$0x4] =	stream.indirect.gather [hbm4b:s3+s18], $0x40, s7, s18, $0xb8;
	[tilespmem:$0xEB10] =	vst v63  }
0x8e: {  	s8 =	sadd.s32 $0x180, s8;
	s7 =	sadd.s32 $0x180, s7  }
0x8f: {  	[tilespmem:s28], [sflag:$0x4] =	stream.indirect.gather [hbm4b:s3+s18], $0x40, s5, s18, $0xb8;
	[tilespmem:$0xEB10] =	vst v63  }
0x90: {  	_ =	swait.ge [sflag:s29], $0x2000  }
0x91: {  	[sflag:s29] =	ssyncset.done $0x0  }
0x92: {  	[sflag:s29] =	ssyncadd.s32 $0xFFFFE000  }
0x93: {  	_ =	swait.ge [sflag:s29], $0x2000  }
0x94: {  	[sflag:s29] =	ssyncset.done $0x0  }
0x95: {  	s9 =	rddreg [dreg:$0x4];
	[sflag:s29] =	ssyncadd.s32 $0xFFFFE000  }
0x96: {  	[hbm4b:s9+s30] =	stream.strided.scatter [tilespmem:s19], [sflag:$0x5], $0x2000, s18, s30, $0x38;
	[tilespmem:$0xEB10] =	vst v63  }
0x97: {  	_ =	swait.ge [sflag:s31], $0x2000  }
0x98: {  	[sflag:s31] =	ssyncset.done $0x0  }
0x99: {  	s10 =	rddreg [dreg:$0x5];
	[sflag:s31] =	ssyncadd.s32 $0xFFFFE000  }
0x9a: {  	[hbm4b:s10+s30] =	stream.strided.scatter [tilespmem:s20], [sflag:$0x5], $0x2000, s18, s30, $0x38;
	[tilespmem:$0xEB10] =	vst v63  }
0x9b: {  	_ =	swait.ge [sflag:s31], $0x2000  }
0x9c: {  	[sflag:s31] =	ssyncset.done $0x0  }
0x9d: {  	[sflag:s31] =	ssyncadd.s32 $0xFFFFE000  }
0x9e: {  	_ =	swait.ge [sflag:s0], $0x2000  }
0x9f: {  	[sflag:s0] =	ssyncset.done $0x0  }
0xa0: {  	[sflag:s0] =	ssyncadd.s32 $0xFFFFE000  }
0xa1: {  	_ =	swait.ge [sflag:s0], $0x2000  }
0xa2: {  	[sflag:s0] =	ssyncset.done $0x0  }
0xa3: {  	s6 =	rddreg [dreg:$0x6];
	[sflag:s0] =	ssyncadd.s32 $0xFFFFE000  }
0xa4: {  	[hbm4b:s6+s30] =	stream.strided.scatter [tilespmem:s21], [sflag:$0x5], $0x2000, s18, s30, $0x38;
	[tilespmem:$0xEB10] =	vst v63  }
0xa5: {  	_ =	swait.ge [sflag:s31], $0x2000  }
0xa6: {  	[sflag:s31] =	ssyncset.done $0x0  }
0xa7: {  	s7 =	rddreg [dreg:$0x7];
	[sflag:s31] =	ssyncadd.s32 $0xFFFFE000  }
0xa8: {  	[hbm4b:s7+s30] =	stream.strided.scatter [tilespmem:s23], [sflag:$0x5], $0x2000, s18, s30, $0x38;
	[tilespmem:$0xEB10] =	vst v63  }
0xa9: {  	_ =	swait.ge [sflag:s31], $0x2000  }
0xaa: {  	[sflag:s31] =	ssyncset.done $0x0  }
0xab: {  	[sflag:s31] =	ssyncadd.s32 $0xFFFFE000  }
0xac: {  	_ =	swait.ge [sflag:s1], $0x2000  }
0xad: {  	[sflag:s1] =	ssyncset.done $0x0  }
0xae: {  	[sflag:s1] =	ssyncadd.s32 $0xFFFFE000  }
0xaf: {  	_ =	swait.ge [sflag:s1], $0x2000  }
0xb0: {  	[sflag:s1] =	ssyncset.done $0x0  }
0xb1: {  	s8 =	rddreg [dreg:$0x8];
	[sflag:s1] =	ssyncadd.s32 $0xFFFFE000  }
0xb2: {  	[hbm4b:s8+s30] =	stream.strided.scatter [tilespmem:s25], [sflag:$0x5], $0x2000, s18, s30, $0x38;
	[tilespmem:$0xEB10] =	vst v63  }
0xb3: {  	_ =	swait.ge [sflag:s31], $0x2000  }
0xb4: {  	[sflag:s31] =	ssyncset.done $0x0  }
0xb5: {  	[sflag:s31] =	ssyncadd.s32 $0xFFFFE000  }
0xb6: {  	[hbm4b:s11+s30] =	stream.strided.scatter [tilespmem:s28], [sflag:$0x5], $0x2000, s18, s30, $0x38;
	[tilespmem:$0xEB10] =	vst v63  }
0xb7: {  	_ =	swait.ge [sflag:s31], $0x2000  }
0xb8: {  	[sflag:s31] =	ssyncset.done $0x0  }
0xb9: {  	s9 =	simm.s32 $0x1380;
	[sflag:s31] =	ssyncadd.s32 $0xFFFFE000  }
0xba: {  	[tilespmem:s26], [sflag:$0x1] =	stream.indirect.gather [hbm4b:s3+s22], $0x40, s9, s22, $0xb8;
	[tilespmem:$0xEB10] =	vst v63  }
0xbb: {  	s10 =	simm.s32 $0x2708  }
0xbc: {  	[tilespmem:s24], [sflag:$0x1] =	stream.indirect.gather [hbm4b:s3+s22], $0x40, s10, s22, $0xb8;
	[tilespmem:$0xEB10] =	vst v63  }
0xbd: {  	_ =	swait.ge [sflag:s17], $0x200  }
0xbe: {  	[sflag:s17] =	ssyncset.done $0x0  }
0xbf: {  	[sflag:s17] =	ssyncadd.s32 $0xFFFFFE00  }
0xc0: {  	_ =	swait.ge [sflag:s17], $0x200  }
0xc1: {  	[sflag:s17] =	ssyncset.done $0x0  }
0xc2: {  	[sflag:s17] =	ssyncadd.s32 $0xFFFFFE00  }
0xc3: {  	[hbm4b:s12+s30] =	stream.strided.scatter [tilespmem:s26], [sflag:$0x5], $0x200, s18, s30, $0x38;
	[tilespmem:$0xEB10] =	vst v63  }
0xc4: {  	s4 =	sadd.s32 $0x1, s4;
	_ =	swait.ge [sflag:s31], $0x200  }
0xc5: {  	p0 =	sne.s32 s4, s14;
	[sflag:s31] =	ssyncset.done $0x0  }
.Ltmp1:
0xc6: {  	[sflag:s31] =	ssyncadd.s32 $0xFFFFFE00;
	(pc) =	sbr.rel @p0 .LBB2_1-.Ltmp1, $4  }
0xc7: {  	[hbm4b:s13+s30] =	stream.strided.scatter [tilespmem:s24], [sflag:$0x5], $0x200, s18, s30, $0x38;
	[tilespmem:$0xEB10] =	vst v63  }
0xc8: {  	_ =	swait.ge [sflag:s31], $0x200  }
0xc9: {  	[sflag:s31] =	ssyncset.done $0x0  }
0xca: {  	[sflag:s31] =	ssyncadd.s32 $0xFFFFFE00  }
0xcb: {  	_ =	sfence.sel $0x180000  }
0xcc: {  	[bflag:$0x0] =	sbarrier.arrive $0xFFFF  }
0xcd: {  	_ =	strace $0x90000050  }
0xce: {  	s0 =	stileid.u32;
	[bflag:$0x2] =	sbarrier.arrive $0xFFFF  }
0xcf: {  	p0 =	sne.s32 s0, $0x0;
	s0 =	rddreg [dreg:$0x1]  }
0xd0: {  	s0 =	sadd.s32 @!p0 $0x100000, s0  }
0xd1: {  	[sflag:s0] =	ssyncadd.tile.s32 @!p0 $0x1;
	_ =	shalt  }
.Lfunc_end2:
_tile_overlayer_lowered:
.L_overlay_start_2:
0xd2: {  	(tag) =	ssettag $0x2  }
0xd3: {  	s0 =	rddreg [dreg:$0x0];
	s2 =	stileid.u32  }
0xd4: {  	s1 =	rddreg [dreg:$0x1];
	p0 =	sne.s32 s2, $0x0  }
0xd5: {  	s3 =	rddreg [dreg:$0x2];
	[bflag:$0x3] =	sbarrier.arrive $0xFFFF;
	s2 =	simm.s32 @!p0 $0x1C05  }
0xd6: {  	[timem:s3], [sflag:s2] =	dma.local @!p0 [hbm:s0], s1  }
0xd7: {  	s0 =	simm.s32 @!p0 $0x5  }
0xd8: {  	_ =	swait.ge @!p0 [sflag:s0], s1  }
0xd9: {  	s1 =	ssub.s32 @!p0 $0x0, s1;
	[sflag:s0] =	ssyncset.done @!p0 $0x0  }
0xda: {  	[sflag:s0] =	ssyncadd.s32 @!p0 s1  }
0xdb: {  	[bflag:$0x3] =	sbarrier.arrive $0xFFFF  }
0xdc: {  	_ =	shalt  }

</sc_bundles>
